<compile_context>
chip_gen: v7x
topology: tpu7x:2x2x1
jax: 0.10.2.dev20260603
libtpu: 0.0.44.dev20260713+nightly
codegen_flags: <defaults>
</compile_context>

<pallas_src>
import functools

import jax
import jax.numpy as jnp
import numpy as np
from jax import lax
from jax.experimental import pallas as pl
from jax.experimental.pallas import tpu as pltpu
from jax.experimental.pallas import tpu_sc as plsc

_D = 64
_LANES = 16
_NW = 32
_C = 256
_SUB = 128
_VB = 8192
_BITREV = (0, 8, 4, 12, 2, 10, 6, 14, 1, 9, 5, 13, 3, 11, 7, 15)

_GDN = lax.GatherDimensionNumbers(
    offset_dims=(), collapsed_slice_dims=(0,), start_index_map=(0,))


def _shuffle(x, idx):
    return lax.gather(x, idx[:, None], dimension_numbers=_GDN,
                      slice_sizes=(1,),
                      mode=lax.GatherScatterMode.PROMISE_IN_BOUNDS)


def _rsqrt_nr(x):
    i = lax.bitcast_convert_type(x, jnp.int32)
    y = lax.bitcast_convert_type(jnp.int32(0x5F3759DF) - (i >> 1),
                                 jnp.float32)
    for _ in range(3):
        y = y * (1.5 - 0.5 * x * y * y)
    return y


def _reduce16(vecs, lanes):
    for k in (8, 4, 2, 1):
        mask = (lanes & k) == 0
        perm = lanes ^ k
        vecs = [jnp.where(mask, a + _shuffle(a, perm),
                          b + _shuffle(b, perm))
                for a, b in zip(vecs[0::2], vecs[1::2])]
    return vecs[0]


def _tc_relayout(emb_t, V, D):
    half = _VB // 2

    def body(src_ref, dst_ref):
        x = src_ref[...]
        col = (lax.broadcasted_iota(jnp.int32, (D, _VB), 1)
               + pl.program_id(0) * _VB)
        x = jnp.where(col < V, x, 0.0)
        z = jnp.concatenate([x[:, :half], x[:, half:]], axis=0)
        r = lax.broadcasted_iota(jnp.int32, (2 * D, 2 * D), 0)
        c = lax.broadcasted_iota(jnp.int32, (2 * D, 2 * D), 1)
        eye = (r == c).astype(jnp.bfloat16)
        a = z.astype(jnp.bfloat16)
        r1 = z - a.astype(jnp.float32)
        b = r1.astype(jnp.bfloat16)
        c2 = (r1 - b.astype(jnp.float32)).astype(jnp.bfloat16)
        dn = (((0,), (0,)), ((), ()))
        acc = lax.dot_general(a, eye, dn, preferred_element_type=jnp.float32)
        acc += lax.dot_general(b, eye, dn, preferred_element_type=jnp.float32)
        acc += lax.dot_general(c2, eye, dn, preferred_element_type=jnp.float32)
        dst_ref[...] = acc

    grid = (V + _VB - 1) // _VB
    return pl.pallas_call(
        body,
        grid=(grid,),
        in_specs=[pl.BlockSpec((D, _VB), lambda i: (0, i))],
        out_specs=pl.BlockSpec((half, 2 * D), lambda i: (i, 0)),
        out_shape=jax.ShapeDtypeStruct((grid * half, 2 * D), jnp.float32),
    )(emb_t)


def _sc_body(n, n_per_w, n_chunks):
    nsub = _C // _SUB

    def body(idx_hbm, table_hbm, out_hbm, vdx1_v, vdx2_v,
             r1a, r2a, r1b, r2b, oa, ob, sem_a, sem_b, sem_o):
        wid = lax.axis_index("s") * 2 + lax.axis_index("c")
        base_w = wid * n_per_w
        pltpu.sync_copy(idx_hbm.at[pl.ds(base_w, n_per_w)], vdx1_v)
        pltpu.sync_copy(idx_hbm.at[pl.ds(n + base_w, n_per_w)], vdx2_v)

        sh = _VB.bit_length() - 1
        lo = (_VB // 2) - 1

        def flat_row(v):
            return ((v >> sh) << sh) + ((v & lo) << 1) + ((v >> (sh - 1)) & 1)

        def reindex(i, carry):
            o = i * _LANES
            vdx1_v[pl.ds(o, _LANES)] = flat_row(vdx1_v[pl.ds(o, _LANES)])
            vdx2_v[pl.ds(o, _LANES)] = flat_row(vdx2_v[pl.ds(o, _LANES)])
            return carry

        lax.fori_loop(0, n_per_w // _LANES, reindex, 0)

        def fire(k, r1, r2, sem):
            for j in range(nsub):
                off = k * _C + j * _SUB
                pltpu.async_copy(
                    table_hbm.at[vdx1_v.at[pl.ds(off, _SUB)]],
                    r1.at[pl.ds(j * _SUB, _SUB)], sem)
                pltpu.async_copy(
                    table_hbm.at[vdx2_v.at[pl.ds(off, _SUB)]],
                    r2.at[pl.ds(j * _SUB, _SUB)], sem)

        def drain_rows(r1, r2, sem):
            for j in range(nsub):
                pltpu.make_async_copy(
                    table_hbm.at[pl.ds(0, _SUB)],
                    r1.at[pl.ds(j * _SUB, _SUB)], sem).wait()
                pltpu.make_async_copy(
                    table_hbm.at[pl.ds(0, _SUB)],
                    r2.at[pl.ds(j * _SUB, _SUB)], sem).wait()

        def drain_out(ov):
            pltpu.make_async_copy(
                out_hbm.at[pl.ds(0, _C)], ov, sem_o).wait()

        def compute(k, r1, r2, ov):
            def group(g, carry):
                lanes = lax.iota(jnp.int32, _LANES)
                p0 = g * _LANES
                s12s, s11s, s22s = [], [], []
                for j in _BITREV:
                    p = p0 + j
                    a = [r1[p, pl.ds(t * _LANES, _LANES)]
                         for t in range(_D // _LANES)]
                    b = [r2[p, pl.ds(t * _LANES, _LANES)]
                         for t in range(_D // _LANES)]
                    s12s.append((a[0] * b[0] + a[1] * b[1])
                                + (a[2] * b[2] + a[3] * b[3]))
                    s11s.append((a[0] * a[0] + a[1] * a[1])
                                + (a[2] * a[2] + a[3] * a[3]))
                    s22s.append((b[0] * b[0] + b[1] * b[1])
                                + (b[2] * b[2] + b[3] * b[3]))
                d12 = _reduce16(s12s, lanes)
                d11 = _reduce16(s11s, lanes)
                d22 = _reduce16(s22s, lanes)
                prod = jnp.maximum(d11, 1e-24) * jnp.maximum(d22, 1e-24)
                ov[pl.ds(p0, _LANES)] = d12 * _rsqrt_nr(prod)
                return carry

            lax.fori_loop(0, _C // _LANES, group, 0)
            pltpu.async_copy(ov, out_hbm.at[pl.ds(base_w + k * _C, _C)],
                             sem_o)

        fire(0, r1a, r2a, sem_a)
        fire(1, r1b, r2b, sem_b)

        def step(i, carry):
            k0 = 2 * i
            k1 = k0 + 1
            drain_rows(r1a, r2a, sem_a)

            @pl.when(i > 0)
            def _():
                drain_out(oa)

            compute(k0, r1a, r2a, oa)

            @pl.when(k0 + 2 < n_chunks)
            def _():
                fire(k0 + 2, r1a, r2a, sem_a)

            drain_rows(r1b, r2b, sem_b)

            @pl.when(i > 0)
            def _():
                drain_out(ob)

            compute(k1, r1b, r2b, ob)

            @pl.when(k1 + 2 < n_chunks)
            def _():
                fire(k1 + 2, r1b, r2b, sem_b)

            return carry

        lax.fori_loop(0, n_chunks // 2, step, 0)
        drain_out(oa)
        drain_out(ob)

    return body


@jax.jit
def kernel(inputs, embeddings):
    two, B, L = inputs.shape
    V, D = embeddings.shape
    N = B * L
    n_per_w = N // _NW
    n_chunks = n_per_w // _C

    idx_flat = inputs.reshape(2 * N)
    table2 = _tc_relayout(embeddings.T, V, D)
    table_lin = table2.reshape(2 * table2.shape[0], D)

    mesh = plsc.VectorSubcoreMesh(core_axis_name="c", subcore_axis_name="s")
    run = pl.kernel(
        _sc_body(N, n_per_w, n_chunks),
        out_type=jax.ShapeDtypeStruct((N,), jnp.float32),
        mesh=mesh,
        compiler_params=pltpu.CompilerParams(use_tc_tiling_on_sc=False),
        scratch_types=[
            pltpu.VMEM((n_per_w,), jnp.int32),
            pltpu.VMEM((n_per_w,), jnp.int32),
            pltpu.VMEM((_C, _D), jnp.float32),
            pltpu.VMEM((_C, _D), jnp.float32),
            pltpu.VMEM((_C, _D), jnp.float32),
            pltpu.VMEM((_C, _D), jnp.float32),
            pltpu.VMEM((_C,), jnp.float32),
            pltpu.VMEM((_C,), jnp.float32),
            pltpu.SemaphoreType.DMA,
            pltpu.SemaphoreType.DMA,
            pltpu.SemaphoreType.DMA,
        ],
    )
    out = run(idx_flat, table_lin)
    return out.reshape(B, L)

# --- scband reference (transcript-rebuilt; emitter-appended) ---
"""Pipeline reference for scband-path2-vec-model-10651518894137 (READ-ONLY COPY).

The authoritative reference and input builder live on the scoring server;
editing this copy changes nothing except your own understanding.
"""

import jax, jax.numpy as jnp
import numpy as np

VOCAB = 1000000
DIM = 64
B = 16384
L = 20

def setup_inputs(seed: int = 0) -> dict:
    key = jax.random.key(seed)
    k1, k2 = jax.random.split(key)
    inputs = jax.random.randint(k1, (2, B, L), 0, VOCAB, dtype=jnp.int64 if jax.config.jax_enable_x64 else jnp.int32).astype(jnp.int32)
    embeddings = jax.random.normal(k2, (VOCAB, DIM), dtype=jnp.float32)
    return {"inputs": inputs, "embeddings": embeddings}

def reference(inputs, embeddings):
    # embed1/embed2: gather from table -> [B, L, DIM]
    embed1 = jnp.take(embeddings, inputs[0], axis=0)
    embed2 = jnp.take(embeddings, inputs[1], axis=0)
    # L2-normalize along last dim with clamp(min=1e-12)
    n1 = jnp.clip(jnp.linalg.norm(embed1, ord=2, axis=2, keepdims=True), 1e-12, None)
    n2 = jnp.clip(jnp.linalg.norm(embed2, ord=2, axis=2, keepdims=True), 1e-12, None)
    embed1 = embed1 / n1
    embed2 = embed2 / n2
    out = jnp.sum(embed1 * embed2, axis=2)
    return out

if __name__ == "__main__":
    import jax
    _d = setup_inputs()
    print(jax.jit(kernel)(*tuple(_d.values())))

</pallas_src>

<mosaic_0001>
#map = affine_map<(d0, d1) -> (0)>
#map1 = affine_map<(d0, d1) -> (0, 0)>
module attributes {stable_mosaic.version = 14 : i64} {
  func.func @body(%arg0: i32, %arg1: i32, %arg2: memref<655360xi32, #tpu.memory_space<hbm>>, %arg3: memref<1007616x64xf32, #tpu.memory_space<hbm>>, %arg4: memref<327680xf32, #tpu.memory_space<hbm>>, %arg5: memref<10240xi32, #tpu.memory_space<vmem>>, %arg6: memref<10240xi32, #tpu.memory_space<vmem>>, %arg7: memref<256x64xf32, #tpu.memory_space<vmem>>, %arg8: memref<256x64xf32, #tpu.memory_space<vmem>>, %arg9: memref<256x64xf32, #tpu.memory_space<vmem>>, %arg10: memref<256x64xf32, #tpu.memory_space<vmem>>, %arg11: memref<256xf32, #tpu.memory_space<vmem>>, %arg12: memref<256xf32, #tpu.memory_space<vmem>>, %arg13: memref<!tpu.dma_semaphore, #tpu.memory_space<semaphore_mem>>, %arg14: memref<!tpu.dma_semaphore, #tpu.memory_space<semaphore_mem>>, %arg15: memref<!tpu.dma_semaphore, #tpu.memory_space<semaphore_mem>>) attributes {dimension_semantics = [#tpu.dimension_semantics<core_parallel>, #tpu.dimension_semantics<subcore_parallel>], iteration_bounds = array<i64: 2, 16>, scalar_prefetch = 0 : i64, scratch_operands = 11 : i64, tpu.core_type = #tpu.core_type<sc_vector_subcore>, window_params = [{transform_indices = #map}, {transform_indices = #map1}, {transform_indices = #map}]} {
    %mul3A = arith.constant 2 : i32
    %mul3A_0 = arith.muli %arg1, %mul3A : i32
    %add3A = arith.addi %mul3A_0, %arg0 : i32
    %mul3A_1 = arith.constant 10240 : i32
    %mul3A_2 = arith.muli %add3A, %mul3A_1 : i32
    "tpu.region"() ({
      %run_scoped3A = tpu.sem_alloc : memref<!tpu.dma_semaphore, #tpu.memory_space<semaphore_mem>>
      %dma_start3A_86 = tpu.memref_slice %arg2[%mul3A_2] : memref<655360xi32, #tpu.memory_space<hbm>> -> memref<10240xi32, #tpu.memory_space<hbm>>
      %dma_start3A_87 = tpu.memref_slice %arg2[%mul3A_2] : memref<655360xi32, #tpu.memory_space<hbm>> -> memref<10240xi32, #tpu.memory_space<hbm>>
      tpu.enqueue_dma source(%dma_start3A_87 : memref<10240xi32, #tpu.memory_space<hbm>>) target(%arg5 : memref<10240xi32, #tpu.memory_space<vmem>>) target_semaphore(%run_scoped3A : memref<!tpu.dma_semaphore, #tpu.memory_space<semaphore_mem>>)
      %dma_wait3A_88 = tpu.memref_slice %arg2[%mul3A_2] : memref<655360xi32, #tpu.memory_space<hbm>> -> memref<10240xi32, #tpu.memory_space<hbm>>
      %dma_wait3A_89 = tpu.memref_slice %arg2[%mul3A_2] : memref<655360xi32, #tpu.memory_space<hbm>> -> memref<10240xi32, #tpu.memory_space<hbm>>
      tpu.wait_dma2 semaphore(%run_scoped3A : memref<!tpu.dma_semaphore, #tpu.memory_space<semaphore_mem>>) src(%dma_wait3A_89 : memref<10240xi32, #tpu.memory_space<hbm>>) dst(%arg5 : memref<10240xi32, #tpu.memory_space<vmem>>)
      tpu.yield
    }) : () -> ()
    %add3A_3 = arith.constant 327680 : i32
    %add3A_4 = arith.addi %add3A_3, %mul3A_2 : i32
    "tpu.region"() ({
      %run_scoped3A = tpu.sem_alloc : memref<!tpu.dma_semaphore, #tpu.memory_space<semaphore_mem>>
      %dma_start3A_86 = tpu.memref_slice %arg2[%add3A_4] : memref<655360xi32, #tpu.memory_space<hbm>> -> memref<10240xi32, #tpu.memory_space<hbm>>
      %dma_start3A_87 = tpu.memref_slice %arg2[%add3A_4] : memref<655360xi32, #tpu.memory_space<hbm>> -> memref<10240xi32, #tpu.memory_space<hbm>>
      tpu.enqueue_dma source(%dma_start3A_87 : memref<10240xi32, #tpu.memory_space<hbm>>) target(%arg6 : memref<10240xi32, #tpu.memory_space<vmem>>) target_semaphore(%run_scoped3A : memref<!tpu.dma_semaphore, #tpu.memory_space<semaphore_mem>>)
      %dma_wait3A_88 = tpu.memref_slice %arg2[%add3A_4] : memref<655360xi32, #tpu.memory_space<hbm>> -> memref<10240xi32, #tpu.memory_space<hbm>>
      %dma_wait3A_89 = tpu.memref_slice %arg2[%add3A_4] : memref<655360xi32, #tpu.memory_space<hbm>> -> memref<10240xi32, #tpu.memory_space<hbm>>
      tpu.wait_dma2 semaphore(%run_scoped3A : memref<!tpu.dma_semaphore, #tpu.memory_space<semaphore_mem>>) src(%dma_wait3A_89 : memref<10240xi32, #tpu.memory_space<hbm>>) dst(%arg6 : memref<10240xi32, #tpu.memory_space<vmem>>)
      tpu.yield
    }) : () -> ()
    %scan3A = arith.constant 0 : i32
    %scan3A_5 = arith.constant 0 : i32
    %scan3A_6 = arith.constant 640 : i32
    %scan3A_7 = arith.addi %scan3A_5, %scan3A_6 : i32
    %scan3A_8 = arith.constant 1 : i32
    scf.for %scan3A_86 = %scan3A_5 to %scan3A_7 step %scan3A_8  : i32 {
      %mul3A_87 = arith.constant 16 : i32
      %mul3A_88 = arith.muli %scan3A_86, %mul3A_87 : i32
      %get3A = arith.index_cast %mul3A_88 : i32 to index
      %get3A_89 = tpu.vector_load %arg5[%get3A] {strides = array<i32>} : memref<10240xi32, #tpu.memory_space<vmem>>, vector<16xi32>,
      %get3A_90 = vector.shape_cast %get3A_89 : vector<16xi32> to vector<16xi32>
      %shift_right_arithmetic3A = arith.constant 13 : i32
      %shift_right_arithmetic3A_91 = vector.broadcast %shift_right_arithmetic3A : i32 to vector<16xi32>
      %shift_right_arithmetic3A_92 = arith.shrsi %get3A_90, %shift_right_arithmetic3A_91 : vector<16xi32>
      %shift_left3A = arith.constant 13 : i32
      %shift_left3A_93 = vector.broadcast %shift_left3A : i32 to vector<16xi32>
      %shift_left3A_94 = arith.shli %shift_right_arithmetic3A_92, %shift_left3A_93 : vector<16xi32>
      %and3A = arith.constant 4095 : i32
      %and3A_95 = vector.broadcast %and3A : i32 to vector<16xi32>
      %and3A_96 = arith.andi %get3A_90, %and3A_95 : vector<16xi32>
      %shift_left3A_97 = arith.constant 1 : i32
      %shift_left3A_98 = vector.broadcast %shift_left3A_97 : i32 to vector<16xi32>
      %shift_left3A_99 = arith.shli %and3A_96, %shift_left3A_98 : vector<16xi32>
      %add3A_100 = arith.addi %shift_left3A_94, %shift_left3A_99 : vector<16xi32>
      %shift_right_arithmetic3A_101 = arith.constant 12 : i32
      %shift_right_arithmetic3A_102 = vector.broadcast %shift_right_arithmetic3A_101 : i32 to vector<16xi32>
      %shift_right_arithmetic3A_103 = arith.shrsi %get3A_90, %shift_right_arithmetic3A_102 : vector<16xi32>
      %and3A_104 = arith.constant 1 : i32
      %and3A_105 = vector.broadcast %and3A_104 : i32 to vector<16xi32>
      %and3A_106 = arith.andi %shift_right_arithmetic3A_103, %and3A_105 : vector<16xi32>
      %add3A_107 = arith.addi %add3A_100, %and3A_106 : vector<16xi32>
      %swap3A = arith.index_cast %mul3A_88 : i32 to index
      %swap3A_108 = tpu.vector_load %arg5[%swap3A] {strides = array<i32>} : memref<10240xi32, #tpu.memory_space<vmem>>, vector<16xi32>,
      %swap3A_109 = vector.shape_cast %swap3A_108 : vector<16xi32> to vector<16xi32>
      %swap3A_110 = vector.shape_cast %add3A_107 : vector<16xi32> to vector<16xi32>
      tpu.vector_store %arg5[%swap3A], %swap3A_110 {strides = array<i32>} : memref<10240xi32, #tpu.memory_space<vmem>>, vector<16xi32>,
      %get3A_111 = arith.index_cast %mul3A_88 : i32 to index
      %get3A_112 = tpu.vector_load %arg6[%get3A_111] {strides = array<i32>} : memref<10240xi32, #tpu.memory_space<vmem>>, vector<16xi32>,
      %get3A_113 = vector.shape_cast %get3A_112 : vector<16xi32> to vector<16xi32>
      %shift_right_arithmetic3A_114 = arith.constant 13 : i32
      %shift_right_arithmetic3A_115 = vector.broadcast %shift_right_arithmetic3A_114 : i32 to vector<16xi32>
      %shift_right_arithmetic3A_116 = arith.shrsi %get3A_113, %shift_right_arithmetic3A_115 : vector<16xi32>
      %shift_left3A_117 = arith.constant 13 : i32
      %shift_left3A_118 = vector.broadcast %shift_left3A_117 : i32 to vector<16xi32>
      %shift_left3A_119 = arith.shli %shift_right_arithmetic3A_116, %shift_left3A_118 : vector<16xi32>
      %and3A_120 = arith.constant 4095 : i32
      %and3A_121 = vector.broadcast %and3A_120 : i32 to vector<16xi32>
      %and3A_122 = arith.andi %get3A_113, %and3A_121 : vector<16xi32>
      %shift_left3A_123 = arith.constant 1 : i32
      %shift_left3A_124 = vector.broadcast %shift_left3A_123 : i32 to vector<16xi32>
      %shift_left3A_125 = arith.shli %and3A_122, %shift_left3A_124 : vector<16xi32>
      %add3A_126 = arith.addi %shift_left3A_119, %shift_left3A_125 : vector<16xi32>
      %shift_right_arithmetic3A_127 = arith.constant 12 : i32
      %shift_right_arithmetic3A_128 = vector.broadcast %shift_right_arithmetic3A_127 : i32 to vector<16xi32>
      %shift_right_arithmetic3A_129 = arith.shrsi %get3A_113, %shift_right_arithmetic3A_128 : vector<16xi32>
      %and3A_130 = arith.constant 1 : i32
      %and3A_131 = vector.broadcast %and3A_130 : i32 to vector<16xi32>
      %and3A_132 = arith.andi %shift_right_arithmetic3A_129, %and3A_131 : vector<16xi32>
      %add3A_133 = arith.addi %add3A_126, %and3A_132 : vector<16xi32>
      %swap3A_134 = arith.index_cast %mul3A_88 : i32 to index
      %swap3A_135 = tpu.vector_load %arg6[%swap3A_134] {strides = array<i32>} : memref<10240xi32, #tpu.memory_space<vmem>>, vector<16xi32>,
      %swap3A_136 = vector.shape_cast %swap3A_135 : vector<16xi32> to vector<16xi32>
      %swap3A_137 = vector.shape_cast %add3A_133 : vector<16xi32> to vector<16xi32>
      tpu.vector_store %arg6[%swap3A_134], %swap3A_137 {strides = array<i32>} : memref<10240xi32, #tpu.memory_space<vmem>>, vector<16xi32>,
    }
    %scan3A_9 = arith.constant 640 : i32
    %dma_start3A = arith.constant 0 : i32
    %dma_start3A_10 = arith.constant 0 : i32
    %dma_start3A_11 = tpu.memref_slice %arg7[%dma_start3A, %dma_start3A_10] : memref<256x64xf32, #tpu.memory_space<vmem>> -> memref<128x64xf32, #tpu.memory_space<vmem>>
    %dma_start3A_12 = arith.constant 0 : i32
    %dma_start3A_13 = tpu.memref_slice %arg5[%dma_start3A_12] : memref<10240xi32, #tpu.memory_space<vmem>> -> memref<128xi32, #tpu.memory_space<vmem>>
    %dma_start3A_14 = arith.constant 0 : i32
    %dma_start3A_15 = arith.constant 0 : i32
    %dma_start3A_16 = tpu.memref_slice %arg3[%dma_start3A_14, %dma_start3A_15] : memref<1007616x64xf32, #tpu.memory_space<hbm>> -> memref<1007616x64xf32, #tpu.memory_space<hbm>>
    tpu.enqueue_indirect_dma source(%dma_start3A_16 : memref<1007616x64xf32, #tpu.memory_space<hbm>>) target(%dma_start3A_11 : memref<128x64xf32, #tpu.memory_space<vmem>>) offsets(%dma_start3A_13 : memref<128xi32, #tpu.memory_space<vmem>>) semaphore(%arg13 : memref<!tpu.dma_semaphore, #tpu.memory_space<semaphore_mem>>)
    %dma_start3A_17 = arith.constant 0 : i32
    %dma_start3A_18 = arith.constant 0 : i32
    %dma_start3A_19 = tpu.memref_slice %arg8[%dma_start3A_17, %dma_start3A_18] : memref<256x64xf32, #tpu.memory_space<vmem>> -> memref<128x64xf32, #tpu.memory_space<vmem>>
    %dma_start3A_20 = arith.constant 0 : i32
    %dma_start3A_21 = tpu.memref_slice %arg6[%dma_start3A_20] : memref<10240xi32, #tpu.memory_space<vmem>> -> memref<128xi32, #tpu.memory_space<vmem>>
    %dma_start3A_22 = arith.constant 0 : i32
    %dma_start3A_23 = arith.constant 0 : i32
    %dma_start3A_24 = tpu.memref_slice %arg3[%dma_start3A_22, %dma_start3A_23] : memref<1007616x64xf32, #tpu.memory_space<hbm>> -> memref<1007616x64xf32, #tpu.memory_space<hbm>>
    tpu.enqueue_indirect_dma source(%dma_start3A_24 : memref<1007616x64xf32, #tpu.memory_space<hbm>>) target(%dma_start3A_19 : memref<128x64xf32, #tpu.memory_space<vmem>>) offsets(%dma_start3A_21 : memref<128xi32, #tpu.memory_space<vmem>>) semaphore(%arg13 : memref<!tpu.dma_semaphore, #tpu.memory_space<semaphore_mem>>)
    %dma_start3A_25 = arith.constant 128 : i32
    %dma_start3A_26 = arith.constant 0 : i32
    %dma_start3A_27 = tpu.memref_slice %arg7[%dma_start3A_25, %dma_start3A_26] : memref<256x64xf32, #tpu.memory_space<vmem>> -> memref<128x64xf32, #tpu.memory_space<vmem>>
    %dma_start3A_28 = arith.constant 128 : i32
    %dma_start3A_29 = tpu.memref_slice %arg5[%dma_start3A_28] : memref<10240xi32, #tpu.memory_space<vmem>> -> memref<128xi32, #tpu.memory_space<vmem>>
    %dma_start3A_30 = arith.constant 0 : i32
    %dma_start3A_31 = arith.constant 0 : i32
    %dma_start3A_32 = tpu.memref_slice %arg3[%dma_start3A_30, %dma_start3A_31] : memref<1007616x64xf32, #tpu.memory_space<hbm>> -> memref<1007616x64xf32, #tpu.memory_space<hbm>>
    tpu.enqueue_indirect_dma source(%dma_start3A_32 : memref<1007616x64xf32, #tpu.memory_space<hbm>>) target(%dma_start3A_27 : memref<128x64xf32, #tpu.memory_space<vmem>>) offsets(%dma_start3A_29 : memref<128xi32, #tpu.memory_space<vmem>>) semaphore(%arg13 : memref<!tpu.dma_semaphore, #tpu.memory_space<semaphore_mem>>)
    %dma_start3A_33 = arith.constant 128 : i32
    %dma_start3A_34 = arith.constant 0 : i32
    %dma_start3A_35 = tpu.memref_slice %arg8[%dma_start3A_33, %dma_start3A_34] : memref<256x64xf32, #tpu.memory_space<vmem>> -> memref<128x64xf32, #tpu.memory_space<vmem>>
    %dma_start3A_36 = arith.constant 128 : i32
    %dma_start3A_37 = tpu.memref_slice %arg6[%dma_start3A_36] : memref<10240xi32, #tpu.memory_space<vmem>> -> memref<128xi32, #tpu.memory_space<vmem>>
    %dma_start3A_38 = arith.constant 0 : i32
    %dma_start3A_39 = arith.constant 0 : i32
    %dma_start3A_40 = tpu.memref_slice %arg3[%dma_start3A_38, %dma_start3A_39] : memref<1007616x64xf32, #tpu.memory_space<hbm>> -> memref<1007616x64xf32, #tpu.memory_space<hbm>>
    tpu.enqueue_indirect_dma source(%dma_start3A_40 : memref<1007616x64xf32, #tpu.memory_space<hbm>>) target(%dma_start3A_35 : memref<128x64xf32, #tpu.memory_space<vmem>>) offsets(%dma_start3A_37 : memref<128xi32, #tpu.memory_space<vmem>>) semaphore(%arg13 : memref<!tpu.dma_semaphore, #tpu.memory_space<semaphore_mem>>)
    %dma_start3A_41 = arith.constant 0 : i32
    %dma_start3A_42 = arith.constant 0 : i32
    %dma_start3A_43 = tpu.memref_slice %arg9[%dma_start3A_41, %dma_start3A_42] : memref<256x64xf32, #tpu.memory_space<vmem>> -> memref<128x64xf32, #tpu.memory_space<vmem>>
    %dma_start3A_44 = arith.constant 256 : i32
    %dma_start3A_45 = tpu.memref_slice %arg5[%dma_start3A_44] : memref<10240xi32, #tpu.memory_space<vmem>> -> memref<128xi32, #tpu.memory_space<vmem>>
    %dma_start3A_46 = arith.constant 0 : i32
    %dma_start3A_47 = arith.constant 0 : i32
    %dma_start3A_48 = tpu.memref_slice %arg3[%dma_start3A_46, %dma_start3A_47] : memref<1007616x64xf32, #tpu.memory_space<hbm>> -> memref<1007616x64xf32, #tpu.memory_space<hbm>>
    tpu.enqueue_indirect_dma source(%dma_start3A_48 : memref<1007616x64xf32, #tpu.memory_space<hbm>>) target(%dma_start3A_43 : memref<128x64xf32, #tpu.memory_space<vmem>>) offsets(%dma_start3A_45 : memref<128xi32, #tpu.memory_space<vmem>>) semaphore(%arg14 : memref<!tpu.dma_semaphore, #tpu.memory_space<semaphore_mem>>)
    %dma_start3A_49 = arith.constant 0 : i32
    %dma_start3A_50 = arith.constant 0 : i32
    %dma_start3A_51 = tpu.memref_slice %arg10[%dma_start3A_49, %dma_start3A_50] : memref<256x64xf32, #tpu.memory_space<vmem>> -> memref<128x64xf32, #tpu.memory_space<vmem>>
    %dma_start3A_52 = arith.constant 256 : i32
    %dma_start3A_53 = tpu.memref_slice %arg6[%dma_start3A_52] : memref<10240xi32, #tpu.memory_space<vmem>> -> memref<128xi32, #tpu.memory_space<vmem>>
    %dma_start3A_54 = arith.constant 0 : i32
    %dma_start3A_55 = arith.constant 0 : i32
    %dma_start3A_56 = tpu.memref_slice %arg3[%dma_start3A_54, %dma_start3A_55] : memref<1007616x64xf32, #tpu.memory_space<hbm>> -> memref<1007616x64xf32, #tpu.memory_space<hbm>>
    tpu.enqueue_indirect_dma source(%dma_start3A_56 : memref<1007616x64xf32, #tpu.memory_space<hbm>>) target(%dma_start3A_51 : memref<128x64xf32, #tpu.memory_space<vmem>>) offsets(%dma_start3A_53 : memref<128xi32, #tpu.memory_space<vmem>>) semaphore(%arg14 : memref<!tpu.dma_semaphore, #tpu.memory_space<semaphore_mem>>)
    %dma_start3A_57 = arith.constant 128 : i32
    %dma_start3A_58 = arith.constant 0 : i32
    %dma_start3A_59 = tpu.memref_slice %arg9[%dma_start3A_57, %dma_start3A_58] : memref<256x64xf32, #tpu.memory_space<vmem>> -> memref<128x64xf32, #tpu.memory_space<vmem>>
    %dma_start3A_60 = arith.constant 384 : i32
    %dma_start3A_61 = tpu.memref_slice %arg5[%dma_start3A_60] : memref<10240xi32, #tpu.memory_space<vmem>> -> memref<128xi32, #tpu.memory_space<vmem>>
    %dma_start3A_62 = arith.constant 0 : i32
    %dma_start3A_63 = arith.constant 0 : i32
    %dma_start3A_64 = tpu.memref_slice %arg3[%dma_start3A_62, %dma_start3A_63] : memref<1007616x64xf32, #tpu.memory_space<hbm>> -> memref<1007616x64xf32, #tpu.memory_space<hbm>>
    tpu.enqueue_indirect_dma source(%dma_start3A_64 : memref<1007616x64xf32, #tpu.memory_space<hbm>>) target(%dma_start3A_59 : memref<128x64xf32, #tpu.memory_space<vmem>>) offsets(%dma_start3A_61 : memref<128xi32, #tpu.memory_space<vmem>>) semaphore(%arg14 : memref<!tpu.dma_semaphore, #tpu.memory_space<semaphore_mem>>)
    %dma_start3A_65 = arith.constant 128 : i32
    %dma_start3A_66 = arith.constant 0 : i32
    %dma_start3A_67 = tpu.memref_slice %arg10[%dma_start3A_65, %dma_start3A_66] : memref<256x64xf32, #tpu.memory_space<vmem>> -> memref<128x64xf32, #tpu.memory_space<vmem>>
    %dma_start3A_68 = arith.constant 384 : i32
    %dma_start3A_69 = tpu.memref_slice %arg6[%dma_start3A_68] : memref<10240xi32, #tpu.memory_space<vmem>> -> memref<128xi32, #tpu.memory_space<vmem>>
    %dma_start3A_70 = arith.constant 0 : i32
    %dma_start3A_71 = arith.constant 0 : i32
    %dma_start3A_72 = tpu.memref_slice %arg3[%dma_start3A_70, %dma_start3A_71] : memref<1007616x64xf32, #tpu.memory_space<hbm>> -> memref<1007616x64xf32, #tpu.memory_space<hbm>>
    tpu.enqueue_indirect_dma source(%dma_start3A_72 : memref<1007616x64xf32, #tpu.memory_space<hbm>>) target(%dma_start3A_67 : memref<128x64xf32, #tpu.memory_space<vmem>>) offsets(%dma_start3A_69 : memref<128xi32, #tpu.memory_space<vmem>>) semaphore(%arg14 : memref<!tpu.dma_semaphore, #tpu.memory_space<semaphore_mem>>)
    %scan3A_73 = arith.constant 0 : i32
    %scan3A_74 = arith.constant 0 : i32
    %scan3A_75 = arith.constant 20 : i32
    %scan3A_76 = arith.addi %scan3A_74, %scan3A_75 : i32
    %scan3A_77 = arith.constant 1 : i32
    scf.for %scan3A_86 = %scan3A_74 to %scan3A_76 step %scan3A_77  : i32 {
      %mul3A_87 = arith.constant 2 : i32
      %mul3A_88 = arith.muli %mul3A_87, %scan3A_86 : i32
      %add3A_89 = arith.constant 1 : i32
      %add3A_90 = arith.addi %mul3A_88, %add3A_89 : i32
      %dma_wait3A_91 = arith.constant 0 : i32
      %dma_wait3A_92 = arith.constant 0 : i32
      %dma_wait3A_93 = tpu.memref_slice %arg7[%dma_wait3A_91, %dma_wait3A_92] : memref<256x64xf32, #tpu.memory_space<vmem>> -> memref<128x64xf32, #tpu.memory_space<vmem>>
      %dma_wait3A_94 = arith.constant 0 : i32
      %dma_wait3A_95 = arith.constant 0 : i32
      %dma_wait3A_96 = tpu.memref_slice %arg3[%dma_wait3A_94, %dma_wait3A_95] : memref<1007616x64xf32, #tpu.memory_space<hbm>> -> memref<128x64xf32, #tpu.memory_space<hbm>>
      %dma_wait3A_97 = arith.constant 0 : i32
      %dma_wait3A_98 = arith.constant 0 : i32
      %dma_wait3A_99 = tpu.memref_slice %arg7[%dma_wait3A_97, %dma_wait3A_98] : memref<256x64xf32, #tpu.memory_space<vmem>> -> memref<128x64xf32, #tpu.memory_space<vmem>>
      %dma_wait3A_100 = arith.constant 0 : i32
      %dma_wait3A_101 = arith.constant 0 : i32
      %dma_wait3A_102 = tpu.memref_slice %arg3[%dma_wait3A_100, %dma_wait3A_101] : memref<1007616x64xf32, #tpu.memory_space<hbm>> -> memref<128x64xf32, #tpu.memory_space<hbm>>
      tpu.wait_dma2 semaphore(%arg13 : memref<!tpu.dma_semaphore, #tpu.memory_space<semaphore_mem>>) src(%dma_wait3A_102 : memref<128x64xf32, #tpu.memory_space<hbm>>) dst(%dma_wait3A_99 : memref<128x64xf32, #tpu.memory_space<vmem>>)
      %dma_wait3A_103 = arith.constant 0 : i32
      %dma_wait3A_104 = arith.constant 0 : i32
      %dma_wait3A_105 = tpu.memref_slice %arg8[%dma_wait3A_103, %dma_wait3A_104] : memref<256x64xf32, #tpu.memory_space<vmem>> -> memref<128x64xf32, #tpu.memory_space<vmem>>
      %dma_wait3A_106 = arith.constant 0 : i32
      %dma_wait3A_107 = arith.constant 0 : i32
      %dma_wait3A_108 = tpu.memref_slice %arg3[%dma_wait3A_106, %dma_wait3A_107] : memref<1007616x64xf32, #tpu.memory_space<hbm>> -> memref<128x64xf32, #tpu.memory_space<hbm>>
      %dma_wait3A_109 = arith.constant 0 : i32
      %dma_wait3A_110 = arith.constant 0 : i32
      %dma_wait3A_111 = tpu.memref_slice %arg8[%dma_wait3A_109, %dma_wait3A_110] : memref<256x64xf32, #tpu.memory_space<vmem>> -> memref<128x64xf32, #tpu.memory_space<vmem>>
      %dma_wait3A_112 = arith.constant 0 : i32
      %dma_wait3A_113 = arith.constant 0 : i32
      %dma_wait3A_114 = tpu.memref_slice %arg3[%dma_wait3A_112, %dma_wait3A_113] : memref<1007616x64xf32, #tpu.memory_space<hbm>> -> memref<128x64xf32, #tpu.memory_space<hbm>>
      tpu.wait_dma2 semaphore(%arg13 : memref<!tpu.dma_semaphore, #tpu.memory_space<semaphore_mem>>) src(%dma_wait3A_114 : memref<128x64xf32, #tpu.memory_space<hbm>>) dst(%dma_wait3A_111 : memref<128x64xf32, #tpu.memory_space<vmem>>)
      %dma_wait3A_115 = arith.constant 128 : i32
      %dma_wait3A_116 = arith.constant 0 : i32
      %dma_wait3A_117 = tpu.memref_slice %arg7[%dma_wait3A_115, %dma_wait3A_116] : memref<256x64xf32, #tpu.memory_space<vmem>> -> memref<128x64xf32, #tpu.memory_space<vmem>>
      %dma_wait3A_118 = arith.constant 0 : i32
      %dma_wait3A_119 = arith.constant 0 : i32
      %dma_wait3A_120 = tpu.memref_slice %arg3[%dma_wait3A_118, %dma_wait3A_119] : memref<1007616x64xf32, #tpu.memory_space<hbm>> -> memref<128x64xf32, #tpu.memory_space<hbm>>
      %dma_wait3A_121 = arith.constant 128 : i32
      %dma_wait3A_122 = arith.constant 0 : i32
      %dma_wait3A_123 = tpu.memref_slice %arg7[%dma_wait3A_121, %dma_wait3A_122] : memref<256x64xf32, #tpu.memory_space<vmem>> -> memref<128x64xf32, #tpu.memory_space<vmem>>
      %dma_wait3A_124 = arith.constant 0 : i32
      %dma_wait3A_125 = arith.constant 0 : i32
      %dma_wait3A_126 = tpu.memref_slice %arg3[%dma_wait3A_124, %dma_wait3A_125] : memref<1007616x64xf32, #tpu.memory_space<hbm>> -> memref<128x64xf32, #tpu.memory_space<hbm>>
      tpu.wait_dma2 semaphore(%arg13 : memref<!tpu.dma_semaphore, #tpu.memory_space<semaphore_mem>>) src(%dma_wait3A_126 : memref<128x64xf32, #tpu.memory_space<hbm>>) dst(%dma_wait3A_123 : memref<128x64xf32, #tpu.memory_space<vmem>>)
      %dma_wait3A_127 = arith.constant 128 : i32
      %dma_wait3A_128 = arith.constant 0 : i32
      %dma_wait3A_129 = tpu.memref_slice %arg8[%dma_wait3A_127, %dma_wait3A_128] : memref<256x64xf32, #tpu.memory_space<vmem>> -> memref<128x64xf32, #tpu.memory_space<vmem>>
      %dma_wait3A_130 = arith.constant 0 : i32
      %dma_wait3A_131 = arith.constant 0 : i32
      %dma_wait3A_132 = tpu.memref_slice %arg3[%dma_wait3A_130, %dma_wait3A_131] : memref<1007616x64xf32, #tpu.memory_space<hbm>> -> memref<128x64xf32, #tpu.memory_space<hbm>>
      %dma_wait3A_133 = arith.constant 128 : i32
      %dma_wait3A_134 = arith.constant 0 : i32
      %dma_wait3A_135 = tpu.memref_slice %arg8[%dma_wait3A_133, %dma_wait3A_134] : memref<256x64xf32, #tpu.memory_space<vmem>> -> memref<128x64xf32, #tpu.memory_space<vmem>>
      %dma_wait3A_136 = arith.constant 0 : i32
      %dma_wait3A_137 = arith.constant 0 : i32
      %dma_wait3A_138 = tpu.memref_slice %arg3[%dma_wait3A_136, %dma_wait3A_137] : memref<1007616x64xf32, #tpu.memory_space<hbm>> -> memref<128x64xf32, #tpu.memory_space<hbm>>
      tpu.wait_dma2 semaphore(%arg13 : memref<!tpu.dma_semaphore, #tpu.memory_space<semaphore_mem>>) src(%dma_wait3A_138 : memref<128x64xf32, #tpu.memory_space<hbm>>) dst(%dma_wait3A_135 : memref<128x64xf32, #tpu.memory_space<vmem>>)
      %gt3A = arith.constant 0 : i32
      %gt3A_139 = arith.cmpi sgt, %scan3A_86, %gt3A : i32
      %convert_element_type3A = arith.extui %gt3A_139 : i1 to i32
      %cond3A = arith.constant 0 : i32
      %cond3A_140 = arith.cmpi ne, %convert_element_type3A, %cond3A : i32
      scf.if %cond3A_140 {
        %dma_wait3A_229 = arith.constant 0 : i32
        %dma_wait3A_230 = tpu.memref_slice %arg4[%dma_wait3A_229] : memref<327680xf32, #tpu.memory_space<hbm>> -> memref<256xf32, #tpu.memory_space<hbm>>
        %dma_wait3A_231 = arith.constant 0 : i32
        %dma_wait3A_232 = tpu.memref_slice %arg4[%dma_wait3A_231] : memref<327680xf32, #tpu.memory_space<hbm>> -> memref<256xf32, #tpu.memory_space<hbm>>
        tpu.wait_dma2 semaphore(%arg15 : memref<!tpu.dma_semaphore, #tpu.memory_space<semaphore_mem>>) src(%dma_wait3A_232 : memref<256xf32, #tpu.memory_space<hbm>>) dst(%arg11 : memref<256xf32, #tpu.memory_space<vmem>>)
      } else {
      }
      %scan3A_141 = arith.constant 0 : i32
      %scan3A_142 = arith.constant 0 : i32
      %scan3A_143 = arith.constant 16 : i32
      %scan3A_144 = arith.addi %scan3A_142, %scan3A_143 : i32
      %scan3A_145 = arith.constant 1 : i32
      scf.for %scan3A_229 = %scan3A_142 to %scan3A_144 step %scan3A_145  : i32 {
        %iota3A = tpu.iota {dimensions = array<i32: 0>} : vector<16xi32>
        %mul3A_230 = arith.constant 16 : i32
        %mul3A_231 = arith.muli %scan3A_229, %mul3A_230 : i32
        %add3A_232 = arith.constant 0 : i32
        %add3A_233 = arith.addi %mul3A_231, %add3A_232 : i32
        %get3A = arith.index_cast %add3A_233 : i32 to index
        %get3A_234 = arith.constant 0 : index
        %get3A_235 = tpu.vector_load %arg7[%get3A, %get3A_234] {strides = array<i32>} : memref<256x64xf32, #tpu.memory_space<vmem>>, vector<1x16xf32>,
        %get3A_236 = vector.shape_cast %get3A_235 : vector<1x16xf32> to vector<16xf32>
        %get3A_237 = arith.index_cast %add3A_233 : i32 to index
        %get3A_238 = arith.constant 16 : index
        %get3A_239 = tpu.vector_load %arg7[%get3A_237, %get3A_238] {strides = array<i32>} : memref<256x64xf32, #tpu.memory_space<vmem>>, vector<1x16xf32>,
        %get3A_240 = vector.shape_cast %get3A_239 : vector<1x16xf32> to vector<16xf32>
        %get3A_241 = arith.index_cast %add3A_233 : i32 to index
        %get3A_242 = arith.constant 32 : index
        %get3A_243 = tpu.vector_load %arg7[%get3A_241, %get3A_242] {strides = array<i32>} : memref<256x64xf32, #tpu.memory_space<vmem>>, vector<1x16xf32>,
        %get3A_244 = vector.shape_cast %get3A_243 : vector<1x16xf32> to vector<16xf32>
        %get3A_245 = arith.index_cast %add3A_233 : i32 to index
        %get3A_246 = arith.constant 48 : index
        %get3A_247 = tpu.vector_load %arg7[%get3A_245, %get3A_246] {strides = array<i32>} : memref<256x64xf32, #tpu.memory_space<vmem>>, vector<1x16xf32>,
        %get3A_248 = vector.shape_cast %get3A_247 : vector<1x16xf32> to vector<16xf32>
        %get3A_249 = arith.index_cast %add3A_233 : i32 to index
        %get3A_250 = arith.constant 0 : index
        %get3A_251 = tpu.vector_load %arg8[%get3A_249, %get3A_250] {strides = array<i32>} : memref<256x64xf32, #tpu.memory_space<vmem>>, vector<1x16xf32>,
        %get3A_252 = vector.shape_cast %get3A_251 : vector<1x16xf32> to vector<16xf32>
        %get3A_253 = arith.index_cast %add3A_233 : i32 to index
        %get3A_254 = arith.constant 16 : index
        %get3A_255 = tpu.vector_load %arg8[%get3A_253, %get3A_254] {strides = array<i32>} : memref<256x64xf32, #tpu.memory_space<vmem>>, vector<1x16xf32>,
        %get3A_256 = vector.shape_cast %get3A_255 : vector<1x16xf32> to vector<16xf32>
        %get3A_257 = arith.index_cast %add3A_233 : i32 to index
        %get3A_258 = arith.constant 32 : index
        %get3A_259 = tpu.vector_load %arg8[%get3A_257, %get3A_258] {strides = array<i32>} : memref<256x64xf32, #tpu.memory_space<vmem>>, vector<1x16xf32>,
        %get3A_260 = vector.shape_cast %get3A_259 : vector<1x16xf32> to vector<16xf32>
        %get3A_261 = arith.index_cast %add3A_233 : i32 to index
        %get3A_262 = arith.constant 48 : index
        %get3A_263 = tpu.vector_load %arg8[%get3A_261, %get3A_262] {strides = array<i32>} : memref<256x64xf32, #tpu.memory_space<vmem>>, vector<1x16xf32>,
        %get3A_264 = vector.shape_cast %get3A_263 : vector<1x16xf32> to vector<16xf32>
        %mul3A_265 = arith.mulf %get3A_236, %get3A_252 : vector<16xf32>
        %mul3A_266 = arith.mulf %get3A_240, %get3A_256 : vector<16xf32>
        %add3A_267 = arith.addf %mul3A_265, %mul3A_266 : vector<16xf32>
        %mul3A_268 = arith.mulf %get3A_244, %get3A_260 : vector<16xf32>
        %mul3A_269 = arith.mulf %get3A_248, %get3A_264 : vector<16xf32>
        %add3A_270 = arith.addf %mul3A_268, %mul3A_269 : vector<16xf32>
        %add3A_271 = arith.addf %add3A_267, %add3A_270 : vector<16xf32>
        %mul3A_272 = arith.mulf %get3A_236, %get3A_236 : vector<16xf32>
        %mul3A_273 = arith.mulf %get3A_240, %get3A_240 : vector<16xf32>
        %add3A_274 = arith.addf %mul3A_272, %mul3A_273 : vector<16xf32>
        %mul3A_275 = arith.mulf %get3A_244, %get3A_244 : vector<16xf32>
        %mul3A_276 = arith.mulf %get3A_248, %get3A_248 : vector<16xf32>
        %add3A_277 = arith.addf %mul3A_275, %mul3A_276 : vector<16xf32>
        %add3A_278 = arith.addf %add3A_274, %add3A_277 : vector<16xf32>
        %mul3A_279 = arith.mulf %get3A_252, %get3A_252 : vector<16xf32>
        %mul3A_280 = arith.mulf %get3A_256, %get3A_256 : vector<16xf32>
        %add3A_281 = arith.addf %mul3A_279, %mul3A_280 : vector<16xf32>
        %mul3A_282 = arith.mulf %get3A_260, %get3A_260 : vector<16xf32>
        %mul3A_283 = arith.mulf %get3A_264, %get3A_264 : vector<16xf32>
        %add3A_284 = arith.addf %mul3A_282, %mul3A_283 : vector<16xf32>
        %add3A_285 = arith.addf %add3A_281, %add3A_284 : vector<16xf32>
        %add3A_286 = arith.constant 8 : i32
        %add3A_287 = arith.addi %mul3A_231, %add3A_286 : i32
        %get3A_288 = arith.index_cast %add3A_287 : i32 to index
        %get3A_289 = arith.constant 0 : index
        %get3A_290 = tpu.vector_load %arg7[%get3A_288, %get3A_289] {strides = array<i32>} : memref<256x64xf32, #tpu.memory_space<vmem>>, vector<1x16xf32>,
        %get3A_291 = vector.shape_cast %get3A_290 : vector<1x16xf32> to vector<16xf32>
        %get3A_292 = arith.index_cast %add3A_287 : i32 to index
        %get3A_293 = arith.constant 16 : index
        %get3A_294 = tpu.vector_load %arg7[%get3A_292, %get3A_293] {strides = array<i32>} : memref<256x64xf32, #tpu.memory_space<vmem>>, vector<1x16xf32>,
        %get3A_295 = vector.shape_cast %get3A_294 : vector<1x16xf32> to vector<16xf32>
        %get3A_296 = arith.index_cast %add3A_287 : i32 to index
        %get3A_297 = arith.constant 32 : index
        %get3A_298 = tpu.vector_load %arg7[%get3A_296, %get3A_297] {strides = array<i32>} : memref<256x64xf32, #tpu.memory_space<vmem>>, vector<1x16xf32>,
        %get3A_299 = vector.shape_cast %get3A_298 : vector<1x16xf32> to vector<16xf32>
        %get3A_300 = arith.index_cast %add3A_287 : i32 to index
        %get3A_301 = arith.constant 48 : index
        %get3A_302 = tpu.vector_load %arg7[%get3A_300, %get3A_301] {strides = array<i32>} : memref<256x64xf32, #tpu.memory_space<vmem>>, vector<1x16xf32>,
        %get3A_303 = vector.shape_cast %get3A_302 : vector<1x16xf32> to vector<16xf32>
        %get3A_304 = arith.index_cast %add3A_287 : i32 to index
        %get3A_305 = arith.constant 0 : index
        %get3A_306 = tpu.vector_load %arg8[%get3A_304, %get3A_305] {strides = array<i32>} : memref<256x64xf32, #tpu.memory_space<vmem>>, vector<1x16xf32>,
        %get3A_307 = vector.shape_cast %get3A_306 : vector<1x16xf32> to vector<16xf32>
        %get3A_308 = arith.index_cast %add3A_287 : i32 to index
        %get3A_309 = arith.constant 16 : index
        %get3A_310 = tpu.vector_load %arg8[%get3A_308, %get3A_309] {strides = array<i32>} : memref<256x64xf32, #tpu.memory_space<vmem>>, vector<1x16xf32>,
        %get3A_311 = vector.shape_cast %get3A_310 : vector<1x16xf32> to vector<16xf32>
        %get3A_312 = arith.index_cast %add3A_287 : i32 to index
        %get3A_313 = arith.constant 32 : index
        %get3A_314 = tpu.vector_load %arg8[%get3A_312, %get3A_313] {strides = array<i32>} : memref<256x64xf32, #tpu.memory_space<vmem>>, vector<1x16xf32>,
        %get3A_315 = vector.shape_cast %get3A_314 : vector<1x16xf32> to vector<16xf32>
        %get3A_316 = arith.index_cast %add3A_287 : i32 to index
        %get3A_317 = arith.constant 48 : index
        %get3A_318 = tpu.vector_load %arg8[%get3A_316, %get3A_317] {strides = array<i32>} : memref<256x64xf32, #tpu.memory_space<vmem>>, vector<1x16xf32>,
        %get3A_319 = vector.shape_cast %get3A_318 : vector<1x16xf32> to vector<16xf32>
        %mul3A_320 = arith.mulf %get3A_291, %get3A_307 : vector<16xf32>
        %mul3A_321 = arith.mulf %get3A_295, %get3A_311 : vector<16xf32>
        %add3A_322 = arith.addf %mul3A_320, %mul3A_321 : vector<16xf32>
        %mul3A_323 = arith.mulf %get3A_299, %get3A_315 : vector<16xf32>
        %mul3A_324 = arith.mulf %get3A_303, %get3A_319 : vector<16xf32>
        %add3A_325 = arith.addf %mul3A_323, %mul3A_324 : vector<16xf32>
        %add3A_326 = arith.addf %add3A_322, %add3A_325 : vector<16xf32>
        %mul3A_327 = arith.mulf %get3A_291, %get3A_291 : vector<16xf32>
        %mul3A_328 = arith.mulf %get3A_295, %get3A_295 : vector<16xf32>
        %add3A_329 = arith.addf %mul3A_327, %mul3A_328 : vector<16xf32>
        %mul3A_330 = arith.mulf %get3A_299, %get3A_299 : vector<16xf32>
        %mul3A_331 = arith.mulf %get3A_303, %get3A_303 : vector<16xf32>
        %add3A_332 = arith.addf %mul3A_330, %mul3A_331 : vector<16xf32>
        %add3A_333 = arith.addf %add3A_329, %add3A_332 : vector<16xf32>
        %mul3A_334 = arith.mulf %get3A_307, %get3A_307 : vector<16xf32>
        %mul3A_335 = arith.mulf %get3A_311, %get3A_311 : vector<16xf32>
        %add3A_336 = arith.addf %mul3A_334, %mul3A_335 : vector<16xf32>
        %mul3A_337 = arith.mulf %get3A_315, %get3A_315 : vector<16xf32>
        %mul3A_338 = arith.mulf %get3A_319, %get3A_319 : vector<16xf32>
        %add3A_339 = arith.addf %mul3A_337, %mul3A_338 : vector<16xf32>
        %add3A_340 = arith.addf %add3A_336, %add3A_339 : vector<16xf32>
        %add3A_341 = arith.constant 4 : i32
        %add3A_342 = arith.addi %mul3A_231, %add3A_341 : i32
        %get3A_343 = arith.index_cast %add3A_342 : i32 to index
        %get3A_344 = arith.constant 0 : index
        %get3A_345 = tpu.vector_load %arg7[%get3A_343, %get3A_344] {strides = array<i32>} : memref<256x64xf32, #tpu.memory_space<vmem>>, vector<1x16xf32>,
        %get3A_346 = vector.shape_cast %get3A_345 : vector<1x16xf32> to vector<16xf32>
        %get3A_347 = arith.index_cast %add3A_342 : i32 to index
        %get3A_348 = arith.constant 16 : index
        %get3A_349 = tpu.vector_load %arg7[%get3A_347, %get3A_348] {strides = array<i32>} : memref<256x64xf32, #tpu.memory_space<vmem>>, vector<1x16xf32>,
        %get3A_350 = vector.shape_cast %get3A_349 : vector<1x16xf32> to vector<16xf32>
        %get3A_351 = arith.index_cast %add3A_342 : i32 to index
        %get3A_352 = arith.constant 32 : index
        %get3A_353 = tpu.vector_load %arg7[%get3A_351, %get3A_352] {strides = array<i32>} : memref<256x64xf32, #tpu.memory_space<vmem>>, vector<1x16xf32>,
        %get3A_354 = vector.shape_cast %get3A_353 : vector<1x16xf32> to vector<16xf32>
        %get3A_355 = arith.index_cast %add3A_342 : i32 to index
        %get3A_356 = arith.constant 48 : index
        %get3A_357 = tpu.vector_load %arg7[%get3A_355, %get3A_356] {strides = array<i32>} : memref<256x64xf32, #tpu.memory_space<vmem>>, vector<1x16xf32>,
        %get3A_358 = vector.shape_cast %get3A_357 : vector<1x16xf32> to vector<16xf32>
        %get3A_359 = arith.index_cast %add3A_342 : i32 to index
        %get3A_360 = arith.constant 0 : index
        %get3A_361 = tpu.vector_load %arg8[%get3A_359, %get3A_360] {strides = array<i32>} : memref<256x64xf32, #tpu.memory_space<vmem>>, vector<1x16xf32>,
        %get3A_362 = vector.shape_cast %get3A_361 : vector<1x16xf32> to vector<16xf32>
        %get3A_363 = arith.index_cast %add3A_342 : i32 to index
        %get3A_364 = arith.constant 16 : index
        %get3A_365 = tpu.vector_load %arg8[%get3A_363, %get3A_364] {strides = array<i32>} : memref<256x64xf32, #tpu.memory_space<vmem>>, vector<1x16xf32>,
        %get3A_366 = vector.shape_cast %get3A_365 : vector<1x16xf32> to vector<16xf32>
        %get3A_367 = arith.index_cast %add3A_342 : i32 to index
        %get3A_368 = arith.constant 32 : index
        %get3A_369 = tpu.vector_load %arg8[%get3A_367, %get3A_368] {strides = array<i32>} : memref<256x64xf32, #tpu.memory_space<vmem>>, vector<1x16xf32>,
        %get3A_370 = vector.shape_cast %get3A_369 : vector<1x16xf32> to vector<16xf32>
        %get3A_371 = arith.index_cast %add3A_342 : i32 to index
        %get3A_372 = arith.constant 48 : index
        %get3A_373 = tpu.vector_load %arg8[%get3A_371, %get3A_372] {strides = array<i32>} : memref<256x64xf32, #tpu.memory_space<vmem>>, vector<1x16xf32>,
        %get3A_374 = vector.shape_cast %get3A_373 : vector<1x16xf32> to vector<16xf32>
        %mul3A_375 = arith.mulf %get3A_346, %get3A_362 : vector<16xf32>
        %mul3A_376 = arith.mulf %get3A_350, %get3A_366 : vector<16xf32>
        %add3A_377 = arith.addf %mul3A_375, %mul3A_376 : vector<16xf32>
        %mul3A_378 = arith.mulf %get3A_354, %get3A_370 : vector<16xf32>
        %mul3A_379 = arith.mulf %get3A_358, %get3A_374 : vector<16xf32>
        %add3A_380 = arith.addf %mul3A_378, %mul3A_379 : vector<16xf32>
        %add3A_381 = arith.addf %add3A_377, %add3A_380 : vector<16xf32>
        %mul3A_382 = arith.mulf %get3A_346, %get3A_346 : vector<16xf32>
        %mul3A_383 = arith.mulf %get3A_350, %get3A_350 : vector<16xf32>
        %add3A_384 = arith.addf %mul3A_382, %mul3A_383 : vector<16xf32>
        %mul3A_385 = arith.mulf %get3A_354, %get3A_354 : vector<16xf32>
        %mul3A_386 = arith.mulf %get3A_358, %get3A_358 : vector<16xf32>
        %add3A_387 = arith.addf %mul3A_385, %mul3A_386 : vector<16xf32>
        %add3A_388 = arith.addf %add3A_384, %add3A_387 : vector<16xf32>
        %mul3A_389 = arith.mulf %get3A_362, %get3A_362 : vector<16xf32>
        %mul3A_390 = arith.mulf %get3A_366, %get3A_366 : vector<16xf32>
        %add3A_391 = arith.addf %mul3A_389, %mul3A_390 : vector<16xf32>
        %mul3A_392 = arith.mulf %get3A_370, %get3A_370 : vector<16xf32>
        %mul3A_393 = arith.mulf %get3A_374, %get3A_374 : vector<16xf32>
        %add3A_394 = arith.addf %mul3A_392, %mul3A_393 : vector<16xf32>
        %add3A_395 = arith.addf %add3A_391, %add3A_394 : vector<16xf32>
        %add3A_396 = arith.constant 12 : i32
        %add3A_397 = arith.addi %mul3A_231, %add3A_396 : i32
        %get3A_398 = arith.index_cast %add3A_397 : i32 to index
        %get3A_399 = arith.constant 0 : index
        %get3A_400 = tpu.vector_load %arg7[%get3A_398, %get3A_399] {strides = array<i32>} : memref<256x64xf32, #tpu.memory_space<vmem>>, vector<1x16xf32>,
        %get3A_401 = vector.shape_cast %get3A_400 : vector<1x16xf32> to vector<16xf32>
        %get3A_402 = arith.index_cast %add3A_397 : i32 to index
        %get3A_403 = arith.constant 16 : index
        %get3A_404 = tpu.vector_load %arg7[%get3A_402, %get3A_403] {strides = array<i32>} : memref<256x64xf32, #tpu.memory_space<vmem>>, vector<1x16xf32>,
        %get3A_405 = vector.shape_cast %get3A_404 : vector<1x16xf32> to vector<16xf32>
        %get3A_406 = arith.index_cast %add3A_397 : i32 to index
        %get3A_407 = arith.constant 32 : index
        %get3A_408 = tpu.vector_load %arg7[%get3A_406, %get3A_407] {strides = array<i32>} : memref<256x64xf32, #tpu.memory_space<vmem>>, vector<1x16xf32>,
        %get3A_409 = vector.shape_cast %get3A_408 : vector<1x16xf32> to vector<16xf32>
        %get3A_410 = arith.index_cast %add3A_397 : i32 to index
        %get3A_411 = arith.constant 48 : index
        %get3A_412 = tpu.vector_load %arg7[%get3A_410, %get3A_411] {strides = array<i32>} : memref<256x64xf32, #tpu.memory_space<vmem>>, vector<1x16xf32>,
        %get3A_413 = vector.shape_cast %get3A_412 : vector<1x16xf32> to vector<16xf32>
        %get3A_414 = arith.index_cast %add3A_397 : i32 to index
        %get3A_415 = arith.constant 0 : index
        %get3A_416 = tpu.vector_load %arg8[%get3A_414, %get3A_415] {strides = array<i32>} : memref<256x64xf32, #tpu.memory_space<vmem>>, vector<1x16xf32>,
        %get3A_417 = vector.shape_cast %get3A_416 : vector<1x16xf32> to vector<16xf32>
        %get3A_418 = arith.index_cast %add3A_397 : i32 to index
        %get3A_419 = arith.constant 16 : index
        %get3A_420 = tpu.vector_load %arg8[%get3A_418, %get3A_419] {strides = array<i32>} : memref<256x64xf32, #tpu.memory_space<vmem>>, vector<1x16xf32>,
        %get3A_421 = vector.shape_cast %get3A_420 : vector<1x16xf32> to vector<16xf32>
        %get3A_422 = arith.index_cast %add3A_397 : i32 to index
        %get3A_423 = arith.constant 32 : index
        %get3A_424 = tpu.vector_load %arg8[%get3A_422, %get3A_423] {strides = array<i32>} : memref<256x64xf32, #tpu.memory_space<vmem>>, vector<1x16xf32>,
        %get3A_425 = vector.shape_cast %get3A_424 : vector<1x16xf32> to vector<16xf32>
        %get3A_426 = arith.index_cast %add3A_397 : i32 to index
        %get3A_427 = arith.constant 48 : index
        %get3A_428 = tpu.vector_load %arg8[%get3A_426, %get3A_427] {strides = array<i32>} : memref<256x64xf32, #tpu.memory_space<vmem>>, vector<1x16xf32>,
        %get3A_429 = vector.shape_cast %get3A_428 : vector<1x16xf32> to vector<16xf32>
        %mul3A_430 = arith.mulf %get3A_401, %get3A_417 : vector<16xf32>
        %mul3A_431 = arith.mulf %get3A_405, %get3A_421 : vector<16xf32>
        %add3A_432 = arith.addf %mul3A_430, %mul3A_431 : vector<16xf32>
        %mul3A_433 = arith.mulf %get3A_409, %get3A_425 : vector<16xf32>
        %mul3A_434 = arith.mulf %get3A_413, %get3A_429 : vector<16xf32>
        %add3A_435 = arith.addf %mul3A_433, %mul3A_434 : vector<16xf32>
        %add3A_436 = arith.addf %add3A_432, %add3A_435 : vector<16xf32>
        %mul3A_437 = arith.mulf %get3A_401, %get3A_401 : vector<16xf32>
        %mul3A_438 = arith.mulf %get3A_405, %get3A_405 : vector<16xf32>
        %add3A_439 = arith.addf %mul3A_437, %mul3A_438 : vector<16xf32>
        %mul3A_440 = arith.mulf %get3A_409, %get3A_409 : vector<16xf32>
        %mul3A_441 = arith.mulf %get3A_413, %get3A_413 : vector<16xf32>
        %add3A_442 = arith.addf %mul3A_440, %mul3A_441 : vector<16xf32>
        %add3A_443 = arith.addf %add3A_439, %add3A_442 : vector<16xf32>
        %mul3A_444 = arith.mulf %get3A_417, %get3A_417 : vector<16xf32>
        %mul3A_445 = arith.mulf %get3A_421, %get3A_421 : vector<16xf32>
        %add3A_446 = arith.addf %mul3A_444, %mul3A_445 : vector<16xf32>
        %mul3A_447 = arith.mulf %get3A_425, %get3A_425 : vector<16xf32>
        %mul3A_448 = arith.mulf %get3A_429, %get3A_429 : vector<16xf32>
        %add3A_449 = arith.addf %mul3A_447, %mul3A_448 : vector<16xf32>
        %add3A_450 = arith.addf %add3A_446, %add3A_449 : vector<16xf32>
        %add3A_451 = arith.constant 2 : i32
        %add3A_452 = arith.addi %mul3A_231, %add3A_451 : i32
        %get3A_453 = arith.index_cast %add3A_452 : i32 to index
        %get3A_454 = arith.constant 0 : index
        %get3A_455 = tpu.vector_load %arg7[%get3A_453, %get3A_454] {strides = array<i32>} : memref<256x64xf32, #tpu.memory_space<vmem>>, vector<1x16xf32>,
        %get3A_456 = vector.shape_cast %get3A_455 : vector<1x16xf32> to vector<16xf32>
        %get3A_457 = arith.index_cast %add3A_452 : i32 to index
        %get3A_458 = arith.constant 16 : index
        %get3A_459 = tpu.vector_load %arg7[%get3A_457, %get3A_458] {strides = array<i32>} : memref<256x64xf32, #tpu.memory_space<vmem>>, vector<1x16xf32>,
        %get3A_460 = vector.shape_cast %get3A_459 : vector<1x16xf32> to vector<16xf32>
        %get3A_461 = arith.index_cast %add3A_452 : i32 to index
        %get3A_462 = arith.constant 32 : index
        %get3A_463 = tpu.vector_load %arg7[%get3A_461, %get3A_462] {strides = array<i32>} : memref<256x64xf32, #tpu.memory_space<vmem>>, vector<1x16xf32>,
        %get3A_464 = vector.shape_cast %get3A_463 : vector<1x16xf32> to vector<16xf32>
        %get3A_465 = arith.index_cast %add3A_452 : i32 to index
        %get3A_466 = arith.constant 48 : index
        %get3A_467 = tpu.vector_load %arg7[%get3A_465, %get3A_466] {strides = array<i32>} : memref<256x64xf32, #tpu.memory_space<vmem>>, vector<1x16xf32>,
        %get3A_468 = vector.shape_cast %get3A_467 : vector<1x16xf32> to vector<16xf32>
        %get3A_469 = arith.index_cast %add3A_452 : i32 to index
        %get3A_470 = arith.constant 0 : index
        %get3A_471 = tpu.vector_load %arg8[%get3A_469, %get3A_470] {strides = array<i32>} : memref<256x64xf32, #tpu.memory_space<vmem>>, vector<1x16xf32>,
        %get3A_472 = vector.shape_cast %get3A_471 : vector<1x16xf32> to vector<16xf32>
        %get3A_473 = arith.index_cast %add3A_452 : i32 to index
        %get3A_474 = arith.constant 16 : index
        %get3A_475 = tpu.vector_load %arg8[%get3A_473, %get3A_474] {strides = array<i32>} : memref<256x64xf32, #tpu.memory_space<vmem>>, vector<1x16xf32>,
        %get3A_476 = vector.shape_cast %get3A_475 : vector<1x16xf32> to vector<16xf32>
        %get3A_477 = arith.index_cast %add3A_452 : i32 to index
        %get3A_478 = arith.constant 32 : index
        %get3A_479 = tpu.vector_load %arg8[%get3A_477, %get3A_478] {strides = array<i32>} : memref<256x64xf32, #tpu.memory_space<vmem>>, vector<1x16xf32>,
        %get3A_480 = vector.shape_cast %get3A_479 : vector<1x16xf32> to vector<16xf32>
        %get3A_481 = arith.index_cast %add3A_452 : i32 to index
        %get3A_482 = arith.constant 48 : index
        %get3A_483 = tpu.vector_load %arg8[%get3A_481, %get3A_482] {strides = array<i32>} : memref<256x64xf32, #tpu.memory_space<vmem>>, vector<1x16xf32>,
        %get3A_484 = vector.shape_cast %get3A_483 : vector<1x16xf32> to vector<16xf32>
        %mul3A_485 = arith.mulf %get3A_456, %get3A_472 : vector<16xf32>
        %mul3A_486 = arith.mulf %get3A_460, %get3A_476 : vector<16xf32>
        %add3A_487 = arith.addf %mul3A_485, %mul3A_486 : vector<16xf32>
        %mul3A_488 = arith.mulf %get3A_464, %get3A_480 : vector<16xf32>
        %mul3A_489 = arith.mulf %get3A_468, %get3A_484 : vector<16xf32>
        %add3A_490 = arith.addf %mul3A_488, %mul3A_489 : vector<16xf32>
        %add3A_491 = arith.addf %add3A_487, %add3A_490 : vector<16xf32>
        %mul3A_492 = arith.mulf %get3A_456, %get3A_456 : vector<16xf32>
        %mul3A_493 = arith.mulf %get3A_460, %get3A_460 : vector<16xf32>
        %add3A_494 = arith.addf %mul3A_492, %mul3A_493 : vector<16xf32>
        %mul3A_495 = arith.mulf %get3A_464, %get3A_464 : vector<16xf32>
        %mul3A_496 = arith.mulf %get3A_468, %get3A_468 : vector<16xf32>
        %add3A_497 = arith.addf %mul3A_495, %mul3A_496 : vector<16xf32>
        %add3A_498 = arith.addf %add3A_494, %add3A_497 : vector<16xf32>
        %mul3A_499 = arith.mulf %get3A_472, %get3A_472 : vector<16xf32>
        %mul3A_500 = arith.mulf %get3A_476, %get3A_476 : vector<16xf32>
        %add3A_501 = arith.addf %mul3A_499, %mul3A_500 : vector<16xf32>
        %mul3A_502 = arith.mulf %get3A_480, %get3A_480 : vector<16xf32>
        %mul3A_503 = arith.mulf %get3A_484, %get3A_484 : vector<16xf32>
        %add3A_504 = arith.addf %mul3A_502, %mul3A_503 : vector<16xf32>
        %add3A_505 = arith.addf %add3A_501, %add3A_504 : vector<16xf32>
        %add3A_506 = arith.constant 10 : i32
        %add3A_507 = arith.addi %mul3A_231, %add3A_506 : i32
        %get3A_508 = arith.index_cast %add3A_507 : i32 to index
        %get3A_509 = arith.constant 0 : index
        %get3A_510 = tpu.vector_load %arg7[%get3A_508, %get3A_509] {strides = array<i32>} : memref<256x64xf32, #tpu.memory_space<vmem>>, vector<1x16xf32>,
        %get3A_511 = vector.shape_cast %get3A_510 : vector<1x16xf32> to vector<16xf32>
        %get3A_512 = arith.index_cast %add3A_507 : i32 to index
        %get3A_513 = arith.constant 16 : index
        %get3A_514 = tpu.vector_load %arg7[%get3A_512, %get3A_513] {strides = array<i32>} : memref<256x64xf32, #tpu.memory_space<vmem>>, vector<1x16xf32>,
        %get3A_515 = vector.shape_cast %get3A_514 : vector<1x16xf32> to vector<16xf32>
        %get3A_516 = arith.index_cast %add3A_507 : i32 to index
        %get3A_517 = arith.constant 32 : index
        %get3A_518 = tpu.vector_load %arg7[%get3A_516, %get3A_517] {strides = array<i32>} : memref<256x64xf32, #tpu.memory_space<vmem>>, vector<1x16xf32>,
        %get3A_519 = vector.shape_cast %get3A_518 : vector<1x16xf32> to vector<16xf32>
        %get3A_520 = arith.index_cast %add3A_507 : i32 to index
        %get3A_521 = arith.constant 48 : index
        %get3A_522 = tpu.vector_load %arg7[%get3A_520, %get3A_521] {strides = array<i32>} : memref<256x64xf32, #tpu.memory_space<vmem>>, vector<1x16xf32>,
        %get3A_523 = vector.shape_cast %get3A_522 : vector<1x16xf32> to vector<16xf32>
        %get3A_524 = arith.index_cast %add3A_507 : i32 to index
        %get3A_525 = arith.constant 0 : index
        %get3A_526 = tpu.vector_load %arg8[%get3A_524, %get3A_525] {strides = array<i32>} : memref<256x64xf32, #tpu.memory_space<vmem>>, vector<1x16xf32>,
        %get3A_527 = vector.shape_cast %get3A_526 : vector<1x16xf32> to vector<16xf32>
        %get3A_528 = arith.index_cast %add3A_507 : i32 to index
        %get3A_529 = arith.constant 16 : index
        %get3A_530 = tpu.vector_load %arg8[%get3A_528, %get3A_529] {strides = array<i32>} : memref<256x64xf32, #tpu.memory_space<vmem>>, vector<1x16xf32>,
        %get3A_531 = vector.shape_cast %get3A_530 : vector<1x16xf32> to vector<16xf32>
        %get3A_532 = arith.index_cast %add3A_507 : i32 to index
        %get3A_533 = arith.constant 32 : index
        %get3A_534 = tpu.vector_load %arg8[%get3A_532, %get3A_533] {strides = array<i32>} : memref<256x64xf32, #tpu.memory_space<vmem>>, vector<1x16xf32>,
        %get3A_535 = vector.shape_cast %get3A_534 : vector<1x16xf32> to vector<16xf32>
        %get3A_536 = arith.index_cast %add3A_507 : i32 to index
        %get3A_537 = arith.constant 48 : index
        %get3A_538 = tpu.vector_load %arg8[%get3A_536, %get3A_537] {strides = array<i32>} : memref<256x64xf32, #tpu.memory_space<vmem>>, vector<1x16xf32>,
        %get3A_539 = vector.shape_cast %get3A_538 : vector<1x16xf32> to vector<16xf32>
        %mul3A_540 = arith.mulf %get3A_511, %get3A_527 : vector<16xf32>
        %mul3A_541 = arith.mulf %get3A_515, %get3A_531 : vector<16xf32>
        %add3A_542 = arith.addf %mul3A_540, %mul3A_541 : vector<16xf32>
        %mul3A_543 = arith.mulf %get3A_519, %get3A_535 : vector<16xf32>
        %mul3A_544 = arith.mulf %get3A_523, %get3A_539 : vector<16xf32>
        %add3A_545 = arith.addf %mul3A_543, %mul3A_544 : vector<16xf32>
        %add3A_546 = arith.addf %add3A_542, %add3A_545 : vector<16xf32>
        %mul3A_547 = arith.mulf %get3A_511, %get3A_511 : vector<16xf32>
        %mul3A_548 = arith.mulf %get3A_515, %get3A_515 : vector<16xf32>
        %add3A_549 = arith.addf %mul3A_547, %mul3A_548 : vector<16xf32>
        %mul3A_550 = arith.mulf %get3A_519, %get3A_519 : vector<16xf32>
        %mul3A_551 = arith.mulf %get3A_523, %get3A_523 : vector<16xf32>
        %add3A_552 = arith.addf %mul3A_550, %mul3A_551 : vector<16xf32>
        %add3A_553 = arith.addf %add3A_549, %add3A_552 : vector<16xf32>
        %mul3A_554 = arith.mulf %get3A_527, %get3A_527 : vector<16xf32>
        %mul3A_555 = arith.mulf %get3A_531, %get3A_531 : vector<16xf32>
        %add3A_556 = arith.addf %mul3A_554, %mul3A_555 : vector<16xf32>
        %mul3A_557 = arith.mulf %get3A_535, %get3A_535 : vector<16xf32>
        %mul3A_558 = arith.mulf %get3A_539, %get3A_539 : vector<16xf32>
        %add3A_559 = arith.addf %mul3A_557, %mul3A_558 : vector<16xf32>
        %add3A_560 = arith.addf %add3A_556, %add3A_559 : vector<16xf32>
        %add3A_561 = arith.constant 6 : i32
        %add3A_562 = arith.addi %mul3A_231, %add3A_561 : i32
        %get3A_563 = arith.index_cast %add3A_562 : i32 to index
        %get3A_564 = arith.constant 0 : index
        %get3A_565 = tpu.vector_load %arg7[%get3A_563, %get3A_564] {strides = array<i32>} : memref<256x64xf32, #tpu.memory_space<vmem>>, vector<1x16xf32>,
        %get3A_566 = vector.shape_cast %get3A_565 : vector<1x16xf32> to vector<16xf32>
        %get3A_567 = arith.index_cast %add3A_562 : i32 to index
        %get3A_568 = arith.constant 16 : index
        %get3A_569 = tpu.vector_load %arg7[%get3A_567, %get3A_568] {strides = array<i32>} : memref<256x64xf32, #tpu.memory_space<vmem>>, vector<1x16xf32>,
        %get3A_570 = vector.shape_cast %get3A_569 : vector<1x16xf32> to vector<16xf32>
        %get3A_571 = arith.index_cast %add3A_562 : i32 to index
        %get3A_572 = arith.constant 32 : index
        %get3A_573 = tpu.vector_load %arg7[%get3A_571, %get3A_572] {strides = array<i32>} : memref<256x64xf32, #tpu.memory_space<vmem>>, vector<1x16xf32>,
        %get3A_574 = vector.shape_cast %get3A_573 : vector<1x16xf32> to vector<16xf32>
        %get3A_575 = arith.index_cast %add3A_562 : i32 to index
        %get3A_576 = arith.constant 48 : index
        %get3A_577 = tpu.vector_load %arg7[%get3A_575, %get3A_576] {strides = array<i32>} : memref<256x64xf32, #tpu.memory_space<vmem>>, vector<1x16xf32>,
        %get3A_578 = vector.shape_cast %get3A_577 : vector<1x16xf32> to vector<16xf32>
        %get3A_579 = arith.index_cast %add3A_562 : i32 to index
        %get3A_580 = arith.constant 0 : index
        %get3A_581 = tpu.vector_load %arg8[%get3A_579, %get3A_580] {strides = array<i32>} : memref<256x64xf32, #tpu.memory_space<vmem>>, vector<1x16xf32>,
        %get3A_582 = vector.shape_cast %get3A_581 : vector<1x16xf32> to vector<16xf32>
        %get3A_583 = arith.index_cast %add3A_562 : i32 to index
        %get3A_584 = arith.constant 16 : index
        %get3A_585 = tpu.vector_load %arg8[%get3A_583, %get3A_584] {strides = array<i32>} : memref<256x64xf32, #tpu.memory_space<vmem>>, vector<1x16xf32>,
        %get3A_586 = vector.shape_cast %get3A_585 : vector<1x16xf32> to vector<16xf32>
        %get3A_587 = arith.index_cast %add3A_562 : i32 to index
        %get3A_588 = arith.constant 32 : index
        %get3A_589 = tpu.vector_load %arg8[%get3A_587, %get3A_588] {strides = array<i32>} : memref<256x64xf32, #tpu.memory_space<vmem>>, vector<1x16xf32>,
        %get3A_590 = vector.shape_cast %get3A_589 : vector<1x16xf32> to vector<16xf32>
        %get3A_591 = arith.index_cast %add3A_562 : i32 to index
        %get3A_592 = arith.constant 48 : index
        %get3A_593 = tpu.vector_load %arg8[%get3A_591, %get3A_592] {strides = array<i32>} : memref<256x64xf32, #tpu.memory_space<vmem>>, vector<1x16xf32>,
        %get3A_594 = vector.shape_cast %get3A_593 : vector<1x16xf32> to vector<16xf32>
        %mul3A_595 = arith.mulf %get3A_566, %get3A_582 : vector<16xf32>
        %mul3A_596 = arith.mulf %get3A_570, %get3A_586 : vector<16xf32>
        %add3A_597 = arith.addf %mul3A_595, %mul3A_596 : vector<16xf32>
        %mul3A_598 = arith.mulf %get3A_574, %get3A_590 : vector<16xf32>
        %mul3A_599 = arith.mulf %get3A_578, %get3A_594 : vector<16xf32>
        %add3A_600 = arith.addf %mul3A_598, %mul3A_599 : vector<16xf32>
        %add3A_601 = arith.addf %add3A_597, %add3A_600 : vector<16xf32>
        %mul3A_602 = arith.mulf %get3A_566, %get3A_566 : vector<16xf32>
        %mul3A_603 = arith.mulf %get3A_570, %get3A_570 : vector<16xf32>
        %add3A_604 = arith.addf %mul3A_602, %mul3A_603 : vector<16xf32>
        %mul3A_605 = arith.mulf %get3A_574, %get3A_574 : vector<16xf32>
        %mul3A_606 = arith.mulf %get3A_578, %get3A_578 : vector<16xf32>
        %add3A_607 = arith.addf %mul3A_605, %mul3A_606 : vector<16xf32>
        %add3A_608 = arith.addf %add3A_604, %add3A_607 : vector<16xf32>
        %mul3A_609 = arith.mulf %get3A_582, %get3A_582 : vector<16xf32>
        %mul3A_610 = arith.mulf %get3A_586, %get3A_586 : vector<16xf32>
        %add3A_611 = arith.addf %mul3A_609, %mul3A_610 : vector<16xf32>
        %mul3A_612 = arith.mulf %get3A_590, %get3A_590 : vector<16xf32>
        %mul3A_613 = arith.mulf %get3A_594, %get3A_594 : vector<16xf32>
        %add3A_614 = arith.addf %mul3A_612, %mul3A_613 : vector<16xf32>
        %add3A_615 = arith.addf %add3A_611, %add3A_614 : vector<16xf32>
        %add3A_616 = arith.constant 14 : i32
        %add3A_617 = arith.addi %mul3A_231, %add3A_616 : i32
        %get3A_618 = arith.index_cast %add3A_617 : i32 to index
        %get3A_619 = arith.constant 0 : index
        %get3A_620 = tpu.vector_load %arg7[%get3A_618, %get3A_619] {strides = array<i32>} : memref<256x64xf32, #tpu.memory_space<vmem>>, vector<1x16xf32>,
        %get3A_621 = vector.shape_cast %get3A_620 : vector<1x16xf32> to vector<16xf32>
        %get3A_622 = arith.index_cast %add3A_617 : i32 to index
        %get3A_623 = arith.constant 16 : index
        %get3A_624 = tpu.vector_load %arg7[%get3A_622, %get3A_623] {strides = array<i32>} : memref<256x64xf32, #tpu.memory_space<vmem>>, vector<1x16xf32>,
        %get3A_625 = vector.shape_cast %get3A_624 : vector<1x16xf32> to vector<16xf32>
        %get3A_626 = arith.index_cast %add3A_617 : i32 to index
        %get3A_627 = arith.constant 32 : index
        %get3A_628 = tpu.vector_load %arg7[%get3A_626, %get3A_627] {strides = array<i32>} : memref<256x64xf32, #tpu.memory_space<vmem>>, vector<1x16xf32>,
        %get3A_629 = vector.shape_cast %get3A_628 : vector<1x16xf32> to vector<16xf32>
        %get3A_630 = arith.index_cast %add3A_617 : i32 to index
        %get3A_631 = arith.constant 48 : index
        %get3A_632 = tpu.vector_load %arg7[%get3A_630, %get3A_631] {strides = array<i32>} : memref<256x64xf32, #tpu.memory_space<vmem>>, vector<1x16xf32>,
        %get3A_633 = vector.shape_cast %get3A_632 : vector<1x16xf32> to vector<16xf32>
        %get3A_634 = arith.index_cast %add3A_617 : i32 to index
        %get3A_635 = arith.constant 0 : index
        %get3A_636 = tpu.vector_load %arg8[%get3A_634, %get3A_635] {strides = array<i32>} : memref<256x64xf32, #tpu.memory_space<vmem>>, vector<1x16xf32>,
        %get3A_637 = vector.shape_cast %get3A_636 : vector<1x16xf32> to vector<16xf32>
        %get3A_638 = arith.index_cast %add3A_617 : i32 to index
        %get3A_639 = arith.constant 16 : index
        %get3A_640 = tpu.vector_load %arg8[%get3A_638, %get3A_639] {strides = array<i32>} : memref<256x64xf32, #tpu.memory_space<vmem>>, vector<1x16xf32>,
        %get3A_641 = vector.shape_cast %get3A_640 : vector<1x16xf32> to vector<16xf32>
        %get3A_642 = arith.index_cast %add3A_617 : i32 to index
        %get3A_643 = arith.constant 32 : index
        %get3A_644 = tpu.vector_load %arg8[%get3A_642, %get3A_643] {strides = array<i32>} : memref<256x64xf32, #tpu.memory_space<vmem>>, vector<1x16xf32>,
        %get3A_645 = vector.shape_cast %get3A_644 : vector<1x16xf32> to vector<16xf32>
        %get3A_646 = arith.index_cast %add3A_617 : i32 to index
        %get3A_647 = arith.constant 48 : index
        %get3A_648 = tpu.vector_load %arg8[%get3A_646, %get3A_647] {strides = array<i32>} : memref<256x64xf32, #tpu.memory_space<vmem>>, vector<1x16xf32>,
        %get3A_649 = vector.shape_cast %get3A_648 : vector<1x16xf32> to vector<16xf32>
        %mul3A_650 = arith.mulf %get3A_621, %get3A_637 : vector<16xf32>
        %mul3A_651 = arith.mulf %get3A_625, %get3A_641 : vector<16xf32>
        %add3A_652 = arith.addf %mul3A_650, %mul3A_651 : vector<16xf32>
        %mul3A_653 = arith.mulf %get3A_629, %get3A_645 : vector<16xf32>
        %mul3A_654 = arith.mulf %get3A_633, %get3A_649 : vector<16xf32>
        %add3A_655 = arith.addf %mul3A_653, %mul3A_654 : vector<16xf32>
        %add3A_656 = arith.addf %add3A_652, %add3A_655 : vector<16xf32>
        %mul3A_657 = arith.mulf %get3A_621, %get3A_621 : vector<16xf32>
        %mul3A_658 = arith.mulf %get3A_625, %get3A_625 : vector<16xf32>
        %add3A_659 = arith.addf %mul3A_657, %mul3A_658 : vector<16xf32>
        %mul3A_660 = arith.mulf %get3A_629, %get3A_629 : vector<16xf32>
        %mul3A_661 = arith.mulf %get3A_633, %get3A_633 : vector<16xf32>
        %add3A_662 = arith.addf %mul3A_660, %mul3A_661 : vector<16xf32>
        %add3A_663 = arith.addf %add3A_659, %add3A_662 : vector<16xf32>
        %mul3A_664 = arith.mulf %get3A_637, %get3A_637 : vector<16xf32>
        %mul3A_665 = arith.mulf %get3A_641, %get3A_641 : vector<16xf32>
        %add3A_666 = arith.addf %mul3A_664, %mul3A_665 : vector<16xf32>
        %mul3A_667 = arith.mulf %get3A_645, %get3A_645 : vector<16xf32>
        %mul3A_668 = arith.mulf %get3A_649, %get3A_649 : vector<16xf32>
        %add3A_669 = arith.addf %mul3A_667, %mul3A_668 : vector<16xf32>
        %add3A_670 = arith.addf %add3A_666, %add3A_669 : vector<16xf32>
        %add3A_671 = arith.constant 1 : i32
        %add3A_672 = arith.addi %mul3A_231, %add3A_671 : i32
        %get3A_673 = arith.index_cast %add3A_672 : i32 to index
        %get3A_674 = arith.constant 0 : index
        %get3A_675 = tpu.vector_load %arg7[%get3A_673, %get3A_674] {strides = array<i32>} : memref<256x64xf32, #tpu.memory_space<vmem>>, vector<1x16xf32>,
        %get3A_676 = vector.shape_cast %get3A_675 : vector<1x16xf32> to vector<16xf32>
        %get3A_677 = arith.index_cast %add3A_672 : i32 to index
        %get3A_678 = arith.constant 16 : index
        %get3A_679 = tpu.vector_load %arg7[%get3A_677, %get3A_678] {strides = array<i32>} : memref<256x64xf32, #tpu.memory_space<vmem>>, vector<1x16xf32>,
        %get3A_680 = vector.shape_cast %get3A_679 : vector<1x16xf32> to vector<16xf32>
        %get3A_681 = arith.index_cast %add3A_672 : i32 to index
        %get3A_682 = arith.constant 32 : index
        %get3A_683 = tpu.vector_load %arg7[%get3A_681, %get3A_682] {strides = array<i32>} : memref<256x64xf32, #tpu.memory_space<vmem>>, vector<1x16xf32>,
        %get3A_684 = vector.shape_cast %get3A_683 : vector<1x16xf32> to vector<16xf32>
        %get3A_685 = arith.index_cast %add3A_672 : i32 to index
        %get3A_686 = arith.constant 48 : index
        %get3A_687 = tpu.vector_load %arg7[%get3A_685, %get3A_686] {strides = array<i32>} : memref<256x64xf32, #tpu.memory_space<vmem>>, vector<1x16xf32>,
        %get3A_688 = vector.shape_cast %get3A_687 : vector<1x16xf32> to vector<16xf32>
        %get3A_689 = arith.index_cast %add3A_672 : i32 to index
        %get3A_690 = arith.constant 0 : index
        %get3A_691 = tpu.vector_load %arg8[%get3A_689, %get3A_690] {strides = array<i32>} : memref<256x64xf32, #tpu.memory_space<vmem>>, vector<1x16xf32>,
        %get3A_692 = vector.shape_cast %get3A_691 : vector<1x16xf32> to vector<16xf32>
        %get3A_693 = arith.index_cast %add3A_672 : i32 to index
        %get3A_694 = arith.constant 16 : index
        %get3A_695 = tpu.vector_load %arg8[%get3A_693, %get3A_694] {strides = array<i32>} : memref<256x64xf32, #tpu.memory_space<vmem>>, vector<1x16xf32>,
        %get3A_696 = vector.shape_cast %get3A_695 : vector<1x16xf32> to vector<16xf32>
        %get3A_697 = arith.index_cast %add3A_672 : i32 to index
        %get3A_698 = arith.constant 32 : index
        %get3A_699 = tpu.vector_load %arg8[%get3A_697, %get3A_698] {strides = array<i32>} : memref<256x64xf32, #tpu.memory_space<vmem>>, vector<1x16xf32>,
        %get3A_700 = vector.shape_cast %get3A_699 : vector<1x16xf32> to vector<16xf32>
        %get3A_701 = arith.index_cast %add3A_672 : i32 to index
        %get3A_702 = arith.constant 48 : index
        %get3A_703 = tpu.vector_load %arg8[%get3A_701, %get3A_702] {strides = array<i32>} : memref<256x64xf32, #tpu.memory_space<vmem>>, vector<1x16xf32>,
        %get3A_704 = vector.shape_cast %get3A_703 : vector<1x16xf32> to vector<16xf32>
        %mul3A_705 = arith.mulf %get3A_676, %get3A_692 : vector<16xf32>
        %mul3A_706 = arith.mulf %get3A_680, %get3A_696 : vector<16xf32>
        %add3A_707 = arith.addf %mul3A_705, %mul3A_706 : vector<16xf32>
        %mul3A_708 = arith.mulf %get3A_684, %get3A_700 : vector<16xf32>
        %mul3A_709 = arith.mulf %get3A_688, %get3A_704 : vector<16xf32>
        %add3A_710 = arith.addf %mul3A_708, %mul3A_709 : vector<16xf32>
        %add3A_711 = arith.addf %add3A_707, %add3A_710 : vector<16xf32>
        %mul3A_712 = arith.mulf %get3A_676, %get3A_676 : vector<16xf32>
        %mul3A_713 = arith.mulf %get3A_680, %get3A_680 : vector<16xf32>
        %add3A_714 = arith.addf %mul3A_712, %mul3A_713 : vector<16xf32>
        %mul3A_715 = arith.mulf %get3A_684, %get3A_684 : vector<16xf32>
        %mul3A_716 = arith.mulf %get3A_688, %get3A_688 : vector<16xf32>
        %add3A_717 = arith.addf %mul3A_715, %mul3A_716 : vector<16xf32>
        %add3A_718 = arith.addf %add3A_714, %add3A_717 : vector<16xf32>
        %mul3A_719 = arith.mulf %get3A_692, %get3A_692 : vector<16xf32>
        %mul3A_720 = arith.mulf %get3A_696, %get3A_696 : vector<16xf32>
        %add3A_721 = arith.addf %mul3A_719, %mul3A_720 : vector<16xf32>
        %mul3A_722 = arith.mulf %get3A_700, %get3A_700 : vector<16xf32>
        %mul3A_723 = arith.mulf %get3A_704, %get3A_704 : vector<16xf32>
        %add3A_724 = arith.addf %mul3A_722, %mul3A_723 : vector<16xf32>
        %add3A_725 = arith.addf %add3A_721, %add3A_724 : vector<16xf32>
        %add3A_726 = arith.constant 9 : i32
        %add3A_727 = arith.addi %mul3A_231, %add3A_726 : i32
        %get3A_728 = arith.index_cast %add3A_727 : i32 to index
        %get3A_729 = arith.constant 0 : index
        %get3A_730 = tpu.vector_load %arg7[%get3A_728, %get3A_729] {strides = array<i32>} : memref<256x64xf32, #tpu.memory_space<vmem>>, vector<1x16xf32>,
        %get3A_731 = vector.shape_cast %get3A_730 : vector<1x16xf32> to vector<16xf32>
        %get3A_732 = arith.index_cast %add3A_727 : i32 to index
        %get3A_733 = arith.constant 16 : index
        %get3A_734 = tpu.vector_load %arg7[%get3A_732, %get3A_733] {strides = array<i32>} : memref<256x64xf32, #tpu.memory_space<vmem>>, vector<1x16xf32>,
        %get3A_735 = vector.shape_cast %get3A_734 : vector<1x16xf32> to vector<16xf32>
        %get3A_736 = arith.index_cast %add3A_727 : i32 to index
        %get3A_737 = arith.constant 32 : index
        %get3A_738 = tpu.vector_load %arg7[%get3A_736, %get3A_737] {strides = array<i32>} : memref<256x64xf32, #tpu.memory_space<vmem>>, vector<1x16xf32>,
        %get3A_739 = vector.shape_cast %get3A_738 : vector<1x16xf32> to vector<16xf32>
        %get3A_740 = arith.index_cast %add3A_727 : i32 to index
        %get3A_741 = arith.constant 48 : index
        %get3A_742 = tpu.vector_load %arg7[%get3A_740, %get3A_741] {strides = array<i32>} : memref<256x64xf32, #tpu.memory_space<vmem>>, vector<1x16xf32>,
        %get3A_743 = vector.shape_cast %get3A_742 : vector<1x16xf32> to vector<16xf32>
        %get3A_744 = arith.index_cast %add3A_727 : i32 to index
        %get3A_745 = arith.constant 0 : index
        %get3A_746 = tpu.vector_load %arg8[%get3A_744, %get3A_745] {strides = array<i32>} : memref<256x64xf32, #tpu.memory_space<vmem>>, vector<1x16xf32>,
        %get3A_747 = vector.shape_cast %get3A_746 : vector<1x16xf32> to vector<16xf32>
        %get3A_748 = arith.index_cast %add3A_727 : i32 to index
        %get3A_749 = arith.constant 16 : index
        %get3A_750 = tpu.vector_load %arg8[%get3A_748, %get3A_749] {strides = array<i32>} : memref<256x64xf32, #tpu.memory_space<vmem>>, vector<1x16xf32>,
        %get3A_751 = vector.shape_cast %get3A_750 : vector<1x16xf32> to vector<16xf32>
        %get3A_752 = arith.index_cast %add3A_727 : i32 to index
        %get3A_753 = arith.constant 32 : index
        %get3A_754 = tpu.vector_load %arg8[%get3A_752, %get3A_753] {strides = array<i32>} : memref<256x64xf32, #tpu.memory_space<vmem>>, vector<1x16xf32>,
        %get3A_755 = vector.shape_cast %get3A_754 : vector<1x16xf32> to vector<16xf32>
        %get3A_756 = arith.index_cast %add3A_727 : i32 to index
        %get3A_757 = arith.constant 48 : index
        %get3A_758 = tpu.vector_load %arg8[%get3A_756, %get3A_757] {strides = array<i32>} : memref<256x64xf32, #tpu.memory_space<vmem>>, vector<1x16xf32>,
        %get3A_759 = vector.shape_cast %get3A_758 : vector<1x16xf32> to vector<16xf32>
        %mul3A_760 = arith.mulf %get3A_731, %get3A_747 : vector<16xf32>
        %mul3A_761 = arith.mulf %get3A_735, %get3A_751 : vector<16xf32>
        %add3A_762 = arith.addf %mul3A_760, %mul3A_761 : vector<16xf32>
        %mul3A_763 = arith.mulf %get3A_739, %get3A_755 : vector<16xf32>
        %mul3A_764 = arith.mulf %get3A_743, %get3A_759 : vector<16xf32>
        %add3A_765 = arith.addf %mul3A_763, %mul3A_764 : vector<16xf32>
        %add3A_766 = arith.addf %add3A_762, %add3A_765 : vector<16xf32>
        %mul3A_767 = arith.mulf %get3A_731, %get3A_731 : vector<16xf32>
        %mul3A_768 = arith.mulf %get3A_735, %get3A_735 : vector<16xf32>
        %add3A_769 = arith.addf %mul3A_767, %mul3A_768 : vector<16xf32>
        %mul3A_770 = arith.mulf %get3A_739, %get3A_739 : vector<16xf32>
        %mul3A_771 = arith.mulf %get3A_743, %get3A_743 : vector<16xf32>
        %add3A_772 = arith.addf %mul3A_770, %mul3A_771 : vector<16xf32>
        %add3A_773 = arith.addf %add3A_769, %add3A_772 : vector<16xf32>
        %mul3A_774 = arith.mulf %get3A_747, %get3A_747 : vector<16xf32>
        %mul3A_775 = arith.mulf %get3A_751, %get3A_751 : vector<16xf32>
        %add3A_776 = arith.addf %mul3A_774, %mul3A_775 : vector<16xf32>
        %mul3A_777 = arith.mulf %get3A_755, %get3A_755 : vector<16xf32>
        %mul3A_778 = arith.mulf %get3A_759, %get3A_759 : vector<16xf32>
        %add3A_779 = arith.addf %mul3A_777, %mul3A_778 : vector<16xf32>
        %add3A_780 = arith.addf %add3A_776, %add3A_779 : vector<16xf32>
        %add3A_781 = arith.constant 5 : i32
        %add3A_782 = arith.addi %mul3A_231, %add3A_781 : i32
        %get3A_783 = arith.index_cast %add3A_782 : i32 to index
        %get3A_784 = arith.constant 0 : index
        %get3A_785 = tpu.vector_load %arg7[%get3A_783, %get3A_784] {strides = array<i32>} : memref<256x64xf32, #tpu.memory_space<vmem>>, vector<1x16xf32>,
        %get3A_786 = vector.shape_cast %get3A_785 : vector<1x16xf32> to vector<16xf32>
        %get3A_787 = arith.index_cast %add3A_782 : i32 to index
        %get3A_788 = arith.constant 16 : index
        %get3A_789 = tpu.vector_load %arg7[%get3A_787, %get3A_788] {strides = array<i32>} : memref<256x64xf32, #tpu.memory_space<vmem>>, vector<1x16xf32>,
        %get3A_790 = vector.shape_cast %get3A_789 : vector<1x16xf32> to vector<16xf32>
        %get3A_791 = arith.index_cast %add3A_782 : i32 to index
        %get3A_792 = arith.constant 32 : index
        %get3A_793 = tpu.vector_load %arg7[%get3A_791, %get3A_792] {strides = array<i32>} : memref<256x64xf32, #tpu.memory_space<vmem>>, vector<1x16xf32>,
        %get3A_794 = vector.shape_cast %get3A_793 : vector<1x16xf32> to vector<16xf32>
        %get3A_795 = arith.index_cast %add3A_782 : i32 to index
        %get3A_796 = arith.constant 48 : index
        %get3A_797 = tpu.vector_load %arg7[%get3A_795, %get3A_796] {strides = array<i32>} : memref<256x64xf32, #tpu.memory_space<vmem>>, vector<1x16xf32>,
        %get3A_798 = vector.shape_cast %get3A_797 : vector<1x16xf32> to vector<16xf32>
        %get3A_799 = arith.index_cast %add3A_782 : i32 to index
        %get3A_800 = arith.constant 0 : index
        %get3A_801 = tpu.vector_load %arg8[%get3A_799, %get3A_800] {strides = array<i32>} : memref<256x64xf32, #tpu.memory_space<vmem>>, vector<1x16xf32>,
        %get3A_802 = vector.shape_cast %get3A_801 : vector<1x16xf32> to vector<16xf32>
        %get3A_803 = arith.index_cast %add3A_782 : i32 to index
        %get3A_804 = arith.constant 16 : index
        %get3A_805 = tpu.vector_load %arg8[%get3A_803, %get3A_804] {strides = array<i32>} : memref<256x64xf32, #tpu.memory_space<vmem>>, vector<1x16xf32>,
        %get3A_806 = vector.shape_cast %get3A_805 : vector<1x16xf32> to vector<16xf32>
        %get3A_807 = arith.index_cast %add3A_782 : i32 to index
        %get3A_808 = arith.constant 32 : index
        %get3A_809 = tpu.vector_load %arg8[%get3A_807, %get3A_808] {strides = array<i32>} : memref<256x64xf32, #tpu.memory_space<vmem>>, vector<1x16xf32>,
        %get3A_810 = vector.shape_cast %get3A_809 : vector<1x16xf32> to vector<16xf32>
        %get3A_811 = arith.index_cast %add3A_782 : i32 to index
        %get3A_812 = arith.constant 48 : index
        %get3A_813 = tpu.vector_load %arg8[%get3A_811, %get3A_812] {strides = array<i32>} : memref<256x64xf32, #tpu.memory_space<vmem>>, vector<1x16xf32>,
        %get3A_814 = vector.shape_cast %get3A_813 : vector<1x16xf32> to vector<16xf32>
        %mul3A_815 = arith.mulf %get3A_786, %get3A_802 : vector<16xf32>
        %mul3A_816 = arith.mulf %get3A_790, %get3A_806 : vector<16xf32>
        %add3A_817 = arith.addf %mul3A_815, %mul3A_816 : vector<16xf32>
        %mul3A_818 = arith.mulf %get3A_794, %get3A_810 : vector<16xf32>
        %mul3A_819 = arith.mulf %get3A_798, %get3A_814 : vector<16xf32>
        %add3A_820 = arith.addf %mul3A_818, %mul3A_819 : vector<16xf32>
        %add3A_821 = arith.addf %add3A_817, %add3A_820 : vector<16xf32>
        %mul3A_822 = arith.mulf %get3A_786, %get3A_786 : vector<16xf32>
        %mul3A_823 = arith.mulf %get3A_790, %get3A_790 : vector<16xf32>
        %add3A_824 = arith.addf %mul3A_822, %mul3A_823 : vector<16xf32>
        %mul3A_825 = arith.mulf %get3A_794, %get3A_794 : vector<16xf32>
        %mul3A_826 = arith.mulf %get3A_798, %get3A_798 : vector<16xf32>
        %add3A_827 = arith.addf %mul3A_825, %mul3A_826 : vector<16xf32>
        %add3A_828 = arith.addf %add3A_824, %add3A_827 : vector<16xf32>
        %mul3A_829 = arith.mulf %get3A_802, %get3A_802 : vector<16xf32>
        %mul3A_830 = arith.mulf %get3A_806, %get3A_806 : vector<16xf32>
        %add3A_831 = arith.addf %mul3A_829, %mul3A_830 : vector<16xf32>
        %mul3A_832 = arith.mulf %get3A_810, %get3A_810 : vector<16xf32>
        %mul3A_833 = arith.mulf %get3A_814, %get3A_814 : vector<16xf32>
        %add3A_834 = arith.addf %mul3A_832, %mul3A_833 : vector<16xf32>
        %add3A_835 = arith.addf %add3A_831, %add3A_834 : vector<16xf32>
        %add3A_836 = arith.constant 13 : i32
        %add3A_837 = arith.addi %mul3A_231, %add3A_836 : i32
        %get3A_838 = arith.index_cast %add3A_837 : i32 to index
        %get3A_839 = arith.constant 0 : index
        %get3A_840 = tpu.vector_load %arg7[%get3A_838, %get3A_839] {strides = array<i32>} : memref<256x64xf32, #tpu.memory_space<vmem>>, vector<1x16xf32>,
        %get3A_841 = vector.shape_cast %get3A_840 : vector<1x16xf32> to vector<16xf32>
        %get3A_842 = arith.index_cast %add3A_837 : i32 to index
        %get3A_843 = arith.constant 16 : index
        %get3A_844 = tpu.vector_load %arg7[%get3A_842, %get3A_843] {strides = array<i32>} : memref<256x64xf32, #tpu.memory_space<vmem>>, vector<1x16xf32>,
        %get3A_845 = vector.shape_cast %get3A_844 : vector<1x16xf32> to vector<16xf32>
        %get3A_846 = arith.index_cast %add3A_837 : i32 to index
        %get3A_847 = arith.constant 32 : index
        %get3A_848 = tpu.vector_load %arg7[%get3A_846, %get3A_847] {strides = array<i32>} : memref<256x64xf32, #tpu.memory_space<vmem>>, vector<1x16xf32>,
        %get3A_849 = vector.shape_cast %get3A_848 : vector<1x16xf32> to vector<16xf32>
        %get3A_850 = arith.index_cast %add3A_837 : i32 to index
        %get3A_851 = arith.constant 48 : index
        %get3A_852 = tpu.vector_load %arg7[%get3A_850, %get3A_851] {strides = array<i32>} : memref<256x64xf32, #tpu.memory_space<vmem>>, vector<1x16xf32>,
        %get3A_853 = vector.shape_cast %get3A_852 : vector<1x16xf32> to vector<16xf32>
        %get3A_854 = arith.index_cast %add3A_837 : i32 to index
        %get3A_855 = arith.constant 0 : index
        %get3A_856 = tpu.vector_load %arg8[%get3A_854, %get3A_855] {strides = array<i32>} : memref<256x64xf32, #tpu.memory_space<vmem>>, vector<1x16xf32>,
        %get3A_857 = vector.shape_cast %get3A_856 : vector<1x16xf32> to vector<16xf32>
        %get3A_858 = arith.index_cast %add3A_837 : i32 to index
        %get3A_859 = arith.constant 16 : index
        %get3A_860 = tpu.vector_load %arg8[%get3A_858, %get3A_859] {strides = array<i32>} : memref<256x64xf32, #tpu.memory_space<vmem>>, vector<1x16xf32>,
        %get3A_861 = vector.shape_cast %get3A_860 : vector<1x16xf32> to vector<16xf32>
        %get3A_862 = arith.index_cast %add3A_837 : i32 to index
        %get3A_863 = arith.constant 32 : index
        %get3A_864 = tpu.vector_load %arg8[%get3A_862, %get3A_863] {strides = array<i32>} : memref<256x64xf32, #tpu.memory_space<vmem>>, vector<1x16xf32>,
        %get3A_865 = vector.shape_cast %get3A_864 : vector<1x16xf32> to vector<16xf32>
        %get3A_866 = arith.index_cast %add3A_837 : i32 to index
        %get3A_867 = arith.constant 48 : index
        %get3A_868 = tpu.vector_load %arg8[%get3A_866, %get3A_867] {strides = array<i32>} : memref<256x64xf32, #tpu.memory_space<vmem>>, vector<1x16xf32>,
        %get3A_869 = vector.shape_cast %get3A_868 : vector<1x16xf32> to vector<16xf32>
        %mul3A_870 = arith.mulf %get3A_841, %get3A_857 : vector<16xf32>
        %mul3A_871 = arith.mulf %get3A_845, %get3A_861 : vector<16xf32>
        %add3A_872 = arith.addf %mul3A_870, %mul3A_871 : vector<16xf32>
        %mul3A_873 = arith.mulf %get3A_849, %get3A_865 : vector<16xf32>
        %mul3A_874 = arith.mulf %get3A_853, %get3A_869 : vector<16xf32>
        %add3A_875 = arith.addf %mul3A_873, %mul3A_874 : vector<16xf32>
        %add3A_876 = arith.addf %add3A_872, %add3A_875 : vector<16xf32>
        %mul3A_877 = arith.mulf %get3A_841, %get3A_841 : vector<16xf32>
        %mul3A_878 = arith.mulf %get3A_845, %get3A_845 : vector<16xf32>
        %add3A_879 = arith.addf %mul3A_877, %mul3A_878 : vector<16xf32>
        %mul3A_880 = arith.mulf %get3A_849, %get3A_849 : vector<16xf32>
        %mul3A_881 = arith.mulf %get3A_853, %get3A_853 : vector<16xf32>
        %add3A_882 = arith.addf %mul3A_880, %mul3A_881 : vector<16xf32>
        %add3A_883 = arith.addf %add3A_879, %add3A_882 : vector<16xf32>
        %mul3A_884 = arith.mulf %get3A_857, %get3A_857 : vector<16xf32>
        %mul3A_885 = arith.mulf %get3A_861, %get3A_861 : vector<16xf32>
        %add3A_886 = arith.addf %mul3A_884, %mul3A_885 : vector<16xf32>
        %mul3A_887 = arith.mulf %get3A_865, %get3A_865 : vector<16xf32>
        %mul3A_888 = arith.mulf %get3A_869, %get3A_869 : vector<16xf32>
        %add3A_889 = arith.addf %mul3A_887, %mul3A_888 : vector<16xf32>
        %add3A_890 = arith.addf %add3A_886, %add3A_889 : vector<16xf32>
        %add3A_891 = arith.constant 3 : i32
        %add3A_892 = arith.addi %mul3A_231, %add3A_891 : i32
        %get3A_893 = arith.index_cast %add3A_892 : i32 to index
        %get3A_894 = arith.constant 0 : index
        %get3A_895 = tpu.vector_load %arg7[%get3A_893, %get3A_894] {strides = array<i32>} : memref<256x64xf32, #tpu.memory_space<vmem>>, vector<1x16xf32>,
        %get3A_896 = vector.shape_cast %get3A_895 : vector<1x16xf32> to vector<16xf32>
        %get3A_897 = arith.index_cast %add3A_892 : i32 to index
        %get3A_898 = arith.constant 16 : index
        %get3A_899 = tpu.vector_load %arg7[%get3A_897, %get3A_898] {strides = array<i32>} : memref<256x64xf32, #tpu.memory_space<vmem>>, vector<1x16xf32>,
        %get3A_900 = vector.shape_cast %get3A_899 : vector<1x16xf32> to vector<16xf32>
        %get3A_901 = arith.index_cast %add3A_892 : i32 to index
        %get3A_902 = arith.constant 32 : index
        %get3A_903 = tpu.vector_load %arg7[%get3A_901, %get3A_902] {strides = array<i32>} : memref<256x64xf32, #tpu.memory_space<vmem>>, vector<1x16xf32>,
        %get3A_904 = vector.shape_cast %get3A_903 : vector<1x16xf32> to vector<16xf32>
        %get3A_905 = arith.index_cast %add3A_892 : i32 to index
        %get3A_906 = arith.constant 48 : index
        %get3A_907 = tpu.vector_load %arg7[%get3A_905, %get3A_906] {strides = array<i32>} : memref<256x64xf32, #tpu.memory_space<vmem>>, vector<1x16xf32>,
        %get3A_908 = vector.shape_cast %get3A_907 : vector<1x16xf32> to vector<16xf32>
        %get3A_909 = arith.index_cast %add3A_892 : i32 to index
        %get3A_910 = arith.constant 0 : index
        %get3A_911 = tpu.vector_load %arg8[%get3A_909, %get3A_910] {strides = array<i32>} : memref<256x64xf32, #tpu.memory_space<vmem>>, vector<1x16xf32>,
        %get3A_912 = vector.shape_cast %get3A_911 : vector<1x16xf32> to vector<16xf32>
        %get3A_913 = arith.index_cast %add3A_892 : i32 to index
        %get3A_914 = arith.constant 16 : index
        %get3A_915 = tpu.vector_load %arg8[%get3A_913, %get3A_914] {strides = array<i32>} : memref<256x64xf32, #tpu.memory_space<vmem>>, vector<1x16xf32>,
        %get3A_916 = vector.shape_cast %get3A_915 : vector<1x16xf32> to vector<16xf32>
        %get3A_917 = arith.index_cast %add3A_892 : i32 to index
        %get3A_918 = arith.constant 32 : index
        %get3A_919 = tpu.vector_load %arg8[%get3A_917, %get3A_918] {strides = array<i32>} : memref<256x64xf32, #tpu.memory_space<vmem>>, vector<1x16xf32>,
        %get3A_920 = vector.shape_cast %get3A_919 : vector<1x16xf32> to vector<16xf32>
        %get3A_921 = arith.index_cast %add3A_892 : i32 to index
        %get3A_922 = arith.constant 48 : index
        %get3A_923 = tpu.vector_load %arg8[%get3A_921, %get3A_922] {strides = array<i32>} : memref<256x64xf32, #tpu.memory_space<vmem>>, vector<1x16xf32>,
        %get3A_924 = vector.shape_cast %get3A_923 : vector<1x16xf32> to vector<16xf32>
        %mul3A_925 = arith.mulf %get3A_896, %get3A_912 : vector<16xf32>
        %mul3A_926 = arith.mulf %get3A_900, %get3A_916 : vector<16xf32>
        %add3A_927 = arith.addf %mul3A_925, %mul3A_926 : vector<16xf32>
        %mul3A_928 = arith.mulf %get3A_904, %get3A_920 : vector<16xf32>
        %mul3A_929 = arith.mulf %get3A_908, %get3A_924 : vector<16xf32>
        %add3A_930 = arith.addf %mul3A_928, %mul3A_929 : vector<16xf32>
        %add3A_931 = arith.addf %add3A_927, %add3A_930 : vector<16xf32>
        %mul3A_932 = arith.mulf %get3A_896, %get3A_896 : vector<16xf32>
        %mul3A_933 = arith.mulf %get3A_900, %get3A_900 : vector<16xf32>
        %add3A_934 = arith.addf %mul3A_932, %mul3A_933 : vector<16xf32>
        %mul3A_935 = arith.mulf %get3A_904, %get3A_904 : vector<16xf32>
        %mul3A_936 = arith.mulf %get3A_908, %get3A_908 : vector<16xf32>
        %add3A_937 = arith.addf %mul3A_935, %mul3A_936 : vector<16xf32>
        %add3A_938 = arith.addf %add3A_934, %add3A_937 : vector<16xf32>
        %mul3A_939 = arith.mulf %get3A_912, %get3A_912 : vector<16xf32>
        %mul3A_940 = arith.mulf %get3A_916, %get3A_916 : vector<16xf32>
        %add3A_941 = arith.addf %mul3A_939, %mul3A_940 : vector<16xf32>
        %mul3A_942 = arith.mulf %get3A_920, %get3A_920 : vector<16xf32>
        %mul3A_943 = arith.mulf %get3A_924, %get3A_924 : vector<16xf32>
        %add3A_944 = arith.addf %mul3A_942, %mul3A_943 : vector<16xf32>
        %add3A_945 = arith.addf %add3A_941, %add3A_944 : vector<16xf32>
        %add3A_946 = arith.constant 11 : i32
        %add3A_947 = arith.addi %mul3A_231, %add3A_946 : i32
        %get3A_948 = arith.index_cast %add3A_947 : i32 to index
        %get3A_949 = arith.constant 0 : index
        %get3A_950 = tpu.vector_load %arg7[%get3A_948, %get3A_949] {strides = array<i32>} : memref<256x64xf32, #tpu.memory_space<vmem>>, vector<1x16xf32>,
        %get3A_951 = vector.shape_cast %get3A_950 : vector<1x16xf32> to vector<16xf32>
        %get3A_952 = arith.index_cast %add3A_947 : i32 to index
        %get3A_953 = arith.constant 16 : index
        %get3A_954 = tpu.vector_load %arg7[%get3A_952, %get3A_953] {strides = array<i32>} : memref<256x64xf32, #tpu.memory_space<vmem>>, vector<1x16xf32>,
        %get3A_955 = vector.shape_cast %get3A_954 : vector<1x16xf32> to vector<16xf32>
        %get3A_956 = arith.index_cast %add3A_947 : i32 to index
        %get3A_957 = arith.constant 32 : index
        %get3A_958 = tpu.vector_load %arg7[%get3A_956, %get3A_957] {strides = array<i32>} : memref<256x64xf32, #tpu.memory_space<vmem>>, vector<1x16xf32>,
        %get3A_959 = vector.shape_cast %get3A_958 : vector<1x16xf32> to vector<16xf32>
        %get3A_960 = arith.index_cast %add3A_947 : i32 to index
        %get3A_961 = arith.constant 48 : index
        %get3A_962 = tpu.vector_load %arg7[%get3A_960, %get3A_961] {strides = array<i32>} : memref<256x64xf32, #tpu.memory_space<vmem>>, vector<1x16xf32>,
        %get3A_963 = vector.shape_cast %get3A_962 : vector<1x16xf32> to vector<16xf32>
        %get3A_964 = arith.index_cast %add3A_947 : i32 to index
        %get3A_965 = arith.constant 0 : index
        %get3A_966 = tpu.vector_load %arg8[%get3A_964, %get3A_965] {strides = array<i32>} : memref<256x64xf32, #tpu.memory_space<vmem>>, vector<1x16xf32>,
        %get3A_967 = vector.shape_cast %get3A_966 : vector<1x16xf32> to vector<16xf32>
        %get3A_968 = arith.index_cast %add3A_947 : i32 to index
        %get3A_969 = arith.constant 16 : index
        %get3A_970 = tpu.vector_load %arg8[%get3A_968, %get3A_969] {strides = array<i32>} : memref<256x64xf32, #tpu.memory_space<vmem>>, vector<1x16xf32>,
        %get3A_971 = vector.shape_cast %get3A_970 : vector<1x16xf32> to vector<16xf32>
        %get3A_972 = arith.index_cast %add3A_947 : i32 to index
        %get3A_973 = arith.constant 32 : index
        %get3A_974 = tpu.vector_load %arg8[%get3A_972, %get3A_973] {strides = array<i32>} : memref<256x64xf32, #tpu.memory_space<vmem>>, vector<1x16xf32>,
        %get3A_975 = vector.shape_cast %get3A_974 : vector<1x16xf32> to vector<16xf32>
        %get3A_976 = arith.index_cast %add3A_947 : i32 to index
        %get3A_977 = arith.constant 48 : index
        %get3A_978 = tpu.vector_load %arg8[%get3A_976, %get3A_977] {strides = array<i32>} : memref<256x64xf32, #tpu.memory_space<vmem>>, vector<1x16xf32>,
        %get3A_979 = vector.shape_cast %get3A_978 : vector<1x16xf32> to vector<16xf32>
        %mul3A_980 = arith.mulf %get3A_951, %get3A_967 : vector<16xf32>
        %mul3A_981 = arith.mulf %get3A_955, %get3A_971 : vector<16xf32>
        %add3A_982 = arith.addf %mul3A_980, %mul3A_981 : vector<16xf32>
        %mul3A_983 = arith.mulf %get3A_959, %get3A_975 : vector<16xf32>
        %mul3A_984 = arith.mulf %get3A_963, %get3A_979 : vector<16xf32>
        %add3A_985 = arith.addf %mul3A_983, %mul3A_984 : vector<16xf32>
        %add3A_986 = arith.addf %add3A_982, %add3A_985 : vector<16xf32>
        %mul3A_987 = arith.mulf %get3A_951, %get3A_951 : vector<16xf32>
        %mul3A_988 = arith.mulf %get3A_955, %get3A_955 : vector<16xf32>
        %add3A_989 = arith.addf %mul3A_987, %mul3A_988 : vector<16xf32>
        %mul3A_990 = arith.mulf %get3A_959, %get3A_959 : vector<16xf32>
        %mul3A_991 = arith.mulf %get3A_963, %get3A_963 : vector<16xf32>
        %add3A_992 = arith.addf %mul3A_990, %mul3A_991 : vector<16xf32>
        %add3A_993 = arith.addf %add3A_989, %add3A_992 : vector<16xf32>
        %mul3A_994 = arith.mulf %get3A_967, %get3A_967 : vector<16xf32>
        %mul3A_995 = arith.mulf %get3A_971, %get3A_971 : vector<16xf32>
        %add3A_996 = arith.addf %mul3A_994, %mul3A_995 : vector<16xf32>
        %mul3A_997 = arith.mulf %get3A_975, %get3A_975 : vector<16xf32>
        %mul3A_998 = arith.mulf %get3A_979, %get3A_979 : vector<16xf32>
        %add3A_999 = arith.addf %mul3A_997, %mul3A_998 : vector<16xf32>
        %add3A_1000 = arith.addf %add3A_996, %add3A_999 : vector<16xf32>
        %add3A_1001 = arith.constant 7 : i32
        %add3A_1002 = arith.addi %mul3A_231, %add3A_1001 : i32
        %get3A_1003 = arith.index_cast %add3A_1002 : i32 to index
        %get3A_1004 = arith.constant 0 : index
        %get3A_1005 = tpu.vector_load %arg7[%get3A_1003, %get3A_1004] {strides = array<i32>} : memref<256x64xf32, #tpu.memory_space<vmem>>, vector<1x16xf32>,
        %get3A_1006 = vector.shape_cast %get3A_1005 : vector<1x16xf32> to vector<16xf32>
        %get3A_1007 = arith.index_cast %add3A_1002 : i32 to index
        %get3A_1008 = arith.constant 16 : index
        %get3A_1009 = tpu.vector_load %arg7[%get3A_1007, %get3A_1008] {strides = array<i32>} : memref<256x64xf32, #tpu.memory_space<vmem>>, vector<1x16xf32>,
        %get3A_1010 = vector.shape_cast %get3A_1009 : vector<1x16xf32> to vector<16xf32>
        %get3A_1011 = arith.index_cast %add3A_1002 : i32 to index
        %get3A_1012 = arith.constant 32 : index
        %get3A_1013 = tpu.vector_load %arg7[%get3A_1011, %get3A_1012] {strides = array<i32>} : memref<256x64xf32, #tpu.memory_space<vmem>>, vector<1x16xf32>,
        %get3A_1014 = vector.shape_cast %get3A_1013 : vector<1x16xf32> to vector<16xf32>
        %get3A_1015 = arith.index_cast %add3A_1002 : i32 to index
        %get3A_1016 = arith.constant 48 : index
        %get3A_1017 = tpu.vector_load %arg7[%get3A_1015, %get3A_1016] {strides = array<i32>} : memref<256x64xf32, #tpu.memory_space<vmem>>, vector<1x16xf32>,
        %get3A_1018 = vector.shape_cast %get3A_1017 : vector<1x16xf32> to vector<16xf32>
        %get3A_1019 = arith.index_cast %add3A_1002 : i32 to index
        %get3A_1020 = arith.constant 0 : index
        %get3A_1021 = tpu.vector_load %arg8[%get3A_1019, %get3A_1020] {strides = array<i32>} : memref<256x64xf32, #tpu.memory_space<vmem>>, vector<1x16xf32>,
        %get3A_1022 = vector.shape_cast %get3A_1021 : vector<1x16xf32> to vector<16xf32>
        %get3A_1023 = arith.index_cast %add3A_1002 : i32 to index
        %get3A_1024 = arith.constant 16 : index
        %get3A_1025 = tpu.vector_load %arg8[%get3A_1023, %get3A_1024] {strides = array<i32>} : memref<256x64xf32, #tpu.memory_space<vmem>>, vector<1x16xf32>,
        %get3A_1026 = vector.shape_cast %get3A_1025 : vector<1x16xf32> to vector<16xf32>
        %get3A_1027 = arith.index_cast %add3A_1002 : i32 to index
        %get3A_1028 = arith.constant 32 : index
        %get3A_1029 = tpu.vector_load %arg8[%get3A_1027, %get3A_1028] {strides = array<i32>} : memref<256x64xf32, #tpu.memory_space<vmem>>, vector<1x16xf32>,
        %get3A_1030 = vector.shape_cast %get3A_1029 : vector<1x16xf32> to vector<16xf32>
        %get3A_1031 = arith.index_cast %add3A_1002 : i32 to index
        %get3A_1032 = arith.constant 48 : index
        %get3A_1033 = tpu.vector_load %arg8[%get3A_1031, %get3A_1032] {strides = array<i32>} : memref<256x64xf32, #tpu.memory_space<vmem>>, vector<1x16xf32>,
        %get3A_1034 = vector.shape_cast %get3A_1033 : vector<1x16xf32> to vector<16xf32>
        %mul3A_1035 = arith.mulf %get3A_1006, %get3A_1022 : vector<16xf32>
        %mul3A_1036 = arith.mulf %get3A_1010, %get3A_1026 : vector<16xf32>
        %add3A_1037 = arith.addf %mul3A_1035, %mul3A_1036 : vector<16xf32>
        %mul3A_1038 = arith.mulf %get3A_1014, %get3A_1030 : vector<16xf32>
        %mul3A_1039 = arith.mulf %get3A_1018, %get3A_1034 : vector<16xf32>
        %add3A_1040 = arith.addf %mul3A_1038, %mul3A_1039 : vector<16xf32>
        %add3A_1041 = arith.addf %add3A_1037, %add3A_1040 : vector<16xf32>
        %mul3A_1042 = arith.mulf %get3A_1006, %get3A_1006 : vector<16xf32>
        %mul3A_1043 = arith.mulf %get3A_1010, %get3A_1010 : vector<16xf32>
        %add3A_1044 = arith.addf %mul3A_1042, %mul3A_1043 : vector<16xf32>
        %mul3A_1045 = arith.mulf %get3A_1014, %get3A_1014 : vector<16xf32>
        %mul3A_1046 = arith.mulf %get3A_1018, %get3A_1018 : vector<16xf32>
        %add3A_1047 = arith.addf %mul3A_1045, %mul3A_1046 : vector<16xf32>
        %add3A_1048 = arith.addf %add3A_1044, %add3A_1047 : vector<16xf32>
        %mul3A_1049 = arith.mulf %get3A_1022, %get3A_1022 : vector<16xf32>
        %mul3A_1050 = arith.mulf %get3A_1026, %get3A_1026 : vector<16xf32>
        %add3A_1051 = arith.addf %mul3A_1049, %mul3A_1050 : vector<16xf32>
        %mul3A_1052 = arith.mulf %get3A_1030, %get3A_1030 : vector<16xf32>
        %mul3A_1053 = arith.mulf %get3A_1034, %get3A_1034 : vector<16xf32>
        %add3A_1054 = arith.addf %mul3A_1052, %mul3A_1053 : vector<16xf32>
        %add3A_1055 = arith.addf %add3A_1051, %add3A_1054 : vector<16xf32>
        %add3A_1056 = arith.constant 15 : i32
        %add3A_1057 = arith.addi %mul3A_231, %add3A_1056 : i32
        %get3A_1058 = arith.index_cast %add3A_1057 : i32 to index
        %get3A_1059 = arith.constant 0 : index
        %get3A_1060 = tpu.vector_load %arg7[%get3A_1058, %get3A_1059] {strides = array<i32>} : memref<256x64xf32, #tpu.memory_space<vmem>>, vector<1x16xf32>,
        %get3A_1061 = vector.shape_cast %get3A_1060 : vector<1x16xf32> to vector<16xf32>
        %get3A_1062 = arith.index_cast %add3A_1057 : i32 to index
        %get3A_1063 = arith.constant 16 : index
        %get3A_1064 = tpu.vector_load %arg7[%get3A_1062, %get3A_1063] {strides = array<i32>} : memref<256x64xf32, #tpu.memory_space<vmem>>, vector<1x16xf32>,
        %get3A_1065 = vector.shape_cast %get3A_1064 : vector<1x16xf32> to vector<16xf32>
        %get3A_1066 = arith.index_cast %add3A_1057 : i32 to index
        %get3A_1067 = arith.constant 32 : index
        %get3A_1068 = tpu.vector_load %arg7[%get3A_1066, %get3A_1067] {strides = array<i32>} : memref<256x64xf32, #tpu.memory_space<vmem>>, vector<1x16xf32>,
        %get3A_1069 = vector.shape_cast %get3A_1068 : vector<1x16xf32> to vector<16xf32>
        %get3A_1070 = arith.index_cast %add3A_1057 : i32 to index
        %get3A_1071 = arith.constant 48 : index
        %get3A_1072 = tpu.vector_load %arg7[%get3A_1070, %get3A_1071] {strides = array<i32>} : memref<256x64xf32, #tpu.memory_space<vmem>>, vector<1x16xf32>,
        %get3A_1073 = vector.shape_cast %get3A_1072 : vector<1x16xf32> to vector<16xf32>
        %get3A_1074 = arith.index_cast %add3A_1057 : i32 to index
        %get3A_1075 = arith.constant 0 : index
        %get3A_1076 = tpu.vector_load %arg8[%get3A_1074, %get3A_1075] {strides = array<i32>} : memref<256x64xf32, #tpu.memory_space<vmem>>, vector<1x16xf32>,
        %get3A_1077 = vector.shape_cast %get3A_1076 : vector<1x16xf32> to vector<16xf32>
        %get3A_1078 = arith.index_cast %add3A_1057 : i32 to index
        %get3A_1079 = arith.constant 16 : index
        %get3A_1080 = tpu.vector_load %arg8[%get3A_1078, %get3A_1079] {strides = array<i32>} : memref<256x64xf32, #tpu.memory_space<vmem>>, vector<1x16xf32>,
        %get3A_1081 = vector.shape_cast %get3A_1080 : vector<1x16xf32> to vector<16xf32>
        %get3A_1082 = arith.index_cast %add3A_1057 : i32 to index
        %get3A_1083 = arith.constant 32 : index
        %get3A_1084 = tpu.vector_load %arg8[%get3A_1082, %get3A_1083] {strides = array<i32>} : memref<256x64xf32, #tpu.memory_space<vmem>>, vector<1x16xf32>,
        %get3A_1085 = vector.shape_cast %get3A_1084 : vector<1x16xf32> to vector<16xf32>
        %get3A_1086 = arith.index_cast %add3A_1057 : i32 to index
        %get3A_1087 = arith.constant 48 : index
        %get3A_1088 = tpu.vector_load %arg8[%get3A_1086, %get3A_1087] {strides = array<i32>} : memref<256x64xf32, #tpu.memory_space<vmem>>, vector<1x16xf32>,
        %get3A_1089 = vector.shape_cast %get3A_1088 : vector<1x16xf32> to vector<16xf32>
        %mul3A_1090 = arith.mulf %get3A_1061, %get3A_1077 : vector<16xf32>
        %mul3A_1091 = arith.mulf %get3A_1065, %get3A_1081 : vector<16xf32>
        %add3A_1092 = arith.addf %mul3A_1090, %mul3A_1091 : vector<16xf32>
        %mul3A_1093 = arith.mulf %get3A_1069, %get3A_1085 : vector<16xf32>
        %mul3A_1094 = arith.mulf %get3A_1073, %get3A_1089 : vector<16xf32>
        %add3A_1095 = arith.addf %mul3A_1093, %mul3A_1094 : vector<16xf32>
        %add3A_1096 = arith.addf %add3A_1092, %add3A_1095 : vector<16xf32>
        %mul3A_1097 = arith.mulf %get3A_1061, %get3A_1061 : vector<16xf32>
        %mul3A_1098 = arith.mulf %get3A_1065, %get3A_1065 : vector<16xf32>
        %add3A_1099 = arith.addf %mul3A_1097, %mul3A_1098 : vector<16xf32>
        %mul3A_1100 = arith.mulf %get3A_1069, %get3A_1069 : vector<16xf32>
        %mul3A_1101 = arith.mulf %get3A_1073, %get3A_1073 : vector<16xf32>
        %add3A_1102 = arith.addf %mul3A_1100, %mul3A_1101 : vector<16xf32>
        %add3A_1103 = arith.addf %add3A_1099, %add3A_1102 : vector<16xf32>
        %mul3A_1104 = arith.mulf %get3A_1077, %get3A_1077 : vector<16xf32>
        %mul3A_1105 = arith.mulf %get3A_1081, %get3A_1081 : vector<16xf32>
        %add3A_1106 = arith.addf %mul3A_1104, %mul3A_1105 : vector<16xf32>
        %mul3A_1107 = arith.mulf %get3A_1085, %get3A_1085 : vector<16xf32>
        %mul3A_1108 = arith.mulf %get3A_1089, %get3A_1089 : vector<16xf32>
        %add3A_1109 = arith.addf %mul3A_1107, %mul3A_1108 : vector<16xf32>
        %add3A_1110 = arith.addf %add3A_1106, %add3A_1109 : vector<16xf32>
        %and3A = arith.constant 8 : i32
        %and3A_1111 = vector.broadcast %and3A : i32 to vector<16xi32>
        %and3A_1112 = arith.andi %iota3A, %and3A_1111 : vector<16xi32>
        %eq3A = arith.constant 0 : i32
        %eq3A_1113 = vector.broadcast %eq3A : i32 to vector<16xi32>
        %eq3A_1114 = arith.cmpi eq, %and3A_1112, %eq3A_1113 : vector<16xi32>
        %xor3A = arith.constant 8 : i32
        %xor3A_1115 = vector.broadcast %xor3A : i32 to vector<16xi32>
        %xor3A_1116 = arith.xori %iota3A, %xor3A_1115 : vector<16xi32>
        %broadcast_in_dim3A = vector.shape_cast %xor3A_1116 : vector<16xi32> to vector<16x1xi32>
        %gather3A = vector.shape_cast %broadcast_in_dim3A : vector<16x1xi32> to vector<16xi32>
        %gather3A_1117 = tpu.dynamic_gather %add3A_271[%gather3A] in [0] : vector<16xf32>, vector<16xi32> -> vector<16xf32>
        %add3A_1118 = arith.addf %add3A_271, %gather3A_1117 : vector<16xf32>
        %broadcast_in_dim3A_1119 = vector.shape_cast %xor3A_1116 : vector<16xi32> to vector<16x1xi32>
        %gather3A_1120 = vector.shape_cast %broadcast_in_dim3A_1119 : vector<16x1xi32> to vector<16xi32>
        %gather3A_1121 = tpu.dynamic_gather %add3A_326[%gather3A_1120] in [0] : vector<16xf32>, vector<16xi32> -> vector<16xf32>
        %add3A_1122 = arith.addf %add3A_326, %gather3A_1121 : vector<16xf32>
        %select_n3A = arith.select %eq3A_1114, %add3A_1118, %add3A_1122 : vector<16xi1>, vector<16xf32>
        %broadcast_in_dim3A_1123 = vector.shape_cast %xor3A_1116 : vector<16xi32> to vector<16x1xi32>
        %gather3A_1124 = vector.shape_cast %broadcast_in_dim3A_1123 : vector<16x1xi32> to vector<16xi32>
        %gather3A_1125 = tpu.dynamic_gather %add3A_381[%gather3A_1124] in [0] : vector<16xf32>, vector<16xi32> -> vector<16xf32>
        %add3A_1126 = arith.addf %add3A_381, %gather3A_1125 : vector<16xf32>
        %broadcast_in_dim3A_1127 = vector.shape_cast %xor3A_1116 : vector<16xi32> to vector<16x1xi32>
        %gather3A_1128 = vector.shape_cast %broadcast_in_dim3A_1127 : vector<16x1xi32> to vector<16xi32>
        %gather3A_1129 = tpu.dynamic_gather %add3A_436[%gather3A_1128] in [0] : vector<16xf32>, vector<16xi32> -> vector<16xf32>
        %add3A_1130 = arith.addf %add3A_436, %gather3A_1129 : vector<16xf32>
        %select_n3A_1131 = arith.select %eq3A_1114, %add3A_1126, %add3A_1130 : vector<16xi1>, vector<16xf32>
        %broadcast_in_dim3A_1132 = vector.shape_cast %xor3A_1116 : vector<16xi32> to vector<16x1xi32>
        %gather3A_1133 = vector.shape_cast %broadcast_in_dim3A_1132 : vector<16x1xi32> to vector<16xi32>
        %gather3A_1134 = tpu.dynamic_gather %add3A_491[%gather3A_1133] in [0] : vector<16xf32>, vector<16xi32> -> vector<16xf32>
        %add3A_1135 = arith.addf %add3A_491, %gather3A_1134 : vector<16xf32>
        %broadcast_in_dim3A_1136 = vector.shape_cast %xor3A_1116 : vector<16xi32> to vector<16x1xi32>
        %gather3A_1137 = vector.shape_cast %broadcast_in_dim3A_1136 : vector<16x1xi32> to vector<16xi32>
        %gather3A_1138 = tpu.dynamic_gather %add3A_546[%gather3A_1137] in [0] : vector<16xf32>, vector<16xi32> -> vector<16xf32>
        %add3A_1139 = arith.addf %add3A_546, %gather3A_1138 : vector<16xf32>
        %select_n3A_1140 = arith.select %eq3A_1114, %add3A_1135, %add3A_1139 : vector<16xi1>, vector<16xf32>
        %broadcast_in_dim3A_1141 = vector.shape_cast %xor3A_1116 : vector<16xi32> to vector<16x1xi32>
        %gather3A_1142 = vector.shape_cast %broadcast_in_dim3A_1141 : vector<16x1xi32> to vector<16xi32>
        %gather3A_1143 = tpu.dynamic_gather %add3A_601[%gather3A_1142] in [0] : vector<16xf32>, vector<16xi32> -> vector<16xf32>
        %add3A_1144 = arith.addf %add3A_601, %gather3A_1143 : vector<16xf32>
        %broadcast_in_dim3A_1145 = vector.shape_cast %xor3A_1116 : vector<16xi32> to vector<16x1xi32>
        %gather3A_1146 = vector.shape_cast %broadcast_in_dim3A_1145 : vector<16x1xi32> to vector<16xi32>
        %gather3A_1147 = tpu.dynamic_gather %add3A_656[%gather3A_1146] in [0] : vector<16xf32>, vector<16xi32> -> vector<16xf32>
        %add3A_1148 = arith.addf %add3A_656, %gather3A_1147 : vector<16xf32>
        %select_n3A_1149 = arith.select %eq3A_1114, %add3A_1144, %add3A_1148 : vector<16xi1>, vector<16xf32>
        %broadcast_in_dim3A_1150 = vector.shape_cast %xor3A_1116 : vector<16xi32> to vector<16x1xi32>
        %gather3A_1151 = vector.shape_cast %broadcast_in_dim3A_1150 : vector<16x1xi32> to vector<16xi32>
        %gather3A_1152 = tpu.dynamic_gather %add3A_711[%gather3A_1151] in [0] : vector<16xf32>, vector<16xi32> -> vector<16xf32>
        %add3A_1153 = arith.addf %add3A_711, %gather3A_1152 : vector<16xf32>
        %broadcast_in_dim3A_1154 = vector.shape_cast %xor3A_1116 : vector<16xi32> to vector<16x1xi32>
        %gather3A_1155 = vector.shape_cast %broadcast_in_dim3A_1154 : vector<16x1xi32> to vector<16xi32>
        %gather3A_1156 = tpu.dynamic_gather %add3A_766[%gather3A_1155] in [0] : vector<16xf32>, vector<16xi32> -> vector<16xf32>
        %add3A_1157 = arith.addf %add3A_766, %gather3A_1156 : vector<16xf32>
        %select_n3A_1158 = arith.select %eq3A_1114, %add3A_1153, %add3A_1157 : vector<16xi1>, vector<16xf32>
        %broadcast_in_dim3A_1159 = vector.shape_cast %xor3A_1116 : vector<16xi32> to vector<16x1xi32>
        %gather3A_1160 = vector.shape_cast %broadcast_in_dim3A_1159 : vector<16x1xi32> to vector<16xi32>
        %gather3A_1161 = tpu.dynamic_gather %add3A_821[%gather3A_1160] in [0] : vector<16xf32>, vector<16xi32> -> vector<16xf32>
        %add3A_1162 = arith.addf %add3A_821, %gather3A_1161 : vector<16xf32>
        %broadcast_in_dim3A_1163 = vector.shape_cast %xor3A_1116 : vector<16xi32> to vector<16x1xi32>
        %gather3A_1164 = vector.shape_cast %broadcast_in_dim3A_1163 : vector<16x1xi32> to vector<16xi32>
        %gather3A_1165 = tpu.dynamic_gather %add3A_876[%gather3A_1164] in [0] : vector<16xf32>, vector<16xi32> -> vector<16xf32>
        %add3A_1166 = arith.addf %add3A_876, %gather3A_1165 : vector<16xf32>
        %select_n3A_1167 = arith.select %eq3A_1114, %add3A_1162, %add3A_1166 : vector<16xi1>, vector<16xf32>
        %broadcast_in_dim3A_1168 = vector.shape_cast %xor3A_1116 : vector<16xi32> to vector<16x1xi32>
        %gather3A_1169 = vector.shape_cast %broadcast_in_dim3A_1168 : vector<16x1xi32> to vector<16xi32>
        %gather3A_1170 = tpu.dynamic_gather %add3A_931[%gather3A_1169] in [0] : vector<16xf32>, vector<16xi32> -> vector<16xf32>
        %add3A_1171 = arith.addf %add3A_931, %gather3A_1170 : vector<16xf32>
        %broadcast_in_dim3A_1172 = vector.shape_cast %xor3A_1116 : vector<16xi32> to vector<16x1xi32>
        %gather3A_1173 = vector.shape_cast %broadcast_in_dim3A_1172 : vector<16x1xi32> to vector<16xi32>
        %gather3A_1174 = tpu.dynamic_gather %add3A_986[%gather3A_1173] in [0] : vector<16xf32>, vector<16xi32> -> vector<16xf32>
        %add3A_1175 = arith.addf %add3A_986, %gather3A_1174 : vector<16xf32>
        %select_n3A_1176 = arith.select %eq3A_1114, %add3A_1171, %add3A_1175 : vector<16xi1>, vector<16xf32>
        %broadcast_in_dim3A_1177 = vector.shape_cast %xor3A_1116 : vector<16xi32> to vector<16x1xi32>
        %gather3A_1178 = vector.shape_cast %broadcast_in_dim3A_1177 : vector<16x1xi32> to vector<16xi32>
        %gather3A_1179 = tpu.dynamic_gather %add3A_1041[%gather3A_1178] in [0] : vector<16xf32>, vector<16xi32> -> vector<16xf32>
        %add3A_1180 = arith.addf %add3A_1041, %gather3A_1179 : vector<16xf32>
        %broadcast_in_dim3A_1181 = vector.shape_cast %xor3A_1116 : vector<16xi32> to vector<16x1xi32>
        %gather3A_1182 = vector.shape_cast %broadcast_in_dim3A_1181 : vector<16x1xi32> to vector<16xi32>
        %gather3A_1183 = tpu.dynamic_gather %add3A_1096[%gather3A_1182] in [0] : vector<16xf32>, vector<16xi32> -> vector<16xf32>
        %add3A_1184 = arith.addf %add3A_1096, %gather3A_1183 : vector<16xf32>
        %select_n3A_1185 = arith.select %eq3A_1114, %add3A_1180, %add3A_1184 : vector<16xi1>, vector<16xf32>
        %and3A_1186 = arith.constant 4 : i32
        %and3A_1187 = vector.broadcast %and3A_1186 : i32 to vector<16xi32>
        %and3A_1188 = arith.andi %iota3A, %and3A_1187 : vector<16xi32>
        %eq3A_1189 = arith.constant 0 : i32
        %eq3A_1190 = vector.broadcast %eq3A_1189 : i32 to vector<16xi32>
        %eq3A_1191 = arith.cmpi eq, %and3A_1188, %eq3A_1190 : vector<16xi32>
        %xor3A_1192 = arith.constant 4 : i32
        %xor3A_1193 = vector.broadcast %xor3A_1192 : i32 to vector<16xi32>
        %xor3A_1194 = arith.xori %iota3A, %xor3A_1193 : vector<16xi32>
        %broadcast_in_dim3A_1195 = vector.shape_cast %xor3A_1194 : vector<16xi32> to vector<16x1xi32>
        %gather3A_1196 = vector.shape_cast %broadcast_in_dim3A_1195 : vector<16x1xi32> to vector<16xi32>
        %gather3A_1197 = tpu.dynamic_gather %select_n3A[%gather3A_1196] in [0] : vector<16xf32>, vector<16xi32> -> vector<16xf32>
        %add3A_1198 = arith.addf %select_n3A, %gather3A_1197 : vector<16xf32>
        %broadcast_in_dim3A_1199 = vector.shape_cast %xor3A_1194 : vector<16xi32> to vector<16x1xi32>
        %gather3A_1200 = vector.shape_cast %broadcast_in_dim3A_1199 : vector<16x1xi32> to vector<16xi32>
        %gather3A_1201 = tpu.dynamic_gather %select_n3A_1131[%gather3A_1200] in [0] : vector<16xf32>, vector<16xi32> -> vector<16xf32>
        %add3A_1202 = arith.addf %select_n3A_1131, %gather3A_1201 : vector<16xf32>
        %select_n3A_1203 = arith.select %eq3A_1191, %add3A_1198, %add3A_1202 : vector<16xi1>, vector<16xf32>
        %broadcast_in_dim3A_1204 = vector.shape_cast %xor3A_1194 : vector<16xi32> to vector<16x1xi32>
        %gather3A_1205 = vector.shape_cast %broadcast_in_dim3A_1204 : vector<16x1xi32> to vector<16xi32>
        %gather3A_1206 = tpu.dynamic_gather %select_n3A_1140[%gather3A_1205] in [0] : vector<16xf32>, vector<16xi32> -> vector<16xf32>
        %add3A_1207 = arith.addf %select_n3A_1140, %gather3A_1206 : vector<16xf32>
        %broadcast_in_dim3A_1208 = vector.shape_cast %xor3A_1194 : vector<16xi32> to vector<16x1xi32>
        %gather3A_1209 = vector.shape_cast %broadcast_in_dim3A_1208 : vector<16x1xi32> to vector<16xi32>
        %gather3A_1210 = tpu.dynamic_gather %select_n3A_1149[%gather3A_1209] in [0] : vector<16xf32>, vector<16xi32> -> vector<16xf32>
        %add3A_1211 = arith.addf %select_n3A_1149, %gather3A_1210 : vector<16xf32>
        %select_n3A_1212 = arith.select %eq3A_1191, %add3A_1207, %add3A_1211 : vector<16xi1>, vector<16xf32>
        %broadcast_in_dim3A_1213 = vector.shape_cast %xor3A_1194 : vector<16xi32> to vector<16x1xi32>
        %gather3A_1214 = vector.shape_cast %broadcast_in_dim3A_1213 : vector<16x1xi32> to vector<16xi32>
        %gather3A_1215 = tpu.dynamic_gather %select_n3A_1158[%gather3A_1214] in [0] : vector<16xf32>, vector<16xi32> -> vector<16xf32>
        %add3A_1216 = arith.addf %select_n3A_1158, %gather3A_1215 : vector<16xf32>
        %broadcast_in_dim3A_1217 = vector.shape_cast %xor3A_1194 : vector<16xi32> to vector<16x1xi32>
        %gather3A_1218 = vector.shape_cast %broadcast_in_dim3A_1217 : vector<16x1xi32> to vector<16xi32>
        %gather3A_1219 = tpu.dynamic_gather %select_n3A_1167[%gather3A_1218] in [0] : vector<16xf32>, vector<16xi32> -> vector<16xf32>
        %add3A_1220 = arith.addf %select_n3A_1167, %gather3A_1219 : vector<16xf32>
        %select_n3A_1221 = arith.select %eq3A_1191, %add3A_1216, %add3A_1220 : vector<16xi1>, vector<16xf32>
        %broadcast_in_dim3A_1222 = vector.shape_cast %xor3A_1194 : vector<16xi32> to vector<16x1xi32>
        %gather3A_1223 = vector.shape_cast %broadcast_in_dim3A_1222 : vector<16x1xi32> to vector<16xi32>
        %gather3A_1224 = tpu.dynamic_gather %select_n3A_1176[%gather3A_1223] in [0] : vector<16xf32>, vector<16xi32> -> vector<16xf32>
        %add3A_1225 = arith.addf %select_n3A_1176, %gather3A_1224 : vector<16xf32>
        %broadcast_in_dim3A_1226 = vector.shape_cast %xor3A_1194 : vector<16xi32> to vector<16x1xi32>
        %gather3A_1227 = vector.shape_cast %broadcast_in_dim3A_1226 : vector<16x1xi32> to vector<16xi32>
        %gather3A_1228 = tpu.dynamic_gather %select_n3A_1185[%gather3A_1227] in [0] : vector<16xf32>, vector<16xi32> -> vector<16xf32>
        %add3A_1229 = arith.addf %select_n3A_1185, %gather3A_1228 : vector<16xf32>
        %select_n3A_1230 = arith.select %eq3A_1191, %add3A_1225, %add3A_1229 : vector<16xi1>, vector<16xf32>
        %and3A_1231 = arith.constant 2 : i32
        %and3A_1232 = vector.broadcast %and3A_1231 : i32 to vector<16xi32>
        %and3A_1233 = arith.andi %iota3A, %and3A_1232 : vector<16xi32>
        %eq3A_1234 = arith.constant 0 : i32
        %eq3A_1235 = vector.broadcast %eq3A_1234 : i32 to vector<16xi32>
        %eq3A_1236 = arith.cmpi eq, %and3A_1233, %eq3A_1235 : vector<16xi32>
        %xor3A_1237 = arith.constant 2 : i32
        %xor3A_1238 = vector.broadcast %xor3A_1237 : i32 to vector<16xi32>
        %xor3A_1239 = arith.xori %iota3A, %xor3A_1238 : vector<16xi32>
        %broadcast_in_dim3A_1240 = vector.shape_cast %xor3A_1239 : vector<16xi32> to vector<16x1xi32>
        %gather3A_1241 = vector.shape_cast %broadcast_in_dim3A_1240 : vector<16x1xi32> to vector<16xi32>
        %gather3A_1242 = tpu.dynamic_gather %select_n3A_1203[%gather3A_1241] in [0] : vector<16xf32>, vector<16xi32> -> vector<16xf32>
        %add3A_1243 = arith.addf %select_n3A_1203, %gather3A_1242 : vector<16xf32>
        %broadcast_in_dim3A_1244 = vector.shape_cast %xor3A_1239 : vector<16xi32> to vector<16x1xi32>
        %gather3A_1245 = vector.shape_cast %broadcast_in_dim3A_1244 : vector<16x1xi32> to vector<16xi32>
        %gather3A_1246 = tpu.dynamic_gather %select_n3A_1212[%gather3A_1245] in [0] : vector<16xf32>, vector<16xi32> -> vector<16xf32>
        %add3A_1247 = arith.addf %select_n3A_1212, %gather3A_1246 : vector<16xf32>
        %select_n3A_1248 = arith.select %eq3A_1236, %add3A_1243, %add3A_1247 : vector<16xi1>, vector<16xf32>
        %broadcast_in_dim3A_1249 = vector.shape_cast %xor3A_1239 : vector<16xi32> to vector<16x1xi32>
        %gather3A_1250 = vector.shape_cast %broadcast_in_dim3A_1249 : vector<16x1xi32> to vector<16xi32>
        %gather3A_1251 = tpu.dynamic_gather %select_n3A_1221[%gather3A_1250] in [0] : vector<16xf32>, vector<16xi32> -> vector<16xf32>
        %add3A_1252 = arith.addf %select_n3A_1221, %gather3A_1251 : vector<16xf32>
        %broadcast_in_dim3A_1253 = vector.shape_cast %xor3A_1239 : vector<16xi32> to vector<16x1xi32>
        %gather3A_1254 = vector.shape_cast %broadcast_in_dim3A_1253 : vector<16x1xi32> to vector<16xi32>
        %gather3A_1255 = tpu.dynamic_gather %select_n3A_1230[%gather3A_1254] in [0] : vector<16xf32>, vector<16xi32> -> vector<16xf32>
        %add3A_1256 = arith.addf %select_n3A_1230, %gather3A_1255 : vector<16xf32>
        %select_n3A_1257 = arith.select %eq3A_1236, %add3A_1252, %add3A_1256 : vector<16xi1>, vector<16xf32>
        %and3A_1258 = arith.constant 1 : i32
        %and3A_1259 = vector.broadcast %and3A_1258 : i32 to vector<16xi32>
        %and3A_1260 = arith.andi %iota3A, %and3A_1259 : vector<16xi32>
        %eq3A_1261 = arith.constant 0 : i32
        %eq3A_1262 = vector.broadcast %eq3A_1261 : i32 to vector<16xi32>
        %eq3A_1263 = arith.cmpi eq, %and3A_1260, %eq3A_1262 : vector<16xi32>
        %xor3A_1264 = arith.constant 1 : i32
        %xor3A_1265 = vector.broadcast %xor3A_1264 : i32 to vector<16xi32>
        %xor3A_1266 = arith.xori %iota3A, %xor3A_1265 : vector<16xi32>
        %broadcast_in_dim3A_1267 = vector.shape_cast %xor3A_1266 : vector<16xi32> to vector<16x1xi32>
        %gather3A_1268 = vector.shape_cast %broadcast_in_dim3A_1267 : vector<16x1xi32> to vector<16xi32>
        %gather3A_1269 = tpu.dynamic_gather %select_n3A_1248[%gather3A_1268] in [0] : vector<16xf32>, vector<16xi32> -> vector<16xf32>
        %add3A_1270 = arith.addf %select_n3A_1248, %gather3A_1269 : vector<16xf32>
        %broadcast_in_dim3A_1271 = vector.shape_cast %xor3A_1266 : vector<16xi32> to vector<16x1xi32>
        %gather3A_1272 = vector.shape_cast %broadcast_in_dim3A_1271 : vector<16x1xi32> to vector<16xi32>
        %gather3A_1273 = tpu.dynamic_gather %select_n3A_1257[%gather3A_1272] in [0] : vector<16xf32>, vector<16xi32> -> vector<16xf32>
        %add3A_1274 = arith.addf %select_n3A_1257, %gather3A_1273 : vector<16xf32>
        %select_n3A_1275 = arith.select %eq3A_1263, %add3A_1270, %add3A_1274 : vector<16xi1>, vector<16xf32>
        %and3A_1276 = arith.constant 8 : i32
        %and3A_1277 = vector.broadcast %and3A_1276 : i32 to vector<16xi32>
        %and3A_1278 = arith.andi %iota3A, %and3A_1277 : vector<16xi32>
        %eq3A_1279 = arith.constant 0 : i32
        %eq3A_1280 = vector.broadcast %eq3A_1279 : i32 to vector<16xi32>
        %eq3A_1281 = arith.cmpi eq, %and3A_1278, %eq3A_1280 : vector<16xi32>
        %xor3A_1282 = arith.constant 8 : i32
        %xor3A_1283 = vector.broadcast %xor3A_1282 : i32 to vector<16xi32>
        %xor3A_1284 = arith.xori %iota3A, %xor3A_1283 : vector<16xi32>
        %broadcast_in_dim3A_1285 = vector.shape_cast %xor3A_1284 : vector<16xi32> to vector<16x1xi32>
        %gather3A_1286 = vector.shape_cast %broadcast_in_dim3A_1285 : vector<16x1xi32> to vector<16xi32>
        %gather3A_1287 = tpu.dynamic_gather %add3A_278[%gather3A_1286] in [0] : vector<16xf32>, vector<16xi32> -> vector<16xf32>
        %add3A_1288 = arith.addf %add3A_278, %gather3A_1287 : vector<16xf32>
        %broadcast_in_dim3A_1289 = vector.shape_cast %xor3A_1284 : vector<16xi32> to vector<16x1xi32>
        %gather3A_1290 = vector.shape_cast %broadcast_in_dim3A_1289 : vector<16x1xi32> to vector<16xi32>
        %gather3A_1291 = tpu.dynamic_gather %add3A_333[%gather3A_1290] in [0] : vector<16xf32>, vector<16xi32> -> vector<16xf32>
        %add3A_1292 = arith.addf %add3A_333, %gather3A_1291 : vector<16xf32>
        %select_n3A_1293 = arith.select %eq3A_1281, %add3A_1288, %add3A_1292 : vector<16xi1>, vector<16xf32>
        %broadcast_in_dim3A_1294 = vector.shape_cast %xor3A_1284 : vector<16xi32> to vector<16x1xi32>
        %gather3A_1295 = vector.shape_cast %broadcast_in_dim3A_1294 : vector<16x1xi32> to vector<16xi32>
        %gather3A_1296 = tpu.dynamic_gather %add3A_388[%gather3A_1295] in [0] : vector<16xf32>, vector<16xi32> -> vector<16xf32>
        %add3A_1297 = arith.addf %add3A_388, %gather3A_1296 : vector<16xf32>
        %broadcast_in_dim3A_1298 = vector.shape_cast %xor3A_1284 : vector<16xi32> to vector<16x1xi32>
        %gather3A_1299 = vector.shape_cast %broadcast_in_dim3A_1298 : vector<16x1xi32> to vector<16xi32>
        %gather3A_1300 = tpu.dynamic_gather %add3A_443[%gather3A_1299] in [0] : vector<16xf32>, vector<16xi32> -> vector<16xf32>
        %add3A_1301 = arith.addf %add3A_443, %gather3A_1300 : vector<16xf32>
        %select_n3A_1302 = arith.select %eq3A_1281, %add3A_1297, %add3A_1301 : vector<16xi1>, vector<16xf32>
        %broadcast_in_dim3A_1303 = vector.shape_cast %xor3A_1284 : vector<16xi32> to vector<16x1xi32>
        %gather3A_1304 = vector.shape_cast %broadcast_in_dim3A_1303 : vector<16x1xi32> to vector<16xi32>
        %gather3A_1305 = tpu.dynamic_gather %add3A_498[%gather3A_1304] in [0] : vector<16xf32>, vector<16xi32> -> vector<16xf32>
        %add3A_1306 = arith.addf %add3A_498, %gather3A_1305 : vector<16xf32>
        %broadcast_in_dim3A_1307 = vector.shape_cast %xor3A_1284 : vector<16xi32> to vector<16x1xi32>
        %gather3A_1308 = vector.shape_cast %broadcast_in_dim3A_1307 : vector<16x1xi32> to vector<16xi32>
        %gather3A_1309 = tpu.dynamic_gather %add3A_553[%gather3A_1308] in [0] : vector<16xf32>, vector<16xi32> -> vector<16xf32>
        %add3A_1310 = arith.addf %add3A_553, %gather3A_1309 : vector<16xf32>
        %select_n3A_1311 = arith.select %eq3A_1281, %add3A_1306, %add3A_1310 : vector<16xi1>, vector<16xf32>
        %broadcast_in_dim3A_1312 = vector.shape_cast %xor3A_1284 : vector<16xi32> to vector<16x1xi32>
        %gather3A_1313 = vector.shape_cast %broadcast_in_dim3A_1312 : vector<16x1xi32> to vector<16xi32>
        %gather3A_1314 = tpu.dynamic_gather %add3A_608[%gather3A_1313] in [0] : vector<16xf32>, vector<16xi32> -> vector<16xf32>
        %add3A_1315 = arith.addf %add3A_608, %gather3A_1314 : vector<16xf32>
        %broadcast_in_dim3A_1316 = vector.shape_cast %xor3A_1284 : vector<16xi32> to vector<16x1xi32>
        %gather3A_1317 = vector.shape_cast %broadcast_in_dim3A_1316 : vector<16x1xi32> to vector<16xi32>
        %gather3A_1318 = tpu.dynamic_gather %add3A_663[%gather3A_1317] in [0] : vector<16xf32>, vector<16xi32> -> vector<16xf32>
        %add3A_1319 = arith.addf %add3A_663, %gather3A_1318 : vector<16xf32>
        %select_n3A_1320 = arith.select %eq3A_1281, %add3A_1315, %add3A_1319 : vector<16xi1>, vector<16xf32>
        %broadcast_in_dim3A_1321 = vector.shape_cast %xor3A_1284 : vector<16xi32> to vector<16x1xi32>
        %gather3A_1322 = vector.shape_cast %broadcast_in_dim3A_1321 : vector<16x1xi32> to vector<16xi32>
        %gather3A_1323 = tpu.dynamic_gather %add3A_718[%gather3A_1322] in [0] : vector<16xf32>, vector<16xi32> -> vector<16xf32>
        %add3A_1324 = arith.addf %add3A_718, %gather3A_1323 : vector<16xf32>
        %broadcast_in_dim3A_1325 = vector.shape_cast %xor3A_1284 : vector<16xi32> to vector<16x1xi32>
        %gather3A_1326 = vector.shape_cast %broadcast_in_dim3A_1325 : vector<16x1xi32> to vector<16xi32>
        %gather3A_1327 = tpu.dynamic_gather %add3A_773[%gather3A_1326] in [0] : vector<16xf32>, vector<16xi32> -> vector<16xf32>
        %add3A_1328 = arith.addf %add3A_773, %gather3A_1327 : vector<16xf32>
        %select_n3A_1329 = arith.select %eq3A_1281, %add3A_1324, %add3A_1328 : vector<16xi1>, vector<16xf32>
        %broadcast_in_dim3A_1330 = vector.shape_cast %xor3A_1284 : vector<16xi32> to vector<16x1xi32>
        %gather3A_1331 = vector.shape_cast %broadcast_in_dim3A_1330 : vector<16x1xi32> to vector<16xi32>
        %gather3A_1332 = tpu.dynamic_gather %add3A_828[%gather3A_1331] in [0] : vector<16xf32>, vector<16xi32> -> vector<16xf32>
        %add3A_1333 = arith.addf %add3A_828, %gather3A_1332 : vector<16xf32>
        %broadcast_in_dim3A_1334 = vector.shape_cast %xor3A_1284 : vector<16xi32> to vector<16x1xi32>
        %gather3A_1335 = vector.shape_cast %broadcast_in_dim3A_1334 : vector<16x1xi32> to vector<16xi32>
        %gather3A_1336 = tpu.dynamic_gather %add3A_883[%gather3A_1335] in [0] : vector<16xf32>, vector<16xi32> -> vector<16xf32>
        %add3A_1337 = arith.addf %add3A_883, %gather3A_1336 : vector<16xf32>
        %select_n3A_1338 = arith.select %eq3A_1281, %add3A_1333, %add3A_1337 : vector<16xi1>, vector<16xf32>
        %broadcast_in_dim3A_1339 = vector.shape_cast %xor3A_1284 : vector<16xi32> to vector<16x1xi32>
        %gather3A_1340 = vector.shape_cast %broadcast_in_dim3A_1339 : vector<16x1xi32> to vector<16xi32>
        %gather3A_1341 = tpu.dynamic_gather %add3A_938[%gather3A_1340] in [0] : vector<16xf32>, vector<16xi32> -> vector<16xf32>
        %add3A_1342 = arith.addf %add3A_938, %gather3A_1341 : vector<16xf32>
        %broadcast_in_dim3A_1343 = vector.shape_cast %xor3A_1284 : vector<16xi32> to vector<16x1xi32>
        %gather3A_1344 = vector.shape_cast %broadcast_in_dim3A_1343 : vector<16x1xi32> to vector<16xi32>
        %gather3A_1345 = tpu.dynamic_gather %add3A_993[%gather3A_1344] in [0] : vector<16xf32>, vector<16xi32> -> vector<16xf32>
        %add3A_1346 = arith.addf %add3A_993, %gather3A_1345 : vector<16xf32>
        %select_n3A_1347 = arith.select %eq3A_1281, %add3A_1342, %add3A_1346 : vector<16xi1>, vector<16xf32>
        %broadcast_in_dim3A_1348 = vector.shape_cast %xor3A_1284 : vector<16xi32> to vector<16x1xi32>
        %gather3A_1349 = vector.shape_cast %broadcast_in_dim3A_1348 : vector<16x1xi32> to vector<16xi32>
        %gather3A_1350 = tpu.dynamic_gather %add3A_1048[%gather3A_1349] in [0] : vector<16xf32>, vector<16xi32> -> vector<16xf32>
        %add3A_1351 = arith.addf %add3A_1048, %gather3A_1350 : vector<16xf32>
        %broadcast_in_dim3A_1352 = vector.shape_cast %xor3A_1284 : vector<16xi32> to vector<16x1xi32>
        %gather3A_1353 = vector.shape_cast %broadcast_in_dim3A_1352 : vector<16x1xi32> to vector<16xi32>
        %gather3A_1354 = tpu.dynamic_gather %add3A_1103[%gather3A_1353] in [0] : vector<16xf32>, vector<16xi32> -> vector<16xf32>
        %add3A_1355 = arith.addf %add3A_1103, %gather3A_1354 : vector<16xf32>
        %select_n3A_1356 = arith.select %eq3A_1281, %add3A_1351, %add3A_1355 : vector<16xi1>, vector<16xf32>
        %and3A_1357 = arith.constant 4 : i32
        %and3A_1358 = vector.broadcast %and3A_1357 : i32 to vector<16xi32>
        %and3A_1359 = arith.andi %iota3A, %and3A_1358 : vector<16xi32>
        %eq3A_1360 = arith.constant 0 : i32
        %eq3A_1361 = vector.broadcast %eq3A_1360 : i32 to vector<16xi32>
        %eq3A_1362 = arith.cmpi eq, %and3A_1359, %eq3A_1361 : vector<16xi32>
        %xor3A_1363 = arith.constant 4 : i32
        %xor3A_1364 = vector.broadcast %xor3A_1363 : i32 to vector<16xi32>
        %xor3A_1365 = arith.xori %iota3A, %xor3A_1364 : vector<16xi32>
        %broadcast_in_dim3A_1366 = vector.shape_cast %xor3A_1365 : vector<16xi32> to vector<16x1xi32>
        %gather3A_1367 = vector.shape_cast %broadcast_in_dim3A_1366 : vector<16x1xi32> to vector<16xi32>
        %gather3A_1368 = tpu.dynamic_gather %select_n3A_1293[%gather3A_1367] in [0] : vector<16xf32>, vector<16xi32> -> vector<16xf32>
        %add3A_1369 = arith.addf %select_n3A_1293, %gather3A_1368 : vector<16xf32>
        %broadcast_in_dim3A_1370 = vector.shape_cast %xor3A_1365 : vector<16xi32> to vector<16x1xi32>
        %gather3A_1371 = vector.shape_cast %broadcast_in_dim3A_1370 : vector<16x1xi32> to vector<16xi32>
        %gather3A_1372 = tpu.dynamic_gather %select_n3A_1302[%gather3A_1371] in [0] : vector<16xf32>, vector<16xi32> -> vector<16xf32>
        %add3A_1373 = arith.addf %select_n3A_1302, %gather3A_1372 : vector<16xf32>
        %select_n3A_1374 = arith.select %eq3A_1362, %add3A_1369, %add3A_1373 : vector<16xi1>, vector<16xf32>
        %broadcast_in_dim3A_1375 = vector.shape_cast %xor3A_1365 : vector<16xi32> to vector<16x1xi32>
        %gather3A_1376 = vector.shape_cast %broadcast_in_dim3A_1375 : vector<16x1xi32> to vector<16xi32>
        %gather3A_1377 = tpu.dynamic_gather %select_n3A_1311[%gather3A_1376] in [0] : vector<16xf32>, vector<16xi32> -> vector<16xf32>
        %add3A_1378 = arith.addf %select_n3A_1311, %gather3A_1377 : vector<16xf32>
        %broadcast_in_dim3A_1379 = vector.shape_cast %xor3A_1365 : vector<16xi32> to vector<16x1xi32>
        %gather3A_1380 = vector.shape_cast %broadcast_in_dim3A_1379 : vector<16x1xi32> to vector<16xi32>
        %gather3A_1381 = tpu.dynamic_gather %select_n3A_1320[%gather3A_1380] in [0] : vector<16xf32>, vector<16xi32> -> vector<16xf32>
        %add3A_1382 = arith.addf %select_n3A_1320, %gather3A_1381 : vector<16xf32>
        %select_n3A_1383 = arith.select %eq3A_1362, %add3A_1378, %add3A_1382 : vector<16xi1>, vector<16xf32>
        %broadcast_in_dim3A_1384 = vector.shape_cast %xor3A_1365 : vector<16xi32> to vector<16x1xi32>
        %gather3A_1385 = vector.shape_cast %broadcast_in_dim3A_1384 : vector<16x1xi32> to vector<16xi32>
        %gather3A_1386 = tpu.dynamic_gather %select_n3A_1329[%gather3A_1385] in [0] : vector<16xf32>, vector<16xi32> -> vector<16xf32>
        %add3A_1387 = arith.addf %select_n3A_1329, %gather3A_1386 : vector<16xf32>
        %broadcast_in_dim3A_1388 = vector.shape_cast %xor3A_1365 : vector<16xi32> to vector<16x1xi32>
        %gather3A_1389 = vector.shape_cast %broadcast_in_dim3A_1388 : vector<16x1xi32> to vector<16xi32>
        %gather3A_1390 = tpu.dynamic_gather %select_n3A_1338[%gather3A_1389] in [0] : vector<16xf32>, vector<16xi32> -> vector<16xf32>
        %add3A_1391 = arith.addf %select_n3A_1338, %gather3A_1390 : vector<16xf32>
        %select_n3A_1392 = arith.select %eq3A_1362, %add3A_1387, %add3A_1391 : vector<16xi1>, vector<16xf32>
        %broadcast_in_dim3A_1393 = vector.shape_cast %xor3A_1365 : vector<16xi32> to vector<16x1xi32>
        %gather3A_1394 = vector.shape_cast %broadcast_in_dim3A_1393 : vector<16x1xi32> to vector<16xi32>
        %gather3A_1395 = tpu.dynamic_gather %select_n3A_1347[%gather3A_1394] in [0] : vector<16xf32>, vector<16xi32> -> vector<16xf32>
        %add3A_1396 = arith.addf %select_n3A_1347, %gather3A_1395 : vector<16xf32>
        %broadcast_in_dim3A_1397 = vector.shape_cast %xor3A_1365 : vector<16xi32> to vector<16x1xi32>
        %gather3A_1398 = vector.shape_cast %broadcast_in_dim3A_1397 : vector<16x1xi32> to vector<16xi32>
        %gather3A_1399 = tpu.dynamic_gather %select_n3A_1356[%gather3A_1398] in [0] : vector<16xf32>, vector<16xi32> -> vector<16xf32>
        %add3A_1400 = arith.addf %select_n3A_1356, %gather3A_1399 : vector<16xf32>
        %select_n3A_1401 = arith.select %eq3A_1362, %add3A_1396, %add3A_1400 : vector<16xi1>, vector<16xf32>
        %and3A_1402 = arith.constant 2 : i32
        %and3A_1403 = vector.broadcast %and3A_1402 : i32 to vector<16xi32>
        %and3A_1404 = arith.andi %iota3A, %and3A_1403 : vector<16xi32>
        %eq3A_1405 = arith.constant 0 : i32
        %eq3A_1406 = vector.broadcast %eq3A_1405 : i32 to vector<16xi32>
        %eq3A_1407 = arith.cmpi eq, %and3A_1404, %eq3A_1406 : vector<16xi32>
        %xor3A_1408 = arith.constant 2 : i32
        %xor3A_1409 = vector.broadcast %xor3A_1408 : i32 to vector<16xi32>
        %xor3A_1410 = arith.xori %iota3A, %xor3A_1409 : vector<16xi32>
        %broadcast_in_dim3A_1411 = vector.shape_cast %xor3A_1410 : vector<16xi32> to vector<16x1xi32>
        %gather3A_1412 = vector.shape_cast %broadcast_in_dim3A_1411 : vector<16x1xi32> to vector<16xi32>
        %gather3A_1413 = tpu.dynamic_gather %select_n3A_1374[%gather3A_1412] in [0] : vector<16xf32>, vector<16xi32> -> vector<16xf32>
        %add3A_1414 = arith.addf %select_n3A_1374, %gather3A_1413 : vector<16xf32>
        %broadcast_in_dim3A_1415 = vector.shape_cast %xor3A_1410 : vector<16xi32> to vector<16x1xi32>
        %gather3A_1416 = vector.shape_cast %broadcast_in_dim3A_1415 : vector<16x1xi32> to vector<16xi32>
        %gather3A_1417 = tpu.dynamic_gather %select_n3A_1383[%gather3A_1416] in [0] : vector<16xf32>, vector<16xi32> -> vector<16xf32>
        %add3A_1418 = arith.addf %select_n3A_1383, %gather3A_1417 : vector<16xf32>
        %select_n3A_1419 = arith.select %eq3A_1407, %add3A_1414, %add3A_1418 : vector<16xi1>, vector<16xf32>
        %broadcast_in_dim3A_1420 = vector.shape_cast %xor3A_1410 : vector<16xi32> to vector<16x1xi32>
        %gather3A_1421 = vector.shape_cast %broadcast_in_dim3A_1420 : vector<16x1xi32> to vector<16xi32>
        %gather3A_1422 = tpu.dynamic_gather %select_n3A_1392[%gather3A_1421] in [0] : vector<16xf32>, vector<16xi32> -> vector<16xf32>
        %add3A_1423 = arith.addf %select_n3A_1392, %gather3A_1422 : vector<16xf32>
        %broadcast_in_dim3A_1424 = vector.shape_cast %xor3A_1410 : vector<16xi32> to vector<16x1xi32>
        %gather3A_1425 = vector.shape_cast %broadcast_in_dim3A_1424 : vector<16x1xi32> to vector<16xi32>
        %gather3A_1426 = tpu.dynamic_gather %select_n3A_1401[%gather3A_1425] in [0] : vector<16xf32>, vector<16xi32> -> vector<16xf32>
        %add3A_1427 = arith.addf %select_n3A_1401, %gather3A_1426 : vector<16xf32>
        %select_n3A_1428 = arith.select %eq3A_1407, %add3A_1423, %add3A_1427 : vector<16xi1>, vector<16xf32>
        %and3A_1429 = arith.constant 1 : i32
        %and3A_1430 = vector.broadcast %and3A_1429 : i32 to vector<16xi32>
        %and3A_1431 = arith.andi %iota3A, %and3A_1430 : vector<16xi32>
        %eq3A_1432 = arith.constant 0 : i32
        %eq3A_1433 = vector.broadcast %eq3A_1432 : i32 to vector<16xi32>
        %eq3A_1434 = arith.cmpi eq, %and3A_1431, %eq3A_1433 : vector<16xi32>
        %xor3A_1435 = arith.constant 1 : i32
        %xor3A_1436 = vector.broadcast %xor3A_1435 : i32 to vector<16xi32>
        %xor3A_1437 = arith.xori %iota3A, %xor3A_1436 : vector<16xi32>
        %broadcast_in_dim3A_1438 = vector.shape_cast %xor3A_1437 : vector<16xi32> to vector<16x1xi32>
        %gather3A_1439 = vector.shape_cast %broadcast_in_dim3A_1438 : vector<16x1xi32> to vector<16xi32>
        %gather3A_1440 = tpu.dynamic_gather %select_n3A_1419[%gather3A_1439] in [0] : vector<16xf32>, vector<16xi32> -> vector<16xf32>
        %add3A_1441 = arith.addf %select_n3A_1419, %gather3A_1440 : vector<16xf32>
        %broadcast_in_dim3A_1442 = vector.shape_cast %xor3A_1437 : vector<16xi32> to vector<16x1xi32>
        %gather3A_1443 = vector.shape_cast %broadcast_in_dim3A_1442 : vector<16x1xi32> to vector<16xi32>
        %gather3A_1444 = tpu.dynamic_gather %select_n3A_1428[%gather3A_1443] in [0] : vector<16xf32>, vector<16xi32> -> vector<16xf32>
        %add3A_1445 = arith.addf %select_n3A_1428, %gather3A_1444 : vector<16xf32>
        %select_n3A_1446 = arith.select %eq3A_1434, %add3A_1441, %add3A_1445 : vector<16xi1>, vector<16xf32>
        %and3A_1447 = arith.constant 8 : i32
        %and3A_1448 = vector.broadcast %and3A_1447 : i32 to vector<16xi32>
        %and3A_1449 = arith.andi %iota3A, %and3A_1448 : vector<16xi32>
        %eq3A_1450 = arith.constant 0 : i32
        %eq3A_1451 = vector.broadcast %eq3A_1450 : i32 to vector<16xi32>
        %eq3A_1452 = arith.cmpi eq, %and3A_1449, %eq3A_1451 : vector<16xi32>
        %xor3A_1453 = arith.constant 8 : i32
        %xor3A_1454 = vector.broadcast %xor3A_1453 : i32 to vector<16xi32>
        %xor3A_1455 = arith.xori %iota3A, %xor3A_1454 : vector<16xi32>
        %broadcast_in_dim3A_1456 = vector.shape_cast %xor3A_1455 : vector<16xi32> to vector<16x1xi32>
        %gather3A_1457 = vector.shape_cast %broadcast_in_dim3A_1456 : vector<16x1xi32> to vector<16xi32>
        %gather3A_1458 = tpu.dynamic_gather %add3A_285[%gather3A_1457] in [0] : vector<16xf32>, vector<16xi32> -> vector<16xf32>
        %add3A_1459 = arith.addf %add3A_285, %gather3A_1458 : vector<16xf32>
        %broadcast_in_dim3A_1460 = vector.shape_cast %xor3A_1455 : vector<16xi32> to vector<16x1xi32>
        %gather3A_1461 = vector.shape_cast %broadcast_in_dim3A_1460 : vector<16x1xi32> to vector<16xi32>
        %gather3A_1462 = tpu.dynamic_gather %add3A_340[%gather3A_1461] in [0] : vector<16xf32>, vector<16xi32> -> vector<16xf32>
        %add3A_1463 = arith.addf %add3A_340, %gather3A_1462 : vector<16xf32>
        %select_n3A_1464 = arith.select %eq3A_1452, %add3A_1459, %add3A_1463 : vector<16xi1>, vector<16xf32>
        %broadcast_in_dim3A_1465 = vector.shape_cast %xor3A_1455 : vector<16xi32> to vector<16x1xi32>
        %gather3A_1466 = vector.shape_cast %broadcast_in_dim3A_1465 : vector<16x1xi32> to vector<16xi32>
        %gather3A_1467 = tpu.dynamic_gather %add3A_395[%gather3A_1466] in [0] : vector<16xf32>, vector<16xi32> -> vector<16xf32>
        %add3A_1468 = arith.addf %add3A_395, %gather3A_1467 : vector<16xf32>
        %broadcast_in_dim3A_1469 = vector.shape_cast %xor3A_1455 : vector<16xi32> to vector<16x1xi32>
        %gather3A_1470 = vector.shape_cast %broadcast_in_dim3A_1469 : vector<16x1xi32> to vector<16xi32>
        %gather3A_1471 = tpu.dynamic_gather %add3A_450[%gather3A_1470] in [0] : vector<16xf32>, vector<16xi32> -> vector<16xf32>
        %add3A_1472 = arith.addf %add3A_450, %gather3A_1471 : vector<16xf32>
        %select_n3A_1473 = arith.select %eq3A_1452, %add3A_1468, %add3A_1472 : vector<16xi1>, vector<16xf32>
        %broadcast_in_dim3A_1474 = vector.shape_cast %xor3A_1455 : vector<16xi32> to vector<16x1xi32>
        %gather3A_1475 = vector.shape_cast %broadcast_in_dim3A_1474 : vector<16x1xi32> to vector<16xi32>
        %gather3A_1476 = tpu.dynamic_gather %add3A_505[%gather3A_1475] in [0] : vector<16xf32>, vector<16xi32> -> vector<16xf32>
        %add3A_1477 = arith.addf %add3A_505, %gather3A_1476 : vector<16xf32>
        %broadcast_in_dim3A_1478 = vector.shape_cast %xor3A_1455 : vector<16xi32> to vector<16x1xi32>
        %gather3A_1479 = vector.shape_cast %broadcast_in_dim3A_1478 : vector<16x1xi32> to vector<16xi32>
        %gather3A_1480 = tpu.dynamic_gather %add3A_560[%gather3A_1479] in [0] : vector<16xf32>, vector<16xi32> -> vector<16xf32>
        %add3A_1481 = arith.addf %add3A_560, %gather3A_1480 : vector<16xf32>
        %select_n3A_1482 = arith.select %eq3A_1452, %add3A_1477, %add3A_1481 : vector<16xi1>, vector<16xf32>
        %broadcast_in_dim3A_1483 = vector.shape_cast %xor3A_1455 : vector<16xi32> to vector<16x1xi32>
        %gather3A_1484 = vector.shape_cast %broadcast_in_dim3A_1483 : vector<16x1xi32> to vector<16xi32>
        %gather3A_1485 = tpu.dynamic_gather %add3A_615[%gather3A_1484] in [0] : vector<16xf32>, vector<16xi32> -> vector<16xf32>
        %add3A_1486 = arith.addf %add3A_615, %gather3A_1485 : vector<16xf32>
        %broadcast_in_dim3A_1487 = vector.shape_cast %xor3A_1455 : vector<16xi32> to vector<16x1xi32>
        %gather3A_1488 = vector.shape_cast %broadcast_in_dim3A_1487 : vector<16x1xi32> to vector<16xi32>
        %gather3A_1489 = tpu.dynamic_gather %add3A_670[%gather3A_1488] in [0] : vector<16xf32>, vector<16xi32> -> vector<16xf32>
        %add3A_1490 = arith.addf %add3A_670, %gather3A_1489 : vector<16xf32>
        %select_n3A_1491 = arith.select %eq3A_1452, %add3A_1486, %add3A_1490 : vector<16xi1>, vector<16xf32>
        %broadcast_in_dim3A_1492 = vector.shape_cast %xor3A_1455 : vector<16xi32> to vector<16x1xi32>
        %gather3A_1493 = vector.shape_cast %broadcast_in_dim3A_1492 : vector<16x1xi32> to vector<16xi32>
        %gather3A_1494 = tpu.dynamic_gather %add3A_725[%gather3A_1493] in [0] : vector<16xf32>, vector<16xi32> -> vector<16xf32>
        %add3A_1495 = arith.addf %add3A_725, %gather3A_1494 : vector<16xf32>
        %broadcast_in_dim3A_1496 = vector.shape_cast %xor3A_1455 : vector<16xi32> to vector<16x1xi32>
        %gather3A_1497 = vector.shape_cast %broadcast_in_dim3A_1496 : vector<16x1xi32> to vector<16xi32>
        %gather3A_1498 = tpu.dynamic_gather %add3A_780[%gather3A_1497] in [0] : vector<16xf32>, vector<16xi32> -> vector<16xf32>
        %add3A_1499 = arith.addf %add3A_780, %gather3A_1498 : vector<16xf32>
        %select_n3A_1500 = arith.select %eq3A_1452, %add3A_1495, %add3A_1499 : vector<16xi1>, vector<16xf32>
        %broadcast_in_dim3A_1501 = vector.shape_cast %xor3A_1455 : vector<16xi32> to vector<16x1xi32>
        %gather3A_1502 = vector.shape_cast %broadcast_in_dim3A_1501 : vector<16x1xi32> to vector<16xi32>
        %gather3A_1503 = tpu.dynamic_gather %add3A_835[%gather3A_1502] in [0] : vector<16xf32>, vector<16xi32> -> vector<16xf32>
        %add3A_1504 = arith.addf %add3A_835, %gather3A_1503 : vector<16xf32>
        %broadcast_in_dim3A_1505 = vector.shape_cast %xor3A_1455 : vector<16xi32> to vector<16x1xi32>
        %gather3A_1506 = vector.shape_cast %broadcast_in_dim3A_1505 : vector<16x1xi32> to vector<16xi32>
        %gather3A_1507 = tpu.dynamic_gather %add3A_890[%gather3A_1506] in [0] : vector<16xf32>, vector<16xi32> -> vector<16xf32>
        %add3A_1508 = arith.addf %add3A_890, %gather3A_1507 : vector<16xf32>
        %select_n3A_1509 = arith.select %eq3A_1452, %add3A_1504, %add3A_1508 : vector<16xi1>, vector<16xf32>
        %broadcast_in_dim3A_1510 = vector.shape_cast %xor3A_1455 : vector<16xi32> to vector<16x1xi32>
        %gather3A_1511 = vector.shape_cast %broadcast_in_dim3A_1510 : vector<16x1xi32> to vector<16xi32>
        %gather3A_1512 = tpu.dynamic_gather %add3A_945[%gather3A_1511] in [0] : vector<16xf32>, vector<16xi32> -> vector<16xf32>
        %add3A_1513 = arith.addf %add3A_945, %gather3A_1512 : vector<16xf32>
        %broadcast_in_dim3A_1514 = vector.shape_cast %xor3A_1455 : vector<16xi32> to vector<16x1xi32>
        %gather3A_1515 = vector.shape_cast %broadcast_in_dim3A_1514 : vector<16x1xi32> to vector<16xi32>
        %gather3A_1516 = tpu.dynamic_gather %add3A_1000[%gather3A_1515] in [0] : vector<16xf32>, vector<16xi32> -> vector<16xf32>
        %add3A_1517 = arith.addf %add3A_1000, %gather3A_1516 : vector<16xf32>
        %select_n3A_1518 = arith.select %eq3A_1452, %add3A_1513, %add3A_1517 : vector<16xi1>, vector<16xf32>
        %broadcast_in_dim3A_1519 = vector.shape_cast %xor3A_1455 : vector<16xi32> to vector<16x1xi32>
        %gather3A_1520 = vector.shape_cast %broadcast_in_dim3A_1519 : vector<16x1xi32> to vector<16xi32>
        %gather3A_1521 = tpu.dynamic_gather %add3A_1055[%gather3A_1520] in [0] : vector<16xf32>, vector<16xi32> -> vector<16xf32>
        %add3A_1522 = arith.addf %add3A_1055, %gather3A_1521 : vector<16xf32>
        %broadcast_in_dim3A_1523 = vector.shape_cast %xor3A_1455 : vector<16xi32> to vector<16x1xi32>
        %gather3A_1524 = vector.shape_cast %broadcast_in_dim3A_1523 : vector<16x1xi32> to vector<16xi32>
        %gather3A_1525 = tpu.dynamic_gather %add3A_1110[%gather3A_1524] in [0] : vector<16xf32>, vector<16xi32> -> vector<16xf32>
        %add3A_1526 = arith.addf %add3A_1110, %gather3A_1525 : vector<16xf32>
        %select_n3A_1527 = arith.select %eq3A_1452, %add3A_1522, %add3A_1526 : vector<16xi1>, vector<16xf32>
        %and3A_1528 = arith.constant 4 : i32
        %and3A_1529 = vector.broadcast %and3A_1528 : i32 to vector<16xi32>
        %and3A_1530 = arith.andi %iota3A, %and3A_1529 : vector<16xi32>
        %eq3A_1531 = arith.constant 0 : i32
        %eq3A_1532 = vector.broadcast %eq3A_1531 : i32 to vector<16xi32>
        %eq3A_1533 = arith.cmpi eq, %and3A_1530, %eq3A_1532 : vector<16xi32>
        %xor3A_1534 = arith.constant 4 : i32
        %xor3A_1535 = vector.broadcast %xor3A_1534 : i32 to vector<16xi32>
        %xor3A_1536 = arith.xori %iota3A, %xor3A_1535 : vector<16xi32>
        %broadcast_in_dim3A_1537 = vector.shape_cast %xor3A_1536 : vector<16xi32> to vector<16x1xi32>
        %gather3A_1538 = vector.shape_cast %broadcast_in_dim3A_1537 : vector<16x1xi32> to vector<16xi32>
        %gather3A_1539 = tpu.dynamic_gather %select_n3A_1464[%gather3A_1538] in [0] : vector<16xf32>, vector<16xi32> -> vector<16xf32>
        %add3A_1540 = arith.addf %select_n3A_1464, %gather3A_1539 : vector<16xf32>
        %broadcast_in_dim3A_1541 = vector.shape_cast %xor3A_1536 : vector<16xi32> to vector<16x1xi32>
        %gather3A_1542 = vector.shape_cast %broadcast_in_dim3A_1541 : vector<16x1xi32> to vector<16xi32>
        %gather3A_1543 = tpu.dynamic_gather %select_n3A_1473[%gather3A_1542] in [0] : vector<16xf32>, vector<16xi32> -> vector<16xf32>
        %add3A_1544 = arith.addf %select_n3A_1473, %gather3A_1543 : vector<16xf32>
        %select_n3A_1545 = arith.select %eq3A_1533, %add3A_1540, %add3A_1544 : vector<16xi1>, vector<16xf32>
        %broadcast_in_dim3A_1546 = vector.shape_cast %xor3A_1536 : vector<16xi32> to vector<16x1xi32>
        %gather3A_1547 = vector.shape_cast %broadcast_in_dim3A_1546 : vector<16x1xi32> to vector<16xi32>
        %gather3A_1548 = tpu.dynamic_gather %select_n3A_1482[%gather3A_1547] in [0] : vector<16xf32>, vector<16xi32> -> vector<16xf32>
        %add3A_1549 = arith.addf %select_n3A_1482, %gather3A_1548 : vector<16xf32>
        %broadcast_in_dim3A_1550 = vector.shape_cast %xor3A_1536 : vector<16xi32> to vector<16x1xi32>
        %gather3A_1551 = vector.shape_cast %broadcast_in_dim3A_1550 : vector<16x1xi32> to vector<16xi32>
        %gather3A_1552 = tpu.dynamic_gather %select_n3A_1491[%gather3A_1551] in [0] : vector<16xf32>, vector<16xi32> -> vector<16xf32>
        %add3A_1553 = arith.addf %select_n3A_1491, %gather3A_1552 : vector<16xf32>
        %select_n3A_1554 = arith.select %eq3A_1533, %add3A_1549, %add3A_1553 : vector<16xi1>, vector<16xf32>
        %broadcast_in_dim3A_1555 = vector.shape_cast %xor3A_1536 : vector<16xi32> to vector<16x1xi32>
        %gather3A_1556 = vector.shape_cast %broadcast_in_dim3A_1555 : vector<16x1xi32> to vector<16xi32>
        %gather3A_1557 = tpu.dynamic_gather %select_n3A_1500[%gather3A_1556] in [0] : vector<16xf32>, vector<16xi32> -> vector<16xf32>
        %add3A_1558 = arith.addf %select_n3A_1500, %gather3A_1557 : vector<16xf32>
        %broadcast_in_dim3A_1559 = vector.shape_cast %xor3A_1536 : vector<16xi32> to vector<16x1xi32>
        %gather3A_1560 = vector.shape_cast %broadcast_in_dim3A_1559 : vector<16x1xi32> to vector<16xi32>
        %gather3A_1561 = tpu.dynamic_gather %select_n3A_1509[%gather3A_1560] in [0] : vector<16xf32>, vector<16xi32> -> vector<16xf32>
        %add3A_1562 = arith.addf %select_n3A_1509, %gather3A_1561 : vector<16xf32>
        %select_n3A_1563 = arith.select %eq3A_1533, %add3A_1558, %add3A_1562 : vector<16xi1>, vector<16xf32>
        %broadcast_in_dim3A_1564 = vector.shape_cast %xor3A_1536 : vector<16xi32> to vector<16x1xi32>
        %gather3A_1565 = vector.shape_cast %broadcast_in_dim3A_1564 : vector<16x1xi32> to vector<16xi32>
        %gather3A_1566 = tpu.dynamic_gather %select_n3A_1518[%gather3A_1565] in [0] : vector<16xf32>, vector<16xi32> -> vector<16xf32>
        %add3A_1567 = arith.addf %select_n3A_1518, %gather3A_1566 : vector<16xf32>
        %broadcast_in_dim3A_1568 = vector.shape_cast %xor3A_1536 : vector<16xi32> to vector<16x1xi32>
        %gather3A_1569 = vector.shape_cast %broadcast_in_dim3A_1568 : vector<16x1xi32> to vector<16xi32>
        %gather3A_1570 = tpu.dynamic_gather %select_n3A_1527[%gather3A_1569] in [0] : vector<16xf32>, vector<16xi32> -> vector<16xf32>
        %add3A_1571 = arith.addf %select_n3A_1527, %gather3A_1570 : vector<16xf32>
        %select_n3A_1572 = arith.select %eq3A_1533, %add3A_1567, %add3A_1571 : vector<16xi1>, vector<16xf32>
        %and3A_1573 = arith.constant 2 : i32
        %and3A_1574 = vector.broadcast %and3A_1573 : i32 to vector<16xi32>
        %and3A_1575 = arith.andi %iota3A, %and3A_1574 : vector<16xi32>
        %eq3A_1576 = arith.constant 0 : i32
        %eq3A_1577 = vector.broadcast %eq3A_1576 : i32 to vector<16xi32>
        %eq3A_1578 = arith.cmpi eq, %and3A_1575, %eq3A_1577 : vector<16xi32>
        %xor3A_1579 = arith.constant 2 : i32
        %xor3A_1580 = vector.broadcast %xor3A_1579 : i32 to vector<16xi32>
        %xor3A_1581 = arith.xori %iota3A, %xor3A_1580 : vector<16xi32>
        %broadcast_in_dim3A_1582 = vector.shape_cast %xor3A_1581 : vector<16xi32> to vector<16x1xi32>
        %gather3A_1583 = vector.shape_cast %broadcast_in_dim3A_1582 : vector<16x1xi32> to vector<16xi32>
        %gather3A_1584 = tpu.dynamic_gather %select_n3A_1545[%gather3A_1583] in [0] : vector<16xf32>, vector<16xi32> -> vector<16xf32>
        %add3A_1585 = arith.addf %select_n3A_1545, %gather3A_1584 : vector<16xf32>
        %broadcast_in_dim3A_1586 = vector.shape_cast %xor3A_1581 : vector<16xi32> to vector<16x1xi32>
        %gather3A_1587 = vector.shape_cast %broadcast_in_dim3A_1586 : vector<16x1xi32> to vector<16xi32>
        %gather3A_1588 = tpu.dynamic_gather %select_n3A_1554[%gather3A_1587] in [0] : vector<16xf32>, vector<16xi32> -> vector<16xf32>
        %add3A_1589 = arith.addf %select_n3A_1554, %gather3A_1588 : vector<16xf32>
        %select_n3A_1590 = arith.select %eq3A_1578, %add3A_1585, %add3A_1589 : vector<16xi1>, vector<16xf32>
        %broadcast_in_dim3A_1591 = vector.shape_cast %xor3A_1581 : vector<16xi32> to vector<16x1xi32>
        %gather3A_1592 = vector.shape_cast %broadcast_in_dim3A_1591 : vector<16x1xi32> to vector<16xi32>
        %gather3A_1593 = tpu.dynamic_gather %select_n3A_1563[%gather3A_1592] in [0] : vector<16xf32>, vector<16xi32> -> vector<16xf32>
        %add3A_1594 = arith.addf %select_n3A_1563, %gather3A_1593 : vector<16xf32>
        %broadcast_in_dim3A_1595 = vector.shape_cast %xor3A_1581 : vector<16xi32> to vector<16x1xi32>
        %gather3A_1596 = vector.shape_cast %broadcast_in_dim3A_1595 : vector<16x1xi32> to vector<16xi32>
        %gather3A_1597 = tpu.dynamic_gather %select_n3A_1572[%gather3A_1596] in [0] : vector<16xf32>, vector<16xi32> -> vector<16xf32>
        %add3A_1598 = arith.addf %select_n3A_1572, %gather3A_1597 : vector<16xf32>
        %select_n3A_1599 = arith.select %eq3A_1578, %add3A_1594, %add3A_1598 : vector<16xi1>, vector<16xf32>
        %and3A_1600 = arith.constant 1 : i32
        %and3A_1601 = vector.broadcast %and3A_1600 : i32 to vector<16xi32>
        %and3A_1602 = arith.andi %iota3A, %and3A_1601 : vector<16xi32>
        %eq3A_1603 = arith.constant 0 : i32
        %eq3A_1604 = vector.broadcast %eq3A_1603 : i32 to vector<16xi32>
        %eq3A_1605 = arith.cmpi eq, %and3A_1602, %eq3A_1604 : vector<16xi32>
        %xor3A_1606 = arith.constant 1 : i32
        %xor3A_1607 = vector.broadcast %xor3A_1606 : i32 to vector<16xi32>
        %xor3A_1608 = arith.xori %iota3A, %xor3A_1607 : vector<16xi32>
        %broadcast_in_dim3A_1609 = vector.shape_cast %xor3A_1608 : vector<16xi32> to vector<16x1xi32>
        %gather3A_1610 = vector.shape_cast %broadcast_in_dim3A_1609 : vector<16x1xi32> to vector<16xi32>
        %gather3A_1611 = tpu.dynamic_gather %select_n3A_1590[%gather3A_1610] in [0] : vector<16xf32>, vector<16xi32> -> vector<16xf32>
        %add3A_1612 = arith.addf %select_n3A_1590, %gather3A_1611 : vector<16xf32>
        %broadcast_in_dim3A_1613 = vector.shape_cast %xor3A_1608 : vector<16xi32> to vector<16x1xi32>
        %gather3A_1614 = vector.shape_cast %broadcast_in_dim3A_1613 : vector<16x1xi32> to vector<16xi32>
        %gather3A_1615 = tpu.dynamic_gather %select_n3A_1599[%gather3A_1614] in [0] : vector<16xf32>, vector<16xi32> -> vector<16xf32>
        %add3A_1616 = arith.addf %select_n3A_1599, %gather3A_1615 : vector<16xf32>
        %select_n3A_1617 = arith.select %eq3A_1605, %add3A_1612, %add3A_1616 : vector<16xi1>, vector<16xf32>
        %max3A = arith.constant 1.000000e-24 : f32
        %max3A_1618 = vector.broadcast %max3A : f32 to vector<16xf32>
        %max3A_1619 = arith.maximumf %select_n3A_1446, %max3A_1618 : vector<16xf32>
        %max3A_1620 = arith.constant 1.000000e-24 : f32
        %max3A_1621 = vector.broadcast %max3A_1620 : f32 to vector<16xf32>
        %max3A_1622 = arith.maximumf %select_n3A_1617, %max3A_1621 : vector<16xf32>
        %mul3A_1623 = arith.mulf %max3A_1619, %max3A_1622 : vector<16xf32>
        %bitcast_convert_type3A = tpu.bitcast %mul3A_1623 : vector<16xf32> -> vector<16xi32>
        %shift_right_arithmetic3A = arith.constant 1 : i32
        %shift_right_arithmetic3A_1624 = vector.broadcast %shift_right_arithmetic3A : i32 to vector<16xi32>
        %shift_right_arithmetic3A_1625 = arith.shrsi %bitcast_convert_type3A, %shift_right_arithmetic3A_1624 : vector<16xi32>
        %sub3A = arith.constant 1597463007 : i32
        %sub3A_1626 = vector.broadcast %sub3A : i32 to vector<16xi32>
        %sub3A_1627 = arith.subi %sub3A_1626, %shift_right_arithmetic3A_1625 : vector<16xi32>
        %bitcast_convert_type3A_1628 = tpu.bitcast %sub3A_1627 : vector<16xi32> -> vector<16xf32>
        %mul3A_1629 = arith.constant 5.000000e-01 : f32
        %mul3A_1630 = vector.broadcast %mul3A_1629 : f32 to vector<16xf32>
        %mul3A_1631 = arith.mulf %mul3A_1630, %mul3A_1623 : vector<16xf32>
        %mul3A_1632 = arith.mulf %mul3A_1631, %bitcast_convert_type3A_1628 : vector<16xf32>
        %mul3A_1633 = arith.mulf %mul3A_1632, %bitcast_convert_type3A_1628 : vector<16xf32>
        %sub3A_1634 = arith.constant 1.500000e+00 : f32
        %sub3A_1635 = vector.broadcast %sub3A_1634 : f32 to vector<16xf32>
        %sub3A_1636 = arith.subf %sub3A_1635, %mul3A_1633 : vector<16xf32>
        %mul3A_1637 = arith.mulf %bitcast_convert_type3A_1628, %sub3A_1636 : vector<16xf32>
        %mul3A_1638 = arith.constant 5.000000e-01 : f32
        %mul3A_1639 = vector.broadcast %mul3A_1638 : f32 to vector<16xf32>
        %mul3A_1640 = arith.mulf %mul3A_1639, %mul3A_1623 : vector<16xf32>
        %mul3A_1641 = arith.mulf %mul3A_1640, %mul3A_1637 : vector<16xf32>
        %mul3A_1642 = arith.mulf %mul3A_1641, %mul3A_1637 : vector<16xf32>
        %sub3A_1643 = arith.constant 1.500000e+00 : f32
        %sub3A_1644 = vector.broadcast %sub3A_1643 : f32 to vector<16xf32>
        %sub3A_1645 = arith.subf %sub3A_1644, %mul3A_1642 : vector<16xf32>
        %mul3A_1646 = arith.mulf %mul3A_1637, %sub3A_1645 : vector<16xf32>
        %mul3A_1647 = arith.constant 5.000000e-01 : f32
        %mul3A_1648 = vector.broadcast %mul3A_1647 : f32 to vector<16xf32>
        %mul3A_1649 = arith.mulf %mul3A_1648, %mul3A_1623 : vector<16xf32>
        %mul3A_1650 = arith.mulf %mul3A_1649, %mul3A_1646 : vector<16xf32>
        %mul3A_1651 = arith.mulf %mul3A_1650, %mul3A_1646 : vector<16xf32>
        %sub3A_1652 = arith.constant 1.500000e+00 : f32
        %sub3A_1653 = vector.broadcast %sub3A_1652 : f32 to vector<16xf32>
        %sub3A_1654 = arith.subf %sub3A_1653, %mul3A_1651 : vector<16xf32>
        %mul3A_1655 = arith.mulf %mul3A_1646, %sub3A_1654 : vector<16xf32>
        %mul3A_1656 = arith.mulf %select_n3A_1275, %mul3A_1655 : vector<16xf32>
        %swap3A = arith.index_cast %mul3A_231 : i32 to index
        %swap3A_1657 = tpu.vector_load %arg11[%swap3A] {strides = array<i32>} : memref<256xf32, #tpu.memory_space<vmem>>, vector<16xf32>,
        %swap3A_1658 = vector.shape_cast %swap3A_1657 : vector<16xf32> to vector<16xf32>
        %swap3A_1659 = vector.shape_cast %mul3A_1656 : vector<16xf32> to vector<16xf32>
        tpu.vector_store %arg11[%swap3A], %swap3A_1659 {strides = array<i32>} : memref<256xf32, #tpu.memory_space<vmem>>, vector<16xf32>,
      }
      %scan3A_146 = arith.constant 16 : i32
      %mul3A_147 = arith.constant 256 : i32
      %mul3A_148 = arith.muli %mul3A_88, %mul3A_147 : i32
      %add3A_149 = arith.addi %mul3A_2, %mul3A_148 : i32
      %dma_start3A_150 = tpu.memref_slice %arg4[%add3A_149] : memref<327680xf32, #tpu.memory_space<hbm>> -> memref<256xf32, #tpu.memory_space<hbm>>
      %dma_start3A_151 = tpu.memref_slice %arg4[%add3A_149] : memref<327680xf32, #tpu.memory_space<hbm>> -> memref<256xf32, #tpu.memory_space<hbm>>
      tpu.enqueue_dma source(%arg11 : memref<256xf32, #tpu.memory_space<vmem>>) target(%dma_start3A_151 : memref<256xf32, #tpu.memory_space<hbm>>) target_semaphore(%arg15 : memref<!tpu.dma_semaphore, #tpu.memory_space<semaphore_mem>>)
      %add3A_152 = arith.constant 2 : i32
      %add3A_153 = arith.addi %mul3A_88, %add3A_152 : i32
      %lt3A = arith.constant 40 : i32
      %lt3A_154 = arith.cmpi slt, %add3A_153, %lt3A : i32
      %convert_element_type3A_155 = arith.extui %lt3A_154 : i1 to i32
      %cond3A_156 = arith.constant 0 : i32
      %cond3A_157 = arith.cmpi ne, %convert_element_type3A_155, %cond3A_156 : i32
      scf.if %cond3A_157 {
        %add3A_229 = arith.constant 2 : i32
        %add3A_230 = arith.addi %mul3A_88, %add3A_229 : i32
        %mul3A_231 = arith.constant 256 : i32
        %mul3A_232 = arith.muli %add3A_230, %mul3A_231 : i32
        %add3A_233 = arith.constant 0 : i32
        %add3A_234 = arith.addi %mul3A_232, %add3A_233 : i32
        %dma_start3A_235 = arith.constant 0 : i32
        %dma_start3A_236 = arith.constant 0 : i32
        %dma_start3A_237 = tpu.memref_slice %arg7[%dma_start3A_235, %dma_start3A_236] : memref<256x64xf32, #tpu.memory_space<vmem>> -> memref<128x64xf32, #tpu.memory_space<vmem>>
        %dma_start3A_238 = tpu.memref_slice %arg5[%add3A_234] : memref<10240xi32, #tpu.memory_space<vmem>> -> memref<128xi32, #tpu.memory_space<vmem>>
        %dma_start3A_239 = arith.constant 0 : i32
        %dma_start3A_240 = arith.constant 0 : i32
        %dma_start3A_241 = tpu.memref_slice %arg3[%dma_start3A_239, %dma_start3A_240] : memref<1007616x64xf32, #tpu.memory_space<hbm>> -> memref<1007616x64xf32, #tpu.memory_space<hbm>>
        tpu.enqueue_indirect_dma source(%dma_start3A_241 : memref<1007616x64xf32, #tpu.memory_space<hbm>>) target(%dma_start3A_237 : memref<128x64xf32, #tpu.memory_space<vmem>>) offsets(%dma_start3A_238 : memref<128xi32, #tpu.memory_space<vmem>>) semaphore(%arg13 : memref<!tpu.dma_semaphore, #tpu.memory_space<semaphore_mem>>)
        %dma_start3A_242 = arith.constant 0 : i32
        %dma_start3A_243 = arith.constant 0 : i32
        %dma_start3A_244 = tpu.memref_slice %arg8[%dma_start3A_242, %dma_start3A_243] : memref<256x64xf32, #tpu.memory_space<vmem>> -> memref<128x64xf32, #tpu.memory_space<vmem>>
        %dma_start3A_245 = tpu.memref_slice %arg6[%add3A_234] : memref<10240xi32, #tpu.memory_space<vmem>> -> memref<128xi32, #tpu.memory_space<vmem>>
        %dma_start3A_246 = arith.constant 0 : i32
        %dma_start3A_247 = arith.constant 0 : i32
        %dma_start3A_248 = tpu.memref_slice %arg3[%dma_start3A_246, %dma_start3A_247] : memref<1007616x64xf32, #tpu.memory_space<hbm>> -> memref<1007616x64xf32, #tpu.memory_space<hbm>>
        tpu.enqueue_indirect_dma source(%dma_start3A_248 : memref<1007616x64xf32, #tpu.memory_space<hbm>>) target(%dma_start3A_244 : memref<128x64xf32, #tpu.memory_space<vmem>>) offsets(%dma_start3A_245 : memref<128xi32, #tpu.memory_space<vmem>>) semaphore(%arg13 : memref<!tpu.dma_semaphore, #tpu.memory_space<semaphore_mem>>)
        %mul3A_249 = arith.constant 256 : i32
        %mul3A_250 = arith.muli %add3A_230, %mul3A_249 : i32
        %add3A_251 = arith.constant 128 : i32
        %add3A_252 = arith.addi %mul3A_250, %add3A_251 : i32
        %dma_start3A_253 = arith.constant 128 : i32
        %dma_start3A_254 = arith.constant 0 : i32
        %dma_start3A_255 = tpu.memref_slice %arg7[%dma_start3A_253, %dma_start3A_254] : memref<256x64xf32, #tpu.memory_space<vmem>> -> memref<128x64xf32, #tpu.memory_space<vmem>>
        %dma_start3A_256 = tpu.memref_slice %arg5[%add3A_252] : memref<10240xi32, #tpu.memory_space<vmem>> -> memref<128xi32, #tpu.memory_space<vmem>>
        %dma_start3A_257 = arith.constant 0 : i32
        %dma_start3A_258 = arith.constant 0 : i32
        %dma_start3A_259 = tpu.memref_slice %arg3[%dma_start3A_257, %dma_start3A_258] : memref<1007616x64xf32, #tpu.memory_space<hbm>> -> memref<1007616x64xf32, #tpu.memory_space<hbm>>
        tpu.enqueue_indirect_dma source(%dma_start3A_259 : memref<1007616x64xf32, #tpu.memory_space<hbm>>) target(%dma_start3A_255 : memref<128x64xf32, #tpu.memory_space<vmem>>) offsets(%dma_start3A_256 : memref<128xi32, #tpu.memory_space<vmem>>) semaphore(%arg13 : memref<!tpu.dma_semaphore, #tpu.memory_space<semaphore_mem>>)
        %dma_start3A_260 = arith.constant 128 : i32
        %dma_start3A_261 = arith.constant 0 : i32
        %dma_start3A_262 = tpu.memref_slice %arg8[%dma_start3A_260, %dma_start3A_261] : memref<256x64xf32, #tpu.memory_space<vmem>> -> memref<128x64xf32, #tpu.memory_space<vmem>>
        %dma_start3A_263 = tpu.memref_slice %arg6[%add3A_252] : memref<10240xi32, #tpu.memory_space<vmem>> -> memref<128xi32, #tpu.memory_space<vmem>>
        %dma_start3A_264 = arith.constant 0 : i32
        %dma_start3A_265 = arith.constant 0 : i32
        %dma_start3A_266 = tpu.memref_slice %arg3[%dma_start3A_264, %dma_start3A_265] : memref<1007616x64xf32, #tpu.memory_space<hbm>> -> memref<1007616x64xf32, #tpu.memory_space<hbm>>
        tpu.enqueue_indirect_dma source(%dma_start3A_266 : memref<1007616x64xf32, #tpu.memory_space<hbm>>) target(%dma_start3A_262 : memref<128x64xf32, #tpu.memory_space<vmem>>) offsets(%dma_start3A_263 : memref<128xi32, #tpu.memory_space<vmem>>) semaphore(%arg13 : memref<!tpu.dma_semaphore, #tpu.memory_space<semaphore_mem>>)
      } else {
      }
      %dma_wait3A_158 = arith.constant 0 : i32
      %dma_wait3A_159 = arith.constant 0 : i32
      %dma_wait3A_160 = tpu.memref_slice %arg9[%dma_wait3A_158, %dma_wait3A_159] : memref<256x64xf32, #tpu.memory_space<vmem>> -> memref<128x64xf32, #tpu.memory_space<vmem>>
      %dma_wait3A_161 = arith.constant 0 : i32
      %dma_wait3A_162 = arith.constant 0 : i32
      %dma_wait3A_163 = tpu.memref_slice %arg3[%dma_wait3A_161, %dma_wait3A_162] : memref<1007616x64xf32, #tpu.memory_space<hbm>> -> memref<128x64xf32, #tpu.memory_space<hbm>>
      %dma_wait3A_164 = arith.constant 0 : i32
      %dma_wait3A_165 = arith.constant 0 : i32
      %dma_wait3A_166 = tpu.memref_slice %arg9[%dma_wait3A_164, %dma_wait3A_165] : memref<256x64xf32, #tpu.memory_space<vmem>> -> memref<128x64xf32, #tpu.memory_space<vmem>>
      %dma_wait3A_167 = arith.constant 0 : i32
      %dma_wait3A_168 = arith.constant 0 : i32
      %dma_wait3A_169 = tpu.memref_slice %arg3[%dma_wait3A_167, %dma_wait3A_168] : memref<1007616x64xf32, #tpu.memory_space<hbm>> -> memref<128x64xf32, #tpu.memory_space<hbm>>
      tpu.wait_dma2 semaphore(%arg14 : memref<!tpu.dma_semaphore, #tpu.memory_space<semaphore_mem>>) src(%dma_wait3A_169 : memref<128x64xf32, #tpu.memory_space<hbm>>) dst(%dma_wait3A_166 : memref<128x64xf32, #tpu.memory_space<vmem>>)
      %dma_wait3A_170 = arith.constant 0 : i32
      %dma_wait3A_171 = arith.constant 0 : i32
      %dma_wait3A_172 = tpu.memref_slice %arg10[%dma_wait3A_170, %dma_wait3A_171] : memref<256x64xf32, #tpu.memory_space<vmem>> -> memref<128x64xf32, #tpu.memory_space<vmem>>
      %dma_wait3A_173 = arith.constant 0 : i32
      %dma_wait3A_174 = arith.constant 0 : i32
      %dma_wait3A_175 = tpu.memref_slice %arg3[%dma_wait3A_173, %dma_wait3A_174] : memref<1007616x64xf32, #tpu.memory_space<hbm>> -> memref<128x64xf32, #tpu.memory_space<hbm>>
      %dma_wait3A_176 = arith.constant 0 : i32
      %dma_wait3A_177 = arith.constant 0 : i32
      %dma_wait3A_178 = tpu.memref_slice %arg10[%dma_wait3A_176, %dma_wait3A_177] : memref<256x64xf32, #tpu.memory_space<vmem>> -> memref<128x64xf32, #tpu.memory_space<vmem>>
      %dma_wait3A_179 = arith.constant 0 : i32
      %dma_wait3A_180 = arith.constant 0 : i32
      %dma_wait3A_181 = tpu.memref_slice %arg3[%dma_wait3A_179, %dma_wait3A_180] : memref<1007616x64xf32, #tpu.memory_space<hbm>> -> memref<128x64xf32, #tpu.memory_space<hbm>>
      tpu.wait_dma2 semaphore(%arg14 : memref<!tpu.dma_semaphore, #tpu.memory_space<semaphore_mem>>) src(%dma_wait3A_181 : memref<128x64xf32, #tpu.memory_space<hbm>>) dst(%dma_wait3A_178 : memref<128x64xf32, #tpu.memory_space<vmem>>)
      %dma_wait3A_182 = arith.constant 128 : i32
      %dma_wait3A_183 = arith.constant 0 : i32
      %dma_wait3A_184 = tpu.memref_slice %arg9[%dma_wait3A_182, %dma_wait3A_183] : memref<256x64xf32, #tpu.memory_space<vmem>> -> memref<128x64xf32, #tpu.memory_space<vmem>>
      %dma_wait3A_185 = arith.constant 0 : i32
      %dma_wait3A_186 = arith.constant 0 : i32
      %dma_wait3A_187 = tpu.memref_slice %arg3[%dma_wait3A_185, %dma_wait3A_186] : memref<1007616x64xf32, #tpu.memory_space<hbm>> -> memref<128x64xf32, #tpu.memory_space<hbm>>
      %dma_wait3A_188 = arith.constant 128 : i32
      %dma_wait3A_189 = arith.constant 0 : i32
      %dma_wait3A_190 = tpu.memref_slice %arg9[%dma_wait3A_188, %dma_wait3A_189] : memref<256x64xf32, #tpu.memory_space<vmem>> -> memref<128x64xf32, #tpu.memory_space<vmem>>
      %dma_wait3A_191 = arith.constant 0 : i32
      %dma_wait3A_192 = arith.constant 0 : i32
      %dma_wait3A_193 = tpu.memref_slice %arg3[%dma_wait3A_191, %dma_wait3A_192] : memref<1007616x64xf32, #tpu.memory_space<hbm>> -> memref<128x64xf32, #tpu.memory_space<hbm>>
      tpu.wait_dma2 semaphore(%arg14 : memref<!tpu.dma_semaphore, #tpu.memory_space<semaphore_mem>>) src(%dma_wait3A_193 : memref<128x64xf32, #tpu.memory_space<hbm>>) dst(%dma_wait3A_190 : memref<128x64xf32, #tpu.memory_space<vmem>>)
      %dma_wait3A_194 = arith.constant 128 : i32
      %dma_wait3A_195 = arith.constant 0 : i32
      %dma_wait3A_196 = tpu.memref_slice %arg10[%dma_wait3A_194, %dma_wait3A_195] : memref<256x64xf32, #tpu.memory_space<vmem>> -> memref<128x64xf32, #tpu.memory_space<vmem>>
      %dma_wait3A_197 = arith.constant 0 : i32
      %dma_wait3A_198 = arith.constant 0 : i32
      %dma_wait3A_199 = tpu.memref_slice %arg3[%dma_wait3A_197, %dma_wait3A_198] : memref<1007616x64xf32, #tpu.memory_space<hbm>> -> memref<128x64xf32, #tpu.memory_space<hbm>>
      %dma_wait3A_200 = arith.constant 128 : i32
      %dma_wait3A_201 = arith.constant 0 : i32
      %dma_wait3A_202 = tpu.memref_slice %arg10[%dma_wait3A_200, %dma_wait3A_201] : memref<256x64xf32, #tpu.memory_space<vmem>> -> memref<128x64xf32, #tpu.memory_space<vmem>>
      %dma_wait3A_203 = arith.constant 0 : i32
      %dma_wait3A_204 = arith.constant 0 : i32
      %dma_wait3A_205 = tpu.memref_slice %arg3[%dma_wait3A_203, %dma_wait3A_204] : memref<1007616x64xf32, #tpu.memory_space<hbm>> -> memref<128x64xf32, #tpu.memory_space<hbm>>
      tpu.wait_dma2 semaphore(%arg14 : memref<!tpu.dma_semaphore, #tpu.memory_space<semaphore_mem>>) src(%dma_wait3A_205 : memref<128x64xf32, #tpu.memory_space<hbm>>) dst(%dma_wait3A_202 : memref<128x64xf32, #tpu.memory_space<vmem>>)
      %gt3A_206 = arith.constant 0 : i32
      %gt3A_207 = arith.cmpi sgt, %scan3A_86, %gt3A_206 : i32
      %convert_element_type3A_208 = arith.extui %gt3A_207 : i1 to i32
      %cond3A_209 = arith.constant 0 : i32
      %cond3A_210 = arith.cmpi ne, %convert_element_type3A_208, %cond3A_209 : i32
      scf.if %cond3A_210 {
        %dma_wait3A_229 = arith.constant 0 : i32
        %dma_wait3A_230 = tpu.memref_slice %arg4[%dma_wait3A_229] : memref<327680xf32, #tpu.memory_space<hbm>> -> memref<256xf32, #tpu.memory_space<hbm>>
        %dma_wait3A_231 = arith.constant 0 : i32
        %dma_wait3A_232 = tpu.memref_slice %arg4[%dma_wait3A_231] : memref<327680xf32, #tpu.memory_space<hbm>> -> memref<256xf32, #tpu.memory_space<hbm>>
        tpu.wait_dma2 semaphore(%arg15 : memref<!tpu.dma_semaphore, #tpu.memory_space<semaphore_mem>>) src(%dma_wait3A_232 : memref<256xf32, #tpu.memory_space<hbm>>) dst(%arg12 : memref<256xf32, #tpu.memory_space<vmem>>)
      } else {
      }
      %scan3A_211 = arith.constant 0 : i32
      %scan3A_212 = arith.constant 0 : i32
      %scan3A_213 = arith.constant 16 : i32
      %scan3A_214 = arith.addi %scan3A_212, %scan3A_213 : i32
      %scan3A_215 = arith.constant 1 : i32
      scf.for %scan3A_229 = %scan3A_212 to %scan3A_214 step %scan3A_215  : i32 {
        %iota3A = tpu.iota {dimensions = array<i32: 0>} : vector<16xi32>
        %mul3A_230 = arith.constant 16 : i32
        %mul3A_231 = arith.muli %scan3A_229, %mul3A_230 : i32
        %add3A_232 = arith.constant 0 : i32
        %add3A_233 = arith.addi %mul3A_231, %add3A_232 : i32
        %get3A = arith.index_cast %add3A_233 : i32 to index
        %get3A_234 = arith.constant 0 : index
        %get3A_235 = tpu.vector_load %arg9[%get3A, %get3A_234] {strides = array<i32>} : memref<256x64xf32, #tpu.memory_space<vmem>>, vector<1x16xf32>,
        %get3A_236 = vector.shape_cast %get3A_235 : vector<1x16xf32> to vector<16xf32>
        %get3A_237 = arith.index_cast %add3A_233 : i32 to index
        %get3A_238 = arith.constant 16 : index
        %get3A_239 = tpu.vector_load %arg9[%get3A_237, %get3A_238] {strides = array<i32>} : memref<256x64xf32, #tpu.memory_space<vmem>>, vector<1x16xf32>,
        %get3A_240 = vector.shape_cast %get3A_239 : vector<1x16xf32> to vector<16xf32>
        %get3A_241 = arith.index_cast %add3A_233 : i32 to index
        %get3A_242 = arith.constant 32 : index
        %get3A_243 = tpu.vector_load %arg9[%get3A_241, %get3A_242] {strides = array<i32>} : memref<256x64xf32, #tpu.memory_space<vmem>>, vector<1x16xf32>,
        %get3A_244 = vector.shape_cast %get3A_243 : vector<1x16xf32> to vector<16xf32>
        %get3A_245 = arith.index_cast %add3A_233 : i32 to index
        %get3A_246 = arith.constant 48 : index
        %get3A_247 = tpu.vector_load %arg9[%get3A_245, %get3A_246] {strides = array<i32>} : memref<256x64xf32, #tpu.memory_space<vmem>>, vector<1x16xf32>,
        %get3A_248 = vector.shape_cast %get3A_247 : vector<1x16xf32> to vector<16xf32>
        %get3A_249 = arith.index_cast %add3A_233 : i32 to index
        %get3A_250 = arith.constant 0 : index
        %get3A_251 = tpu.vector_load %arg10[%get3A_249, %get3A_250] {strides = array<i32>} : memref<256x64xf32, #tpu.memory_space<vmem>>, vector<1x16xf32>,
        %get3A_252 = vector.shape_cast %get3A_251 : vector<1x16xf32> to vector<16xf32>
        %get3A_253 = arith.index_cast %add3A_233 : i32 to index
        %get3A_254 = arith.constant 16 : index
        %get3A_255 = tpu.vector_load %arg10[%get3A_253, %get3A_254] {strides = array<i32>} : memref<256x64xf32, #tpu.memory_space<vmem>>, vector<1x16xf32>,
        %get3A_256 = vector.shape_cast %get3A_255 : vector<1x16xf32> to vector<16xf32>
        %get3A_257 = arith.index_cast %add3A_233 : i32 to index
        %get3A_258 = arith.constant 32 : index
        %get3A_259 = tpu.vector_load %arg10[%get3A_257, %get3A_258] {strides = array<i32>} : memref<256x64xf32, #tpu.memory_space<vmem>>, vector<1x16xf32>,
        %get3A_260 = vector.shape_cast %get3A_259 : vector<1x16xf32> to vector<16xf32>
        %get3A_261 = arith.index_cast %add3A_233 : i32 to index
        %get3A_262 = arith.constant 48 : index
        %get3A_263 = tpu.vector_load %arg10[%get3A_261, %get3A_262] {strides = array<i32>} : memref<256x64xf32, #tpu.memory_space<vmem>>, vector<1x16xf32>,
        %get3A_264 = vector.shape_cast %get3A_263 : vector<1x16xf32> to vector<16xf32>
        %mul3A_265 = arith.mulf %get3A_236, %get3A_252 : vector<16xf32>
        %mul3A_266 = arith.mulf %get3A_240, %get3A_256 : vector<16xf32>
        %add3A_267 = arith.addf %mul3A_265, %mul3A_266 : vector<16xf32>
        %mul3A_268 = arith.mulf %get3A_244, %get3A_260 : vector<16xf32>
        %mul3A_269 = arith.mulf %get3A_248, %get3A_264 : vector<16xf32>
        %add3A_270 = arith.addf %mul3A_268, %mul3A_269 : vector<16xf32>
        %add3A_271 = arith.addf %add3A_267, %add3A_270 : vector<16xf32>
        %mul3A_272 = arith.mulf %get3A_236, %get3A_236 : vector<16xf32>
        %mul3A_273 = arith.mulf %get3A_240, %get3A_240 : vector<16xf32>
        %add3A_274 = arith.addf %mul3A_272, %mul3A_273 : vector<16xf32>
        %mul3A_275 = arith.mulf %get3A_244, %get3A_244 : vector<16xf32>
        %mul3A_276 = arith.mulf %get3A_248, %get3A_248 : vector<16xf32>
        %add3A_277 = arith.addf %mul3A_275, %mul3A_276 : vector<16xf32>
        %add3A_278 = arith.addf %add3A_274, %add3A_277 : vector<16xf32>
        %mul3A_279 = arith.mulf %get3A_252, %get3A_252 : vector<16xf32>
        %mul3A_280 = arith.mulf %get3A_256, %get3A_256 : vector<16xf32>
        %add3A_281 = arith.addf %mul3A_279, %mul3A_280 : vector<16xf32>
        %mul3A_282 = arith.mulf %get3A_260, %get3A_260 : vector<16xf32>
        %mul3A_283 = arith.mulf %get3A_264, %get3A_264 : vector<16xf32>
        %add3A_284 = arith.addf %mul3A_282, %mul3A_283 : vector<16xf32>
        %add3A_285 = arith.addf %add3A_281, %add3A_284 : vector<16xf32>
        %add3A_286 = arith.constant 8 : i32
        %add3A_287 = arith.addi %mul3A_231, %add3A_286 : i32
        %get3A_288 = arith.index_cast %add3A_287 : i32 to index
        %get3A_289 = arith.constant 0 : index
        %get3A_290 = tpu.vector_load %arg9[%get3A_288, %get3A_289] {strides = array<i32>} : memref<256x64xf32, #tpu.memory_space<vmem>>, vector<1x16xf32>,
        %get3A_291 = vector.shape_cast %get3A_290 : vector<1x16xf32> to vector<16xf32>
        %get3A_292 = arith.index_cast %add3A_287 : i32 to index
        %get3A_293 = arith.constant 16 : index
        %get3A_294 = tpu.vector_load %arg9[%get3A_292, %get3A_293] {strides = array<i32>} : memref<256x64xf32, #tpu.memory_space<vmem>>, vector<1x16xf32>,
        %get3A_295 = vector.shape_cast %get3A_294 : vector<1x16xf32> to vector<16xf32>
        %get3A_296 = arith.index_cast %add3A_287 : i32 to index
        %get3A_297 = arith.constant 32 : index
        %get3A_298 = tpu.vector_load %arg9[%get3A_296, %get3A_297] {strides = array<i32>} : memref<256x64xf32, #tpu.memory_space<vmem>>, vector<1x16xf32>,
        %get3A_299 = vector.shape_cast %get3A_298 : vector<1x16xf32> to vector<16xf32>
        %get3A_300 = arith.index_cast %add3A_287 : i32 to index
        %get3A_301 = arith.constant 48 : index
        %get3A_302 = tpu.vector_load %arg9[%get3A_300, %get3A_301] {strides = array<i32>} : memref<256x64xf32, #tpu.memory_space<vmem>>, vector<1x16xf32>,
        %get3A_303 = vector.shape_cast %get3A_302 : vector<1x16xf32> to vector<16xf32>
        %get3A_304 = arith.index_cast %add3A_287 : i32 to index
        %get3A_305 = arith.constant 0 : index
        %get3A_306 = tpu.vector_load %arg10[%get3A_304, %get3A_305] {strides = array<i32>} : memref<256x64xf32, #tpu.memory_space<vmem>>, vector<1x16xf32>,
        %get3A_307 = vector.shape_cast %get3A_306 : vector<1x16xf32> to vector<16xf32>
        %get3A_308 = arith.index_cast %add3A_287 : i32 to index
        %get3A_309 = arith.constant 16 : index
        %get3A_310 = tpu.vector_load %arg10[%get3A_308, %get3A_309] {strides = array<i32>} : memref<256x64xf32, #tpu.memory_space<vmem>>, vector<1x16xf32>,
        %get3A_311 = vector.shape_cast %get3A_310 : vector<1x16xf32> to vector<16xf32>
        %get3A_312 = arith.index_cast %add3A_287 : i32 to index
        %get3A_313 = arith.constant 32 : index
        %get3A_314 = tpu.vector_load %arg10[%get3A_312, %get3A_313] {strides = array<i32>} : memref<256x64xf32, #tpu.memory_space<vmem>>, vector<1x16xf32>,
        %get3A_315 = vector.shape_cast %get3A_314 : vector<1x16xf32> to vector<16xf32>
        %get3A_316 = arith.index_cast %add3A_287 : i32 to index
        %get3A_317 = arith.constant 48 : index
        %get3A_318 = tpu.vector_load %arg10[%get3A_316, %get3A_317] {strides = array<i32>} : memref<256x64xf32, #tpu.memory_space<vmem>>, vector<1x16xf32>,
        %get3A_319 = vector.shape_cast %get3A_318 : vector<1x16xf32> to vector<16xf32>
        %mul3A_320 = arith.mulf %get3A_291, %get3A_307 : vector<16xf32>
        %mul3A_321 = arith.mulf %get3A_295, %get3A_311 : vector<16xf32>
        %add3A_322 = arith.addf %mul3A_320, %mul3A_321 : vector<16xf32>
        %mul3A_323 = arith.mulf %get3A_299, %get3A_315 : vector<16xf32>
        %mul3A_324 = arith.mulf %get3A_303, %get3A_319 : vector<16xf32>
        %add3A_325 = arith.addf %mul3A_323, %mul3A_324 : vector<16xf32>
        %add3A_326 = arith.addf %add3A_322, %add3A_325 : vector<16xf32>
        %mul3A_327 = arith.mulf %get3A_291, %get3A_291 : vector<16xf32>
        %mul3A_328 = arith.mulf %get3A_295, %get3A_295 : vector<16xf32>
        %add3A_329 = arith.addf %mul3A_327, %mul3A_328 : vector<16xf32>
        %mul3A_330 = arith.mulf %get3A_299, %get3A_299 : vector<16xf32>
        %mul3A_331 = arith.mulf %get3A_303, %get3A_303 : vector<16xf32>
        %add3A_332 = arith.addf %mul3A_330, %mul3A_331 : vector<16xf32>
        %add3A_333 = arith.addf %add3A_329, %add3A_332 : vector<16xf32>
        %mul3A_334 = arith.mulf %get3A_307, %get3A_307 : vector<16xf32>
        %mul3A_335 = arith.mulf %get3A_311, %get3A_311 : vector<16xf32>
        %add3A_336 = arith.addf %mul3A_334, %mul3A_335 : vector<16xf32>
        %mul3A_337 = arith.mulf %get3A_315, %get3A_315 : vector<16xf32>
        %mul3A_338 = arith.mulf %get3A_319, %get3A_319 : vector<16xf32>
        %add3A_339 = arith.addf %mul3A_337, %mul3A_338 : vector<16xf32>
        %add3A_340 = arith.addf %add3A_336, %add3A_339 : vector<16xf32>
        %add3A_341 = arith.constant 4 : i32
        %add3A_342 = arith.addi %mul3A_231, %add3A_341 : i32
        %get3A_343 = arith.index_cast %add3A_342 : i32 to index
        %get3A_344 = arith.constant 0 : index
        %get3A_345 = tpu.vector_load %arg9[%get3A_343, %get3A_344] {strides = array<i32>} : memref<256x64xf32, #tpu.memory_space<vmem>>, vector<1x16xf32>,
        %get3A_346 = vector.shape_cast %get3A_345 : vector<1x16xf32> to vector<16xf32>
        %get3A_347 = arith.index_cast %add3A_342 : i32 to index
        %get3A_348 = arith.constant 16 : index
        %get3A_349 = tpu.vector_load %arg9[%get3A_347, %get3A_348] {strides = array<i32>} : memref<256x64xf32, #tpu.memory_space<vmem>>, vector<1x16xf32>,
        %get3A_350 = vector.shape_cast %get3A_349 : vector<1x16xf32> to vector<16xf32>
        %get3A_351 = arith.index_cast %add3A_342 : i32 to index
        %get3A_352 = arith.constant 32 : index
        %get3A_353 = tpu.vector_load %arg9[%get3A_351, %get3A_352] {strides = array<i32>} : memref<256x64xf32, #tpu.memory_space<vmem>>, vector<1x16xf32>,
        %get3A_354 = vector.shape_cast %get3A_353 : vector<1x16xf32> to vector<16xf32>
        %get3A_355 = arith.index_cast %add3A_342 : i32 to index
        %get3A_356 = arith.constant 48 : index
        %get3A_357 = tpu.vector_load %arg9[%get3A_355, %get3A_356] {strides = array<i32>} : memref<256x64xf32, #tpu.memory_space<vmem>>, vector<1x16xf32>,
        %get3A_358 = vector.shape_cast %get3A_357 : vector<1x16xf32> to vector<16xf32>
        %get3A_359 = arith.index_cast %add3A_342 : i32 to index
        %get3A_360 = arith.constant 0 : index
        %get3A_361 = tpu.vector_load %arg10[%get3A_359, %get3A_360] {strides = array<i32>} : memref<256x64xf32, #tpu.memory_space<vmem>>, vector<1x16xf32>,
        %get3A_362 = vector.shape_cast %get3A_361 : vector<1x16xf32> to vector<16xf32>
        %get3A_363 = arith.index_cast %add3A_342 : i32 to index
        %get3A_364 = arith.constant 16 : index
        %get3A_365 = tpu.vector_load %arg10[%get3A_363, %get3A_364] {strides = array<i32>} : memref<256x64xf32, #tpu.memory_space<vmem>>, vector<1x16xf32>,
        %get3A_366 = vector.shape_cast %get3A_365 : vector<1x16xf32> to vector<16xf32>
        %get3A_367 = arith.index_cast %add3A_342 : i32 to index
        %get3A_368 = arith.constant 32 : index
        %get3A_369 = tpu.vector_load %arg10[%get3A_367, %get3A_368] {strides = array<i32>} : memref<256x64xf32, #tpu.memory_space<vmem>>, vector<1x16xf32>,
        %get3A_370 = vector.shape_cast %get3A_369 : vector<1x16xf32> to vector<16xf32>
        %get3A_371 = arith.index_cast %add3A_342 : i32 to index
        %get3A_372 = arith.constant 48 : index
        %get3A_373 = tpu.vector_load %arg10[%get3A_371, %get3A_372] {strides = array<i32>} : memref<256x64xf32, #tpu.memory_space<vmem>>, vector<1x16xf32>,
        %get3A_374 = vector.shape_cast %get3A_373 : vector<1x16xf32> to vector<16xf32>
        %mul3A_375 = arith.mulf %get3A_346, %get3A_362 : vector<16xf32>
        %mul3A_376 = arith.mulf %get3A_350, %get3A_366 : vector<16xf32>
        %add3A_377 = arith.addf %mul3A_375, %mul3A_376 : vector<16xf32>
        %mul3A_378 = arith.mulf %get3A_354, %get3A_370 : vector<16xf32>
        %mul3A_379 = arith.mulf %get3A_358, %get3A_374 : vector<16xf32>
        %add3A_380 = arith.addf %mul3A_378, %mul3A_379 : vector<16xf32>
        %add3A_381 = arith.addf %add3A_377, %add3A_380 : vector<16xf32>
        %mul3A_382 = arith.mulf %get3A_346, %get3A_346 : vector<16xf32>
        %mul3A_383 = arith.mulf %get3A_350, %get3A_350 : vector<16xf32>
        %add3A_384 = arith.addf %mul3A_382, %mul3A_383 : vector<16xf32>
        %mul3A_385 = arith.mulf %get3A_354, %get3A_354 : vector<16xf32>
        %mul3A_386 = arith.mulf %get3A_358, %get3A_358 : vector<16xf32>
        %add3A_387 = arith.addf %mul3A_385, %mul3A_386 : vector<16xf32>
        %add3A_388 = arith.addf %add3A_384, %add3A_387 : vector<16xf32>
        %mul3A_389 = arith.mulf %get3A_362, %get3A_362 : vector<16xf32>
        %mul3A_390 = arith.mulf %get3A_366, %get3A_366 : vector<16xf32>
        %add3A_391 = arith.addf %mul3A_389, %mul3A_390 : vector<16xf32>
        %mul3A_392 = arith.mulf %get3A_370, %get3A_370 : vector<16xf32>
        %mul3A_393 = arith.mulf %get3A_374, %get3A_374 : vector<16xf32>
        %add3A_394 = arith.addf %mul3A_392, %mul3A_393 : vector<16xf32>
        %add3A_395 = arith.addf %add3A_391, %add3A_394 : vector<16xf32>
        %add3A_396 = arith.constant 12 : i32
        %add3A_397 = arith.addi %mul3A_231, %add3A_396 : i32
        %get3A_398 = arith.index_cast %add3A_397 : i32 to index
        %get3A_399 = arith.constant 0 : index
        %get3A_400 = tpu.vector_load %arg9[%get3A_398, %get3A_399] {strides = array<i32>} : memref<256x64xf32, #tpu.memory_space<vmem>>, vector<1x16xf32>,
        %get3A_401 = vector.shape_cast %get3A_400 : vector<1x16xf32> to vector<16xf32>
        %get3A_402 = arith.index_cast %add3A_397 : i32 to index
        %get3A_403 = arith.constant 16 : index
        %get3A_404 = tpu.vector_load %arg9[%get3A_402, %get3A_403] {strides = array<i32>} : memref<256x64xf32, #tpu.memory_space<vmem>>, vector<1x16xf32>,
        %get3A_405 = vector.shape_cast %get3A_404 : vector<1x16xf32> to vector<16xf32>
        %get3A_406 = arith.index_cast %add3A_397 : i32 to index
        %get3A_407 = arith.constant 32 : index
        %get3A_408 = tpu.vector_load %arg9[%get3A_406, %get3A_407] {strides = array<i32>} : memref<256x64xf32, #tpu.memory_space<vmem>>, vector<1x16xf32>,
        %get3A_409 = vector.shape_cast %get3A_408 : vector<1x16xf32> to vector<16xf32>
        %get3A_410 = arith.index_cast %add3A_397 : i32 to index
        %get3A_411 = arith.constant 48 : index
        %get3A_412 = tpu.vector_load %arg9[%get3A_410, %get3A_411] {strides = array<i32>} : memref<256x64xf32, #tpu.memory_space<vmem>>, vector<1x16xf32>,
        %get3A_413 = vector.shape_cast %get3A_412 : vector<1x16xf32> to vector<16xf32>
        %get3A_414 = arith.index_cast %add3A_397 : i32 to index
        %get3A_415 = arith.constant 0 : index
        %get3A_416 = tpu.vector_load %arg10[%get3A_414, %get3A_415] {strides = array<i32>} : memref<256x64xf32, #tpu.memory_space<vmem>>, vector<1x16xf32>,
        %get3A_417 = vector.shape_cast %get3A_416 : vector<1x16xf32> to vector<16xf32>
        %get3A_418 = arith.index_cast %add3A_397 : i32 to index
        %get3A_419 = arith.constant 16 : index
        %get3A_420 = tpu.vector_load %arg10[%get3A_418, %get3A_419] {strides = array<i32>} : memref<256x64xf32, #tpu.memory_space<vmem>>, vector<1x16xf32>,
        %get3A_421 = vector.shape_cast %get3A_420 : vector<1x16xf32> to vector<16xf32>
        %get3A_422 = arith.index_cast %add3A_397 : i32 to index
        %get3A_423 = arith.constant 32 : index
        %get3A_424 = tpu.vector_load %arg10[%get3A_422, %get3A_423] {strides = array<i32>} : memref<256x64xf32, #tpu.memory_space<vmem>>, vector<1x16xf32>,
        %get3A_425 = vector.shape_cast %get3A_424 : vector<1x16xf32> to vector<16xf32>
        %get3A_426 = arith.index_cast %add3A_397 : i32 to index
        %get3A_427 = arith.constant 48 : index
        %get3A_428 = tpu.vector_load %arg10[%get3A_426, %get3A_427] {strides = array<i32>} : memref<256x64xf32, #tpu.memory_space<vmem>>, vector<1x16xf32>,
        %get3A_429 = vector.shape_cast %get3A_428 : vector<1x16xf32> to vector<16xf32>
        %mul3A_430 = arith.mulf %get3A_401, %get3A_417 : vector<16xf32>
        %mul3A_431 = arith.mulf %get3A_405, %get3A_421 : vector<16xf32>
        %add3A_432 = arith.addf %mul3A_430, %mul3A_431 : vector<16xf32>
        %mul3A_433 = arith.mulf %get3A_409, %get3A_425 : vector<16xf32>
        %mul3A_434 = arith.mulf %get3A_413, %get3A_429 : vector<16xf32>
        %add3A_435 = arith.addf %mul3A_433, %mul3A_434 : vector<16xf32>
        %add3A_436 = arith.addf %add3A_432, %add3A_435 : vector<16xf32>
        %mul3A_437 = arith.mulf %get3A_401, %get3A_401 : vector<16xf32>
        %mul3A_438 = arith.mulf %get3A_405, %get3A_405 : vector<16xf32>
        %add3A_439 = arith.addf %mul3A_437, %mul3A_438 : vector<16xf32>
        %mul3A_440 = arith.mulf %get3A_409, %get3A_409 : vector<16xf32>
        %mul3A_441 = arith.mulf %get3A_413, %get3A_413 : vector<16xf32>
        %add3A_442 = arith.addf %mul3A_440, %mul3A_441 : vector<16xf32>
        %add3A_443 = arith.addf %add3A_439, %add3A_442 : vector<16xf32>
        %mul3A_444 = arith.mulf %get3A_417, %get3A_417 : vector<16xf32>
        %mul3A_445 = arith.mulf %get3A_421, %get3A_421 : vector<16xf32>
        %add3A_446 = arith.addf %mul3A_444, %mul3A_445 : vector<16xf32>
        %mul3A_447 = arith.mulf %get3A_425, %get3A_425 : vector<16xf32>
        %mul3A_448 = arith.mulf %get3A_429, %get3A_429 : vector<16xf32>
        %add3A_449 = arith.addf %mul3A_447, %mul3A_448 : vector<16xf32>
        %add3A_450 = arith.addf %add3A_446, %add3A_449 : vector<16xf32>
        %add3A_451 = arith.constant 2 : i32
        %add3A_452 = arith.addi %mul3A_231, %add3A_451 : i32
        %get3A_453 = arith.index_cast %add3A_452 : i32 to index
        %get3A_454 = arith.constant 0 : index
        %get3A_455 = tpu.vector_load %arg9[%get3A_453, %get3A_454] {strides = array<i32>} : memref<256x64xf32, #tpu.memory_space<vmem>>, vector<1x16xf32>,
        %get3A_456 = vector.shape_cast %get3A_455 : vector<1x16xf32> to vector<16xf32>
        %get3A_457 = arith.index_cast %add3A_452 : i32 to index
        %get3A_458 = arith.constant 16 : index
        %get3A_459 = tpu.vector_load %arg9[%get3A_457, %get3A_458] {strides = array<i32>} : memref<256x64xf32, #tpu.memory_space<vmem>>, vector<1x16xf32>,
        %get3A_460 = vector.shape_cast %get3A_459 : vector<1x16xf32> to vector<16xf32>
        %get3A_461 = arith.index_cast %add3A_452 : i32 to index
        %get3A_462 = arith.constant 32 : index
        %get3A_463 = tpu.vector_load %arg9[%get3A_461, %get3A_462] {strides = array<i32>} : memref<256x64xf32, #tpu.memory_space<vmem>>, vector<1x16xf32>,
        %get3A_464 = vector.shape_cast %get3A_463 : vector<1x16xf32> to vector<16xf32>
        %get3A_465 = arith.index_cast %add3A_452 : i32 to index
        %get3A_466 = arith.constant 48 : index
        %get3A_467 = tpu.vector_load %arg9[%get3A_465, %get3A_466] {strides = array<i32>} : memref<256x64xf32, #tpu.memory_space<vmem>>, vector<1x16xf32>,
        %get3A_468 = vector.shape_cast %get3A_467 : vector<1x16xf32> to vector<16xf32>
        %get3A_469 = arith.index_cast %add3A_452 : i32 to index
        %get3A_470 = arith.constant 0 : index
        %get3A_471 = tpu.vector_load %arg10[%get3A_469, %get3A_470] {strides = array<i32>} : memref<256x64xf32, #tpu.memory_space<vmem>>, vector<1x16xf32>,
        %get3A_472 = vector.shape_cast %get3A_471 : vector<1x16xf32> to vector<16xf32>
        %get3A_473 = arith.index_cast %add3A_452 : i32 to index
        %get3A_474 = arith.constant 16 : index
        %get3A_475 = tpu.vector_load %arg10[%get3A_473, %get3A_474] {strides = array<i32>} : memref<256x64xf32, #tpu.memory_space<vmem>>, vector<1x16xf32>,
        %get3A_476 = vector.shape_cast %get3A_475 : vector<1x16xf32> to vector<16xf32>
        %get3A_477 = arith.index_cast %add3A_452 : i32 to index
        %get3A_478 = arith.constant 32 : index
        %get3A_479 = tpu.vector_load %arg10[%get3A_477, %get3A_478] {strides = array<i32>} : memref<256x64xf32, #tpu.memory_space<vmem>>, vector<1x16xf32>,
        %get3A_480 = vector.shape_cast %get3A_479 : vector<1x16xf32> to vector<16xf32>
        %get3A_481 = arith.index_cast %add3A_452 : i32 to index
        %get3A_482 = arith.constant 48 : index
        %get3A_483 = tpu.vector_load %arg10[%get3A_481, %get3A_482] {strides = array<i32>} : memref<256x64xf32, #tpu.memory_space<vmem>>, vector<1x16xf32>,
        %get3A_484 = vector.shape_cast %get3A_483 : vector<1x16xf32> to vector<16xf32>
        %mul3A_485 = arith.mulf %get3A_456, %get3A_472 : vector<16xf32>
        %mul3A_486 = arith.mulf %get3A_460, %get3A_476 : vector<16xf32>
        %add3A_487 = arith.addf %mul3A_485, %mul3A_486 : vector<16xf32>
        %mul3A_488 = arith.mulf %get3A_464, %get3A_480 : vector<16xf32>
        %mul3A_489 = arith.mulf %get3A_468, %get3A_484 : vector<16xf32>
        %add3A_490 = arith.addf %mul3A_488, %mul3A_489 : vector<16xf32>
        %add3A_491 = arith.addf %add3A_487, %add3A_490 : vector<16xf32>
        %mul3A_492 = arith.mulf %get3A_456, %get3A_456 : vector<16xf32>
        %mul3A_493 = arith.mulf %get3A_460, %get3A_460 : vector<16xf32>
        %add3A_494 = arith.addf %mul3A_492, %mul3A_493 : vector<16xf32>
        %mul3A_495 = arith.mulf %get3A_464, %get3A_464 : vector<16xf32>
        %mul3A_496 = arith.mulf %get3A_468, %get3A_468 : vector<16xf32>
        %add3A_497 = arith.addf %mul3A_495, %mul3A_496 : vector<16xf32>
        %add3A_498 = arith.addf %add3A_494, %add3A_497 : vector<16xf32>
        %mul3A_499 = arith.mulf %get3A_472, %get3A_472 : vector<16xf32>
        %mul3A_500 = arith.mulf %get3A_476, %get3A_476 : vector<16xf32>
        %add3A_501 = arith.addf %mul3A_499, %mul3A_500 : vector<16xf32>
        %mul3A_502 = arith.mulf %get3A_480, %get3A_480 : vector<16xf32>
        %mul3A_503 = arith.mulf %get3A_484, %get3A_484 : vector<16xf32>
        %add3A_504 = arith.addf %mul3A_502, %mul3A_503 : vector<16xf32>
        %add3A_505 = arith.addf %add3A_501, %add3A_504 : vector<16xf32>
        %add3A_506 = arith.constant 10 : i32
        %add3A_507 = arith.addi %mul3A_231, %add3A_506 : i32
        %get3A_508 = arith.index_cast %add3A_507 : i32 to index
        %get3A_509 = arith.constant 0 : index
        %get3A_510 = tpu.vector_load %arg9[%get3A_508, %get3A_509] {strides = array<i32>} : memref<256x64xf32, #tpu.memory_space<vmem>>, vector<1x16xf32>,
        %get3A_511 = vector.shape_cast %get3A_510 : vector<1x16xf32> to vector<16xf32>
        %get3A_512 = arith.index_cast %add3A_507 : i32 to index
        %get3A_513 = arith.constant 16 : index
        %get3A_514 = tpu.vector_load %arg9[%get3A_512, %get3A_513] {strides = array<i32>} : memref<256x64xf32, #tpu.memory_space<vmem>>, vector<1x16xf32>,
        %get3A_515 = vector.shape_cast %get3A_514 : vector<1x16xf32> to vector<16xf32>
        %get3A_516 = arith.index_cast %add3A_507 : i32 to index
        %get3A_517 = arith.constant 32 : index
        %get3A_518 = tpu.vector_load %arg9[%get3A_516, %get3A_517] {strides = array<i32>} : memref<256x64xf32, #tpu.memory_space<vmem>>, vector<1x16xf32>,
        %get3A_519 = vector.shape_cast %get3A_518 : vector<1x16xf32> to vector<16xf32>
        %get3A_520 = arith.index_cast %add3A_507 : i32 to index
        %get3A_521 = arith.constant 48 : index
        %get3A_522 = tpu.vector_load %arg9[%get3A_520, %get3A_521] {strides = array<i32>} : memref<256x64xf32, #tpu.memory_space<vmem>>, vector<1x16xf32>,
        %get3A_523 = vector.shape_cast %get3A_522 : vector<1x16xf32> to vector<16xf32>
        %get3A_524 = arith.index_cast %add3A_507 : i32 to index
        %get3A_525 = arith.constant 0 : index
        %get3A_526 = tpu.vector_load %arg10[%get3A_524, %get3A_525] {strides = array<i32>} : memref<256x64xf32, #tpu.memory_space<vmem>>, vector<1x16xf32>,
        %get3A_527 = vector.shape_cast %get3A_526 : vector<1x16xf32> to vector<16xf32>
        %get3A_528 = arith.index_cast %add3A_507 : i32 to index
        %get3A_529 = arith.constant 16 : index
        %get3A_530 = tpu.vector_load %arg10[%get3A_528, %get3A_529] {strides = array<i32>} : memref<256x64xf32, #tpu.memory_space<vmem>>, vector<1x16xf32>,
        %get3A_531 = vector.shape_cast %get3A_530 : vector<1x16xf32> to vector<16xf32>
        %get3A_532 = arith.index_cast %add3A_507 : i32 to index
        %get3A_533 = arith.constant 32 : index
        %get3A_534 = tpu.vector_load %arg10[%get3A_532, %get3A_533] {strides = array<i32>} : memref<256x64xf32, #tpu.memory_space<vmem>>, vector<1x16xf32>,
        %get3A_535 = vector.shape_cast %get3A_534 : vector<1x16xf32> to vector<16xf32>
        %get3A_536 = arith.index_cast %add3A_507 : i32 to index
        %get3A_537 = arith.constant 48 : index
        %get3A_538 = tpu.vector_load %arg10[%get3A_536, %get3A_537] {strides = array<i32>} : memref<256x64xf32, #tpu.memory_space<vmem>>, vector<1x16xf32>,
        %get3A_539 = vector.shape_cast %get3A_538 : vector<1x16xf32> to vector<16xf32>
        %mul3A_540 = arith.mulf %get3A_511, %get3A_527 : vector<16xf32>
        %mul3A_541 = arith.mulf %get3A_515, %get3A_531 : vector<16xf32>
        %add3A_542 = arith.addf %mul3A_540, %mul3A_541 : vector<16xf32>
        %mul3A_543 = arith.mulf %get3A_519, %get3A_535 : vector<16xf32>
        %mul3A_544 = arith.mulf %get3A_523, %get3A_539 : vector<16xf32>
        %add3A_545 = arith.addf %mul3A_543, %mul3A_544 : vector<16xf32>
        %add3A_546 = arith.addf %add3A_542, %add3A_545 : vector<16xf32>
        %mul3A_547 = arith.mulf %get3A_511, %get3A_511 : vector<16xf32>
        %mul3A_548 = arith.mulf %get3A_515, %get3A_515 : vector<16xf32>
        %add3A_549 = arith.addf %mul3A_547, %mul3A_548 : vector<16xf32>
        %mul3A_550 = arith.mulf %get3A_519, %get3A_519 : vector<16xf32>
        %mul3A_551 = arith.mulf %get3A_523, %get3A_523 : vector<16xf32>
        %add3A_552 = arith.addf %mul3A_550, %mul3A_551 : vector<16xf32>
        %add3A_553 = arith.addf %add3A_549, %add3A_552 : vector<16xf32>
        %mul3A_554 = arith.mulf %get3A_527, %get3A_527 : vector<16xf32>
        %mul3A_555 = arith.mulf %get3A_531, %get3A_531 : vector<16xf32>
        %add3A_556 = arith.addf %mul3A_554, %mul3A_555 : vector<16xf32>
        %mul3A_557 = arith.mulf %get3A_535, %get3A_535 : vector<16xf32>
        %mul3A_558 = arith.mulf %get3A_539, %get3A_539 : vector<16xf32>
        %add3A_559 = arith.addf %mul3A_557, %mul3A_558 : vector<16xf32>
        %add3A_560 = arith.addf %add3A_556, %add3A_559 : vector<16xf32>
        %add3A_561 = arith.constant 6 : i32
        %add3A_562 = arith.addi %mul3A_231, %add3A_561 : i32
        %get3A_563 = arith.index_cast %add3A_562 : i32 to index
        %get3A_564 = arith.constant 0 : index
        %get3A_565 = tpu.vector_load %arg9[%get3A_563, %get3A_564] {strides = array<i32>} : memref<256x64xf32, #tpu.memory_space<vmem>>, vector<1x16xf32>,
        %get3A_566 = vector.shape_cast %get3A_565 : vector<1x16xf32> to vector<16xf32>
        %get3A_567 = arith.index_cast %add3A_562 : i32 to index
        %get3A_568 = arith.constant 16 : index
        %get3A_569 = tpu.vector_load %arg9[%get3A_567, %get3A_568] {strides = array<i32>} : memref<256x64xf32, #tpu.memory_space<vmem>>, vector<1x16xf32>,
        %get3A_570 = vector.shape_cast %get3A_569 : vector<1x16xf32> to vector<16xf32>
        %get3A_571 = arith.index_cast %add3A_562 : i32 to index
        %get3A_572 = arith.constant 32 : index
        %get3A_573 = tpu.vector_load %arg9[%get3A_571, %get3A_572] {strides = array<i32>} : memref<256x64xf32, #tpu.memory_space<vmem>>, vector<1x16xf32>,
        %get3A_574 = vector.shape_cast %get3A_573 : vector<1x16xf32> to vector<16xf32>
        %get3A_575 = arith.index_cast %add3A_562 : i32 to index
        %get3A_576 = arith.constant 48 : index
        %get3A_577 = tpu.vector_load %arg9[%get3A_575, %get3A_576] {strides = array<i32>} : memref<256x64xf32, #tpu.memory_space<vmem>>, vector<1x16xf32>,
        %get3A_578 = vector.shape_cast %get3A_577 : vector<1x16xf32> to vector<16xf32>
        %get3A_579 = arith.index_cast %add3A_562 : i32 to index
        %get3A_580 = arith.constant 0 : index
        %get3A_581 = tpu.vector_load %arg10[%get3A_579, %get3A_580] {strides = array<i32>} : memref<256x64xf32, #tpu.memory_space<vmem>>, vector<1x16xf32>,
        %get3A_582 = vector.shape_cast %get3A_581 : vector<1x16xf32> to vector<16xf32>
        %get3A_583 = arith.index_cast %add3A_562 : i32 to index
        %get3A_584 = arith.constant 16 : index
        %get3A_585 = tpu.vector_load %arg10[%get3A_583, %get3A_584] {strides = array<i32>} : memref<256x64xf32, #tpu.memory_space<vmem>>, vector<1x16xf32>,
        %get3A_586 = vector.shape_cast %get3A_585 : vector<1x16xf32> to vector<16xf32>
        %get3A_587 = arith.index_cast %add3A_562 : i32 to index
        %get3A_588 = arith.constant 32 : index
        %get3A_589 = tpu.vector_load %arg10[%get3A_587, %get3A_588] {strides = array<i32>} : memref<256x64xf32, #tpu.memory_space<vmem>>, vector<1x16xf32>,
        %get3A_590 = vector.shape_cast %get3A_589 : vector<1x16xf32> to vector<16xf32>
        %get3A_591 = arith.index_cast %add3A_562 : i32 to index
        %get3A_592 = arith.constant 48 : index
        %get3A_593 = tpu.vector_load %arg10[%get3A_591, %get3A_592] {strides = array<i32>} : memref<256x64xf32, #tpu.memory_space<vmem>>, vector<1x16xf32>,
        %get3A_594 = vector.shape_cast %get3A_593 : vector<1x16xf32> to vector<16xf32>
        %mul3A_595 = arith.mulf %get3A_566, %get3A_582 : vector<16xf32>
        %mul3A_596 = arith.mulf %get3A_570, %get3A_586 : vector<16xf32>
        %add3A_597 = arith.addf %mul3A_595, %mul3A_596 : vector<16xf32>
        %mul3A_598 = arith.mulf %get3A_574, %get3A_590 : vector<16xf32>
        %mul3A_599 = arith.mulf %get3A_578, %get3A_594 : vector<16xf32>
        %add3A_600 = arith.addf %mul3A_598, %mul3A_599 : vector<16xf32>
        %add3A_601 = arith.addf %add3A_597, %add3A_600 : vector<16xf32>
        %mul3A_602 = arith.mulf %get3A_566, %get3A_566 : vector<16xf32>
        %mul3A_603 = arith.mulf %get3A_570, %get3A_570 : vector<16xf32>
        %add3A_604 = arith.addf %mul3A_602, %mul3A_603 : vector<16xf32>
        %mul3A_605 = arith.mulf %get3A_574, %get3A_574 : vector<16xf32>
        %mul3A_606 = arith.mulf %get3A_578, %get3A_578 : vector<16xf32>
        %add3A_607 = arith.addf %mul3A_605, %mul3A_606 : vector<16xf32>
        %add3A_608 = arith.addf %add3A_604, %add3A_607 : vector<16xf32>
        %mul3A_609 = arith.mulf %get3A_582, %get3A_582 : vector<16xf32>
        %mul3A_610 = arith.mulf %get3A_586, %get3A_586 : vector<16xf32>
        %add3A_611 = arith.addf %mul3A_609, %mul3A_610 : vector<16xf32>
        %mul3A_612 = arith.mulf %get3A_590, %get3A_590 : vector<16xf32>
        %mul3A_613 = arith.mulf %get3A_594, %get3A_594 : vector<16xf32>
        %add3A_614 = arith.addf %mul3A_612, %mul3A_613 : vector<16xf32>
        %add3A_615 = arith.addf %add3A_611, %add3A_614 : vector<16xf32>
        %add3A_616 = arith.constant 14 : i32
        %add3A_617 = arith.addi %mul3A_231, %add3A_616 : i32
        %get3A_618 = arith.index_cast %add3A_617 : i32 to index
        %get3A_619 = arith.constant 0 : index
        %get3A_620 = tpu.vector_load %arg9[%get3A_618, %get3A_619] {strides = array<i32>} : memref<256x64xf32, #tpu.memory_space<vmem>>, vector<1x16xf32>,
        %get3A_621 = vector.shape_cast %get3A_620 : vector<1x16xf32> to vector<16xf32>
        %get3A_622 = arith.index_cast %add3A_617 : i32 to index
        %get3A_623 = arith.constant 16 : index
        %get3A_624 = tpu.vector_load %arg9[%get3A_622, %get3A_623] {strides = array<i32>} : memref<256x64xf32, #tpu.memory_space<vmem>>, vector<1x16xf32>,
        %get3A_625 = vector.shape_cast %get3A_624 : vector<1x16xf32> to vector<16xf32>
        %get3A_626 = arith.index_cast %add3A_617 : i32 to index
        %get3A_627 = arith.constant 32 : index
        %get3A_628 = tpu.vector_load %arg9[%get3A_626, %get3A_627] {strides = array<i32>} : memref<256x64xf32, #tpu.memory_space<vmem>>, vector<1x16xf32>,
        %get3A_629 = vector.shape_cast %get3A_628 : vector<1x16xf32> to vector<16xf32>
        %get3A_630 = arith.index_cast %add3A_617 : i32 to index
        %get3A_631 = arith.constant 48 : index
        %get3A_632 = tpu.vector_load %arg9[%get3A_630, %get3A_631] {strides = array<i32>} : memref<256x64xf32, #tpu.memory_space<vmem>>, vector<1x16xf32>,
        %get3A_633 = vector.shape_cast %get3A_632 : vector<1x16xf32> to vector<16xf32>
        %get3A_634 = arith.index_cast %add3A_617 : i32 to index
        %get3A_635 = arith.constant 0 : index
        %get3A_636 = tpu.vector_load %arg10[%get3A_634, %get3A_635] {strides = array<i32>} : memref<256x64xf32, #tpu.memory_space<vmem>>, vector<1x16xf32>,
        %get3A_637 = vector.shape_cast %get3A_636 : vector<1x16xf32> to vector<16xf32>
        %get3A_638 = arith.index_cast %add3A_617 : i32 to index
        %get3A_639 = arith.constant 16 : index
        %get3A_640 = tpu.vector_load %arg10[%get3A_638, %get3A_639] {strides = array<i32>} : memref<256x64xf32, #tpu.memory_space<vmem>>, vector<1x16xf32>,
        %get3A_641 = vector.shape_cast %get3A_640 : vector<1x16xf32> to vector<16xf32>
        %get3A_642 = arith.index_cast %add3A_617 : i32 to index
        %get3A_643 = arith.constant 32 : index
        %get3A_644 = tpu.vector_load %arg10[%get3A_642, %get3A_643] {strides = array<i32>} : memref<256x64xf32, #tpu.memory_space<vmem>>, vector<1x16xf32>,
        %get3A_645 = vector.shape_cast %get3A_644 : vector<1x16xf32> to vector<16xf32>
        %get3A_646 = arith.index_cast %add3A_617 : i32 to index
        %get3A_647 = arith.constant 48 : index
        %get3A_648 = tpu.vector_load %arg10[%get3A_646, %get3A_647] {strides = array<i32>} : memref<256x64xf32, #tpu.memory_space<vmem>>, vector<1x16xf32>,
        %get3A_649 = vector.shape_cast %get3A_648 : vector<1x16xf32> to vector<16xf32>
        %mul3A_650 = arith.mulf %get3A_621, %get3A_637 : vector<16xf32>
        %mul3A_651 = arith.mulf %get3A_625, %get3A_641 : vector<16xf32>
        %add3A_652 = arith.addf %mul3A_650, %mul3A_651 : vector<16xf32>
        %mul3A_653 = arith.mulf %get3A_629, %get3A_645 : vector<16xf32>
        %mul3A_654 = arith.mulf %get3A_633, %get3A_649 : vector<16xf32>
        %add3A_655 = arith.addf %mul3A_653, %mul3A_654 : vector<16xf32>
        %add3A_656 = arith.addf %add3A_652, %add3A_655 : vector<16xf32>
        %mul3A_657 = arith.mulf %get3A_621, %get3A_621 : vector<16xf32>
        %mul3A_658 = arith.mulf %get3A_625, %get3A_625 : vector<16xf32>
        %add3A_659 = arith.addf %mul3A_657, %mul3A_658 : vector<16xf32>
        %mul3A_660 = arith.mulf %get3A_629, %get3A_629 : vector<16xf32>
        %mul3A_661 = arith.mulf %get3A_633, %get3A_633 : vector<16xf32>
        %add3A_662 = arith.addf %mul3A_660, %mul3A_661 : vector<16xf32>
        %add3A_663 = arith.addf %add3A_659, %add3A_662 : vector<16xf32>
        %mul3A_664 = arith.mulf %get3A_637, %get3A_637 : vector<16xf32>
        %mul3A_665 = arith.mulf %get3A_641, %get3A_641 : vector<16xf32>
        %add3A_666 = arith.addf %mul3A_664, %mul3A_665 : vector<16xf32>
        %mul3A_667 = arith.mulf %get3A_645, %get3A_645 : vector<16xf32>
        %mul3A_668 = arith.mulf %get3A_649, %get3A_649 : vector<16xf32>
        %add3A_669 = arith.addf %mul3A_667, %mul3A_668 : vector<16xf32>
        %add3A_670 = arith.addf %add3A_666, %add3A_669 : vector<16xf32>
        %add3A_671 = arith.constant 1 : i32
        %add3A_672 = arith.addi %mul3A_231, %add3A_671 : i32
        %get3A_673 = arith.index_cast %add3A_672 : i32 to index
        %get3A_674 = arith.constant 0 : index
        %get3A_675 = tpu.vector_load %arg9[%get3A_673, %get3A_674] {strides = array<i32>} : memref<256x64xf32, #tpu.memory_space<vmem>>, vector<1x16xf32>,
        %get3A_676 = vector.shape_cast %get3A_675 : vector<1x16xf32> to vector<16xf32>
        %get3A_677 = arith.index_cast %add3A_672 : i32 to index
        %get3A_678 = arith.constant 16 : index
        %get3A_679 = tpu.vector_load %arg9[%get3A_677, %get3A_678] {strides = array<i32>} : memref<256x64xf32, #tpu.memory_space<vmem>>, vector<1x16xf32>,
        %get3A_680 = vector.shape_cast %get3A_679 : vector<1x16xf32> to vector<16xf32>
        %get3A_681 = arith.index_cast %add3A_672 : i32 to index
        %get3A_682 = arith.constant 32 : index
        %get3A_683 = tpu.vector_load %arg9[%get3A_681, %get3A_682] {strides = array<i32>} : memref<256x64xf32, #tpu.memory_space<vmem>>, vector<1x16xf32>,
        %get3A_684 = vector.shape_cast %get3A_683 : vector<1x16xf32> to vector<16xf32>
        %get3A_685 = arith.index_cast %add3A_672 : i32 to index
        %get3A_686 = arith.constant 48 : index
        %get3A_687 = tpu.vector_load %arg9[%get3A_685, %get3A_686] {strides = array<i32>} : memref<256x64xf32, #tpu.memory_space<vmem>>, vector<1x16xf32>,
        %get3A_688 = vector.shape_cast %get3A_687 : vector<1x16xf32> to vector<16xf32>
        %get3A_689 = arith.index_cast %add3A_672 : i32 to index
        %get3A_690 = arith.constant 0 : index
        %get3A_691 = tpu.vector_load %arg10[%get3A_689, %get3A_690] {strides = array<i32>} : memref<256x64xf32, #tpu.memory_space<vmem>>, vector<1x16xf32>,
        %get3A_692 = vector.shape_cast %get3A_691 : vector<1x16xf32> to vector<16xf32>
        %get3A_693 = arith.index_cast %add3A_672 : i32 to index
        %get3A_694 = arith.constant 16 : index
        %get3A_695 = tpu.vector_load %arg10[%get3A_693, %get3A_694] {strides = array<i32>} : memref<256x64xf32, #tpu.memory_space<vmem>>, vector<1x16xf32>,
        %get3A_696 = vector.shape_cast %get3A_695 : vector<1x16xf32> to vector<16xf32>
        %get3A_697 = arith.index_cast %add3A_672 : i32 to index
        %get3A_698 = arith.constant 32 : index
        %get3A_699 = tpu.vector_load %arg10[%get3A_697, %get3A_698] {strides = array<i32>} : memref<256x64xf32, #tpu.memory_space<vmem>>, vector<1x16xf32>,
        %get3A_700 = vector.shape_cast %get3A_699 : vector<1x16xf32> to vector<16xf32>
        %get3A_701 = arith.index_cast %add3A_672 : i32 to index
        %get3A_702 = arith.constant 48 : index
        %get3A_703 = tpu.vector_load %arg10[%get3A_701, %get3A_702] {strides = array<i32>} : memref<256x64xf32, #tpu.memory_space<vmem>>, vector<1x16xf32>,
        %get3A_704 = vector.shape_cast %get3A_703 : vector<1x16xf32> to vector<16xf32>
        %mul3A_705 = arith.mulf %get3A_676, %get3A_692 : vector<16xf32>
        %mul3A_706 = arith.mulf %get3A_680, %get3A_696 : vector<16xf32>
        %add3A_707 = arith.addf %mul3A_705, %mul3A_706 : vector<16xf32>
        %mul3A_708 = arith.mulf %get3A_684, %get3A_700 : vector<16xf32>
        %mul3A_709 = arith.mulf %get3A_688, %get3A_704 : vector<16xf32>
        %add3A_710 = arith.addf %mul3A_708, %mul3A_709 : vector<16xf32>
        %add3A_711 = arith.addf %add3A_707, %add3A_710 : vector<16xf32>
        %mul3A_712 = arith.mulf %get3A_676, %get3A_676 : vector<16xf32>
        %mul3A_713 = arith.mulf %get3A_680, %get3A_680 : vector<16xf32>
        %add3A_714 = arith.addf %mul3A_712, %mul3A_713 : vector<16xf32>
        %mul3A_715 = arith.mulf %get3A_684, %get3A_684 : vector<16xf32>
        %mul3A_716 = arith.mulf %get3A_688, %get3A_688 : vector<16xf32>
        %add3A_717 = arith.addf %mul3A_715, %mul3A_716 : vector<16xf32>
        %add3A_718 = arith.addf %add3A_714, %add3A_717 : vector<16xf32>
        %mul3A_719 = arith.mulf %get3A_692, %get3A_692 : vector<16xf32>
        %mul3A_720 = arith.mulf %get3A_696, %get3A_696 : vector<16xf32>
        %add3A_721 = arith.addf %mul3A_719, %mul3A_720 : vector<16xf32>
        %mul3A_722 = arith.mulf %get3A_700, %get3A_700 : vector<16xf32>
        %mul3A_723 = arith.mulf %get3A_704, %get3A_704 : vector<16xf32>
        %add3A_724 = arith.addf %mul3A_722, %mul3A_723 : vector<16xf32>
        %add3A_725 = arith.addf %add3A_721, %add3A_724 : vector<16xf32>
        %add3A_726 = arith.constant 9 : i32
        %add3A_727 = arith.addi %mul3A_231, %add3A_726 : i32
        %get3A_728 = arith.index_cast %add3A_727 : i32 to index
        %get3A_729 = arith.constant 0 : index
        %get3A_730 = tpu.vector_load %arg9[%get3A_728, %get3A_729] {strides = array<i32>} : memref<256x64xf32, #tpu.memory_space<vmem>>, vector<1x16xf32>,
        %get3A_731 = vector.shape_cast %get3A_730 : vector<1x16xf32> to vector<16xf32>
        %get3A_732 = arith.index_cast %add3A_727 : i32 to index
        %get3A_733 = arith.constant 16 : index
        %get3A_734 = tpu.vector_load %arg9[%get3A_732, %get3A_733] {strides = array<i32>} : memref<256x64xf32, #tpu.memory_space<vmem>>, vector<1x16xf32>,
        %get3A_735 = vector.shape_cast %get3A_734 : vector<1x16xf32> to vector<16xf32>
        %get3A_736 = arith.index_cast %add3A_727 : i32 to index
        %get3A_737 = arith.constant 32 : index
        %get3A_738 = tpu.vector_load %arg9[%get3A_736, %get3A_737] {strides = array<i32>} : memref<256x64xf32, #tpu.memory_space<vmem>>, vector<1x16xf32>,
        %get3A_739 = vector.shape_cast %get3A_738 : vector<1x16xf32> to vector<16xf32>
        %get3A_740 = arith.index_cast %add3A_727 : i32 to index
        %get3A_741 = arith.constant 48 : index
        %get3A_742 = tpu.vector_load %arg9[%get3A_740, %get3A_741] {strides = array<i32>} : memref<256x64xf32, #tpu.memory_space<vmem>>, vector<1x16xf32>,
        %get3A_743 = vector.shape_cast %get3A_742 : vector<1x16xf32> to vector<16xf32>
        %get3A_744 = arith.index_cast %add3A_727 : i32 to index
        %get3A_745 = arith.constant 0 : index
        %get3A_746 = tpu.vector_load %arg10[%get3A_744, %get3A_745] {strides = array<i32>} : memref<256x64xf32, #tpu.memory_space<vmem>>, vector<1x16xf32>,
        %get3A_747 = vector.shape_cast %get3A_746 : vector<1x16xf32> to vector<16xf32>
        %get3A_748 = arith.index_cast %add3A_727 : i32 to index
        %get3A_749 = arith.constant 16 : index
        %get3A_750 = tpu.vector_load %arg10[%get3A_748, %get3A_749] {strides = array<i32>} : memref<256x64xf32, #tpu.memory_space<vmem>>, vector<1x16xf32>,
        %get3A_751 = vector.shape_cast %get3A_750 : vector<1x16xf32> to vector<16xf32>
        %get3A_752 = arith.index_cast %add3A_727 : i32 to index
        %get3A_753 = arith.constant 32 : index
        %get3A_754 = tpu.vector_load %arg10[%get3A_752, %get3A_753] {strides = array<i32>} : memref<256x64xf32, #tpu.memory_space<vmem>>, vector<1x16xf32>,
        %get3A_755 = vector.shape_cast %get3A_754 : vector<1x16xf32> to vector<16xf32>
        %get3A_756 = arith.index_cast %add3A_727 : i32 to index
        %get3A_757 = arith.constant 48 : index
        %get3A_758 = tpu.vector_load %arg10[%get3A_756, %get3A_757] {strides = array<i32>} : memref<256x64xf32, #tpu.memory_space<vmem>>, vector<1x16xf32>,
        %get3A_759 = vector.shape_cast %get3A_758 : vector<1x16xf32> to vector<16xf32>
        %mul3A_760 = arith.mulf %get3A_731, %get3A_747 : vector<16xf32>
        %mul3A_761 = arith.mulf %get3A_735, %get3A_751 : vector<16xf32>
        %add3A_762 = arith.addf %mul3A_760, %mul3A_761 : vector<16xf32>
        %mul3A_763 = arith.mulf %get3A_739, %get3A_755 : vector<16xf32>
        %mul3A_764 = arith.mulf %get3A_743, %get3A_759 : vector<16xf32>
        %add3A_765 = arith.addf %mul3A_763, %mul3A_764 : vector<16xf32>
        %add3A_766 = arith.addf %add3A_762, %add3A_765 : vector<16xf32>
        %mul3A_767 = arith.mulf %get3A_731, %get3A_731 : vector<16xf32>
        %mul3A_768 = arith.mulf %get3A_735, %get3A_735 : vector<16xf32>
        %add3A_769 = arith.addf %mul3A_767, %mul3A_768 : vector<16xf32>
        %mul3A_770 = arith.mulf %get3A_739, %get3A_739 : vector<16xf32>
        %mul3A_771 = arith.mulf %get3A_743, %get3A_743 : vector<16xf32>
        %add3A_772 = arith.addf %mul3A_770, %mul3A_771 : vector<16xf32>
        %add3A_773 = arith.addf %add3A_769, %add3A_772 : vector<16xf32>
        %mul3A_774 = arith.mulf %get3A_747, %get3A_747 : vector<16xf32>
        %mul3A_775 = arith.mulf %get3A_751, %get3A_751 : vector<16xf32>
        %add3A_776 = arith.addf %mul3A_774, %mul3A_775 : vector<16xf32>
        %mul3A_777 = arith.mulf %get3A_755, %get3A_755 : vector<16xf32>
        %mul3A_778 = arith.mulf %get3A_759, %get3A_759 : vector<16xf32>
        %add3A_779 = arith.addf %mul3A_777, %mul3A_778 : vector<16xf32>
        %add3A_780 = arith.addf %add3A_776, %add3A_779 : vector<16xf32>
        %add3A_781 = arith.constant 5 : i32
        %add3A_782 = arith.addi %mul3A_231, %add3A_781 : i32
        %get3A_783 = arith.index_cast %add3A_782 : i32 to index
        %get3A_784 = arith.constant 0 : index
        %get3A_785 = tpu.vector_load %arg9[%get3A_783, %get3A_784] {strides = array<i32>} : memref<256x64xf32, #tpu.memory_space<vmem>>, vector<1x16xf32>,
        %get3A_786 = vector.shape_cast %get3A_785 : vector<1x16xf32> to vector<16xf32>
        %get3A_787 = arith.index_cast %add3A_782 : i32 to index
        %get3A_788 = arith.constant 16 : index
        %get3A_789 = tpu.vector_load %arg9[%get3A_787, %get3A_788] {strides = array<i32>} : memref<256x64xf32, #tpu.memory_space<vmem>>, vector<1x16xf32>,
        %get3A_790 = vector.shape_cast %get3A_789 : vector<1x16xf32> to vector<16xf32>
        %get3A_791 = arith.index_cast %add3A_782 : i32 to index
        %get3A_792 = arith.constant 32 : index
        %get3A_793 = tpu.vector_load %arg9[%get3A_791, %get3A_792] {strides = array<i32>} : memref<256x64xf32, #tpu.memory_space<vmem>>, vector<1x16xf32>,
        %get3A_794 = vector.shape_cast %get3A_793 : vector<1x16xf32> to vector<16xf32>
        %get3A_795 = arith.index_cast %add3A_782 : i32 to index
        %get3A_796 = arith.constant 48 : index
        %get3A_797 = tpu.vector_load %arg9[%get3A_795, %get3A_796] {strides = array<i32>} : memref<256x64xf32, #tpu.memory_space<vmem>>, vector<1x16xf32>,
        %get3A_798 = vector.shape_cast %get3A_797 : vector<1x16xf32> to vector<16xf32>
        %get3A_799 = arith.index_cast %add3A_782 : i32 to index
        %get3A_800 = arith.constant 0 : index
        %get3A_801 = tpu.vector_load %arg10[%get3A_799, %get3A_800] {strides = array<i32>} : memref<256x64xf32, #tpu.memory_space<vmem>>, vector<1x16xf32>,
        %get3A_802 = vector.shape_cast %get3A_801 : vector<1x16xf32> to vector<16xf32>
        %get3A_803 = arith.index_cast %add3A_782 : i32 to index
        %get3A_804 = arith.constant 16 : index
        %get3A_805 = tpu.vector_load %arg10[%get3A_803, %get3A_804] {strides = array<i32>} : memref<256x64xf32, #tpu.memory_space<vmem>>, vector<1x16xf32>,
        %get3A_806 = vector.shape_cast %get3A_805 : vector<1x16xf32> to vector<16xf32>
        %get3A_807 = arith.index_cast %add3A_782 : i32 to index
        %get3A_808 = arith.constant 32 : index
        %get3A_809 = tpu.vector_load %arg10[%get3A_807, %get3A_808] {strides = array<i32>} : memref<256x64xf32, #tpu.memory_space<vmem>>, vector<1x16xf32>,
        %get3A_810 = vector.shape_cast %get3A_809 : vector<1x16xf32> to vector<16xf32>
        %get3A_811 = arith.index_cast %add3A_782 : i32 to index
        %get3A_812 = arith.constant 48 : index
        %get3A_813 = tpu.vector_load %arg10[%get3A_811, %get3A_812] {strides = array<i32>} : memref<256x64xf32, #tpu.memory_space<vmem>>, vector<1x16xf32>,
        %get3A_814 = vector.shape_cast %get3A_813 : vector<1x16xf32> to vector<16xf32>
        %mul3A_815 = arith.mulf %get3A_786, %get3A_802 : vector<16xf32>
        %mul3A_816 = arith.mulf %get3A_790, %get3A_806 : vector<16xf32>
        %add3A_817 = arith.addf %mul3A_815, %mul3A_816 : vector<16xf32>
        %mul3A_818 = arith.mulf %get3A_794, %get3A_810 : vector<16xf32>
        %mul3A_819 = arith.mulf %get3A_798, %get3A_814 : vector<16xf32>
        %add3A_820 = arith.addf %mul3A_818, %mul3A_819 : vector<16xf32>
        %add3A_821 = arith.addf %add3A_817, %add3A_820 : vector<16xf32>
        %mul3A_822 = arith.mulf %get3A_786, %get3A_786 : vector<16xf32>
        %mul3A_823 = arith.mulf %get3A_790, %get3A_790 : vector<16xf32>
        %add3A_824 = arith.addf %mul3A_822, %mul3A_823 : vector<16xf32>
        %mul3A_825 = arith.mulf %get3A_794, %get3A_794 : vector<16xf32>
        %mul3A_826 = arith.mulf %get3A_798, %get3A_798 : vector<16xf32>
        %add3A_827 = arith.addf %mul3A_825, %mul3A_826 : vector<16xf32>
        %add3A_828 = arith.addf %add3A_824, %add3A_827 : vector<16xf32>
        %mul3A_829 = arith.mulf %get3A_802, %get3A_802 : vector<16xf32>
        %mul3A_830 = arith.mulf %get3A_806, %get3A_806 : vector<16xf32>
        %add3A_831 = arith.addf %mul3A_829, %mul3A_830 : vector<16xf32>
        %mul3A_832 = arith.mulf %get3A_810, %get3A_810 : vector<16xf32>
        %mul3A_833 = arith.mulf %get3A_814, %get3A_814 : vector<16xf32>
        %add3A_834 = arith.addf %mul3A_832, %mul3A_833 : vector<16xf32>
        %add3A_835 = arith.addf %add3A_831, %add3A_834 : vector<16xf32>
        %add3A_836 = arith.constant 13 : i32
        %add3A_837 = arith.addi %mul3A_231, %add3A_836 : i32
        %get3A_838 = arith.index_cast %add3A_837 : i32 to index
        %get3A_839 = arith.constant 0 : index
        %get3A_840 = tpu.vector_load %arg9[%get3A_838, %get3A_839] {strides = array<i32>} : memref<256x64xf32, #tpu.memory_space<vmem>>, vector<1x16xf32>,
        %get3A_841 = vector.shape_cast %get3A_840 : vector<1x16xf32> to vector<16xf32>
        %get3A_842 = arith.index_cast %add3A_837 : i32 to index
        %get3A_843 = arith.constant 16 : index
        %get3A_844 = tpu.vector_load %arg9[%get3A_842, %get3A_843] {strides = array<i32>} : memref<256x64xf32, #tpu.memory_space<vmem>>, vector<1x16xf32>,
        %get3A_845 = vector.shape_cast %get3A_844 : vector<1x16xf32> to vector<16xf32>
        %get3A_846 = arith.index_cast %add3A_837 : i32 to index
        %get3A_847 = arith.constant 32 : index
        %get3A_848 = tpu.vector_load %arg9[%get3A_846, %get3A_847] {strides = array<i32>} : memref<256x64xf32, #tpu.memory_space<vmem>>, vector<1x16xf32>,
        %get3A_849 = vector.shape_cast %get3A_848 : vector<1x16xf32> to vector<16xf32>
        %get3A_850 = arith.index_cast %add3A_837 : i32 to index
        %get3A_851 = arith.constant 48 : index
        %get3A_852 = tpu.vector_load %arg9[%get3A_850, %get3A_851] {strides = array<i32>} : memref<256x64xf32, #tpu.memory_space<vmem>>, vector<1x16xf32>,
        %get3A_853 = vector.shape_cast %get3A_852 : vector<1x16xf32> to vector<16xf32>
        %get3A_854 = arith.index_cast %add3A_837 : i32 to index
        %get3A_855 = arith.constant 0 : index
        %get3A_856 = tpu.vector_load %arg10[%get3A_854, %get3A_855] {strides = array<i32>} : memref<256x64xf32, #tpu.memory_space<vmem>>, vector<1x16xf32>,
        %get3A_857 = vector.shape_cast %get3A_856 : vector<1x16xf32> to vector<16xf32>
        %get3A_858 = arith.index_cast %add3A_837 : i32 to index
        %get3A_859 = arith.constant 16 : index
        %get3A_860 = tpu.vector_load %arg10[%get3A_858, %get3A_859] {strides = array<i32>} : memref<256x64xf32, #tpu.memory_space<vmem>>, vector<1x16xf32>,
        %get3A_861 = vector.shape_cast %get3A_860 : vector<1x16xf32> to vector<16xf32>
        %get3A_862 = arith.index_cast %add3A_837 : i32 to index
        %get3A_863 = arith.constant 32 : index
        %get3A_864 = tpu.vector_load %arg10[%get3A_862, %get3A_863] {strides = array<i32>} : memref<256x64xf32, #tpu.memory_space<vmem>>, vector<1x16xf32>,
        %get3A_865 = vector.shape_cast %get3A_864 : vector<1x16xf32> to vector<16xf32>
        %get3A_866 = arith.index_cast %add3A_837 : i32 to index
        %get3A_867 = arith.constant 48 : index
        %get3A_868 = tpu.vector_load %arg10[%get3A_866, %get3A_867] {strides = array<i32>} : memref<256x64xf32, #tpu.memory_space<vmem>>, vector<1x16xf32>,
        %get3A_869 = vector.shape_cast %get3A_868 : vector<1x16xf32> to vector<16xf32>
        %mul3A_870 = arith.mulf %get3A_841, %get3A_857 : vector<16xf32>
        %mul3A_871 = arith.mulf %get3A_845, %get3A_861 : vector<16xf32>
        %add3A_872 = arith.addf %mul3A_870, %mul3A_871 : vector<16xf32>
        %mul3A_873 = arith.mulf %get3A_849, %get3A_865 : vector<16xf32>
        %mul3A_874 = arith.mulf %get3A_853, %get3A_869 : vector<16xf32>
        %add3A_875 = arith.addf %mul3A_873, %mul3A_874 : vector<16xf32>
        %add3A_876 = arith.addf %add3A_872, %add3A_875 : vector<16xf32>
        %mul3A_877 = arith.mulf %get3A_841, %get3A_841 : vector<16xf32>
        %mul3A_878 = arith.mulf %get3A_845, %get3A_845 : vector<16xf32>
        %add3A_879 = arith.addf %mul3A_877, %mul3A_878 : vector<16xf32>
        %mul3A_880 = arith.mulf %get3A_849, %get3A_849 : vector<16xf32>
        %mul3A_881 = arith.mulf %get3A_853, %get3A_853 : vector<16xf32>
        %add3A_882 = arith.addf %mul3A_880, %mul3A_881 : vector<16xf32>
        %add3A_883 = arith.addf %add3A_879, %add3A_882 : vector<16xf32>
        %mul3A_884 = arith.mulf %get3A_857, %get3A_857 : vector<16xf32>
        %mul3A_885 = arith.mulf %get3A_861, %get3A_861 : vector<16xf32>
        %add3A_886 = arith.addf %mul3A_884, %mul3A_885 : vector<16xf32>
        %mul3A_887 = arith.mulf %get3A_865, %get3A_865 : vector<16xf32>
        %mul3A_888 = arith.mulf %get3A_869, %get3A_869 : vector<16xf32>
        %add3A_889 = arith.addf %mul3A_887, %mul3A_888 : vector<16xf32>
        %add3A_890 = arith.addf %add3A_886, %add3A_889 : vector<16xf32>
        %add3A_891 = arith.constant 3 : i32
        %add3A_892 = arith.addi %mul3A_231, %add3A_891 : i32
        %get3A_893 = arith.index_cast %add3A_892 : i32 to index
        %get3A_894 = arith.constant 0 : index
        %get3A_895 = tpu.vector_load %arg9[%get3A_893, %get3A_894] {strides = array<i32>} : memref<256x64xf32, #tpu.memory_space<vmem>>, vector<1x16xf32>,
        %get3A_896 = vector.shape_cast %get3A_895 : vector<1x16xf32> to vector<16xf32>
        %get3A_897 = arith.index_cast %add3A_892 : i32 to index
        %get3A_898 = arith.constant 16 : index
        %get3A_899 = tpu.vector_load %arg9[%get3A_897, %get3A_898] {strides = array<i32>} : memref<256x64xf32, #tpu.memory_space<vmem>>, vector<1x16xf32>,
        %get3A_900 = vector.shape_cast %get3A_899 : vector<1x16xf32> to vector<16xf32>
        %get3A_901 = arith.index_cast %add3A_892 : i32 to index
        %get3A_902 = arith.constant 32 : index
        %get3A_903 = tpu.vector_load %arg9[%get3A_901, %get3A_902] {strides = array<i32>} : memref<256x64xf32, #tpu.memory_space<vmem>>, vector<1x16xf32>,
        %get3A_904 = vector.shape_cast %get3A_903 : vector<1x16xf32> to vector<16xf32>
        %get3A_905 = arith.index_cast %add3A_892 : i32 to index
        %get3A_906 = arith.constant 48 : index
        %get3A_907 = tpu.vector_load %arg9[%get3A_905, %get3A_906] {strides = array<i32>} : memref<256x64xf32, #tpu.memory_space<vmem>>, vector<1x16xf32>,
        %get3A_908 = vector.shape_cast %get3A_907 : vector<1x16xf32> to vector<16xf32>
        %get3A_909 = arith.index_cast %add3A_892 : i32 to index
        %get3A_910 = arith.constant 0 : index
        %get3A_911 = tpu.vector_load %arg10[%get3A_909, %get3A_910] {strides = array<i32>} : memref<256x64xf32, #tpu.memory_space<vmem>>, vector<1x16xf32>,
        %get3A_912 = vector.shape_cast %get3A_911 : vector<1x16xf32> to vector<16xf32>
        %get3A_913 = arith.index_cast %add3A_892 : i32 to index
        %get3A_914 = arith.constant 16 : index
        %get3A_915 = tpu.vector_load %arg10[%get3A_913, %get3A_914] {strides = array<i32>} : memref<256x64xf32, #tpu.memory_space<vmem>>, vector<1x16xf32>,
        %get3A_916 = vector.shape_cast %get3A_915 : vector<1x16xf32> to vector<16xf32>
        %get3A_917 = arith.index_cast %add3A_892 : i32 to index
        %get3A_918 = arith.constant 32 : index
        %get3A_919 = tpu.vector_load %arg10[%get3A_917, %get3A_918] {strides = array<i32>} : memref<256x64xf32, #tpu.memory_space<vmem>>, vector<1x16xf32>,
        %get3A_920 = vector.shape_cast %get3A_919 : vector<1x16xf32> to vector<16xf32>
        %get3A_921 = arith.index_cast %add3A_892 : i32 to index
        %get3A_922 = arith.constant 48 : index
        %get3A_923 = tpu.vector_load %arg10[%get3A_921, %get3A_922] {strides = array<i32>} : memref<256x64xf32, #tpu.memory_space<vmem>>, vector<1x16xf32>,
        %get3A_924 = vector.shape_cast %get3A_923 : vector<1x16xf32> to vector<16xf32>
        %mul3A_925 = arith.mulf %get3A_896, %get3A_912 : vector<16xf32>
        %mul3A_926 = arith.mulf %get3A_900, %get3A_916 : vector<16xf32>
        %add3A_927 = arith.addf %mul3A_925, %mul3A_926 : vector<16xf32>
        %mul3A_928 = arith.mulf %get3A_904, %get3A_920 : vector<16xf32>
        %mul3A_929 = arith.mulf %get3A_908, %get3A_924 : vector<16xf32>
        %add3A_930 = arith.addf %mul3A_928, %mul3A_929 : vector<16xf32>
        %add3A_931 = arith.addf %add3A_927, %add3A_930 : vector<16xf32>
        %mul3A_932 = arith.mulf %get3A_896, %get3A_896 : vector<16xf32>
        %mul3A_933 = arith.mulf %get3A_900, %get3A_900 : vector<16xf32>
        %add3A_934 = arith.addf %mul3A_932, %mul3A_933 : vector<16xf32>
        %mul3A_935 = arith.mulf %get3A_904, %get3A_904 : vector<16xf32>
        %mul3A_936 = arith.mulf %get3A_908, %get3A_908 : vector<16xf32>
        %add3A_937 = arith.addf %mul3A_935, %mul3A_936 : vector<16xf32>
        %add3A_938 = arith.addf %add3A_934, %add3A_937 : vector<16xf32>
        %mul3A_939 = arith.mulf %get3A_912, %get3A_912 : vector<16xf32>
        %mul3A_940 = arith.mulf %get3A_916, %get3A_916 : vector<16xf32>
        %add3A_941 = arith.addf %mul3A_939, %mul3A_940 : vector<16xf32>
        %mul3A_942 = arith.mulf %get3A_920, %get3A_920 : vector<16xf32>
        %mul3A_943 = arith.mulf %get3A_924, %get3A_924 : vector<16xf32>
        %add3A_944 = arith.addf %mul3A_942, %mul3A_943 : vector<16xf32>
        %add3A_945 = arith.addf %add3A_941, %add3A_944 : vector<16xf32>
        %add3A_946 = arith.constant 11 : i32
        %add3A_947 = arith.addi %mul3A_231, %add3A_946 : i32
        %get3A_948 = arith.index_cast %add3A_947 : i32 to index
        %get3A_949 = arith.constant 0 : index
        %get3A_950 = tpu.vector_load %arg9[%get3A_948, %get3A_949] {strides = array<i32>} : memref<256x64xf32, #tpu.memory_space<vmem>>, vector<1x16xf32>,
        %get3A_951 = vector.shape_cast %get3A_950 : vector<1x16xf32> to vector<16xf32>
        %get3A_952 = arith.index_cast %add3A_947 : i32 to index
        %get3A_953 = arith.constant 16 : index
        %get3A_954 = tpu.vector_load %arg9[%get3A_952, %get3A_953] {strides = array<i32>} : memref<256x64xf32, #tpu.memory_space<vmem>>, vector<1x16xf32>,
        %get3A_955 = vector.shape_cast %get3A_954 : vector<1x16xf32> to vector<16xf32>
        %get3A_956 = arith.index_cast %add3A_947 : i32 to index
        %get3A_957 = arith.constant 32 : index
        %get3A_958 = tpu.vector_load %arg9[%get3A_956, %get3A_957] {strides = array<i32>} : memref<256x64xf32, #tpu.memory_space<vmem>>, vector<1x16xf32>,
        %get3A_959 = vector.shape_cast %get3A_958 : vector<1x16xf32> to vector<16xf32>
        %get3A_960 = arith.index_cast %add3A_947 : i32 to index
        %get3A_961 = arith.constant 48 : index
        %get3A_962 = tpu.vector_load %arg9[%get3A_960, %get3A_961] {strides = array<i32>} : memref<256x64xf32, #tpu.memory_space<vmem>>, vector<1x16xf32>,
        %get3A_963 = vector.shape_cast %get3A_962 : vector<1x16xf32> to vector<16xf32>
        %get3A_964 = arith.index_cast %add3A_947 : i32 to index
        %get3A_965 = arith.constant 0 : index
        %get3A_966 = tpu.vector_load %arg10[%get3A_964, %get3A_965] {strides = array<i32>} : memref<256x64xf32, #tpu.memory_space<vmem>>, vector<1x16xf32>,
        %get3A_967 = vector.shape_cast %get3A_966 : vector<1x16xf32> to vector<16xf32>
        %get3A_968 = arith.index_cast %add3A_947 : i32 to index
        %get3A_969 = arith.constant 16 : index
        %get3A_970 = tpu.vector_load %arg10[%get3A_968, %get3A_969] {strides = array<i32>} : memref<256x64xf32, #tpu.memory_space<vmem>>, vector<1x16xf32>,
        %get3A_971 = vector.shape_cast %get3A_970 : vector<1x16xf32> to vector<16xf32>
        %get3A_972 = arith.index_cast %add3A_947 : i32 to index
        %get3A_973 = arith.constant 32 : index
        %get3A_974 = tpu.vector_load %arg10[%get3A_972, %get3A_973] {strides = array<i32>} : memref<256x64xf32, #tpu.memory_space<vmem>>, vector<1x16xf32>,
        %get3A_975 = vector.shape_cast %get3A_974 : vector<1x16xf32> to vector<16xf32>
        %get3A_976 = arith.index_cast %add3A_947 : i32 to index
        %get3A_977 = arith.constant 48 : index
        %get3A_978 = tpu.vector_load %arg10[%get3A_976, %get3A_977] {strides = array<i32>} : memref<256x64xf32, #tpu.memory_space<vmem>>, vector<1x16xf32>,
        %get3A_979 = vector.shape_cast %get3A_978 : vector<1x16xf32> to vector<16xf32>
        %mul3A_980 = arith.mulf %get3A_951, %get3A_967 : vector<16xf32>
        %mul3A_981 = arith.mulf %get3A_955, %get3A_971 : vector<16xf32>
        %add3A_982 = arith.addf %mul3A_980, %mul3A_981 : vector<16xf32>
        %mul3A_983 = arith.mulf %get3A_959, %get3A_975 : vector<16xf32>
        %mul3A_984 = arith.mulf %get3A_963, %get3A_979 : vector<16xf32>
        %add3A_985 = arith.addf %mul3A_983, %mul3A_984 : vector<16xf32>
        %add3A_986 = arith.addf %add3A_982, %add3A_985 : vector<16xf32>
        %mul3A_987 = arith.mulf %get3A_951, %get3A_951 : vector<16xf32>
        %mul3A_988 = arith.mulf %get3A_955, %get3A_955 : vector<16xf32>
        %add3A_989 = arith.addf %mul3A_987, %mul3A_988 : vector<16xf32>
        %mul3A_990 = arith.mulf %get3A_959, %get3A_959 : vector<16xf32>
        %mul3A_991 = arith.mulf %get3A_963, %get3A_963 : vector<16xf32>
        %add3A_992 = arith.addf %mul3A_990, %mul3A_991 : vector<16xf32>
        %add3A_993 = arith.addf %add3A_989, %add3A_992 : vector<16xf32>
        %mul3A_994 = arith.mulf %get3A_967, %get3A_967 : vector<16xf32>
        %mul3A_995 = arith.mulf %get3A_971, %get3A_971 : vector<16xf32>
        %add3A_996 = arith.addf %mul3A_994, %mul3A_995 : vector<16xf32>
        %mul3A_997 = arith.mulf %get3A_975, %get3A_975 : vector<16xf32>
        %mul3A_998 = arith.mulf %get3A_979, %get3A_979 : vector<16xf32>
        %add3A_999 = arith.addf %mul3A_997, %mul3A_998 : vector<16xf32>
        %add3A_1000 = arith.addf %add3A_996, %add3A_999 : vector<16xf32>
        %add3A_1001 = arith.constant 7 : i32
        %add3A_1002 = arith.addi %mul3A_231, %add3A_1001 : i32
        %get3A_1003 = arith.index_cast %add3A_1002 : i32 to index
        %get3A_1004 = arith.constant 0 : index
        %get3A_1005 = tpu.vector_load %arg9[%get3A_1003, %get3A_1004] {strides = array<i32>} : memref<256x64xf32, #tpu.memory_space<vmem>>, vector<1x16xf32>,
        %get3A_1006 = vector.shape_cast %get3A_1005 : vector<1x16xf32> to vector<16xf32>
        %get3A_1007 = arith.index_cast %add3A_1002 : i32 to index
        %get3A_1008 = arith.constant 16 : index
        %get3A_1009 = tpu.vector_load %arg9[%get3A_1007, %get3A_1008] {strides = array<i32>} : memref<256x64xf32, #tpu.memory_space<vmem>>, vector<1x16xf32>,
        %get3A_1010 = vector.shape_cast %get3A_1009 : vector<1x16xf32> to vector<16xf32>
        %get3A_1011 = arith.index_cast %add3A_1002 : i32 to index
        %get3A_1012 = arith.constant 32 : index
        %get3A_1013 = tpu.vector_load %arg9[%get3A_1011, %get3A_1012] {strides = array<i32>} : memref<256x64xf32, #tpu.memory_space<vmem>>, vector<1x16xf32>,
        %get3A_1014 = vector.shape_cast %get3A_1013 : vector<1x16xf32> to vector<16xf32>
        %get3A_1015 = arith.index_cast %add3A_1002 : i32 to index
        %get3A_1016 = arith.constant 48 : index
        %get3A_1017 = tpu.vector_load %arg9[%get3A_1015, %get3A_1016] {strides = array<i32>} : memref<256x64xf32, #tpu.memory_space<vmem>>, vector<1x16xf32>,
        %get3A_1018 = vector.shape_cast %get3A_1017 : vector<1x16xf32> to vector<16xf32>
        %get3A_1019 = arith.index_cast %add3A_1002 : i32 to index
        %get3A_1020 = arith.constant 0 : index
        %get3A_1021 = tpu.vector_load %arg10[%get3A_1019, %get3A_1020] {strides = array<i32>} : memref<256x64xf32, #tpu.memory_space<vmem>>, vector<1x16xf32>,
        %get3A_1022 = vector.shape_cast %get3A_1021 : vector<1x16xf32> to vector<16xf32>
        %get3A_1023 = arith.index_cast %add3A_1002 : i32 to index
        %get3A_1024 = arith.constant 16 : index
        %get3A_1025 = tpu.vector_load %arg10[%get3A_1023, %get3A_1024] {strides = array<i32>} : memref<256x64xf32, #tpu.memory_space<vmem>>, vector<1x16xf32>,
        %get3A_1026 = vector.shape_cast %get3A_1025 : vector<1x16xf32> to vector<16xf32>
        %get3A_1027 = arith.index_cast %add3A_1002 : i32 to index
        %get3A_1028 = arith.constant 32 : index
        %get3A_1029 = tpu.vector_load %arg10[%get3A_1027, %get3A_1028] {strides = array<i32>} : memref<256x64xf32, #tpu.memory_space<vmem>>, vector<1x16xf32>,
        %get3A_1030 = vector.shape_cast %get3A_1029 : vector<1x16xf32> to vector<16xf32>
        %get3A_1031 = arith.index_cast %add3A_1002 : i32 to index
        %get3A_1032 = arith.constant 48 : index
        %get3A_1033 = tpu.vector_load %arg10[%get3A_1031, %get3A_1032] {strides = array<i32>} : memref<256x64xf32, #tpu.memory_space<vmem>>, vector<1x16xf32>,
        %get3A_1034 = vector.shape_cast %get3A_1033 : vector<1x16xf32> to vector<16xf32>
        %mul3A_1035 = arith.mulf %get3A_1006, %get3A_1022 : vector<16xf32>
        %mul3A_1036 = arith.mulf %get3A_1010, %get3A_1026 : vector<16xf32>
        %add3A_1037 = arith.addf %mul3A_1035, %mul3A_1036 : vector<16xf32>
        %mul3A_1038 = arith.mulf %get3A_1014, %get3A_1030 : vector<16xf32>
        %mul3A_1039 = arith.mulf %get3A_1018, %get3A_1034 : vector<16xf32>
        %add3A_1040 = arith.addf %mul3A_1038, %mul3A_1039 : vector<16xf32>
        %add3A_1041 = arith.addf %add3A_1037, %add3A_1040 : vector<16xf32>
        %mul3A_1042 = arith.mulf %get3A_1006, %get3A_1006 : vector<16xf32>
        %mul3A_1043 = arith.mulf %get3A_1010, %get3A_1010 : vector<16xf32>
        %add3A_1044 = arith.addf %mul3A_1042, %mul3A_1043 : vector<16xf32>
        %mul3A_1045 = arith.mulf %get3A_1014, %get3A_1014 : vector<16xf32>
        %mul3A_1046 = arith.mulf %get3A_1018, %get3A_1018 : vector<16xf32>
        %add3A_1047 = arith.addf %mul3A_1045, %mul3A_1046 : vector<16xf32>
        %add3A_1048 = arith.addf %add3A_1044, %add3A_1047 : vector<16xf32>
        %mul3A_1049 = arith.mulf %get3A_1022, %get3A_1022 : vector<16xf32>
        %mul3A_1050 = arith.mulf %get3A_1026, %get3A_1026 : vector<16xf32>
        %add3A_1051 = arith.addf %mul3A_1049, %mul3A_1050 : vector<16xf32>
        %mul3A_1052 = arith.mulf %get3A_1030, %get3A_1030 : vector<16xf32>
        %mul3A_1053 = arith.mulf %get3A_1034, %get3A_1034 : vector<16xf32>
        %add3A_1054 = arith.addf %mul3A_1052, %mul3A_1053 : vector<16xf32>
        %add3A_1055 = arith.addf %add3A_1051, %add3A_1054 : vector<16xf32>
        %add3A_1056 = arith.constant 15 : i32
        %add3A_1057 = arith.addi %mul3A_231, %add3A_1056 : i32
        %get3A_1058 = arith.index_cast %add3A_1057 : i32 to index
        %get3A_1059 = arith.constant 0 : index
        %get3A_1060 = tpu.vector_load %arg9[%get3A_1058, %get3A_1059] {strides = array<i32>} : memref<256x64xf32, #tpu.memory_space<vmem>>, vector<1x16xf32>,
        %get3A_1061 = vector.shape_cast %get3A_1060 : vector<1x16xf32> to vector<16xf32>
        %get3A_1062 = arith.index_cast %add3A_1057 : i32 to index
        %get3A_1063 = arith.constant 16 : index
        %get3A_1064 = tpu.vector_load %arg9[%get3A_1062, %get3A_1063] {strides = array<i32>} : memref<256x64xf32, #tpu.memory_space<vmem>>, vector<1x16xf32>,
        %get3A_1065 = vector.shape_cast %get3A_1064 : vector<1x16xf32> to vector<16xf32>
        %get3A_1066 = arith.index_cast %add3A_1057 : i32 to index
        %get3A_1067 = arith.constant 32 : index
        %get3A_1068 = tpu.vector_load %arg9[%get3A_1066, %get3A_1067] {strides = array<i32>} : memref<256x64xf32, #tpu.memory_space<vmem>>, vector<1x16xf32>,
        %get3A_1069 = vector.shape_cast %get3A_1068 : vector<1x16xf32> to vector<16xf32>
        %get3A_1070 = arith.index_cast %add3A_1057 : i32 to index
        %get3A_1071 = arith.constant 48 : index
        %get3A_1072 = tpu.vector_load %arg9[%get3A_1070, %get3A_1071] {strides = array<i32>} : memref<256x64xf32, #tpu.memory_space<vmem>>, vector<1x16xf32>,
        %get3A_1073 = vector.shape_cast %get3A_1072 : vector<1x16xf32> to vector<16xf32>
        %get3A_1074 = arith.index_cast %add3A_1057 : i32 to index
        %get3A_1075 = arith.constant 0 : index
        %get3A_1076 = tpu.vector_load %arg10[%get3A_1074, %get3A_1075] {strides = array<i32>} : memref<256x64xf32, #tpu.memory_space<vmem>>, vector<1x16xf32>,
        %get3A_1077 = vector.shape_cast %get3A_1076 : vector<1x16xf32> to vector<16xf32>
        %get3A_1078 = arith.index_cast %add3A_1057 : i32 to index
        %get3A_1079 = arith.constant 16 : index
        %get3A_1080 = tpu.vector_load %arg10[%get3A_1078, %get3A_1079] {strides = array<i32>} : memref<256x64xf32, #tpu.memory_space<vmem>>, vector<1x16xf32>,
        %get3A_1081 = vector.shape_cast %get3A_1080 : vector<1x16xf32> to vector<16xf32>
        %get3A_1082 = arith.index_cast %add3A_1057 : i32 to index
        %get3A_1083 = arith.constant 32 : index
        %get3A_1084 = tpu.vector_load %arg10[%get3A_1082, %get3A_1083] {strides = array<i32>} : memref<256x64xf32, #tpu.memory_space<vmem>>, vector<1x16xf32>,
        %get3A_1085 = vector.shape_cast %get3A_1084 : vector<1x16xf32> to vector<16xf32>
        %get3A_1086 = arith.index_cast %add3A_1057 : i32 to index
        %get3A_1087 = arith.constant 48 : index
        %get3A_1088 = tpu.vector_load %arg10[%get3A_1086, %get3A_1087] {strides = array<i32>} : memref<256x64xf32, #tpu.memory_space<vmem>>, vector<1x16xf32>,
        %get3A_1089 = vector.shape_cast %get3A_1088 : vector<1x16xf32> to vector<16xf32>
        %mul3A_1090 = arith.mulf %get3A_1061, %get3A_1077 : vector<16xf32>
        %mul3A_1091 = arith.mulf %get3A_1065, %get3A_1081 : vector<16xf32>
        %add3A_1092 = arith.addf %mul3A_1090, %mul3A_1091 : vector<16xf32>
        %mul3A_1093 = arith.mulf %get3A_1069, %get3A_1085 : vector<16xf32>
        %mul3A_1094 = arith.mulf %get3A_1073, %get3A_1089 : vector<16xf32>
        %add3A_1095 = arith.addf %mul3A_1093, %mul3A_1094 : vector<16xf32>
        %add3A_1096 = arith.addf %add3A_1092, %add3A_1095 : vector<16xf32>
        %mul3A_1097 = arith.mulf %get3A_1061, %get3A_1061 : vector<16xf32>
        %mul3A_1098 = arith.mulf %get3A_1065, %get3A_1065 : vector<16xf32>
        %add3A_1099 = arith.addf %mul3A_1097, %mul3A_1098 : vector<16xf32>
        %mul3A_1100 = arith.mulf %get3A_1069, %get3A_1069 : vector<16xf32>
        %mul3A_1101 = arith.mulf %get3A_1073, %get3A_1073 : vector<16xf32>
        %add3A_1102 = arith.addf %mul3A_1100, %mul3A_1101 : vector<16xf32>
        %add3A_1103 = arith.addf %add3A_1099, %add3A_1102 : vector<16xf32>
        %mul3A_1104 = arith.mulf %get3A_1077, %get3A_1077 : vector<16xf32>
        %mul3A_1105 = arith.mulf %get3A_1081, %get3A_1081 : vector<16xf32>
        %add3A_1106 = arith.addf %mul3A_1104, %mul3A_1105 : vector<16xf32>
        %mul3A_1107 = arith.mulf %get3A_1085, %get3A_1085 : vector<16xf32>
        %mul3A_1108 = arith.mulf %get3A_1089, %get3A_1089 : vector<16xf32>
        %add3A_1109 = arith.addf %mul3A_1107, %mul3A_1108 : vector<16xf32>
        %add3A_1110 = arith.addf %add3A_1106, %add3A_1109 : vector<16xf32>
        %and3A = arith.constant 8 : i32
        %and3A_1111 = vector.broadcast %and3A : i32 to vector<16xi32>
        %and3A_1112 = arith.andi %iota3A, %and3A_1111 : vector<16xi32>
        %eq3A = arith.constant 0 : i32
        %eq3A_1113 = vector.broadcast %eq3A : i32 to vector<16xi32>
        %eq3A_1114 = arith.cmpi eq, %and3A_1112, %eq3A_1113 : vector<16xi32>
        %xor3A = arith.constant 8 : i32
        %xor3A_1115 = vector.broadcast %xor3A : i32 to vector<16xi32>
        %xor3A_1116 = arith.xori %iota3A, %xor3A_1115 : vector<16xi32>
        %broadcast_in_dim3A = vector.shape_cast %xor3A_1116 : vector<16xi32> to vector<16x1xi32>
        %gather3A = vector.shape_cast %broadcast_in_dim3A : vector<16x1xi32> to vector<16xi32>
        %gather3A_1117 = tpu.dynamic_gather %add3A_271[%gather3A] in [0] : vector<16xf32>, vector<16xi32> -> vector<16xf32>
        %add3A_1118 = arith.addf %add3A_271, %gather3A_1117 : vector<16xf32>
        %broadcast_in_dim3A_1119 = vector.shape_cast %xor3A_1116 : vector<16xi32> to vector<16x1xi32>
        %gather3A_1120 = vector.shape_cast %broadcast_in_dim3A_1119 : vector<16x1xi32> to vector<16xi32>
        %gather3A_1121 = tpu.dynamic_gather %add3A_326[%gather3A_1120] in [0] : vector<16xf32>, vector<16xi32> -> vector<16xf32>
        %add3A_1122 = arith.addf %add3A_326, %gather3A_1121 : vector<16xf32>
        %select_n3A = arith.select %eq3A_1114, %add3A_1118, %add3A_1122 : vector<16xi1>, vector<16xf32>
        %broadcast_in_dim3A_1123 = vector.shape_cast %xor3A_1116 : vector<16xi32> to vector<16x1xi32>
        %gather3A_1124 = vector.shape_cast %broadcast_in_dim3A_1123 : vector<16x1xi32> to vector<16xi32>
        %gather3A_1125 = tpu.dynamic_gather %add3A_381[%gather3A_1124] in [0] : vector<16xf32>, vector<16xi32> -> vector<16xf32>
        %add3A_1126 = arith.addf %add3A_381, %gather3A_1125 : vector<16xf32>
        %broadcast_in_dim3A_1127 = vector.shape_cast %xor3A_1116 : vector<16xi32> to vector<16x1xi32>
        %gather3A_1128 = vector.shape_cast %broadcast_in_dim3A_1127 : vector<16x1xi32> to vector<16xi32>
        %gather3A_1129 = tpu.dynamic_gather %add3A_436[%gather3A_1128] in [0] : vector<16xf32>, vector<16xi32> -> vector<16xf32>
        %add3A_1130 = arith.addf %add3A_436, %gather3A_1129 : vector<16xf32>
        %select_n3A_1131 = arith.select %eq3A_1114, %add3A_1126, %add3A_1130 : vector<16xi1>, vector<16xf32>
        %broadcast_in_dim3A_1132 = vector.shape_cast %xor3A_1116 : vector<16xi32> to vector<16x1xi32>
        %gather3A_1133 = vector.shape_cast %broadcast_in_dim3A_1132 : vector<16x1xi32> to vector<16xi32>
        %gather3A_1134 = tpu.dynamic_gather %add3A_491[%gather3A_1133] in [0] : vector<16xf32>, vector<16xi32> -> vector<16xf32>
        %add3A_1135 = arith.addf %add3A_491, %gather3A_1134 : vector<16xf32>
        %broadcast_in_dim3A_1136 = vector.shape_cast %xor3A_1116 : vector<16xi32> to vector<16x1xi32>
        %gather3A_1137 = vector.shape_cast %broadcast_in_dim3A_1136 : vector<16x1xi32> to vector<16xi32>
        %gather3A_1138 = tpu.dynamic_gather %add3A_546[%gather3A_1137] in [0] : vector<16xf32>, vector<16xi32> -> vector<16xf32>
        %add3A_1139 = arith.addf %add3A_546, %gather3A_1138 : vector<16xf32>
        %select_n3A_1140 = arith.select %eq3A_1114, %add3A_1135, %add3A_1139 : vector<16xi1>, vector<16xf32>
        %broadcast_in_dim3A_1141 = vector.shape_cast %xor3A_1116 : vector<16xi32> to vector<16x1xi32>
        %gather3A_1142 = vector.shape_cast %broadcast_in_dim3A_1141 : vector<16x1xi32> to vector<16xi32>
        %gather3A_1143 = tpu.dynamic_gather %add3A_601[%gather3A_1142] in [0] : vector<16xf32>, vector<16xi32> -> vector<16xf32>
        %add3A_1144 = arith.addf %add3A_601, %gather3A_1143 : vector<16xf32>
        %broadcast_in_dim3A_1145 = vector.shape_cast %xor3A_1116 : vector<16xi32> to vector<16x1xi32>
        %gather3A_1146 = vector.shape_cast %broadcast_in_dim3A_1145 : vector<16x1xi32> to vector<16xi32>
        %gather3A_1147 = tpu.dynamic_gather %add3A_656[%gather3A_1146] in [0] : vector<16xf32>, vector<16xi32> -> vector<16xf32>
        %add3A_1148 = arith.addf %add3A_656, %gather3A_1147 : vector<16xf32>
        %select_n3A_1149 = arith.select %eq3A_1114, %add3A_1144, %add3A_1148 : vector<16xi1>, vector<16xf32>
        %broadcast_in_dim3A_1150 = vector.shape_cast %xor3A_1116 : vector<16xi32> to vector<16x1xi32>
        %gather3A_1151 = vector.shape_cast %broadcast_in_dim3A_1150 : vector<16x1xi32> to vector<16xi32>
        %gather3A_1152 = tpu.dynamic_gather %add3A_711[%gather3A_1151] in [0] : vector<16xf32>, vector<16xi32> -> vector<16xf32>
        %add3A_1153 = arith.addf %add3A_711, %gather3A_1152 : vector<16xf32>
        %broadcast_in_dim3A_1154 = vector.shape_cast %xor3A_1116 : vector<16xi32> to vector<16x1xi32>
        %gather3A_1155 = vector.shape_cast %broadcast_in_dim3A_1154 : vector<16x1xi32> to vector<16xi32>
        %gather3A_1156 = tpu.dynamic_gather %add3A_766[%gather3A_1155] in [0] : vector<16xf32>, vector<16xi32> -> vector<16xf32>
        %add3A_1157 = arith.addf %add3A_766, %gather3A_1156 : vector<16xf32>
        %select_n3A_1158 = arith.select %eq3A_1114, %add3A_1153, %add3A_1157 : vector<16xi1>, vector<16xf32>
        %broadcast_in_dim3A_1159 = vector.shape_cast %xor3A_1116 : vector<16xi32> to vector<16x1xi32>
        %gather3A_1160 = vector.shape_cast %broadcast_in_dim3A_1159 : vector<16x1xi32> to vector<16xi32>
        %gather3A_1161 = tpu.dynamic_gather %add3A_821[%gather3A_1160] in [0] : vector<16xf32>, vector<16xi32> -> vector<16xf32>
        %add3A_1162 = arith.addf %add3A_821, %gather3A_1161 : vector<16xf32>
        %broadcast_in_dim3A_1163 = vector.shape_cast %xor3A_1116 : vector<16xi32> to vector<16x1xi32>
        %gather3A_1164 = vector.shape_cast %broadcast_in_dim3A_1163 : vector<16x1xi32> to vector<16xi32>
        %gather3A_1165 = tpu.dynamic_gather %add3A_876[%gather3A_1164] in [0] : vector<16xf32>, vector<16xi32> -> vector<16xf32>
        %add3A_1166 = arith.addf %add3A_876, %gather3A_1165 : vector<16xf32>
        %select_n3A_1167 = arith.select %eq3A_1114, %add3A_1162, %add3A_1166 : vector<16xi1>, vector<16xf32>
        %broadcast_in_dim3A_1168 = vector.shape_cast %xor3A_1116 : vector<16xi32> to vector<16x1xi32>
        %gather3A_1169 = vector.shape_cast %broadcast_in_dim3A_1168 : vector<16x1xi32> to vector<16xi32>
        %gather3A_1170 = tpu.dynamic_gather %add3A_931[%gather3A_1169] in [0] : vector<16xf32>, vector<16xi32> -> vector<16xf32>
        %add3A_1171 = arith.addf %add3A_931, %gather3A_1170 : vector<16xf32>
        %broadcast_in_dim3A_1172 = vector.shape_cast %xor3A_1116 : vector<16xi32> to vector<16x1xi32>
        %gather3A_1173 = vector.shape_cast %broadcast_in_dim3A_1172 : vector<16x1xi32> to vector<16xi32>
        %gather3A_1174 = tpu.dynamic_gather %add3A_986[%gather3A_1173] in [0] : vector<16xf32>, vector<16xi32> -> vector<16xf32>
        %add3A_1175 = arith.addf %add3A_986, %gather3A_1174 : vector<16xf32>
        %select_n3A_1176 = arith.select %eq3A_1114, %add3A_1171, %add3A_1175 : vector<16xi1>, vector<16xf32>
        %broadcast_in_dim3A_1177 = vector.shape_cast %xor3A_1116 : vector<16xi32> to vector<16x1xi32>
        %gather3A_1178 = vector.shape_cast %broadcast_in_dim3A_1177 : vector<16x1xi32> to vector<16xi32>
        %gather3A_1179 = tpu.dynamic_gather %add3A_1041[%gather3A_1178] in [0] : vector<16xf32>, vector<16xi32> -> vector<16xf32>
        %add3A_1180 = arith.addf %add3A_1041, %gather3A_1179 : vector<16xf32>
        %broadcast_in_dim3A_1181 = vector.shape_cast %xor3A_1116 : vector<16xi32> to vector<16x1xi32>
        %gather3A_1182 = vector.shape_cast %broadcast_in_dim3A_1181 : vector<16x1xi32> to vector<16xi32>
        %gather3A_1183 = tpu.dynamic_gather %add3A_1096[%gather3A_1182] in [0] : vector<16xf32>, vector<16xi32> -> vector<16xf32>
        %add3A_1184 = arith.addf %add3A_1096, %gather3A_1183 : vector<16xf32>
        %select_n3A_1185 = arith.select %eq3A_1114, %add3A_1180, %add3A_1184 : vector<16xi1>, vector<16xf32>
        %and3A_1186 = arith.constant 4 : i32
        %and3A_1187 = vector.broadcast %and3A_1186 : i32 to vector<16xi32>
        %and3A_1188 = arith.andi %iota3A, %and3A_1187 : vector<16xi32>
        %eq3A_1189 = arith.constant 0 : i32
        %eq3A_1190 = vector.broadcast %eq3A_1189 : i32 to vector<16xi32>
        %eq3A_1191 = arith.cmpi eq, %and3A_1188, %eq3A_1190 : vector<16xi32>
        %xor3A_1192 = arith.constant 4 : i32
        %xor3A_1193 = vector.broadcast %xor3A_1192 : i32 to vector<16xi32>
        %xor3A_1194 = arith.xori %iota3A, %xor3A_1193 : vector<16xi32>
        %broadcast_in_dim3A_1195 = vector.shape_cast %xor3A_1194 : vector<16xi32> to vector<16x1xi32>
        %gather3A_1196 = vector.shape_cast %broadcast_in_dim3A_1195 : vector<16x1xi32> to vector<16xi32>
        %gather3A_1197 = tpu.dynamic_gather %select_n3A[%gather3A_1196] in [0] : vector<16xf32>, vector<16xi32> -> vector<16xf32>
        %add3A_1198 = arith.addf %select_n3A, %gather3A_1197 : vector<16xf32>
        %broadcast_in_dim3A_1199 = vector.shape_cast %xor3A_1194 : vector<16xi32> to vector<16x1xi32>
        %gather3A_1200 = vector.shape_cast %broadcast_in_dim3A_1199 : vector<16x1xi32> to vector<16xi32>
        %gather3A_1201 = tpu.dynamic_gather %select_n3A_1131[%gather3A_1200] in [0] : vector<16xf32>, vector<16xi32> -> vector<16xf32>
        %add3A_1202 = arith.addf %select_n3A_1131, %gather3A_1201 : vector<16xf32>
        %select_n3A_1203 = arith.select %eq3A_1191, %add3A_1198, %add3A_1202 : vector<16xi1>, vector<16xf32>
        %broadcast_in_dim3A_1204 = vector.shape_cast %xor3A_1194 : vector<16xi32> to vector<16x1xi32>
        %gather3A_1205 = vector.shape_cast %broadcast_in_dim3A_1204 : vector<16x1xi32> to vector<16xi32>
        %gather3A_1206 = tpu.dynamic_gather %select_n3A_1140[%gather3A_1205] in [0] : vector<16xf32>, vector<16xi32> -> vector<16xf32>
        %add3A_1207 = arith.addf %select_n3A_1140, %gather3A_1206 : vector<16xf32>
        %broadcast_in_dim3A_1208 = vector.shape_cast %xor3A_1194 : vector<16xi32> to vector<16x1xi32>
        %gather3A_1209 = vector.shape_cast %broadcast_in_dim3A_1208 : vector<16x1xi32> to vector<16xi32>
        %gather3A_1210 = tpu.dynamic_gather %select_n3A_1149[%gather3A_1209] in [0] : vector<16xf32>, vector<16xi32> -> vector<16xf32>
        %add3A_1211 = arith.addf %select_n3A_1149, %gather3A_1210 : vector<16xf32>
        %select_n3A_1212 = arith.select %eq3A_1191, %add3A_1207, %add3A_1211 : vector<16xi1>, vector<16xf32>
        %broadcast_in_dim3A_1213 = vector.shape_cast %xor3A_1194 : vector<16xi32> to vector<16x1xi32>
        %gather3A_1214 = vector.shape_cast %broadcast_in_dim3A_1213 : vector<16x1xi32> to vector<16xi32>
        %gather3A_1215 = tpu.dynamic_gather %select_n3A_1158[%gather3A_1214] in [0] : vector<16xf32>, vector<16xi32> -> vector<16xf32>
        %add3A_1216 = arith.addf %select_n3A_1158, %gather3A_1215 : vector<16xf32>
        %broadcast_in_dim3A_1217 = vector.shape_cast %xor3A_1194 : vector<16xi32> to vector<16x1xi32>
        %gather3A_1218 = vector.shape_cast %broadcast_in_dim3A_1217 : vector<16x1xi32> to vector<16xi32>
        %gather3A_1219 = tpu.dynamic_gather %select_n3A_1167[%gather3A_1218] in [0] : vector<16xf32>, vector<16xi32> -> vector<16xf32>
        %add3A_1220 = arith.addf %select_n3A_1167, %gather3A_1219 : vector<16xf32>
        %select_n3A_1221 = arith.select %eq3A_1191, %add3A_1216, %add3A_1220 : vector<16xi1>, vector<16xf32>
        %broadcast_in_dim3A_1222 = vector.shape_cast %xor3A_1194 : vector<16xi32> to vector<16x1xi32>
        %gather3A_1223 = vector.shape_cast %broadcast_in_dim3A_1222 : vector<16x1xi32> to vector<16xi32>
        %gather3A_1224 = tpu.dynamic_gather %select_n3A_1176[%gather3A_1223] in [0] : vector<16xf32>, vector<16xi32> -> vector<16xf32>
        %add3A_1225 = arith.addf %select_n3A_1176, %gather3A_1224 : vector<16xf32>
        %broadcast_in_dim3A_1226 = vector.shape_cast %xor3A_1194 : vector<16xi32> to vector<16x1xi32>
        %gather3A_1227 = vector.shape_cast %broadcast_in_dim3A_1226 : vector<16x1xi32> to vector<16xi32>
        %gather3A_1228 = tpu.dynamic_gather %select_n3A_1185[%gather3A_1227] in [0] : vector<16xf32>, vector<16xi32> -> vector<16xf32>
        %add3A_1229 = arith.addf %select_n3A_1185, %gather3A_1228 : vector<16xf32>
        %select_n3A_1230 = arith.select %eq3A_1191, %add3A_1225, %add3A_1229 : vector<16xi1>, vector<16xf32>
        %and3A_1231 = arith.constant 2 : i32
        %and3A_1232 = vector.broadcast %and3A_1231 : i32 to vector<16xi32>
        %and3A_1233 = arith.andi %iota3A, %and3A_1232 : vector<16xi32>
        %eq3A_1234 = arith.constant 0 : i32
        %eq3A_1235 = vector.broadcast %eq3A_1234 : i32 to vector<16xi32>
        %eq3A_1236 = arith.cmpi eq, %and3A_1233, %eq3A_1235 : vector<16xi32>
        %xor3A_1237 = arith.constant 2 : i32
        %xor3A_1238 = vector.broadcast %xor3A_1237 : i32 to vector<16xi32>
        %xor3A_1239 = arith.xori %iota3A, %xor3A_1238 : vector<16xi32>
        %broadcast_in_dim3A_1240 = vector.shape_cast %xor3A_1239 : vector<16xi32> to vector<16x1xi32>
        %gather3A_1241 = vector.shape_cast %broadcast_in_dim3A_1240 : vector<16x1xi32> to vector<16xi32>
        %gather3A_1242 = tpu.dynamic_gather %select_n3A_1203[%gather3A_1241] in [0] : vector<16xf32>, vector<16xi32> -> vector<16xf32>
        %add3A_1243 = arith.addf %select_n3A_1203, %gather3A_1242 : vector<16xf32>
        %broadcast_in_dim3A_1244 = vector.shape_cast %xor3A_1239 : vector<16xi32> to vector<16x1xi32>
        %gather3A_1245 = vector.shape_cast %broadcast_in_dim3A_1244 : vector<16x1xi32> to vector<16xi32>
        %gather3A_1246 = tpu.dynamic_gather %select_n3A_1212[%gather3A_1245] in [0] : vector<16xf32>, vector<16xi32> -> vector<16xf32>
        %add3A_1247 = arith.addf %select_n3A_1212, %gather3A_1246 : vector<16xf32>
        %select_n3A_1248 = arith.select %eq3A_1236, %add3A_1243, %add3A_1247 : vector<16xi1>, vector<16xf32>
        %broadcast_in_dim3A_1249 = vector.shape_cast %xor3A_1239 : vector<16xi32> to vector<16x1xi32>
        %gather3A_1250 = vector.shape_cast %broadcast_in_dim3A_1249 : vector<16x1xi32> to vector<16xi32>
        %gather3A_1251 = tpu.dynamic_gather %select_n3A_1221[%gather3A_1250] in [0] : vector<16xf32>, vector<16xi32> -> vector<16xf32>
        %add3A_1252 = arith.addf %select_n3A_1221, %gather3A_1251 : vector<16xf32>
        %broadcast_in_dim3A_1253 = vector.shape_cast %xor3A_1239 : vector<16xi32> to vector<16x1xi32>
        %gather3A_1254 = vector.shape_cast %broadcast_in_dim3A_1253 : vector<16x1xi32> to vector<16xi32>
        %gather3A_1255 = tpu.dynamic_gather %select_n3A_1230[%gather3A_1254] in [0] : vector<16xf32>, vector<16xi32> -> vector<16xf32>
        %add3A_1256 = arith.addf %select_n3A_1230, %gather3A_1255 : vector<16xf32>
        %select_n3A_1257 = arith.select %eq3A_1236, %add3A_1252, %add3A_1256 : vector<16xi1>, vector<16xf32>
        %and3A_1258 = arith.constant 1 : i32
        %and3A_1259 = vector.broadcast %and3A_1258 : i32 to vector<16xi32>
        %and3A_1260 = arith.andi %iota3A, %and3A_1259 : vector<16xi32>
        %eq3A_1261 = arith.constant 0 : i32
        %eq3A_1262 = vector.broadcast %eq3A_1261 : i32 to vector<16xi32>
        %eq3A_1263 = arith.cmpi eq, %and3A_1260, %eq3A_1262 : vector<16xi32>
        %xor3A_1264 = arith.constant 1 : i32
        %xor3A_1265 = vector.broadcast %xor3A_1264 : i32 to vector<16xi32>
        %xor3A_1266 = arith.xori %iota3A, %xor3A_1265 : vector<16xi32>
        %broadcast_in_dim3A_1267 = vector.shape_cast %xor3A_1266 : vector<16xi32> to vector<16x1xi32>
        %gather3A_1268 = vector.shape_cast %broadcast_in_dim3A_1267 : vector<16x1xi32> to vector<16xi32>
        %gather3A_1269 = tpu.dynamic_gather %select_n3A_1248[%gather3A_1268] in [0] : vector<16xf32>, vector<16xi32> -> vector<16xf32>
        %add3A_1270 = arith.addf %select_n3A_1248, %gather3A_1269 : vector<16xf32>
        %broadcast_in_dim3A_1271 = vector.shape_cast %xor3A_1266 : vector<16xi32> to vector<16x1xi32>
        %gather3A_1272 = vector.shape_cast %broadcast_in_dim3A_1271 : vector<16x1xi32> to vector<16xi32>
        %gather3A_1273 = tpu.dynamic_gather %select_n3A_1257[%gather3A_1272] in [0] : vector<16xf32>, vector<16xi32> -> vector<16xf32>
        %add3A_1274 = arith.addf %select_n3A_1257, %gather3A_1273 : vector<16xf32>
        %select_n3A_1275 = arith.select %eq3A_1263, %add3A_1270, %add3A_1274 : vector<16xi1>, vector<16xf32>
        %and3A_1276 = arith.constant 8 : i32
        %and3A_1277 = vector.broadcast %and3A_1276 : i32 to vector<16xi32>
        %and3A_1278 = arith.andi %iota3A, %and3A_1277 : vector<16xi32>
        %eq3A_1279 = arith.constant 0 : i32
        %eq3A_1280 = vector.broadcast %eq3A_1279 : i32 to vector<16xi32>
        %eq3A_1281 = arith.cmpi eq, %and3A_1278, %eq3A_1280 : vector<16xi32>
        %xor3A_1282 = arith.constant 8 : i32
        %xor3A_1283 = vector.broadcast %xor3A_1282 : i32 to vector<16xi32>
        %xor3A_1284 = arith.xori %iota3A, %xor3A_1283 : vector<16xi32>
        %broadcast_in_dim3A_1285 = vector.shape_cast %xor3A_1284 : vector<16xi32> to vector<16x1xi32>
        %gather3A_1286 = vector.shape_cast %broadcast_in_dim3A_1285 : vector<16x1xi32> to vector<16xi32>
        %gather3A_1287 = tpu.dynamic_gather %add3A_278[%gather3A_1286] in [0] : vector<16xf32>, vector<16xi32> -> vector<16xf32>
        %add3A_1288 = arith.addf %add3A_278, %gather3A_1287 : vector<16xf32>
        %broadcast_in_dim3A_1289 = vector.shape_cast %xor3A_1284 : vector<16xi32> to vector<16x1xi32>
        %gather3A_1290 = vector.shape_cast %broadcast_in_dim3A_1289 : vector<16x1xi32> to vector<16xi32>
        %gather3A_1291 = tpu.dynamic_gather %add3A_333[%gather3A_1290] in [0] : vector<16xf32>, vector<16xi32> -> vector<16xf32>
        %add3A_1292 = arith.addf %add3A_333, %gather3A_1291 : vector<16xf32>
        %select_n3A_1293 = arith.select %eq3A_1281, %add3A_1288, %add3A_1292 : vector<16xi1>, vector<16xf32>
        %broadcast_in_dim3A_1294 = vector.shape_cast %xor3A_1284 : vector<16xi32> to vector<16x1xi32>
        %gather3A_1295 = vector.shape_cast %broadcast_in_dim3A_1294 : vector<16x1xi32> to vector<16xi32>
        %gather3A_1296 = tpu.dynamic_gather %add3A_388[%gather3A_1295] in [0] : vector<16xf32>, vector<16xi32> -> vector<16xf32>
        %add3A_1297 = arith.addf %add3A_388, %gather3A_1296 : vector<16xf32>
        %broadcast_in_dim3A_1298 = vector.shape_cast %xor3A_1284 : vector<16xi32> to vector<16x1xi32>
        %gather3A_1299 = vector.shape_cast %broadcast_in_dim3A_1298 : vector<16x1xi32> to vector<16xi32>
        %gather3A_1300 = tpu.dynamic_gather %add3A_443[%gather3A_1299] in [0] : vector<16xf32>, vector<16xi32> -> vector<16xf32>
        %add3A_1301 = arith.addf %add3A_443, %gather3A_1300 : vector<16xf32>
        %select_n3A_1302 = arith.select %eq3A_1281, %add3A_1297, %add3A_1301 : vector<16xi1>, vector<16xf32>
        %broadcast_in_dim3A_1303 = vector.shape_cast %xor3A_1284 : vector<16xi32> to vector<16x1xi32>
        %gather3A_1304 = vector.shape_cast %broadcast_in_dim3A_1303 : vector<16x1xi32> to vector<16xi32>
        %gather3A_1305 = tpu.dynamic_gather %add3A_498[%gather3A_1304] in [0] : vector<16xf32>, vector<16xi32> -> vector<16xf32>
        %add3A_1306 = arith.addf %add3A_498, %gather3A_1305 : vector<16xf32>
        %broadcast_in_dim3A_1307 = vector.shape_cast %xor3A_1284 : vector<16xi32> to vector<16x1xi32>
        %gather3A_1308 = vector.shape_cast %broadcast_in_dim3A_1307 : vector<16x1xi32> to vector<16xi32>
        %gather3A_1309 = tpu.dynamic_gather %add3A_553[%gather3A_1308] in [0] : vector<16xf32>, vector<16xi32> -> vector<16xf32>
        %add3A_1310 = arith.addf %add3A_553, %gather3A_1309 : vector<16xf32>
        %select_n3A_1311 = arith.select %eq3A_1281, %add3A_1306, %add3A_1310 : vector<16xi1>, vector<16xf32>
        %broadcast_in_dim3A_1312 = vector.shape_cast %xor3A_1284 : vector<16xi32> to vector<16x1xi32>
        %gather3A_1313 = vector.shape_cast %broadcast_in_dim3A_1312 : vector<16x1xi32> to vector<16xi32>
        %gather3A_1314 = tpu.dynamic_gather %add3A_608[%gather3A_1313] in [0] : vector<16xf32>, vector<16xi32> -> vector<16xf32>
        %add3A_1315 = arith.addf %add3A_608, %gather3A_1314 : vector<16xf32>
        %broadcast_in_dim3A_1316 = vector.shape_cast %xor3A_1284 : vector<16xi32> to vector<16x1xi32>
        %gather3A_1317 = vector.shape_cast %broadcast_in_dim3A_1316 : vector<16x1xi32> to vector<16xi32>
        %gather3A_1318 = tpu.dynamic_gather %add3A_663[%gather3A_1317] in [0] : vector<16xf32>, vector<16xi32> -> vector<16xf32>
        %add3A_1319 = arith.addf %add3A_663, %gather3A_1318 : vector<16xf32>
        %select_n3A_1320 = arith.select %eq3A_1281, %add3A_1315, %add3A_1319 : vector<16xi1>, vector<16xf32>
        %broadcast_in_dim3A_1321 = vector.shape_cast %xor3A_1284 : vector<16xi32> to vector<16x1xi32>
        %gather3A_1322 = vector.shape_cast %broadcast_in_dim3A_1321 : vector<16x1xi32> to vector<16xi32>
        %gather3A_1323 = tpu.dynamic_gather %add3A_718[%gather3A_1322] in [0] : vector<16xf32>, vector<16xi32> -> vector<16xf32>
        %add3A_1324 = arith.addf %add3A_718, %gather3A_1323 : vector<16xf32>
        %broadcast_in_dim3A_1325 = vector.shape_cast %xor3A_1284 : vector<16xi32> to vector<16x1xi32>
        %gather3A_1326 = vector.shape_cast %broadcast_in_dim3A_1325 : vector<16x1xi32> to vector<16xi32>
        %gather3A_1327 = tpu.dynamic_gather %add3A_773[%gather3A_1326] in [0] : vector<16xf32>, vector<16xi32> -> vector<16xf32>
        %add3A_1328 = arith.addf %add3A_773, %gather3A_1327 : vector<16xf32>
        %select_n3A_1329 = arith.select %eq3A_1281, %add3A_1324, %add3A_1328 : vector<16xi1>, vector<16xf32>
        %broadcast_in_dim3A_1330 = vector.shape_cast %xor3A_1284 : vector<16xi32> to vector<16x1xi32>
        %gather3A_1331 = vector.shape_cast %broadcast_in_dim3A_1330 : vector<16x1xi32> to vector<16xi32>
        %gather3A_1332 = tpu.dynamic_gather %add3A_828[%gather3A_1331] in [0] : vector<16xf32>, vector<16xi32> -> vector<16xf32>
        %add3A_1333 = arith.addf %add3A_828, %gather3A_1332 : vector<16xf32>
        %broadcast_in_dim3A_1334 = vector.shape_cast %xor3A_1284 : vector<16xi32> to vector<16x1xi32>
        %gather3A_1335 = vector.shape_cast %broadcast_in_dim3A_1334 : vector<16x1xi32> to vector<16xi32>
        %gather3A_1336 = tpu.dynamic_gather %add3A_883[%gather3A_1335] in [0] : vector<16xf32>, vector<16xi32> -> vector<16xf32>
        %add3A_1337 = arith.addf %add3A_883, %gather3A_1336 : vector<16xf32>
        %select_n3A_1338 = arith.select %eq3A_1281, %add3A_1333, %add3A_1337 : vector<16xi1>, vector<16xf32>
        %broadcast_in_dim3A_1339 = vector.shape_cast %xor3A_1284 : vector<16xi32> to vector<16x1xi32>
        %gather3A_1340 = vector.shape_cast %broadcast_in_dim3A_1339 : vector<16x1xi32> to vector<16xi32>
        %gather3A_1341 = tpu.dynamic_gather %add3A_938[%gather3A_1340] in [0] : vector<16xf32>, vector<16xi32> -> vector<16xf32>
        %add3A_1342 = arith.addf %add3A_938, %gather3A_1341 : vector<16xf32>
        %broadcast_in_dim3A_1343 = vector.shape_cast %xor3A_1284 : vector<16xi32> to vector<16x1xi32>
        %gather3A_1344 = vector.shape_cast %broadcast_in_dim3A_1343 : vector<16x1xi32> to vector<16xi32>
        %gather3A_1345 = tpu.dynamic_gather %add3A_993[%gather3A_1344] in [0] : vector<16xf32>, vector<16xi32> -> vector<16xf32>
        %add3A_1346 = arith.addf %add3A_993, %gather3A_1345 : vector<16xf32>
        %select_n3A_1347 = arith.select %eq3A_1281, %add3A_1342, %add3A_1346 : vector<16xi1>, vector<16xf32>
        %broadcast_in_dim3A_1348 = vector.shape_cast %xor3A_1284 : vector<16xi32> to vector<16x1xi32>
        %gather3A_1349 = vector.shape_cast %broadcast_in_dim3A_1348 : vector<16x1xi32> to vector<16xi32>
        %gather3A_1350 = tpu.dynamic_gather %add3A_1048[%gather3A_1349] in [0] : vector<16xf32>, vector<16xi32> -> vector<16xf32>
        %add3A_1351 = arith.addf %add3A_1048, %gather3A_1350 : vector<16xf32>
        %broadcast_in_dim3A_1352 = vector.shape_cast %xor3A_1284 : vector<16xi32> to vector<16x1xi32>
        %gather3A_1353 = vector.shape_cast %broadcast_in_dim3A_1352 : vector<16x1xi32> to vector<16xi32>
        %gather3A_1354 = tpu.dynamic_gather %add3A_1103[%gather3A_1353] in [0] : vector<16xf32>, vector<16xi32> -> vector<16xf32>
        %add3A_1355 = arith.addf %add3A_1103, %gather3A_1354 : vector<16xf32>
        %select_n3A_1356 = arith.select %eq3A_1281, %add3A_1351, %add3A_1355 : vector<16xi1>, vector<16xf32>
        %and3A_1357 = arith.constant 4 : i32
        %and3A_1358 = vector.broadcast %and3A_1357 : i32 to vector<16xi32>
        %and3A_1359 = arith.andi %iota3A, %and3A_1358 : vector<16xi32>
        %eq3A_1360 = arith.constant 0 : i32
        %eq3A_1361 = vector.broadcast %eq3A_1360 : i32 to vector<16xi32>
        %eq3A_1362 = arith.cmpi eq, %and3A_1359, %eq3A_1361 : vector<16xi32>
        %xor3A_1363 = arith.constant 4 : i32
        %xor3A_1364 = vector.broadcast %xor3A_1363 : i32 to vector<16xi32>
        %xor3A_1365 = arith.xori %iota3A, %xor3A_1364 : vector<16xi32>
        %broadcast_in_dim3A_1366 = vector.shape_cast %xor3A_1365 : vector<16xi32> to vector<16x1xi32>
        %gather3A_1367 = vector.shape_cast %broadcast_in_dim3A_1366 : vector<16x1xi32> to vector<16xi32>
        %gather3A_1368 = tpu.dynamic_gather %select_n3A_1293[%gather3A_1367] in [0] : vector<16xf32>, vector<16xi32> -> vector<16xf32>
        %add3A_1369 = arith.addf %select_n3A_1293, %gather3A_1368 : vector<16xf32>
        %broadcast_in_dim3A_1370 = vector.shape_cast %xor3A_1365 : vector<16xi32> to vector<16x1xi32>
        %gather3A_1371 = vector.shape_cast %broadcast_in_dim3A_1370 : vector<16x1xi32> to vector<16xi32>
        %gather3A_1372 = tpu.dynamic_gather %select_n3A_1302[%gather3A_1371] in [0] : vector<16xf32>, vector<16xi32> -> vector<16xf32>
        %add3A_1373 = arith.addf %select_n3A_1302, %gather3A_1372 : vector<16xf32>
        %select_n3A_1374 = arith.select %eq3A_1362, %add3A_1369, %add3A_1373 : vector<16xi1>, vector<16xf32>
        %broadcast_in_dim3A_1375 = vector.shape_cast %xor3A_1365 : vector<16xi32> to vector<16x1xi32>
        %gather3A_1376 = vector.shape_cast %broadcast_in_dim3A_1375 : vector<16x1xi32> to vector<16xi32>
        %gather3A_1377 = tpu.dynamic_gather %select_n3A_1311[%gather3A_1376] in [0] : vector<16xf32>, vector<16xi32> -> vector<16xf32>
        %add3A_1378 = arith.addf %select_n3A_1311, %gather3A_1377 : vector<16xf32>
        %broadcast_in_dim3A_1379 = vector.shape_cast %xor3A_1365 : vector<16xi32> to vector<16x1xi32>
        %gather3A_1380 = vector.shape_cast %broadcast_in_dim3A_1379 : vector<16x1xi32> to vector<16xi32>
        %gather3A_1381 = tpu.dynamic_gather %select_n3A_1320[%gather3A_1380] in [0] : vector<16xf32>, vector<16xi32> -> vector<16xf32>
        %add3A_1382 = arith.addf %select_n3A_1320, %gather3A_1381 : vector<16xf32>
        %select_n3A_1383 = arith.select %eq3A_1362, %add3A_1378, %add3A_1382 : vector<16xi1>, vector<16xf32>
        %broadcast_in_dim3A_1384 = vector.shape_cast %xor3A_1365 : vector<16xi32> to vector<16x1xi32>
        %gather3A_1385 = vector.shape_cast %broadcast_in_dim3A_1384 : vector<16x1xi32> to vector<16xi32>
        %gather3A_1386 = tpu.dynamic_gather %select_n3A_1329[%gather3A_1385] in [0] : vector<16xf32>, vector<16xi32> -> vector<16xf32>
        %add3A_1387 = arith.addf %select_n3A_1329, %gather3A_1386 : vector<16xf32>
        %broadcast_in_dim3A_1388 = vector.shape_cast %xor3A_1365 : vector<16xi32> to vector<16x1xi32>
        %gather3A_1389 = vector.shape_cast %broadcast_in_dim3A_1388 : vector<16x1xi32> to vector<16xi32>
        %gather3A_1390 = tpu.dynamic_gather %select_n3A_1338[%gather3A_1389] in [0] : vector<16xf32>, vector<16xi32> -> vector<16xf32>
        %add3A_1391 = arith.addf %select_n3A_1338, %gather3A_1390 : vector<16xf32>
        %select_n3A_1392 = arith.select %eq3A_1362, %add3A_1387, %add3A_1391 : vector<16xi1>, vector<16xf32>
        %broadcast_in_dim3A_1393 = vector.shape_cast %xor3A_1365 : vector<16xi32> to vector<16x1xi32>
        %gather3A_1394 = vector.shape_cast %broadcast_in_dim3A_1393 : vector<16x1xi32> to vector<16xi32>
        %gather3A_1395 = tpu.dynamic_gather %select_n3A_1347[%gather3A_1394] in [0] : vector<16xf32>, vector<16xi32> -> vector<16xf32>
        %add3A_1396 = arith.addf %select_n3A_1347, %gather3A_1395 : vector<16xf32>
        %broadcast_in_dim3A_1397 = vector.shape_cast %xor3A_1365 : vector<16xi32> to vector<16x1xi32>
        %gather3A_1398 = vector.shape_cast %broadcast_in_dim3A_1397 : vector<16x1xi32> to vector<16xi32>
        %gather3A_1399 = tpu.dynamic_gather %select_n3A_1356[%gather3A_1398] in [0] : vector<16xf32>, vector<16xi32> -> vector<16xf32>
        %add3A_1400 = arith.addf %select_n3A_1356, %gather3A_1399 : vector<16xf32>
        %select_n3A_1401 = arith.select %eq3A_1362, %add3A_1396, %add3A_1400 : vector<16xi1>, vector<16xf32>
        %and3A_1402 = arith.constant 2 : i32
        %and3A_1403 = vector.broadcast %and3A_1402 : i32 to vector<16xi32>
        %and3A_1404 = arith.andi %iota3A, %and3A_1403 : vector<16xi32>
        %eq3A_1405 = arith.constant 0 : i32
        %eq3A_1406 = vector.broadcast %eq3A_1405 : i32 to vector<16xi32>
        %eq3A_1407 = arith.cmpi eq, %and3A_1404, %eq3A_1406 : vector<16xi32>
        %xor3A_1408 = arith.constant 2 : i32
        %xor3A_1409 = vector.broadcast %xor3A_1408 : i32 to vector<16xi32>
        %xor3A_1410 = arith.xori %iota3A, %xor3A_1409 : vector<16xi32>
        %broadcast_in_dim3A_1411 = vector.shape_cast %xor3A_1410 : vector<16xi32> to vector<16x1xi32>
        %gather3A_1412 = vector.shape_cast %broadcast_in_dim3A_1411 : vector<16x1xi32> to vector<16xi32>
        %gather3A_1413 = tpu.dynamic_gather %select_n3A_1374[%gather3A_1412] in [0] : vector<16xf32>, vector<16xi32> -> vector<16xf32>
        %add3A_1414 = arith.addf %select_n3A_1374, %gather3A_1413 : vector<16xf32>
        %broadcast_in_dim3A_1415 = vector.shape_cast %xor3A_1410 : vector<16xi32> to vector<16x1xi32>
        %gather3A_1416 = vector.shape_cast %broadcast_in_dim3A_1415 : vector<16x1xi32> to vector<16xi32>
        %gather3A_1417 = tpu.dynamic_gather %select_n3A_1383[%gather3A_1416] in [0] : vector<16xf32>, vector<16xi32> -> vector<16xf32>
        %add3A_1418 = arith.addf %select_n3A_1383, %gather3A_1417 : vector<16xf32>
        %select_n3A_1419 = arith.select %eq3A_1407, %add3A_1414, %add3A_1418 : vector<16xi1>, vector<16xf32>
        %broadcast_in_dim3A_1420 = vector.shape_cast %xor3A_1410 : vector<16xi32> to vector<16x1xi32>
        %gather3A_1421 = vector.shape_cast %broadcast_in_dim3A_1420 : vector<16x1xi32> to vector<16xi32>
        %gather3A_1422 = tpu.dynamic_gather %select_n3A_1392[%gather3A_1421] in [0] : vector<16xf32>, vector<16xi32> -> vector<16xf32>
        %add3A_1423 = arith.addf %select_n3A_1392, %gather3A_1422 : vector<16xf32>
        %broadcast_in_dim3A_1424 = vector.shape_cast %xor3A_1410 : vector<16xi32> to vector<16x1xi32>
        %gather3A_1425 = vector.shape_cast %broadcast_in_dim3A_1424 : vector<16x1xi32> to vector<16xi32>
        %gather3A_1426 = tpu.dynamic_gather %select_n3A_1401[%gather3A_1425] in [0] : vector<16xf32>, vector<16xi32> -> vector<16xf32>
        %add3A_1427 = arith.addf %select_n3A_1401, %gather3A_1426 : vector<16xf32>
        %select_n3A_1428 = arith.select %eq3A_1407, %add3A_1423, %add3A_1427 : vector<16xi1>, vector<16xf32>
        %and3A_1429 = arith.constant 1 : i32
        %and3A_1430 = vector.broadcast %and3A_1429 : i32 to vector<16xi32>
        %and3A_1431 = arith.andi %iota3A, %and3A_1430 : vector<16xi32>
        %eq3A_1432 = arith.constant 0 : i32
        %eq3A_1433 = vector.broadcast %eq3A_1432 : i32 to vector<16xi32>
        %eq3A_1434 = arith.cmpi eq, %and3A_1431, %eq3A_1433 : vector<16xi32>
        %xor3A_1435 = arith.constant 1 : i32
        %xor3A_1436 = vector.broadcast %xor3A_1435 : i32 to vector<16xi32>
        %xor3A_1437 = arith.xori %iota3A, %xor3A_1436 : vector<16xi32>
        %broadcast_in_dim3A_1438 = vector.shape_cast %xor3A_1437 : vector<16xi32> to vector<16x1xi32>
        %gather3A_1439 = vector.shape_cast %broadcast_in_dim3A_1438 : vector<16x1xi32> to vector<16xi32>
        %gather3A_1440 = tpu.dynamic_gather %select_n3A_1419[%gather3A_1439] in [0] : vector<16xf32>, vector<16xi32> -> vector<16xf32>
        %add3A_1441 = arith.addf %select_n3A_1419, %gather3A_1440 : vector<16xf32>
        %broadcast_in_dim3A_1442 = vector.shape_cast %xor3A_1437 : vector<16xi32> to vector<16x1xi32>
        %gather3A_1443 = vector.shape_cast %broadcast_in_dim3A_1442 : vector<16x1xi32> to vector<16xi32>
        %gather3A_1444 = tpu.dynamic_gather %select_n3A_1428[%gather3A_1443] in [0] : vector<16xf32>, vector<16xi32> -> vector<16xf32>
        %add3A_1445 = arith.addf %select_n3A_1428, %gather3A_1444 : vector<16xf32>
        %select_n3A_1446 = arith.select %eq3A_1434, %add3A_1441, %add3A_1445 : vector<16xi1>, vector<16xf32>
        %and3A_1447 = arith.constant 8 : i32
        %and3A_1448 = vector.broadcast %and3A_1447 : i32 to vector<16xi32>
        %and3A_1449 = arith.andi %iota3A, %and3A_1448 : vector<16xi32>
        %eq3A_1450 = arith.constant 0 : i32
        %eq3A_1451 = vector.broadcast %eq3A_1450 : i32 to vector<16xi32>
        %eq3A_1452 = arith.cmpi eq, %and3A_1449, %eq3A_1451 : vector<16xi32>
        %xor3A_1453 = arith.constant 8 : i32
        %xor3A_1454 = vector.broadcast %xor3A_1453 : i32 to vector<16xi32>
        %xor3A_1455 = arith.xori %iota3A, %xor3A_1454 : vector<16xi32>
        %broadcast_in_dim3A_1456 = vector.shape_cast %xor3A_1455 : vector<16xi32> to vector<16x1xi32>
        %gather3A_1457 = vector.shape_cast %broadcast_in_dim3A_1456 : vector<16x1xi32> to vector<16xi32>
        %gather3A_1458 = tpu.dynamic_gather %add3A_285[%gather3A_1457] in [0] : vector<16xf32>, vector<16xi32> -> vector<16xf32>
        %add3A_1459 = arith.addf %add3A_285, %gather3A_1458 : vector<16xf32>
        %broadcast_in_dim3A_1460 = vector.shape_cast %xor3A_1455 : vector<16xi32> to vector<16x1xi32>
        %gather3A_1461 = vector.shape_cast %broadcast_in_dim3A_1460 : vector<16x1xi32> to vector<16xi32>
        %gather3A_1462 = tpu.dynamic_gather %add3A_340[%gather3A_1461] in [0] : vector<16xf32>, vector<16xi32> -> vector<16xf32>
        %add3A_1463 = arith.addf %add3A_340, %gather3A_1462 : vector<16xf32>
        %select_n3A_1464 = arith.select %eq3A_1452, %add3A_1459, %add3A_1463 : vector<16xi1>, vector<16xf32>
        %broadcast_in_dim3A_1465 = vector.shape_cast %xor3A_1455 : vector<16xi32> to vector<16x1xi32>
        %gather3A_1466 = vector.shape_cast %broadcast_in_dim3A_1465 : vector<16x1xi32> to vector<16xi32>
        %gather3A_1467 = tpu.dynamic_gather %add3A_395[%gather3A_1466] in [0] : vector<16xf32>, vector<16xi32> -> vector<16xf32>
        %add3A_1468 = arith.addf %add3A_395, %gather3A_1467 : vector<16xf32>
        %broadcast_in_dim3A_1469 = vector.shape_cast %xor3A_1455 : vector<16xi32> to vector<16x1xi32>
        %gather3A_1470 = vector.shape_cast %broadcast_in_dim3A_1469 : vector<16x1xi32> to vector<16xi32>
        %gather3A_1471 = tpu.dynamic_gather %add3A_450[%gather3A_1470] in [0] : vector<16xf32>, vector<16xi32> -> vector<16xf32>
        %add3A_1472 = arith.addf %add3A_450, %gather3A_1471 : vector<16xf32>
        %select_n3A_1473 = arith.select %eq3A_1452, %add3A_1468, %add3A_1472 : vector<16xi1>, vector<16xf32>
        %broadcast_in_dim3A_1474 = vector.shape_cast %xor3A_1455 : vector<16xi32> to vector<16x1xi32>
        %gather3A_1475 = vector.shape_cast %broadcast_in_dim3A_1474 : vector<16x1xi32> to vector<16xi32>
        %gather3A_1476 = tpu.dynamic_gather %add3A_505[%gather3A_1475] in [0] : vector<16xf32>, vector<16xi32> -> vector<16xf32>
        %add3A_1477 = arith.addf %add3A_505, %gather3A_1476 : vector<16xf32>
        %broadcast_in_dim3A_1478 = vector.shape_cast %xor3A_1455 : vector<16xi32> to vector<16x1xi32>
        %gather3A_1479 = vector.shape_cast %broadcast_in_dim3A_1478 : vector<16x1xi32> to vector<16xi32>
        %gather3A_1480 = tpu.dynamic_gather %add3A_560[%gather3A_1479] in [0] : vector<16xf32>, vector<16xi32> -> vector<16xf32>
        %add3A_1481 = arith.addf %add3A_560, %gather3A_1480 : vector<16xf32>
        %select_n3A_1482 = arith.select %eq3A_1452, %add3A_1477, %add3A_1481 : vector<16xi1>, vector<16xf32>
        %broadcast_in_dim3A_1483 = vector.shape_cast %xor3A_1455 : vector<16xi32> to vector<16x1xi32>
        %gather3A_1484 = vector.shape_cast %broadcast_in_dim3A_1483 : vector<16x1xi32> to vector<16xi32>
        %gather3A_1485 = tpu.dynamic_gather %add3A_615[%gather3A_1484] in [0] : vector<16xf32>, vector<16xi32> -> vector<16xf32>
        %add3A_1486 = arith.addf %add3A_615, %gather3A_1485 : vector<16xf32>
        %broadcast_in_dim3A_1487 = vector.shape_cast %xor3A_1455 : vector<16xi32> to vector<16x1xi32>
        %gather3A_1488 = vector.shape_cast %broadcast_in_dim3A_1487 : vector<16x1xi32> to vector<16xi32>
        %gather3A_1489 = tpu.dynamic_gather %add3A_670[%gather3A_1488] in [0] : vector<16xf32>, vector<16xi32> -> vector<16xf32>
        %add3A_1490 = arith.addf %add3A_670, %gather3A_1489 : vector<16xf32>
        %select_n3A_1491 = arith.select %eq3A_1452, %add3A_1486, %add3A_1490 : vector<16xi1>, vector<16xf32>
        %broadcast_in_dim3A_1492 = vector.shape_cast %xor3A_1455 : vector<16xi32> to vector<16x1xi32>
        %gather3A_1493 = vector.shape_cast %broadcast_in_dim3A_1492 : vector<16x1xi32> to vector<16xi32>
        %gather3A_1494 = tpu.dynamic_gather %add3A_725[%gather3A_1493] in [0] : vector<16xf32>, vector<16xi32> -> vector<16xf32>
        %add3A_1495 = arith.addf %add3A_725, %gather3A_1494 : vector<16xf32>
        %broadcast_in_dim3A_1496 = vector.shape_cast %xor3A_1455 : vector<16xi32> to vector<16x1xi32>
        %gather3A_1497 = vector.shape_cast %broadcast_in_dim3A_1496 : vector<16x1xi32> to vector<16xi32>
        %gather3A_1498 = tpu.dynamic_gather %add3A_780[%gather3A_1497] in [0] : vector<16xf32>, vector<16xi32> -> vector<16xf32>
        %add3A_1499 = arith.addf %add3A_780, %gather3A_1498 : vector<16xf32>
        %select_n3A_1500 = arith.select %eq3A_1452, %add3A_1495, %add3A_1499 : vector<16xi1>, vector<16xf32>
        %broadcast_in_dim3A_1501 = vector.shape_cast %xor3A_1455 : vector<16xi32> to vector<16x1xi32>
        %gather3A_1502 = vector.shape_cast %broadcast_in_dim3A_1501 : vector<16x1xi32> to vector<16xi32>
        %gather3A_1503 = tpu.dynamic_gather %add3A_835[%gather3A_1502] in [0] : vector<16xf32>, vector<16xi32> -> vector<16xf32>
        %add3A_1504 = arith.addf %add3A_835, %gather3A_1503 : vector<16xf32>
        %broadcast_in_dim3A_1505 = vector.shape_cast %xor3A_1455 : vector<16xi32> to vector<16x1xi32>
        %gather3A_1506 = vector.shape_cast %broadcast_in_dim3A_1505 : vector<16x1xi32> to vector<16xi32>
        %gather3A_1507 = tpu.dynamic_gather %add3A_890[%gather3A_1506] in [0] : vector<16xf32>, vector<16xi32> -> vector<16xf32>
        %add3A_1508 = arith.addf %add3A_890, %gather3A_1507 : vector<16xf32>
        %select_n3A_1509 = arith.select %eq3A_1452, %add3A_1504, %add3A_1508 : vector<16xi1>, vector<16xf32>
        %broadcast_in_dim3A_1510 = vector.shape_cast %xor3A_1455 : vector<16xi32> to vector<16x1xi32>
        %gather3A_1511 = vector.shape_cast %broadcast_in_dim3A_1510 : vector<16x1xi32> to vector<16xi32>
        %gather3A_1512 = tpu.dynamic_gather %add3A_945[%gather3A_1511] in [0] : vector<16xf32>, vector<16xi32> -> vector<16xf32>
        %add3A_1513 = arith.addf %add3A_945, %gather3A_1512 : vector<16xf32>
        %broadcast_in_dim3A_1514 = vector.shape_cast %xor3A_1455 : vector<16xi32> to vector<16x1xi32>
        %gather3A_1515 = vector.shape_cast %broadcast_in_dim3A_1514 : vector<16x1xi32> to vector<16xi32>
        %gather3A_1516 = tpu.dynamic_gather %add3A_1000[%gather3A_1515] in [0] : vector<16xf32>, vector<16xi32> -> vector<16xf32>
        %add3A_1517 = arith.addf %add3A_1000, %gather3A_1516 : vector<16xf32>
        %select_n3A_1518 = arith.select %eq3A_1452, %add3A_1513, %add3A_1517 : vector<16xi1>, vector<16xf32>
        %broadcast_in_dim3A_1519 = vector.shape_cast %xor3A_1455 : vector<16xi32> to vector<16x1xi32>
        %gather3A_1520 = vector.shape_cast %broadcast_in_dim3A_1519 : vector<16x1xi32> to vector<16xi32>
        %gather3A_1521 = tpu.dynamic_gather %add3A_1055[%gather3A_1520] in [0] : vector<16xf32>, vector<16xi32> -> vector<16xf32>
        %add3A_1522 = arith.addf %add3A_1055, %gather3A_1521 : vector<16xf32>
        %broadcast_in_dim3A_1523 = vector.shape_cast %xor3A_1455 : vector<16xi32> to vector<16x1xi32>
        %gather3A_1524 = vector.shape_cast %broadcast_in_dim3A_1523 : vector<16x1xi32> to vector<16xi32>
        %gather3A_1525 = tpu.dynamic_gather %add3A_1110[%gather3A_1524] in [0] : vector<16xf32>, vector<16xi32> -> vector<16xf32>
        %add3A_1526 = arith.addf %add3A_1110, %gather3A_1525 : vector<16xf32>
        %select_n3A_1527 = arith.select %eq3A_1452, %add3A_1522, %add3A_1526 : vector<16xi1>, vector<16xf32>
        %and3A_1528 = arith.constant 4 : i32
        %and3A_1529 = vector.broadcast %and3A_1528 : i32 to vector<16xi32>
        %and3A_1530 = arith.andi %iota3A, %and3A_1529 : vector<16xi32>
        %eq3A_1531 = arith.constant 0 : i32
        %eq3A_1532 = vector.broadcast %eq3A_1531 : i32 to vector<16xi32>
        %eq3A_1533 = arith.cmpi eq, %and3A_1530, %eq3A_1532 : vector<16xi32>
        %xor3A_1534 = arith.constant 4 : i32
        %xor3A_1535 = vector.broadcast %xor3A_1534 : i32 to vector<16xi32>
        %xor3A_1536 = arith.xori %iota3A, %xor3A_1535 : vector<16xi32>
        %broadcast_in_dim3A_1537 = vector.shape_cast %xor3A_1536 : vector<16xi32> to vector<16x1xi32>
        %gather3A_1538 = vector.shape_cast %broadcast_in_dim3A_1537 : vector<16x1xi32> to vector<16xi32>
        %gather3A_1539 = tpu.dynamic_gather %select_n3A_1464[%gather3A_1538] in [0] : vector<16xf32>, vector<16xi32> -> vector<16xf32>
        %add3A_1540 = arith.addf %select_n3A_1464, %gather3A_1539 : vector<16xf32>
        %broadcast_in_dim3A_1541 = vector.shape_cast %xor3A_1536 : vector<16xi32> to vector<16x1xi32>
        %gather3A_1542 = vector.shape_cast %broadcast_in_dim3A_1541 : vector<16x1xi32> to vector<16xi32>
        %gather3A_1543 = tpu.dynamic_gather %select_n3A_1473[%gather3A_1542] in [0] : vector<16xf32>, vector<16xi32> -> vector<16xf32>
        %add3A_1544 = arith.addf %select_n3A_1473, %gather3A_1543 : vector<16xf32>
        %select_n3A_1545 = arith.select %eq3A_1533, %add3A_1540, %add3A_1544 : vector<16xi1>, vector<16xf32>
        %broadcast_in_dim3A_1546 = vector.shape_cast %xor3A_1536 : vector<16xi32> to vector<16x1xi32>
        %gather3A_1547 = vector.shape_cast %broadcast_in_dim3A_1546 : vector<16x1xi32> to vector<16xi32>
        %gather3A_1548 = tpu.dynamic_gather %select_n3A_1482[%gather3A_1547] in [0] : vector<16xf32>, vector<16xi32> -> vector<16xf32>
        %add3A_1549 = arith.addf %select_n3A_1482, %gather3A_1548 : vector<16xf32>
        %broadcast_in_dim3A_1550 = vector.shape_cast %xor3A_1536 : vector<16xi32> to vector<16x1xi32>
        %gather3A_1551 = vector.shape_cast %broadcast_in_dim3A_1550 : vector<16x1xi32> to vector<16xi32>
        %gather3A_1552 = tpu.dynamic_gather %select_n3A_1491[%gather3A_1551] in [0] : vector<16xf32>, vector<16xi32> -> vector<16xf32>
        %add3A_1553 = arith.addf %select_n3A_1491, %gather3A_1552 : vector<16xf32>
        %select_n3A_1554 = arith.select %eq3A_1533, %add3A_1549, %add3A_1553 : vector<16xi1>, vector<16xf32>
        %broadcast_in_dim3A_1555 = vector.shape_cast %xor3A_1536 : vector<16xi32> to vector<16x1xi32>
        %gather3A_1556 = vector.shape_cast %broadcast_in_dim3A_1555 : vector<16x1xi32> to vector<16xi32>
        %gather3A_1557 = tpu.dynamic_gather %select_n3A_1500[%gather3A_1556] in [0] : vector<16xf32>, vector<16xi32> -> vector<16xf32>
        %add3A_1558 = arith.addf %select_n3A_1500, %gather3A_1557 : vector<16xf32>
        %broadcast_in_dim3A_1559 = vector.shape_cast %xor3A_1536 : vector<16xi32> to vector<16x1xi32>
        %gather3A_1560 = vector.shape_cast %broadcast_in_dim3A_1559 : vector<16x1xi32> to vector<16xi32>
        %gather3A_1561 = tpu.dynamic_gather %select_n3A_1509[%gather3A_1560] in [0] : vector<16xf32>, vector<16xi32> -> vector<16xf32>
        %add3A_1562 = arith.addf %select_n3A_1509, %gather3A_1561 : vector<16xf32>
        %select_n3A_1563 = arith.select %eq3A_1533, %add3A_1558, %add3A_1562 : vector<16xi1>, vector<16xf32>
        %broadcast_in_dim3A_1564 = vector.shape_cast %xor3A_1536 : vector<16xi32> to vector<16x1xi32>
        %gather3A_1565 = vector.shape_cast %broadcast_in_dim3A_1564 : vector<16x1xi32> to vector<16xi32>
        %gather3A_1566 = tpu.dynamic_gather %select_n3A_1518[%gather3A_1565] in [0] : vector<16xf32>, vector<16xi32> -> vector<16xf32>
        %add3A_1567 = arith.addf %select_n3A_1518, %gather3A_1566 : vector<16xf32>
        %broadcast_in_dim3A_1568 = vector.shape_cast %xor3A_1536 : vector<16xi32> to vector<16x1xi32>
        %gather3A_1569 = vector.shape_cast %broadcast_in_dim3A_1568 : vector<16x1xi32> to vector<16xi32>
        %gather3A_1570 = tpu.dynamic_gather %select_n3A_1527[%gather3A_1569] in [0] : vector<16xf32>, vector<16xi32> -> vector<16xf32>
        %add3A_1571 = arith.addf %select_n3A_1527, %gather3A_1570 : vector<16xf32>
        %select_n3A_1572 = arith.select %eq3A_1533, %add3A_1567, %add3A_1571 : vector<16xi1>, vector<16xf32>
        %and3A_1573 = arith.constant 2 : i32
        %and3A_1574 = vector.broadcast %and3A_1573 : i32 to vector<16xi32>
        %and3A_1575 = arith.andi %iota3A, %and3A_1574 : vector<16xi32>
        %eq3A_1576 = arith.constant 0 : i32
        %eq3A_1577 = vector.broadcast %eq3A_1576 : i32 to vector<16xi32>
        %eq3A_1578 = arith.cmpi eq, %and3A_1575, %eq3A_1577 : vector<16xi32>
        %xor3A_1579 = arith.constant 2 : i32
        %xor3A_1580 = vector.broadcast %xor3A_1579 : i32 to vector<16xi32>
        %xor3A_1581 = arith.xori %iota3A, %xor3A_1580 : vector<16xi32>
        %broadcast_in_dim3A_1582 = vector.shape_cast %xor3A_1581 : vector<16xi32> to vector<16x1xi32>
        %gather3A_1583 = vector.shape_cast %broadcast_in_dim3A_1582 : vector<16x1xi32> to vector<16xi32>
        %gather3A_1584 = tpu.dynamic_gather %select_n3A_1545[%gather3A_1583] in [0] : vector<16xf32>, vector<16xi32> -> vector<16xf32>
        %add3A_1585 = arith.addf %select_n3A_1545, %gather3A_1584 : vector<16xf32>
        %broadcast_in_dim3A_1586 = vector.shape_cast %xor3A_1581 : vector<16xi32> to vector<16x1xi32>
        %gather3A_1587 = vector.shape_cast %broadcast_in_dim3A_1586 : vector<16x1xi32> to vector<16xi32>
        %gather3A_1588 = tpu.dynamic_gather %select_n3A_1554[%gather3A_1587] in [0] : vector<16xf32>, vector<16xi32> -> vector<16xf32>
        %add3A_1589 = arith.addf %select_n3A_1554, %gather3A_1588 : vector<16xf32>
        %select_n3A_1590 = arith.select %eq3A_1578, %add3A_1585, %add3A_1589 : vector<16xi1>, vector<16xf32>
        %broadcast_in_dim3A_1591 = vector.shape_cast %xor3A_1581 : vector<16xi32> to vector<16x1xi32>
        %gather3A_1592 = vector.shape_cast %broadcast_in_dim3A_1591 : vector<16x1xi32> to vector<16xi32>
        %gather3A_1593 = tpu.dynamic_gather %select_n3A_1563[%gather3A_1592] in [0] : vector<16xf32>, vector<16xi32> -> vector<16xf32>
        %add3A_1594 = arith.addf %select_n3A_1563, %gather3A_1593 : vector<16xf32>
        %broadcast_in_dim3A_1595 = vector.shape_cast %xor3A_1581 : vector<16xi32> to vector<16x1xi32>
        %gather3A_1596 = vector.shape_cast %broadcast_in_dim3A_1595 : vector<16x1xi32> to vector<16xi32>
        %gather3A_1597 = tpu.dynamic_gather %select_n3A_1572[%gather3A_1596] in [0] : vector<16xf32>, vector<16xi32> -> vector<16xf32>
        %add3A_1598 = arith.addf %select_n3A_1572, %gather3A_1597 : vector<16xf32>
        %select_n3A_1599 = arith.select %eq3A_1578, %add3A_1594, %add3A_1598 : vector<16xi1>, vector<16xf32>
        %and3A_1600 = arith.constant 1 : i32
        %and3A_1601 = vector.broadcast %and3A_1600 : i32 to vector<16xi32>
        %and3A_1602 = arith.andi %iota3A, %and3A_1601 : vector<16xi32>
        %eq3A_1603 = arith.constant 0 : i32
        %eq3A_1604 = vector.broadcast %eq3A_1603 : i32 to vector<16xi32>
        %eq3A_1605 = arith.cmpi eq, %and3A_1602, %eq3A_1604 : vector<16xi32>
        %xor3A_1606 = arith.constant 1 : i32
        %xor3A_1607 = vector.broadcast %xor3A_1606 : i32 to vector<16xi32>
        %xor3A_1608 = arith.xori %iota3A, %xor3A_1607 : vector<16xi32>
        %broadcast_in_dim3A_1609 = vector.shape_cast %xor3A_1608 : vector<16xi32> to vector<16x1xi32>
        %gather3A_1610 = vector.shape_cast %broadcast_in_dim3A_1609 : vector<16x1xi32> to vector<16xi32>
        %gather3A_1611 = tpu.dynamic_gather %select_n3A_1590[%gather3A_1610] in [0] : vector<16xf32>, vector<16xi32> -> vector<16xf32>
        %add3A_1612 = arith.addf %select_n3A_1590, %gather3A_1611 : vector<16xf32>
        %broadcast_in_dim3A_1613 = vector.shape_cast %xor3A_1608 : vector<16xi32> to vector<16x1xi32>
        %gather3A_1614 = vector.shape_cast %broadcast_in_dim3A_1613 : vector<16x1xi32> to vector<16xi32>
        %gather3A_1615 = tpu.dynamic_gather %select_n3A_1599[%gather3A_1614] in [0] : vector<16xf32>, vector<16xi32> -> vector<16xf32>
        %add3A_1616 = arith.addf %select_n3A_1599, %gather3A_1615 : vector<16xf32>
        %select_n3A_1617 = arith.select %eq3A_1605, %add3A_1612, %add3A_1616 : vector<16xi1>, vector<16xf32>
        %max3A = arith.constant 1.000000e-24 : f32
        %max3A_1618 = vector.broadcast %max3A : f32 to vector<16xf32>
        %max3A_1619 = arith.maximumf %select_n3A_1446, %max3A_1618 : vector<16xf32>
        %max3A_1620 = arith.constant 1.000000e-24 : f32
        %max3A_1621 = vector.broadcast %max3A_1620 : f32 to vector<16xf32>
        %max3A_1622 = arith.maximumf %select_n3A_1617, %max3A_1621 : vector<16xf32>
        %mul3A_1623 = arith.mulf %max3A_1619, %max3A_1622 : vector<16xf32>
        %bitcast_convert_type3A = tpu.bitcast %mul3A_1623 : vector<16xf32> -> vector<16xi32>
        %shift_right_arithmetic3A = arith.constant 1 : i32
        %shift_right_arithmetic3A_1624 = vector.broadcast %shift_right_arithmetic3A : i32 to vector<16xi32>
        %shift_right_arithmetic3A_1625 = arith.shrsi %bitcast_convert_type3A, %shift_right_arithmetic3A_1624 : vector<16xi32>
        %sub3A = arith.constant 1597463007 : i32
        %sub3A_1626 = vector.broadcast %sub3A : i32 to vector<16xi32>
        %sub3A_1627 = arith.subi %sub3A_1626, %shift_right_arithmetic3A_1625 : vector<16xi32>
        %bitcast_convert_type3A_1628 = tpu.bitcast %sub3A_1627 : vector<16xi32> -> vector<16xf32>
        %mul3A_1629 = arith.constant 5.000000e-01 : f32
        %mul3A_1630 = vector.broadcast %mul3A_1629 : f32 to vector<16xf32>
        %mul3A_1631 = arith.mulf %mul3A_1630, %mul3A_1623 : vector<16xf32>
        %mul3A_1632 = arith.mulf %mul3A_1631, %bitcast_convert_type3A_1628 : vector<16xf32>
        %mul3A_1633 = arith.mulf %mul3A_1632, %bitcast_convert_type3A_1628 : vector<16xf32>
        %sub3A_1634 = arith.constant 1.500000e+00 : f32
        %sub3A_1635 = vector.broadcast %sub3A_1634 : f32 to vector<16xf32>
        %sub3A_1636 = arith.subf %sub3A_1635, %mul3A_1633 : vector<16xf32>
        %mul3A_1637 = arith.mulf %bitcast_convert_type3A_1628, %sub3A_1636 : vector<16xf32>
        %mul3A_1638 = arith.constant 5.000000e-01 : f32
        %mul3A_1639 = vector.broadcast %mul3A_1638 : f32 to vector<16xf32>
        %mul3A_1640 = arith.mulf %mul3A_1639, %mul3A_1623 : vector<16xf32>
        %mul3A_1641 = arith.mulf %mul3A_1640, %mul3A_1637 : vector<16xf32>
        %mul3A_1642 = arith.mulf %mul3A_1641, %mul3A_1637 : vector<16xf32>
        %sub3A_1643 = arith.constant 1.500000e+00 : f32
        %sub3A_1644 = vector.broadcast %sub3A_1643 : f32 to vector<16xf32>
        %sub3A_1645 = arith.subf %sub3A_1644, %mul3A_1642 : vector<16xf32>
        %mul3A_1646 = arith.mulf %mul3A_1637, %sub3A_1645 : vector<16xf32>
        %mul3A_1647 = arith.constant 5.000000e-01 : f32
        %mul3A_1648 = vector.broadcast %mul3A_1647 : f32 to vector<16xf32>
        %mul3A_1649 = arith.mulf %mul3A_1648, %mul3A_1623 : vector<16xf32>
        %mul3A_1650 = arith.mulf %mul3A_1649, %mul3A_1646 : vector<16xf32>
        %mul3A_1651 = arith.mulf %mul3A_1650, %mul3A_1646 : vector<16xf32>
        %sub3A_1652 = arith.constant 1.500000e+00 : f32
        %sub3A_1653 = vector.broadcast %sub3A_1652 : f32 to vector<16xf32>
        %sub3A_1654 = arith.subf %sub3A_1653, %mul3A_1651 : vector<16xf32>
        %mul3A_1655 = arith.mulf %mul3A_1646, %sub3A_1654 : vector<16xf32>
        %mul3A_1656 = arith.mulf %select_n3A_1275, %mul3A_1655 : vector<16xf32>
        %swap3A = arith.index_cast %mul3A_231 : i32 to index
        %swap3A_1657 = tpu.vector_load %arg12[%swap3A] {strides = array<i32>} : memref<256xf32, #tpu.memory_space<vmem>>, vector<16xf32>,
        %swap3A_1658 = vector.shape_cast %swap3A_1657 : vector<16xf32> to vector<16xf32>
        %swap3A_1659 = vector.shape_cast %mul3A_1656 : vector<16xf32> to vector<16xf32>
        tpu.vector_store %arg12[%swap3A], %swap3A_1659 {strides = array<i32>} : memref<256xf32, #tpu.memory_space<vmem>>, vector<16xf32>,
      }
      %scan3A_216 = arith.constant 16 : i32
      %mul3A_217 = arith.constant 256 : i32
      %mul3A_218 = arith.muli %add3A_90, %mul3A_217 : i32
      %add3A_219 = arith.addi %mul3A_2, %mul3A_218 : i32
      %dma_start3A_220 = tpu.memref_slice %arg4[%add3A_219] : memref<327680xf32, #tpu.memory_space<hbm>> -> memref<256xf32, #tpu.memory_space<hbm>>
      %dma_start3A_221 = tpu.memref_slice %arg4[%add3A_219] : memref<327680xf32, #tpu.memory_space<hbm>> -> memref<256xf32, #tpu.memory_space<hbm>>
      tpu.enqueue_dma source(%arg12 : memref<256xf32, #tpu.memory_space<vmem>>) target(%dma_start3A_221 : memref<256xf32, #tpu.memory_space<hbm>>) target_semaphore(%arg15 : memref<!tpu.dma_semaphore, #tpu.memory_space<semaphore_mem>>)
      %add3A_222 = arith.constant 2 : i32
      %add3A_223 = arith.addi %add3A_90, %add3A_222 : i32
      %lt3A_224 = arith.constant 40 : i32
      %lt3A_225 = arith.cmpi slt, %add3A_223, %lt3A_224 : i32
      %convert_element_type3A_226 = arith.extui %lt3A_225 : i1 to i32
      %cond3A_227 = arith.constant 0 : i32
      %cond3A_228 = arith.cmpi ne, %convert_element_type3A_226, %cond3A_227 : i32
      scf.if %cond3A_228 {
        %add3A_229 = arith.constant 2 : i32
        %add3A_230 = arith.addi %add3A_90, %add3A_229 : i32
        %mul3A_231 = arith.constant 256 : i32
        %mul3A_232 = arith.muli %add3A_230, %mul3A_231 : i32
        %add3A_233 = arith.constant 0 : i32
        %add3A_234 = arith.addi %mul3A_232, %add3A_233 : i32
        %dma_start3A_235 = arith.constant 0 : i32
        %dma_start3A_236 = arith.constant 0 : i32
        %dma_start3A_237 = tpu.memref_slice %arg9[%dma_start3A_235, %dma_start3A_236] : memref<256x64xf32, #tpu.memory_space<vmem>> -> memref<128x64xf32, #tpu.memory_space<vmem>>
        %dma_start3A_238 = tpu.memref_slice %arg5[%add3A_234] : memref<10240xi32, #tpu.memory_space<vmem>> -> memref<128xi32, #tpu.memory_space<vmem>>
        %dma_start3A_239 = arith.constant 0 : i32
        %dma_start3A_240 = arith.constant 0 : i32
        %dma_start3A_241 = tpu.memref_slice %arg3[%dma_start3A_239, %dma_start3A_240] : memref<1007616x64xf32, #tpu.memory_space<hbm>> -> memref<1007616x64xf32, #tpu.memory_space<hbm>>
        tpu.enqueue_indirect_dma source(%dma_start3A_241 : memref<1007616x64xf32, #tpu.memory_space<hbm>>) target(%dma_start3A_237 : memref<128x64xf32, #tpu.memory_space<vmem>>) offsets(%dma_start3A_238 : memref<128xi32, #tpu.memory_space<vmem>>) semaphore(%arg14 : memref<!tpu.dma_semaphore, #tpu.memory_space<semaphore_mem>>)
        %dma_start3A_242 = arith.constant 0 : i32
        %dma_start3A_243 = arith.constant 0 : i32
        %dma_start3A_244 = tpu.memref_slice %arg10[%dma_start3A_242, %dma_start3A_243] : memref<256x64xf32, #tpu.memory_space<vmem>> -> memref<128x64xf32, #tpu.memory_space<vmem>>
        %dma_start3A_245 = tpu.memref_slice %arg6[%add3A_234] : memref<10240xi32, #tpu.memory_space<vmem>> -> memref<128xi32, #tpu.memory_space<vmem>>
        %dma_start3A_246 = arith.constant 0 : i32
        %dma_start3A_247 = arith.constant 0 : i32
        %dma_start3A_248 = tpu.memref_slice %arg3[%dma_start3A_246, %dma_start3A_247] : memref<1007616x64xf32, #tpu.memory_space<hbm>> -> memref<1007616x64xf32, #tpu.memory_space<hbm>>
        tpu.enqueue_indirect_dma source(%dma_start3A_248 : memref<1007616x64xf32, #tpu.memory_space<hbm>>) target(%dma_start3A_244 : memref<128x64xf32, #tpu.memory_space<vmem>>) offsets(%dma_start3A_245 : memref<128xi32, #tpu.memory_space<vmem>>) semaphore(%arg14 : memref<!tpu.dma_semaphore, #tpu.memory_space<semaphore_mem>>)
        %mul3A_249 = arith.constant 256 : i32
        %mul3A_250 = arith.muli %add3A_230, %mul3A_249 : i32
        %add3A_251 = arith.constant 128 : i32
        %add3A_252 = arith.addi %mul3A_250, %add3A_251 : i32
        %dma_start3A_253 = arith.constant 128 : i32
        %dma_start3A_254 = arith.constant 0 : i32
        %dma_start3A_255 = tpu.memref_slice %arg9[%dma_start3A_253, %dma_start3A_254] : memref<256x64xf32, #tpu.memory_space<vmem>> -> memref<128x64xf32, #tpu.memory_space<vmem>>
        %dma_start3A_256 = tpu.memref_slice %arg5[%add3A_252] : memref<10240xi32, #tpu.memory_space<vmem>> -> memref<128xi32, #tpu.memory_space<vmem>>
        %dma_start3A_257 = arith.constant 0 : i32
        %dma_start3A_258 = arith.constant 0 : i32
        %dma_start3A_259 = tpu.memref_slice %arg3[%dma_start3A_257, %dma_start3A_258] : memref<1007616x64xf32, #tpu.memory_space<hbm>> -> memref<1007616x64xf32, #tpu.memory_space<hbm>>
        tpu.enqueue_indirect_dma source(%dma_start3A_259 : memref<1007616x64xf32, #tpu.memory_space<hbm>>) target(%dma_start3A_255 : memref<128x64xf32, #tpu.memory_space<vmem>>) offsets(%dma_start3A_256 : memref<128xi32, #tpu.memory_space<vmem>>) semaphore(%arg14 : memref<!tpu.dma_semaphore, #tpu.memory_space<semaphore_mem>>)
        %dma_start3A_260 = arith.constant 128 : i32
        %dma_start3A_261 = arith.constant 0 : i32
        %dma_start3A_262 = tpu.memref_slice %arg10[%dma_start3A_260, %dma_start3A_261] : memref<256x64xf32, #tpu.memory_space<vmem>> -> memref<128x64xf32, #tpu.memory_space<vmem>>
        %dma_start3A_263 = tpu.memref_slice %arg6[%add3A_252] : memref<10240xi32, #tpu.memory_space<vmem>> -> memref<128xi32, #tpu.memory_space<vmem>>
        %dma_start3A_264 = arith.constant 0 : i32
        %dma_start3A_265 = arith.constant 0 : i32
        %dma_start3A_266 = tpu.memref_slice %arg3[%dma_start3A_264, %dma_start3A_265] : memref<1007616x64xf32, #tpu.memory_space<hbm>> -> memref<1007616x64xf32, #tpu.memory_space<hbm>>
        tpu.enqueue_indirect_dma source(%dma_start3A_266 : memref<1007616x64xf32, #tpu.memory_space<hbm>>) target(%dma_start3A_262 : memref<128x64xf32, #tpu.memory_space<vmem>>) offsets(%dma_start3A_263 : memref<128xi32, #tpu.memory_space<vmem>>) semaphore(%arg14 : memref<!tpu.dma_semaphore, #tpu.memory_space<semaphore_mem>>)
      } else {
      }
    }
    %scan3A_78 = arith.constant 20 : i32
    %dma_wait3A = arith.constant 0 : i32
    %dma_wait3A_79 = tpu.memref_slice %arg4[%dma_wait3A] : memref<327680xf32, #tpu.memory_space<hbm>> -> memref<256xf32, #tpu.memory_space<hbm>>
    %dma_wait3A_80 = arith.constant 0 : i32
    %dma_wait3A_81 = tpu.memref_slice %arg4[%dma_wait3A_80] : memref<327680xf32, #tpu.memory_space<hbm>> -> memref<256xf32, #tpu.memory_space<hbm>>
    tpu.wait_dma2 semaphore(%arg15 : memref<!tpu.dma_semaphore, #tpu.memory_space<semaphore_mem>>) src(%dma_wait3A_81 : memref<256xf32, #tpu.memory_space<hbm>>) dst(%arg11 : memref<256xf32, #tpu.memory_space<vmem>>)
    %dma_wait3A_82 = arith.constant 0 : i32
    %dma_wait3A_83 = tpu.memref_slice %arg4[%dma_wait3A_82] : memref<327680xf32, #tpu.memory_space<hbm>> -> memref<256xf32, #tpu.memory_space<hbm>>
    %dma_wait3A_84 = arith.constant 0 : i32
    %dma_wait3A_85 = tpu.memref_slice %arg4[%dma_wait3A_84] : memref<327680xf32, #tpu.memory_space<hbm>> -> memref<256xf32, #tpu.memory_space<hbm>>
    tpu.wait_dma2 semaphore(%arg15 : memref<!tpu.dma_semaphore, #tpu.memory_space<semaphore_mem>>) src(%dma_wait3A_85 : memref<256xf32, #tpu.memory_space<hbm>>) dst(%arg12 : memref<256xf32, #tpu.memory_space<vmem>>)
    return
  }
}

module attributes {stable_mosaic.version = 14 : i64} {
  func.func @body(%arg0: i32, %arg1: memref<64x8192xf32, #tpu.memory_space<vmem>>, %arg2: memref<4096x128xf32, #tpu.memory_space<vmem>>) attributes {dimension_semantics = [#tpu.dimension_semantics<arbitrary>], iteration_bounds = array<i64: 123>, scalar_prefetch = 0 : i64, scratch_operands = 0 : i64, tpu.core_type = #tpu.core_type<tc>, window_params = [{transform_indices = @transform_0, window_bounds = array<i64: 64, 8192>}, {transform_indices = @transform_1, window_bounds = array<i64: 4096, 128>}]} {
    %get3A = arith.constant 0 : index
    %get3A_0 = arith.constant 0 : index
    %get3A_1 = vector.load %arg1[%get3A, %get3A_0] : memref<64x8192xf32, #tpu.memory_space<vmem>>, vector<64x8192xf32>
    %iota3A = tpu.iota {dimensions = array<i32: 1>} : vector<64x8192xi32>
    %mul3A = arith.constant 8192 : i32
    %mul3A_2 = arith.muli %arg0, %mul3A : i32
    %add3A = vector.broadcast %mul3A_2 : i32 to vector<64x8192xi32>
    %add3A_3 = arith.addi %iota3A, %add3A : vector<64x8192xi32>
    %lt3A = arith.constant 1000000 : i32
    %lt3A_4 = vector.broadcast %lt3A : i32 to vector<64x8192xi32>
    %lt3A_5 = arith.cmpi slt, %add3A_3, %lt3A_4 : vector<64x8192xi32>
    %jit3A = arith.constant 0.000000e+00 : f32
    %broadcast_in_dim3A = vector.broadcast %jit3A : f32 to vector<64x8192xf32>
    %select_n3A = arith.select %lt3A_5, %get3A_1, %broadcast_in_dim3A : vector<64x8192xi1>, vector<64x8192xf32>
    %slice3A = vector.extract_strided_slice %select_n3A {offsets = [0, 0], sizes = [64, 4096], strides = [1, 1]} : vector<64x8192xf32> to vector<64x4096xf32>
    %slice3A_6 = vector.extract_strided_slice %select_n3A {offsets = [0, 4096], sizes = [64, 4096], strides = [1, 1]} : vector<64x8192xf32> to vector<64x4096xf32>
    %concatenate3A = tpu.concatenate %slice3A, %slice3A_6 in 0 : vector<64x4096xf32>, vector<64x4096xf32> -> vector<128x4096xf32>
    %iota3A_7 = tpu.iota {dimensions = array<i32: 0>} : vector<128x128xi32>
    %iota3A_8 = tpu.iota {dimensions = array<i32: 1>} : vector<128x128xi32>
    %eq3A = arith.cmpi eq, %iota3A_7, %iota3A_8 : vector<128x128xi32>
    %convert_element_type3A = arith.extui %eq3A : vector<128x128xi1> to vector<128x128xi32>
    %convert_element_type3A_9 = arith.sitofp %convert_element_type3A : vector<128x128xi32> to vector<128x128xf32>
    %convert_element_type3A_10 = arith.truncf %convert_element_type3A_9 : vector<128x128xf32> to vector<128x128xbf16>
    %convert_element_type3A_11 = arith.truncf %concatenate3A : vector<128x4096xf32> to vector<128x4096xbf16>
    %convert_element_type3A_12 = arith.extf %convert_element_type3A_11 : vector<128x4096xbf16> to vector<128x4096xf32>
    %sub3A = arith.subf %concatenate3A, %convert_element_type3A_12 : vector<128x4096xf32>
    %convert_element_type3A_13 = arith.truncf %sub3A : vector<128x4096xf32> to vector<128x4096xbf16>
    %convert_element_type3A_14 = arith.extf %convert_element_type3A_13 : vector<128x4096xbf16> to vector<128x4096xf32>
    %sub3A_15 = arith.subf %sub3A, %convert_element_type3A_14 : vector<128x4096xf32>
    %convert_element_type3A_16 = arith.truncf %sub3A_15 : vector<128x4096xf32> to vector<128x4096xbf16>
    %dot_general3A = arith.constant dense<0.000000e+00> : vector<4096x128xf32>
    %dot_general3A_17 = tpu.matmul %convert_element_type3A_11, %convert_element_type3A_10, %dot_general3A {dimension_numbers = #tpu.dot_dimension_numbers<[0], [0], [1], [1], [0, 1, 1, 1], [], []>, transpose_lhs_hint = false} : vector<128x4096xbf16>, vector<128x128xbf16>, vector<4096x128xf32> -> vector<4096x128xf32>
    %dot_general3A_18 = arith.constant dense<0.000000e+00> : vector<4096x128xf32>
    %dot_general3A_19 = tpu.matmul %convert_element_type3A_13, %convert_element_type3A_10, %dot_general3A_18 {dimension_numbers = #tpu.dot_dimension_numbers<[0], [0], [1], [1], [0, 1, 1, 1], [], []>, transpose_lhs_hint = false} : vector<128x4096xbf16>, vector<128x128xbf16>, vector<4096x128xf32> -> vector<4096x128xf32>
    %add3A_20 = arith.addf %dot_general3A_17, %dot_general3A_19 : vector<4096x128xf32>
    %dot_general3A_21 = arith.constant dense<0.000000e+00> : vector<4096x128xf32>
    %dot_general3A_22 = tpu.matmul %convert_element_type3A_16, %convert_element_type3A_10, %dot_general3A_21 {dimension_numbers = #tpu.dot_dimension_numbers<[0], [0], [1], [1], [0, 1, 1, 1], [], []>, transpose_lhs_hint = false} : vector<128x4096xbf16>, vector<128x128xbf16>, vector<4096x128xf32> -> vector<4096x128xf32>
    %add3A_23 = arith.addf %add3A_20, %dot_general3A_22 : vector<4096x128xf32>
    %swap3A = arith.constant 0 : index
    %swap3A_24 = arith.constant 0 : index
    %swap3A_25 = vector.load %arg2[%swap3A, %swap3A_24] : memref<4096x128xf32, #tpu.memory_space<vmem>>, vector<4096x128xf32>
    tpu.vector_store %arg2[%swap3A, %swap3A_24], %add3A_23 {strides = array<i32>} : memref<4096x128xf32, #tpu.memory_space<vmem>>, vector<4096x128xf32>,
    return
  }
  func.func @transform_0(%arg0: i32) -> (i32, i32) {
    %c0_i32 = arith.constant 0 : i32
    %c0_i32_0 = arith.constant 0 : i32
    return %c0_i32, %arg0 : i32, i32
  }
  func.func @transform_1(%arg0: i32) -> (i32, i32) {
    %c0_i32 = arith.constant 0 : i32
    %c0_i32_0 = arith.constant 0 : i32
    return %arg0, %c0_i32 : i32, i32
  }
}

</mosaic_0001>

<sc_bundles>
// kernel: kernel.4.cloned.1.call-start
scs
__scs_entry_jumppad:
0x0: {  	(pc) =	sbr.rel $0x88, $3  }
0x1: {  	(tag) =	ssettag $0x0;
	lr =	simm.s32 $0x1  }
0x2: {  	[smem:$0x3F9F] =	sst lr;
	_ =	strace $0xD0000000  }
0x3: {  	_ = 	snop  }
0x4: {  	_ = 	snop  }
0x5: {  	_ = 	snop  }
0x6: {  	_ = 	snop  }
0x7: {  	_ = 	snop  }
__scs_overlays_trampoline_lowered:
0x8: {  	[smem:$0x3FAE] =	sst s0  }
0x9: {  	[smem:$0x3FAF] =	sst s1  }
0xa: {  	[smem:$0x3FB0] =	sst s2  }
0xb: {  	[smem:$0x3FB1] =	sst s3  }
0xc: {  	[smem:$0x3FB2] =	sst s4  }
0xd: {  	[smem:$0x3FB3] =	sst s5  }
0xe: {  	[smem:$0x3FB4] =	sst s6  }
0xf: {  	[smem:$0x3FB5] =	sst s7  }
0x10: {  	[smem:$0x3FB6] =	sst s8  }
0x11: {  	[smem:$0x3FB7] =	sst s9;
	s0 =	simm.s32 @!p0 $0x0  }
0x12: {  	s1 =	sld [smem:$0x3F9D];
	s0 =	simm.s32 @p0 $0x1  }
0x13: {  	[smem:$0x3FB8] =	sst s0;
	s0 =	simm.s32 @!p1 $0x0  }
0x14: {  	s2 =	sld [smem:$0x3F9C];
	s0 =	simm.s32 @p1 $0x1  }
0x15: {  	[smem:$0x3FB9] =	sst s0;
	s0 =	simm.s32 @!p2 $0x0  }
0x16: {  	s3 =	sld [smem:$0x3FDB];
	s0 =	simm.s32 @p2 $0x1  }
0x17: {  	s4 =	simm.s32 $0x1BF5;
	[smem:$0x3FBB] =	sst s0  }
0x18: {  	s0 =	sld [smem:$0x3F9E];
	_ =	swait.ge [sflag:s4], $0x0  }
0x19: {  	s7 =	sld [smem:$0x3F9F]  }
0x1a: {  	s8 =	sadd.s32 $0xFFFFE003, lr  }
0x1b: {  	s9 =	sadd.s32 $0xFFFFFEF7, lr;
	s5 =	simm.s32 $0xFFFFFFFF;
	p2 =	slt.u32 s8, $0xFFFFF086  }
0x1c: {  	p1 =	slt.u32 s9, $0xF7A;
	s5 =	simm.s32 @!p2 $0x0  }
0x1d: {  	s5 =	simm.s32 @p1 $0x1;
	p0 =	seq.s32 s7, s2  }
0x1e: {  	s7 =	smul.u32 @!p0 $0xF7A, s2;
	p2 =	seq.s32 @!p0 s5, $0x0  }
0x1f: {  	s9 =	smul.u32 $0xF7A, s1;
	s8 =	simm.s32 @!p0 $0x1BF5;
	p2 =	por !p2, p0  }
0x20: {  	[sflag:s8] =	ssyncset.s32 @!p0 $0xFFFFF086;
	s6 =	sadd.s32 @!p0 s3, s7;
	s7 =	simm.s32 @!p0 $0x108  }
0x21: {  	s3 =	sadd.s32 s3, s9;
	s6 =	sadd.s32 @!p0 $0x88, s6;
	s7 =	simm.s32 @p2 $0x1082  }
0x22: {  	[simem:s7], [sflag:s8] =	dma.local @!p0 [hbm:s6], $0xF7A  }
0x23: {  	s9 =	sor.u32 $0xD0000000, s2;
	s6 =	simm.s32 $0x108;
	_ =	swait.ge @!p0 [sflag:s8], $0x0  }
0x24: {  	s3 =	sadd.s32 $0x88, s3;
	s6 =	simm.s32 @!p1 $0x1082;
	[sflag:s4] =	ssyncset.s32 $0xFFFFF086  }
0x25: {  	[simem:s6], [sflag:s4] =	dma.local [hbm:s3], $0xF7A  }
0x26: {  	[smem:$0x3F9F] =	sst s1;
	(tag) =	ssettag s2;
	_ =	strace s9  }
0x27: {  	s1 =	sld [smem:$0x3FAF]  }
0x28: {  	s2 =	sld [smem:$0x3FB0]  }
0x29: {  	s4 =	sld [smem:$0x3FB2]  }
0x2a: {  	p0 =	seq.s32 s5, $0x0;
	s5 =	sld [smem:$0x3FB3]  }
0x2b: {  	s6 =	sld [smem:$0x3FB4]  }
0x2c: {  	s7 =	sld [smem:$0x3FB5]  }
0x2d: {  	s3 =	simm.s32 $0x108;
	s8 =	sld [smem:$0x3FB6]  }
0x2e: {  	s3 =	simm.s32 @!p0 $0x1082;
	s9 =	sld [smem:$0x3FB7]  }
0x2f: {  	lr =	sadd.s32 s0, s3;
	s0 =	sld [smem:$0x3FAE]  }
0x30: {  	s3 =	sld [smem:$0x3FB1]  }
0x31: {  	[smem:$0x3FBA] =	sst s10  }
0x32: {  	s10 =	sld [smem:$0x3FB8];
	_ =	sdelay $0x3  }
0x33: {  	p0 =	seq.s32 s10, $0x1;
	s10 =	sld [smem:$0x3FBA];
	_ =	sdelay $0x3  }
0x34: {  	[smem:$0x3FBA] =	sst s10  }
0x35: {  	s10 =	sld [smem:$0x3FB9];
	_ =	sdelay $0x3  }
0x36: {  	p1 =	seq.s32 s10, $0x1;
	s10 =	sld [smem:$0x3FBA];
	_ =	sdelay $0x3  }
0x37: {  	[smem:$0x3FBA] =	sst s10  }
0x38: {  	s10 =	sld [smem:$0x3FBB]  }
0x39: {  	_ = 	snop;
	(pc) =	sbr.ind lr, $3  }
0x3a: {  	_ = 	snop  }
0x3b: {  	_ = 	snop  }
0x3c: {  	p2 =	seq.s32 s10, $0x1;
	s10 =	sld [smem:$0x3FBA]  }
0x3d: {  	_ =	shalt  }
0x3e: {  	_ =	shalt  }
0x3f: {  	_ =	shalt  }
0x40: {  	_ =	shalt  }
0x41: {  	_ =	shalt  }
0x42: {  	_ =	shalt  }
0x43: {  	_ =	shalt  }
0x44: {  	_ =	shalt  }
0x45: {  	_ =	shalt  }
0x46: {  	_ =	shalt  }
0x47: {  	_ =	shalt  }
0x48: {  	_ =	shalt  }
0x49: {  	_ =	shalt  }
0x4a: {  	_ =	shalt  }
0x4b: {  	_ =	shalt  }
0x4c: {  	_ =	shalt  }
0x4d: {  	_ =	shalt  }
0x4e: {  	_ =	shalt  }
0x4f: {  	_ =	shalt  }
0x50: {  	_ =	shalt  }
0x51: {  	_ =	shalt  }
0x52: {  	_ =	shalt  }
0x53: {  	_ =	shalt  }
0x54: {  	_ =	shalt  }
0x55: {  	_ =	shalt  }
0x56: {  	_ =	shalt  }
0x57: {  	_ =	shalt  }
0x58: {  	_ =	shalt  }
0x59: {  	_ =	shalt  }
0x5a: {  	_ =	shalt  }
0x5b: {  	_ =	shalt  }
0x5c: {  	_ =	shalt  }
0x5d: {  	_ =	shalt  }
0x5e: {  	_ =	shalt  }
0x5f: {  	_ =	shalt  }
0x60: {  	_ =	shalt  }
0x61: {  	_ =	shalt  }
0x62: {  	_ =	shalt  }
0x63: {  	_ =	shalt  }
0x64: {  	_ =	shalt  }
0x65: {  	_ =	shalt  }
0x66: {  	_ =	shalt  }
0x67: {  	_ =	shalt  }
0x68: {  	_ =	shalt  }
0x69: {  	_ =	shalt  }
0x6a: {  	_ =	shalt  }
0x6b: {  	_ =	shalt  }
0x6c: {  	_ =	shalt  }
0x6d: {  	_ =	shalt  }
0x6e: {  	_ =	shalt  }
0x6f: {  	_ =	shalt  }
0x70: {  	_ =	shalt  }
0x71: {  	_ =	shalt  }
0x72: {  	_ =	shalt  }
0x73: {  	_ =	shalt  }
0x74: {  	_ =	shalt  }
0x75: {  	_ =	shalt  }
0x76: {  	_ =	shalt  }
0x77: {  	_ =	shalt  }
0x78: {  	_ =	shalt  }
0x79: {  	_ =	shalt  }
0x7a: {  	_ =	shalt  }
0x7b: {  	_ =	shalt  }
0x7c: {  	_ =	shalt  }
0x7d: {  	_ =	shalt  }
0x7e: {  	_ =	shalt  }
0x7f: {  	_ =	shalt  }
0x80: {  	_ =	shalt  }
0x81: {  	_ =	shalt  }
0x82: {  	_ =	shalt  }
0x83: {  	_ =	shalt  }
0x84: {  	_ =	shalt  }
0x85: {  	_ =	shalt  }
0x86: {  	_ =	shalt  }
0x87: {  	_ =	shalt  }
.Lfunc_end0:
.L_simem_size_0:
called_computation_lowered:
.L_overlay_start_0:
0x88: {  	s2 =	sld [smem:$0x3FD9]  }
0x89: {  	s3 =	sld [smem:$0x3FFE];
	_ =	sdelay $0x1  }
0x8a: {  	s1 =	srdreg.scid  }
0x8b: {  	s0 =	sand.u32 $0x1, s1  }
0x8c: {  	s17 =	sshll.u32 s0, $0xA;
	s2 =	sadd.s32 s3, s2  }
0x8d: {  	s2 =	sadd.s32 s2, s17  }
0x8e: {  	[smem:$0x3FC6] =	sst s2  }
0x8f: {  	_ = 	snop  }
0x90: {  	s2 =	sld [smem:$0x3FD0];
	(tm) =	ssettm $0x1  }
0x91: {  	s18 =	sld [smem:$0x3FFB];
	_ =	sdelay $0x3  }
0x92: {  	_ =	strace s18  }
0x93: {  	s3 =	sld [smem:$0x3FFC];
	_ =	sdelay $0x3  }
0x94: {  	_ =	strace s3  }
0x95: {  	s3 =	sld [smem:$0x3FFD];
	_ =	sdelay $0x3  }
0x96: {  	_ =	strace s3  }
0x97: {  	_ =	strace $0x8FFFFFFF  }
0x98: {  	s19 =	sld [smem:$0x3FDB];
	_ =	sdelay $0x1  }
0x99: {  	s4 =	simm.s32 $_scs_section_size  }
0x9a: {  	s5 =	simm.s32 $_size__tile_overlayer_lowered;
	s6 =	simm.s32 $_tile_overlayer_lowered  }
0x9b: {  	s22 =	simm.s32 $0x1BFF;
	s21 =	sshll.u32 s6, $0x1;
	s3 =	sadd.s32 s4, s19  }
0x9c: {  	s7 =	simm.s32 $0x0;
	s20 =	sshll.u32 s5, $0x1;
	s5 =	sadd.s32 s21, s3  }
0x9d: {  	[timem:s7], [sflag:s22] =	dma.local [hbm:s5], s20  }
0x9e: {  	_ =	swait.ge [sflag:s22], s20  }
0x9f: {  	s4 =	ssub.s32 $0x0, s20;
	[sflag:s22] =	ssyncset.done $0x0  }
0xa0: {  	[sflag:s22] =	ssyncadd.s32 s4;
	_ =	sdelay $0x1  }
0xa1: {  	s23 =	simm.s32 $0x1B8B  }
0xa2: {  	_ =	swait.ge [sflag:s23], $0x1  }
0xa3: {  	[sflag:s23] =	ssyncset.done $0x0  }
0xa4: {  	s25 =	simm.s32 $0x1B8E;
	s24 =	sld [smem:$0x3FFE];
	[sflag:s23] =	ssyncadd.s32 $0xFFFFFFFF  }
0xa5: {  	s26 =	simm.s32 $execute0_lowered;
	[smem:$0x3FD2] =	sst s25  }
0xa6: {  	s5 =	sshll.u32 s26, $0x1;
	_ =	strace $0x80000046;
	[dreg:$0x1] =	wrdreg $0xFFFFFFFF  }
0xa7: {  	s28 =	simm.s32 $_size_execute0_lowered;
	s3 =	sadd.s32 s3, s5;
	[dreg:$0x0] =	wrdreg $0x0  }
0xa8: {  	s5 =	sshll.u32 s28, $0x1;
	[dreg:$0x2] =	wrdreg s3  }
0xa9: {  	[dreg:$0x3] =	wrdreg s5  }
0xaa: {  	[dreg:$0x4] =	wrdreg $0xC0  }
0xab: {  	_ =	task [dreg:s7], $0x5FFFF  }
0xac: {  	[dreg:$0x1] =	wrdreg $0xFFFFFFFF  }
0xad: {  	[dreg:$0x0] =	wrdreg $0x60  }
0xae: {  	[dreg:$0x2] =	wrdreg s24  }
0xaf: {  	[dreg:$0x3] =	wrdreg s2  }
0xb0: {  	[dreg:$0x4] =	wrdreg $0x9  }
0xb1: {  	_ =	task.clear_ibuf [dreg:s7], $0x5FFFF;
	_ =	strace $0x90000046  }
0xb2: {  	s29 =	simm.s32 $0x9;
	_ =	strace $0x80000048  }
0xb3: {  	_ =	swait.ge [sflag:s29], $0x1  }
0xb4: {  	[sflag:s29] =	ssyncadd.s32 $0xFFFFFFFF  }
0xb5: {  	_ =	strace $0x90000048  }
0xb6: {  	_ =	sfence  }
0xb7: {  	s30 =	sld [smem:$0x0];
	_ =	sdelay $0x2  }
0xb8: {  	s31 =	sshll.u32 s1, $0xD;
	s1 =	sshrl.u32 s1, $0x2  }
0xb9: {  	s3 =	sand.u32 $0x4000, s31;
	s1 =	sadd.s32 s1, s30  }
0xba: {  	s0 =	sor.u32 s3, s0;
	s1 =	sshll.u32 s1, $0x11  }
0xbb: {  	s0 =	sor.u32 s1, s0  }
0xbc: {  	s0 =	sadd.s32 $0x8F2B, s0  }
0xbd: {  	[sflag:s0] =	ssyncadd.remote.s32 $0x1  }
0xbe: {  	_ =	sfence.sel $0xFFFF  }
0xbf: {  	[dreg:$0x0] =	wrdreg $0xFFFFFFFF;
	(pc) =	sbr.abs _section_cstart, $3  }
0xc0: {  	[dreg:$0x1] =	wrdreg $0xFFFFFFFF  }
0xc1: {  	_ =	task.clear_ibuf [dreg:s7], $0x2FFFF;
	_ =	strace $0x9FFFFFFF  }
0xc2: {  	(tm) =	ssettm $0x7FFFFFFF  }
0xc3: {  	_ =	shalt  }
tec
execute0_lowered:
.L_overlay_start_1:
0x0: {  	(tag) =	ssettag $0x1  }
0x1: {  	v0 =	vimm.s32 $0x76543210  }
0x2: {  	v1 =	vimm.s32 $0xFEDCBA98;
	v2 =	vimm.s32 $0xBA98FEDC;
	v3 =	vimm.s32 $0x32107654  }
0x3: {  	v4 =	vimm.s32 $0xDCFE98BA;
	v5 =	vimm.s32 $0x54761032;
	v1 =	vunpack.c.l.s4.s8 v1  }
0x4: {  	v0 =	vunpack.c.l.s4.s8 v0;
	v2 =	vunpack.c.l.s4.s8 v2;
	v3 =	vunpack.c.l.s4.s8 v3  }
0x5: {  	vm0 =	vcmask $0x2F20;
	vm1 =	vcmask $0xF00;
	v1 =	vunpack.c.0.s8.s32 v1  }
0x6: {  	v0 =	vunpack.c.0.s8.s32 v0;
	v2 =	vunpack.c.0.s8.s32 v2;
	v3 =	vunpack.c.0.s8.s32 v3  }
0x7: {  	s0 =	srdreg.scid;
	vm2 =	vcmask $0x1710;
	v4 =	vunpack.c.l.s4.s8 v4;
	v1 =	vand.u32 $0xF, v1  }
0x8: {  	s2 =	stileid.u32;
	s1 =	rddreg [dreg:$0x0];
	s10 =	simm.s32 $0x4;
	v0 =	vcombine.low v1, v0;
	v1 =	vcombine.low v3, v2;
	v2 =	vunpack.c.l.s4.s8 v5  }
0x9: {  	vm3 =	vcmask $0x700;
	v63 =	vimm.s32 $0x67452301;
	vm4 =	vcmask $0x300;
	s11 =	simm.s32 $0x2800;
	s12 =	simm.s32 $0x80;
	s17 =	simm.s32 $0xB000  }
0xa: {  	s18 =	simm.s32 $0x100;
	s19 =	simm.s32 $0xD000;
	s20 =	simm.s32 $0x2900;
	vm0 =	vmor vm1, vm0;
	v3 =	vunpack.c.0.s8.s32 v4;
	v2 =	vunpack.c.0.s8.s32 v2  }
0xb: {  	s21 =	simm.s32 $0x11000;
	s22 =	simm.s32 $0x180;
	s23 =	simm.s32 $0xF000;
	vm1 =	vmor vm3, vm2;
	vm2 =	vcmask $0x2720;
	vm3 =	vcmask $0xB08  }
0xc: {  	s24 =	simm.s32 $0x2980;
	s25 =	simm.s32 $0x13000;
	s28 =	simm.s32 $0x15000;
	vm3 =	vmor vm4, vm3;
	v2 =	vcombine.low v2, v3;
	v3 =	vimm.s32 $0xEFCDAB89  }
0xd: {  	s29 =	simm.s32 $0x2;
	s0 =	sand.u32 $0x1, s0;
	s3 =	sshll.u32 s2, $0x1;
	vm4 =	vcmask $0x1310;
	v4 =	vunpack.c.l.s4.s8 v63;
	v3 =	vunpack.c.l.s4.s8 v3  }
0xe: {  	s30 =	simm.s32 $0x15100;
	s31 =	simm.s32 $0x3;
	s4 =	sor.u32 s0, s3;
	vm1 =	vmor vm1, vm2;
	vm2 =	vcmask $0x3730;
	vm3 =	vmor vm3, vm4  }
0xf: {  	s3 =	simm.s32 $0x0;
	s0 =	ssub.s32 $0x2, s0;
	s4 =	smul.u32 $0x2800, s4;
	vm4 =	vcmask $0x1B18;
	v4 =	vunpack.c.0.s8.s32 v4;
	v3 =	vunpack.c.0.s8.s32 v3  }
.Ltmp0:
0x10: {  	[smem:$0x7FF] =	sst s3;
	s26 =	sshrl.u32 s0, $0x1;
	vm1 =	vmor vm1, vm2;
	vm2 =	vmor vm3, vm4;
	vm3 =	vcmask $0x2320;
	(pc) =	sbr.rel .LBB2_1-.Ltmp0, $4  }
0x11: {  	s2 =	rddreg [dreg:$0x1];
	_ =	strace $0x80000047;
	s0 =	ssub.s32 s0, s26;
	vm4 =	vcmask $0x2B28;
	vm3 =	vmor vm2, vm3;
	v3 =	vcombine.low v4, v3  }
0x12: {  	s26 =	simm.s32 $0x1;
	s5 =	sshrl.u32 s4, $0x3;
	s8 =	sor.u32 $0x100, s4;
	vm3 =	vmor vm3, vm4;
	vm4 =	vcmask $0x3330;
	v2 =	vand.u32 $0xF, v2  }
0x13: {  	s9 =	smax.u32 s0, $0x1;
	s7 =	sadd.s32 s5, s1;
	s5 =	sadd.s32 $0x14400, s1;
	vm3 =	vmor vm3, vm4;
	vm4 =	vcmask $0x3B38;
	[tilespmem:$0x1FFE0] =	vst v2;
	v52 =	vand.u32 $0xF, v3  }
0x14: {  	vm2 =	vmmov $0xff;
	s1 =	simm.s32 $0x0;
	s6 =	sadd.s32 $0x400, s7;
	s7 =	sadd.s32 $0xA400, s7;
	v1 =	vand.u32 $0xF, v1;
	vm3 =	vmor vm3, vm4;
	[tilespmem:$0x1FFF0] =	vst v52  }
.LBB2_10:
0x15: {  	s1 =	sadd.s32 $0x1, s1  }
0x16: {  	_ =	swait.ge [sflag:s31], $0x100;
	p0 =	sne.s32 s1, s9  }
.Ltmp1:
0x17: {  	[sflag:s31] =	ssyncset.done $0x0;
	(pc) =	sbr.rel @!p0 .LBB2_11-.Ltmp1, $4  }
0x18: {  	[sflag:s31] =	ssyncadd.s32 $0xFFFFFF00  }
0x19: {  	_ =	swait.ge [sflag:s31], $0x100  }
0x1a: {  	[sflag:s31] =	ssyncset.done $0x0  }
0x1b: {  	[sflag:s31] =	ssyncadd.s32 $0xFFFFFF00  }
.LBB2_1:
0x1c: {  	[tilespmem:s3], [sflag:$0x4] =	stream.linear.gather [hbm4b:s6+s3], $0x2800, $0x38;
	[tilespmem:$0x15200] =	vst v63  }
0x1d: {  	_ =	swait.ge [sflag:s10], $0x2800  }
0x1e: {  	[sflag:s10] =	ssyncset.done $0x0  }
0x1f: {  	[sflag:s10] =	ssyncadd.s32 $0xFFFFD800  }
0x20: {  	[tilespmem:s11], [sflag:$0x4] =	stream.linear.gather [hbm4b:s7+s3], $0x2800, $0x38;
	[tilespmem:$0x15200] =	vst v63  }
0x21: {  	_ =	swait.ge [sflag:s10], $0x2800  }
0x22: {  	[sflag:s10] =	ssyncset.done $0x0  }
0x23: {  	s0 =	simm.s32 $0x0;
	[sflag:s10] =	ssyncadd.s32 $0xFFFFD800  }
0x24: {  	v3 =	vld [tilespmem:s0+$0x0]  }
0x25: {  	v6 =	vld [tilespmem:s0+$0x2800];
	_ =	sdelay $0x3  }
0x26: {  	v4 =	vshll.u32 v3, $0x1;
	v5 =	vshrl.u32 v3, $0xC  }
0x27: {  	v3 =	vand.u32 $0xFFFFE000, v3;
	v7 =	vshll.u32 v6, $0x1;
	v4 =	vand.u32 $0x1FFE, v4  }
0x28: {  	v5 =	vand.u32 $0x1, v5;
	v4 =	vor.u32 v3, v4;
	v3 =	vand.u32 $0xFFFFE000, v6  }
0x29: {  	s14 =	simm.s32 $0x40;
	s13 =	simm.s32 $0x80;
	v6 =	vshrl.u32 v6, $0xC;
	v4 =	vor.u32 v5, v4;
	v5 =	vand.u32 $0x1FFE, v7  }
.LBB2_2:
0x2a: {  	p0 =	sne.s32 s13, $0x9FC0  }
0x2b: {  	s15 =	sshra.s32 s14, $0x2;
	[tilespmem:s0+$0x0] =	vst v4;
	v3 =	vor.u32 v3, v5;
	v4 =	vand.u32 $0x1, v6;
	s14 =	smov.u32 s13;
	s13 =	sadd.s32 $0x40, s13  }
0x2c: {  	v5 =	vld [tilespmem:s15+$0x0];
	v3 =	vor.u32 v4, v3  }
0x2d: {  	[tilespmem:s0+$0x2800] =	vst v3;
	s0 =	smov.u32 s15  }
0x2e: {  	v6 =	vld [tilespmem:s0+$0x2800];
	_ =	sdelay $0x1  }
.Ltmp2:
0x2f: {  	(pc) =	sbr.rel @p0 .LBB2_2-.Ltmp2, $4  }
0x30: {  	v3 =	vand.u32 $0xFFFFE000, v5;
	v4 =	vshll.u32 v5, $0x1;
	v5 =	vshrl.u32 v5, $0xC  }
0x31: {  	v4 =	vand.u32 $0x1FFE, v4;
	v5 =	vand.u32 $0x1, v5  }
0x32: {  	v4 =	vor.u32 v3, v4;
	v3 =	vand.u32 $0xFFFFE000, v6;
	v7 =	vshll.u32 v6, $0x1  }
0x33: {  	v6 =	vshrl.u32 v6, $0xC;
	v4 =	vor.u32 v5, v4;
	v5 =	vand.u32 $0x1FFE, v7  }
0x34: {  	s13 =	sshra.s32 s14, $0x2;
	[tilespmem:s0+$0x0] =	vst v4;
	v3 =	vor.u32 v3, v5;
	v58 =	vand.u32 $0x1, v6  }
0x35: {  	v59 =	vld [tilespmem:s13+$0x0];
	v3 =	vor.u32 v58, v3  }
0x36: {  	[tilespmem:s0+$0x2800] =	vst v3  }
0x37: {  	v3 =	vld [tilespmem:s13+$0x2800];
	_ =	sdelay $0x2  }
0x38: {  	v60 =	vshll.u32 v59, $0x1  }
0x39: {  	v61 =	vand.u32 $0xFFFFE000, v59;
	v5 =	vshrl.u32 v59, $0xC;
	v4 =	vand.u32 $0x1FFE, v60  }
0x3a: {  	v5 =	vand.u32 $0x1, v5;
	v4 =	vor.u32 v61, v4;
	v62 =	vshll.u32 v3, $0x1  }
0x3b: {  	v7 =	vand.u32 $0xFFFFE000, v3;
	v3 =	vshrl.u32 v3, $0xC;
	v6 =	vand.u32 $0x1FFE, v62  }
0x3c: {  	v4 =	vor.u32 v5, v4;
	v3 =	vand.u32 $0x1, v3;
	v63 =	vor.u32 v7, v6  }
0x3d: {  	[tilespmem:s13+$0x0] =	vst v4;
	v3 =	vor.u32 v3, v63  }
0x3e: {  	s16 =	simm.s32 $0x5000;
	s0 =	simm.s32 $0x0;
	[tilespmem:s13+$0x2800] =	vst v3  }
0x3f: {  	[tilespmem:s16], [sflag:$0x1] =	stream.indirect.gather [hbm4b:s5+s12], $0x40, s0, s12, $0xb8;
	[tilespmem:$0x15200] =	vst v63  }
0x40: {  	s14 =	simm.s32 $0x9000  }
0x41: {  	[tilespmem:s14], [sflag:$0x1] =	stream.indirect.gather [hbm4b:s5+s12], $0x40, s11, s12, $0xb8;
	[tilespmem:$0x15200] =	vst v63  }
0x42: {  	s15 =	simm.s32 $0x7000  }
0x43: {  	[tilespmem:s15], [sflag:$0x1] =	stream.indirect.gather [hbm4b:s5+s12], $0x40, s12, s12, $0xb8;
	[tilespmem:$0x15200] =	vst v63  }
0x44: {  	s16 =	simm.s32 $0x2880  }
0x45: {  	[tilespmem:s17], [sflag:$0x1] =	stream.indirect.gather [hbm4b:s5+s12], $0x40, s16, s12, $0xb8;
	[tilespmem:$0x15200] =	vst v63  }
0x46: {  	_ = 	snop  }
0x47: {  	[tilespmem:s19], [sflag:$0x2] =	stream.indirect.gather [hbm4b:s5+s12], $0x40, s18, s12, $0xb8;
	[tilespmem:$0x15200] =	vst v63  }
0x48: {  	_ = 	snop  }
0x49: {  	[tilespmem:s21], [sflag:$0x2] =	stream.indirect.gather [hbm4b:s5+s12], $0x40, s20, s12, $0xb8;
	[tilespmem:$0x15200] =	vst v63  }
0x4a: {  	_ = 	snop  }
0x4b: {  	[tilespmem:s23], [sflag:$0x2] =	stream.indirect.gather [hbm4b:s5+s12], $0x40, s22, s12, $0xb8;
	[tilespmem:$0x15200] =	vst v63  }
0x4c: {  	_ = 	snop  }
0x4d: {  	[tilespmem:s25], [sflag:$0x2] =	stream.indirect.gather [hbm4b:s5+s12], $0x40, s24, s12, $0xb8;
	[tilespmem:$0x15200] =	vst v63  }
.LBB2_4:
0x4e: {  	_ =	swait.ge [sflag:s26], $0x2000  }
0x4f: {  	[sflag:s26] =	ssyncset.done $0x0  }
0x50: {  	[sflag:s26] =	ssyncadd.s32 $0xFFFFE000  }
0x51: {  	_ =	swait.ge [sflag:s26], $0x2000  }
0x52: {  	[sflag:s26] =	ssyncset.done $0x0  }
0x53: {  	[sflag:s26] =	ssyncadd.s32 $0xFFFFE000  }
0x54: {  	_ =	swait.ge [sflag:s26], $0x2000  }
0x55: {  	[sflag:s26] =	ssyncset.done $0x0  }
0x56: {  	[sflag:s26] =	ssyncadd.s32 $0xFFFFE000  }
0x57: {  	_ =	swait.ge [sflag:s26], $0x2000  }
0x58: {  	p0 =	seq.s32 s0, $0x0;
	[sflag:s26] =	ssyncset.done $0x0  }
0x59: {  	s13 =	simm.s32 @!p0 $0x3;
	[sflag:s26] =	ssyncadd.s32 $0xFFFFE000  }
0x5a: {  	_ =	swait.ge @!p0 [sflag:s13], $0x100  }
0x5b: {  	[sflag:s13] =	ssyncset.done @!p0 $0x0  }
0x5c: {  	s16 =	simm.s32 $0x0;
	[sflag:s13] =	ssyncadd.s32 @!p0 $0xFFFFFF00  }
0x5d: {  	v3 =	vld [tilespmem:s16+$0x9000]  }
0x5e: {  	v4 =	vld [tilespmem:s16+$0x5000]  }
0x5f: {  	v5 =	vld [tilespmem:s16+$0x9010]  }
0x60: {  	v6 =	vld [tilespmem:s16+$0x5010]  }
0x61: {  	v7 =	vld [tilespmem:s16+$0x9020]  }
0x62: {  	v9 =	vld [tilespmem:s16+$0x9030]  }
0x63: {  	v10 =	vld [tilespmem:s16+$0x5030]  }
0x64: {  	v8 =	vld [tilespmem:s16+$0x5020]  }
0x65: {  	v12 =	vmul.f32 v3, v3;
	v13 =	vmul.f32 v5, v5  }
0x66: {  	v11 =	vld [tilespmem:s16+$0x9200];
	v3 =	vmul.f32 v3, v4;
	v5 =	vmul.f32 v5, v6  }
0x67: {  	v14 =	vld [tilespmem:s16+$0x9210];
	v4 =	vmul.f32 v4, v4;
	v6 =	vmul.f32 v6, v6  }
0x68: {  	v22 =	vld [tilespmem:s16+$0x9330];
	v16 =	vmul.f32 v9, v9;
	v9 =	vmul.f32 v9, v10;
	v12 =	vadd.f32 v13, v12  }
0x69: {  	v15 =	vld [tilespmem:s16+$0x9220];
	v3 =	vadd.f32 v5, v3;
	v5 =	vmul.f32 v7, v7;
	v7 =	vmul.f32 v7, v8  }
0x6a: {  	v13 =	vld [tilespmem:s16+$0x9230];
	v4 =	vadd.f32 v6, v4;
	v6 =	vmul.f32 v8, v8;
	v8 =	vmul.f32 v10, v10  }
0x6b: {  	v30 =	vld [tilespmem:s16+$0x51B0];
	v5 =	vadd.f32 v16, v5  }
0x6c: {  	v7 =	vadd.f32 v9, v7;
	v6 =	vadd.f32 v8, v6;
	v8 =	vld [tilespmem:s16+$0x5220]  }
0x6d: {  	v27 =	vmul.f32 v22, v22;
	v10 =	vmul.f32 v14, v14;
	v5 =	vadd.f32 v5, v12;
	v12 =	vld [tilespmem:s16+$0x5200]  }
0x6e: {  	v9 =	vmul.f32 v11, v11;
	v3 =	vadd.f32 v7, v3;
	v7 =	vld [tilespmem:s16+$0x5210];
	v4 =	vadd.f32 v6, v4  }
0x6f: {  	v16 =	vmul.f32 v15, v15;
	v6 =	vld [tilespmem:s16+$0x5230];
	v17 =	vmul.f32 v13, v13  }
0x70: {  	v33 =	vmul.f32 v30, v30;
	v9 =	vadd.f32 v10, v9;
	v19 =	vperm.xlane v4, v0  }
0x71: {  	v18 =	vld [tilespmem:s16+$0x9110];
	v10 =	vadd.f32 v17, v16;
	v16 =	vperm.xlane v3, v0;
	v17 =	vperm.xlane v5, v0  }
0x72: {  	v21 =	vld [tilespmem:s16+$0x9130];
	v15 =	vmul.f32 v15, v8;
	v8 =	vmul.f32 v8, v8  }
0x73: {  	v20 =	vld [tilespmem:s16+$0x9120];
	v9 =	vadd.f32 v10, v9;
	v11 =	vmul.f32 v11, v12;
	v12 =	vmul.f32 v12, v12  }
0x74: {  	v10 =	vld [tilespmem:s16+$0x9100];
	v5 =	vadd.f32 v17, v5;
	v14 =	vmul.f32 v14, v7;
	v13 =	vmul.f32 v13, v6  }
0x75: {  	v58 =	vld [tilespmem:s16+$0x53B0];
	v7 =	vmul.f32 v7, v7;
	v3 =	vadd.f32 v16, v3;
	v17 =	vperm.xlane v9, v0  }
0x76: {  	v6 =	vmul.f32 v6, v6;
	v11 =	vadd.f32 v14, v11;
	v14 =	vld [tilespmem:s16+$0x5100];
	v13 =	vadd.f32 v13, v15  }
0x77: {  	v16 =	vmul.f32 v21, v21;
	v7 =	vadd.f32 v7, v12;
	v12 =	vld [tilespmem:s16+$0x5110];
	v9 =	vadd.f32 v17, v9  }
0x78: {  	v6 =	vadd.f32 v6, v8;
	v8 =	vld [tilespmem:s16+$0x5120];
	v11 =	vadd.f32 v13, v11;
	v13 =	vmul.f32 v20, v20  }
0x79: {  	v15 =	vmul.f32 v18, v18;
	v17 =	vld [tilespmem:s16+$0x9300];
	v5 =	vsel vm2, v5, v9;
	v9 =	vmul.f32 v10, v10  }
0x7a: {  	v6 =	vadd.f32 v6, v7;
	v7 =	vld [tilespmem:s16+$0x9310];
	v13 =	vadd.f32 v16, v13;
	v16 =	vperm.xlane v11, v0  }
0x7b: {  	v4 =	vadd.f32 v19, v4;
	v19 =	vperm.xlane v5, v1;
	v9 =	vadd.f32 v15, v9;
	v15 =	vld [tilespmem:s16+$0x9320]  }
0x7c: {  	v10 =	vmul.f32 v10, v14;
	v18 =	vmul.f32 v18, v12;
	v11 =	vadd.f32 v16, v11;
	v16 =	vld [tilespmem:s16+$0x5310]  }
0x7d: {  	v35 =	vmul.f32 v58, v58;
	v23 =	vperm.xlane v6, v0;
	v5 =	vadd.f32 v19, v5;
	v19 =	vld [tilespmem:s16+$0x5130]  }
0x7e: {  	v14 =	vmul.f32 v14, v14;
	v12 =	vmul.f32 v12, v12;
	v10 =	vadd.f32 v18, v10;
	v18 =	vld [tilespmem:s16+$0x5320]  }
0x7f: {  	v24 =	vmul.f32 v17, v17;
	v9 =	vadd.f32 v13, v9;
	v13 =	vmul.f32 v20, v8;
	v20 =	vld [tilespmem:s16+$0x5300]  }
0x80: {  	v6 =	vadd.f32 v23, v6;
	v25 =	vmul.f32 v7, v7;
	v8 =	vmul.f32 v8, v8  }
0x81: {  	v12 =	vadd.f32 v12, v14;
	v14 =	vld [tilespmem:s16+$0x5330];
	v23 =	vperm.xlane v9, v0;
	v26 =	vmul.f32 v15, v15  }
0x82: {  	v7 =	vmul.f32 v7, v16;
	v21 =	vmul.f32 v21, v19  }
0x83: {  	v19 =	vmul.f32 v19, v19;
	v9 =	vadd.f32 v23, v9;
	v23 =	vadd.f32 v25, v24  }
0x84: {  	v36 =	vld [tilespmem:s16+$0x9160];
	v15 =	vmul.f32 v15, v18;
	v24 =	vadd.f32 v27, v26;
	v17 =	vmul.f32 v17, v20  }
0x85: {  	v38 =	vld [tilespmem:s16+$0x5160];
	v13 =	vadd.f32 v21, v13;
	v8 =	vadd.f32 v19, v8;
	v19 =	vmul.f32 v20, v20  }
0x86: {  	v20 =	vmul.f32 v16, v16;
	v21 =	vadd.f32 v24, v23;
	v23 =	vmul.f32 v14, v14  }
0x87: {  	v41 =	vld [tilespmem:s16+$0x9340];
	v14 =	vmul.f32 v22, v14;
	v8 =	vadd.f32 v8, v12;
	v12 =	vmul.f32 v18, v18  }
0x88: {  	v7 =	vadd.f32 v7, v17;
	v16 =	vadd.f32 v20, v19;
	v19 =	vperm.xlane v21, v0  }
0x89: {  	v3 =	vsel vm2, v3, v11;
	v11 =	vld [tilespmem:s16+$0x9080];
	v14 =	vadd.f32 v14, v15;
	v12 =	vadd.f32 v23, v12  }
0x8a: {  	v49 =	vmul.f32 v36, v38;
	v10 =	vadd.f32 v13, v10;
	v17 =	vadd.f32 v19, v21  }
0x8b: {  	v50 =	vmul.f32 v38, v38;
	v7 =	vadd.f32 v14, v7;
	v14 =	vld [tilespmem:s16+$0x9090];
	v12 =	vadd.f32 v12, v16  }
0x8c: {  	v51 =	vmul.f32 v41, v41;
	v4 =	vsel vm2, v4, v6;
	v13 =	vperm.xlane v8, v0;
	v19 =	vld [tilespmem:s16+$0x5090]  }
0x8d: {  	v18 =	vperm.xlane v10, v0;
	v9 =	vsel vm2, v9, v17;
	v15 =	vperm.xlane v12, v0  }
0x8e: {  	v20 =	vmul.f32 v11, v11;
	v6 =	vadd.f32 v13, v8;
	v8 =	vld [tilespmem:s16+$0x90B0];
	v16 =	vperm.xlane v9, v1  }
0x8f: {  	v10 =	vadd.f32 v18, v10;
	v18 =	vperm.xlane v4, v1;
	v17 =	vld [tilespmem:s16+$0x90A0];
	v12 =	vadd.f32 v15, v12  }
0x90: {  	v13 =	vperm.xlane v7, v0;
	v9 =	vadd.f32 v16, v9;
	v16 =	vperm.xlane v3, v1  }
0x91: {  	v43 =	vld [tilespmem:s16+$0x9350];
	v21 =	vmul.f32 v14, v14;
	v14 =	vmul.f32 v14, v19;
	v6 =	vsel vm2, v6, v12  }
0x92: {  	v15 =	vld [tilespmem:s16+$0x5080];
	v5 =	vsel vm0, v5, v9;
	v12 =	vadd.f32 v18, v4;
	v4 =	vperm.xlane v6, v1  }
0x93: {  	v25 =	vld [tilespmem:s16+$0x5280];
	v7 =	vadd.f32 v13, v7;
	v19 =	vmul.f32 v19, v19;
	v13 =	vperm.xlane v5, v2  }
0x94: {  	v23 =	vmul.f32 v8, v8;
	v9 =	vld [tilespmem:s16+$0x50A0];
	v22 =	vmul.f32 v17, v17;
	v6 =	vadd.f32 v4, v6  }
0x95: {  	v24 =	vld [tilespmem:s16+$0x9280];
	v10 =	vsel vm2, v10, v7;
	v4 =	vadd.f32 v16, v3;
	v7 =	vadd.f32 v13, v5  }
0x96: {  	v18 =	vld [tilespmem:s16+$0x50B0];
	v3 =	vperm.xlane v10, v1;
	v13 =	vadd.f32 v21, v20;
	v16 =	vadd.f32 v23, v22  }
0x97: {  	v20 =	vld [tilespmem:s16+$0x9290];
	v11 =	vmul.f32 v11, v15;
	v15 =	vmul.f32 v15, v15;
	v6 =	vsel vm0, v12, v6  }
0x98: {  	v21 =	vld [tilespmem:s16+$0x92B0];
	v5 =	vadd.f32 v3, v10;
	v13 =	vadd.f32 v16, v13;
	v3 =	vperm.xlane v6, v2  }
0x99: {  	v12 =	vld [tilespmem:s16+$0x5290];
	v17 =	vmul.f32 v17, v9;
	v9 =	vmul.f32 v9, v9  }
0x9a: {  	v16 =	vld [tilespmem:s16+$0x92A0];
	v10 =	vadd.f32 v3, v6;
	v3 =	vadd.f32 v14, v11;
	v11 =	vperm.xlane v13, v0  }
0x9b: {  	v6 =	vmul.f32 v8, v18;
	v8 =	vld [tilespmem:s16+$0x52A0];
	v14 =	vadd.f32 v19, v15;
	v15 =	vmul.f32 v18, v18  }
0x9c: {  	v53 =	vmul.f32 v43, v43;
	v22 =	vmul.f32 v25, v25;
	v18 =	vld [tilespmem:s16+$0x52B0];
	v11 =	vadd.f32 v11, v13  }
0x9d: {  	v42 =	vld [tilespmem:s16+$0x5340];
	v9 =	vadd.f32 v15, v9;
	v13 =	vmul.f32 v24, v24;
	v15 =	vmul.f32 v20, v20  }
0x9e: {  	v19 =	vld [tilespmem:s16+$0x9180];
	v6 =	vadd.f32 v6, v17;
	v17 =	vmul.f32 v21, v21;
	v23 =	vmul.f32 v12, v12  }
0x9f: {  	v24 =	vmul.f32 v24, v25;
	v25 =	vld [tilespmem:s16+$0x9390];
	v12 =	vmul.f32 v20, v12  }
0xa0: {  	v20 =	vld [tilespmem:s16+$0x93A0];
	v3 =	vadd.f32 v6, v3;
	v6 =	vmul.f32 v16, v16;
	v13 =	vadd.f32 v15, v13  }
0xa1: {  	v15 =	vld [tilespmem:s16+$0x9190];
	v9 =	vadd.f32 v9, v14;
	v26 =	vmul.f32 v8, v8;
	v27 =	vmul.f32 v18, v18  }
0xa2: {  	v14 =	vadd.f32 v23, v22;
	v22 =	vld [tilespmem:s16+$0x91B0];
	v8 =	vmul.f32 v16, v8;
	v16 =	vmul.f32 v21, v18  }
0xa3: {  	v57 =	vmul.f32 v42, v42;
	v18 =	vld [tilespmem:s16+$0x93B0];
	v6 =	vadd.f32 v17, v6;
	v23 =	vperm.xlane v3, v0  }
0xa4: {  	v21 =	vmul.f32 v19, v19;
	v17 =	vld [tilespmem:s16+$0x91A0];
	v26 =	vadd.f32 v27, v26;
	v8 =	vadd.f32 v16, v8  }
0xa5: {  	v16 =	vld [tilespmem:s16+$0x5180];
	v13 =	vadd.f32 v6, v13;
	v6 =	vadd.f32 v23, v3;
	v3 =	vperm.xlane v9, v0  }
0xa6: {  	v27 =	vld [tilespmem:s16+$0x9380];
	v29 =	vmul.f32 v25, v25;
	v31 =	vmul.f32 v20, v20;
	v14 =	vadd.f32 v26, v14  }
0xa7: {  	v28 =	vmul.f32 v22, v22;
	v23 =	vperm.xlane v13, v0;
	v3 =	vadd.f32 v3, v9  }
0xa8: {  	v9 =	vadd.f32 v12, v24;
	v32 =	vmul.f32 v18, v18;
	v18 =	vmul.f32 v18, v58  }
0xa9: {  	v24 =	vld [tilespmem:s16+$0x5190];
	v12 =	vperm.xlane v14, v0;
	v26 =	vmul.f32 v17, v17;
	v13 =	vadd.f32 v23, v13  }
0xaa: {  	v23 =	vmul.f32 v15, v15;
	v8 =	vadd.f32 v8, v9;
	v19 =	vmul.f32 v19, v16  }
0xab: {  	v9 =	vld [tilespmem:s16+$0x51A0];
	v12 =	vadd.f32 v12, v14;
	v11 =	vsel vm2, v11, v13;
	v13 =	vmul.f32 v27, v27  }
0xac: {  	v16 =	vmul.f32 v16, v16;
	v14 =	vadd.f32 v23, v21;
	v21 =	vadd.f32 v28, v26;
	v23 =	vld [tilespmem:s16+$0x5380]  }
0xad: {  	v28 =	vld [tilespmem:s16+$0x5390];
	v26 =	vperm.xlane v11, v1;
	v13 =	vadd.f32 v29, v13;
	v29 =	vadd.f32 v32, v31  }
0xae: {  	v3 =	vsel vm2, v3, v12;
	v15 =	vmul.f32 v15, v24;
	v12 =	vadd.f32 v21, v14;
	v14 =	vld [tilespmem:s16+$0x53A0]  }
0xaf: {  	v24 =	vmul.f32 v24, v24;
	v21 =	vperm.xlane v8, v0;
	v13 =	vadd.f32 v29, v13  }
0xb0: {  	v31 =	vperm.xlane v3, v1;
	v11 =	vadd.f32 v26, v11;
	v29 =	vperm.xlane v12, v0  }
0xb1: {  	v26 =	vmul.f32 v9, v9;
	v8 =	vadd.f32 v21, v8;
	v21 =	vperm.xlane v13, v0  }
0xb2: {  	v16 =	vadd.f32 v24, v16;
	v34 =	vmul.f32 v28, v28;
	v12 =	vadd.f32 v29, v12  }
0xb3: {  	v48 =	vld [tilespmem:s16+$0x5170];
	v29 =	vmul.f32 v23, v23;
	v13 =	vadd.f32 v21, v13;
	v21 =	vmul.f32 v14, v14  }
0xb4: {  	v9 =	vmul.f32 v17, v9;
	v17 =	vmul.f32 v22, v30;
	v24 =	vadd.f32 v33, v26  }
0xb5: {  	v12 =	vsel vm2, v12, v13;
	v13 =	vadd.f32 v34, v29;
	v21 =	vadd.f32 v35, v21  }
0xb6: {  	v15 =	vadd.f32 v15, v19;
	v30 =	vld [tilespmem:s16+$0x5250];
	v16 =	vadd.f32 v24, v16;
	v26 =	vperm.xlane v12, v1  }
0xb7: {  	v9 =	vadd.f32 v17, v9;
	v14 =	vmul.f32 v20, v14;
	v20 =	vld [tilespmem:s16+$0x9070];
	v13 =	vadd.f32 v21, v13  }
0xb8: {  	v33 =	vmul.f32 v48, v48;
	v17 =	vperm.xlane v16, v0;
	v12 =	vadd.f32 v26, v12  }
0xb9: {  	v22 =	vld [tilespmem:s16+$0x9040];
	v23 =	vmul.f32 v27, v23;
	v24 =	vperm.xlane v13, v0  }
0xba: {  	v19 =	vld [tilespmem:s16+$0x9050];
	v9 =	vadd.f32 v9, v15;
	v16 =	vadd.f32 v17, v16;
	v11 =	vsel vm0, v11, v12  }
0xbb: {  	v12 =	vmul.f32 v25, v28;
	v25 =	vld [tilespmem:s16+$0x9060];
	v17 =	vperm.xlane v11, v2;
	v13 =	vadd.f32 v24, v13  }
0xbc: {  	v60 =	vmul.f32 v30, v30;
	v14 =	vadd.f32 v18, v14;
	v21 =	vld [tilespmem:s16+$0x5040];
	v28 =	vmul.f32 v20, v20  }
0xbd: {  	v15 =	vld [tilespmem:s16+$0x5060];
	v12 =	vadd.f32 v12, v23;
	v11 =	vadd.f32 v17, v11;
	v13 =	vsel vm2, v16, v13  }
0xbe: {  	v24 =	vld [tilespmem:s16+$0x5050];
	v17 =	vperm.xlane v9, v0;
	v18 =	vperm.xlane v13, v1  }
0xbf: {  	v7 =	vsel vm1, v7, v11;
	v11 =	vadd.f32 v14, v12;
	v12 =	vmul.f32 v22, v22  }
0xc0: {  	v3 =	vadd.f32 v31, v3;
	v26 =	vld [tilespmem:s16+$0x5240];
	v14 =	vmul.f32 v19, v19;
	v27 =	vmul.f32 v25, v25  }
0xc1: {  	v35 =	vadd.f32 v33, v50;
	v16 =	vld [tilespmem:s16+$0x5070];
	v22 =	vmul.f32 v22, v21;
	v21 =	vmul.f32 v21, v21  }
0xc2: {  	v23 =	vld [tilespmem:s16+$0x9240];
	v9 =	vadd.f32 v17, v9;
	v25 =	vmul.f32 v25, v15;
	v15 =	vmul.f32 v15, v15  }
0xc3: {  	v13 =	vadd.f32 v18, v13;
	v29 =	vperm.xlane v7, v52;
	v19 =	vmul.f32 v19, v24  }
0xc4: {  	v44 =	vld [tilespmem:s16+$0x5350];
	v24 =	vmul.f32 v24, v24;
	v17 =	vperm.xlane v11, v0;
	v12 =	vadd.f32 v14, v12  }
0xc5: {  	v62 =	vld [tilespmem:s16+$0x5150];
	v14 =	vadd.f32 v28, v27;
	v3 =	vsel vm0, v3, v13;
	v7 =	vadd.f32 v29, v7  }
0xc6: {  	v18 =	vld [tilespmem:s16+$0x9250];
	v19 =	vadd.f32 v19, v22;
	v20 =	vmul.f32 v20, v16;
	v16 =	vmul.f32 v16, v16  }
0xc7: {  	v28 =	vld [tilespmem:s16+$0x5260];
	v21 =	vadd.f32 v24, v21;
	v22 =	vmul.f32 v26, v26;
	v24 =	vmul.f32 v23, v23  }
0xc8: {  	v27 =	vperm.xlane v3, v2;
	v12 =	vadd.f32 v14, v12;
	[tilespmem:$0x1FF60] =	vst v7;
	v7 =	vadd.f32 v17, v11  }
0xc9: {  	v13 =	vld [tilespmem:s16+$0x9260];
	v15 =	vadd.f32 v16, v15;
	v22 =	vadd.f32 v60, v22;
	v60 =	vmul.f32 v44, v44  }
0xca: {  	v14 =	vld [tilespmem:s16+$0x9270];
	v44 =	vmul.f32 v43, v44;
	v3 =	vadd.f32 v27, v3;
	v27 =	vperm.xlane v12, v0  }
0xcb: {  	v17 =	vld [tilespmem:s16+$0x5270];
	v20 =	vadd.f32 v20, v25;
	v61 =	vmul.f32 v18, v18;
	v18 =	vmul.f32 v18, v30  }
0xcc: {  	v59 =	vld [tilespmem:s16+$0x9150];
	v30 =	vmul.f32 v62, v62;
	v16 =	vmul.f32 v28, v28;
	v15 =	vadd.f32 v15, v21  }
0xcd: {  	v63 =	vld [tilespmem:s16+$0x9170];
	v21 =	vmul.f32 v23, v26;
	v19 =	vadd.f32 v20, v19;
	v12 =	vadd.f32 v27, v12  }
0xce: {  	v29 =	vld [tilespmem:s16+$0x9140];
	v25 =	vmul.f32 v13, v13;
	v24 =	vadd.f32 v61, v24;
	v13 =	vmul.f32 v13, v28  }
0xcf: {  	v38 =	vld [tilespmem:s16+$0x51C0];
	v3 =	vsel vm1, v10, v3;
	v27 =	vmul.f32 v14, v14;
	v20 =	vperm.xlane v15, v0  }
0xd0: {  	v31 =	vld [tilespmem:s16+$0x5140];
	v18 =	vadd.f32 v18, v21;
	v37 =	vmul.f32 v17, v17;
	v14 =	vmul.f32 v14, v17  }
0xd1: {  	v32 =	vld [tilespmem:s16+$0x52C0];
	v25 =	vadd.f32 v27, v25;
	v15 =	vadd.f32 v20, v15;
	v20 =	vperm.xlane v3, v52  }
0xd2: {  	v33 =	vld [tilespmem:s16+$0x92E0];
	v26 =	vmul.f32 v59, v59;
	v16 =	vadd.f32 v37, v16;
	v14 =	vadd.f32 v14, v13  }
0xd3: {  	[tilespmem:$0x1FF10] =	vst v9;
	v9 =	vld [tilespmem:s16+$0x93E0];
	v23 =	vadd.f32 v25, v24;
	v3 =	vadd.f32 v20, v3;
	v20 =	vmul.f32 v29, v29  }
0xd4: {  	v43 =	vld [tilespmem:s16+$0x91F0];
	v16 =	vadd.f32 v16, v22;
	v14 =	vadd.f32 v14, v18;
	v18 =	vperm.xlane v19, v0  }
0xd5: {  	v28 =	vmul.f32 v31, v31;
	v13 =	vld [tilespmem:s16+$0x9360];
	v17 =	vperm.xlane v23, v0;
	v26 =	vadd.f32 v26, v20  }
0xd6: {  	[tilespmem:$0x1FF20] =	vst v7;
	v20 =	vld [tilespmem:s16+$0x50D0];
	v21 =	vperm.xlane v16, v0;
	v7 =	vadd.f32 v18, v19;
	v19 =	vperm.xlane v14, v0  }
0xd7: {  	v34 =	vmul.f32 v63, v48;
	v54 =	vadd.f32 v30, v28;
	v18 =	vld [tilespmem:s16+$0x50C0];
	v10 =	vadd.f32 v17, v23  }
0xd8: {  	v11 =	vsel vm2, v6, v8;
	v17 =	vadd.f32 v21, v16;
	v16 =	vld [tilespmem:s16+$0x5360];
	v27 =	vadd.f32 v19, v14  }
0xd9: {  	v19 =	vld [tilespmem:s16+$0x90D0];
	v14 =	vmul.f32 v29, v31;
	v29 =	vmul.f32 v59, v62;
	v21 =	vsel vm2, v12, v10  }
0xda: {  	[tilespmem:$0x1FF50] =	vst v3;
	v30 =	vmul.f32 v13, v13;
	v12 =	vld [tilespmem:s16+$0x9370];
	v23 =	vsel vm2, v15, v17;
	v3 =	vperm.xlane v21, v1  }
0xdb: {  	v15 =	vld [tilespmem:s16+$0x5370];
	v14 =	vadd.f32 v29, v14;
	v29 =	vadd.f32 v34, v49;
	v61 =	vmul.f32 v20, v20  }
0xdc: {  	v17 =	vld [tilespmem:s16+$0x90C0];
	v34 =	vadd.f32 v53, v51;
	v25 =	vperm.xlane v23, v1;
	v49 =	vmul.f32 v18, v18  }
0xdd: {  	v28 =	vld [tilespmem:s16+$0x92C0];
	v3 =	vadd.f32 v3, v21;
	v21 =	vmul.f32 v63, v63;
	v14 =	vadd.f32 v29, v14  }
0xde: {  	v31 =	vadd.f32 v25, v23;
	v25 =	vld [tilespmem:s16+$0x90F0];
	v40 =	vmul.f32 v16, v16;
	v51 =	vmul.f32 v19, v19  }
0xdf: {  	v48 =	vadd.f32 v60, v57;
	v23 =	vld [tilespmem:s16+$0x50E0];
	[tilespmem:$0x1FF40] =	vst v3;
	v3 =	vmul.f32 v36, v36;
	v55 =	vmul.f32 v12, v12  }
0xe0: {  	v45 =	vadd.f32 v35, v54;
	v24 =	vmovc v52;
	v52 =	vld [tilespmem:s16+$0x93C0];
	v59 =	vperm.xlane v14, v0;
	v46 =	vmul.f32 v15, v15  }
0xe1: {  	v50 =	vmul.f32 v17, v17;
	v3 =	vadd.f32 v21, v3;
	v21 =	vld [tilespmem:s16+$0x90E0];
	v56 =	vadd.f32 v55, v30  }
0xe2: {  	v35 =	vld [tilespmem:s16+$0x92F0];
	[tilespmem:$0x1FF30] =	vst v7;
	v7 =	vadd.f32 v59, v14;
	v14 =	vsel vm0, v4, v5;
	v40 =	vadd.f32 v46, v40  }
0xe3: {  	v30 =	vld [tilespmem:s16+$0x52D0];
	v3 =	vadd.f32 v3, v26;
	v58 =	vadd.f32 v56, v34;
	v53 =	vmul.f32 v25, v25  }
0xe4: {  	v5 =	vadd.f32 v51, v50;
	v26 =	vld [tilespmem:s16+$0x50F0];
	v54 =	vmul.f32 v23, v23;
	v56 =	vperm.xlane v45, v0  }
0xe5: {  	v37 =	vld [tilespmem:s16+$0x91C0];
	v48 =	vadd.f32 v40, v48;
	v39 =	vperm.xlane v3, v0;
	v47 =	vperm.xlane v58, v0  }
0xe6: {  	v46 =	vadd.f32 v61, v49;
	v34 =	vld [tilespmem:s16+$0x52E0];
	[tilespmem:$0x1FF70] =	vst v7;
	v7 =	vmul.f32 v52, v52;
	v62 =	vmul.f32 v21, v21  }
0xe7: {  	v29 =	vld [tilespmem:s16+$0x92D0];
	v59 =	vperm.xlane v48, v0;
	v3 =	vadd.f32 v39, v3;
	v47 =	vadd.f32 v47, v58  }
0xe8: {  	v36 =	vld [tilespmem:s16+$0x52F0];
	v45 =	vadd.f32 v56, v45;
	v56 =	vmul.f32 v30, v30;
	v58 =	vmul.f32 v41, v42  }
0xe9: {  	v50 =	vld [tilespmem:s16+$0x51F0];
	v55 =	vmul.f32 v26, v26;
	v63 =	vadd.f32 v53, v62;
	v3 =	vsel vm2, v3, v47  }
0xea: {  	v40 =	vld [tilespmem:s16+$0x51D0];
	v44 =	vadd.f32 v44, v58;
	v47 =	vadd.f32 v59, v48;
	v48 =	vmul.f32 v33, v33  }
0xeb: {  	v41 =	vld [tilespmem:s16+$0x91E0];
	v58 =	vmul.f32 v35, v35;
	v59 =	vmul.f32 v34, v34;
	v57 =	vadd.f32 v55, v54  }
0xec: {  	v39 =	vld [tilespmem:s16+$0x91D0];
	v5 =	vadd.f32 v63, v5;
	v60 =	vperm.xlane v3, v1;
	v63 =	vmul.f32 v28, v28  }
0xed: {  	v42 =	vld [tilespmem:s16+$0x51E0];
	v55 =	vmul.f32 v32, v32;
	v48 =	vadd.f32 v58, v48;
	v46 =	vadd.f32 v57, v46  }
0xee: {  	v53 =	vld [tilespmem:s16+$0x53D0];
	v61 =	vperm.xlane v5, v0;
	v10 =	vadd.f32 v60, v3;
	v60 =	vmul.f32 v29, v29  }
0xef: {  	v57 =	vld [tilespmem:s16+$0x93D0];
	v6 =	vadd.f32 v56, v55;
	v55 =	vmul.f32 v38, v38;
	v56 =	vmul.f32 v37, v37  }
0xf0: {  	v54 =	vld [tilespmem:s16+$0x53C0];
	v4 =	vmul.f32 v41, v41;
	v3 =	vmul.f32 v43, v43;
	v49 =	vadd.f32 v60, v63  }
0xf1: {  	v58 =	vld [tilespmem:s16+$0x53E0];
	v62 =	vperm.xlane v46, v0;
	v51 =	vadd.f32 v61, v5;
	v60 =	vmul.f32 v36, v36  }
0xf2: {  	v61 =	vmul.f32 v39, v39;
	v8 =	vadd.f32 v3, v4;
	v48 =	vadd.f32 v48, v49;
	v49 =	vld [tilespmem:s16+$0x53F0]  }
0xf3: {  	v63 =	vmul.f32 v42, v42;
	v46 =	vadd.f32 v62, v46;
	v59 =	vadd.f32 v60, v59;
	v62 =	vld [tilespmem:s16+$0x93F0]  }
0xf4: {  	v60 =	vmul.f32 v40, v40;
	v56 =	vadd.f32 v61, v56;
	v5 =	vmul.f32 v57, v57  }
0xf5: {  	v61 =	vmul.f32 v54, v54;
	v6 =	vadd.f32 v59, v6;
	v59 =	vmul.f32 v50, v50  }
0xf6: {  	v22 =	vld [tilespmem:$0x1FF20];
	v55 =	vadd.f32 v60, v55;
	v60 =	vmul.f32 v53, v53;
	v5 =	vadd.f32 v5, v7  }
0xf7: {  	v7 =	vld [tilespmem:$0x1FF10];
	v59 =	vadd.f32 v59, v63;
	v63 =	vmul.f32 v58, v58;
	v4 =	vmul.f32 v49, v49  }
0xf8: {  	v60 =	vadd.f32 v60, v61;
	v61 =	vmul.f32 v9, v9;
	v3 =	vmul.f32 v62, v62  }
0xf9: {  	v8 =	vadd.f32 v8, v56;
	v4 =	vadd.f32 v4, v63  }
0xfa: {  	v55 =	vadd.f32 v59, v55;
	v3 =	vadd.f32 v3, v61  }
0xfb: {  	v61 =	vperm.xlane v48, v0;
	v63 =	vperm.xlane v6, v0;
	v4 =	vadd.f32 v4, v60  }
0xfc: {  	v7 =	vsel vm2, v7, v22;
	v3 =	vadd.f32 v3, v5;
	v5 =	vperm.xlane v55, v0  }
0xfd: {  	v48 =	vadd.f32 v61, v48;
	v60 =	vperm.xlane v8, v0;
	v61 =	vperm.xlane v4, v0  }
0xfe: {  	v22 =	vld [tilespmem:$0x1FF30];
	v6 =	vadd.f32 v63, v6;
	v63 =	vperm.xlane v3, v0;
	v5 =	vadd.f32 v5, v55  }
0xff: {  	v45 =	vsel vm2, v45, v47;
	v8 =	vadd.f32 v60, v8;
	v4 =	vadd.f32 v61, v4  }
0x100: {  	v48 =	vsel vm2, v51, v48;
	v6 =	vsel vm2, v46, v6;
	v3 =	vadd.f32 v63, v3  }
0x101: {  	v51 =	vperm.xlane v45, v1;
	v56 =	vperm.xlane v48, v1;
	v4 =	vsel vm2, v5, v4  }
0x102: {  	v5 =	vperm.xlane v6, v1;
	v3 =	vsel vm2, v8, v3;
	v60 =	vperm.xlane v4, v1  }
0x103: {  	v22 =	vsel vm2, v22, v27;
	v27 =	vld [tilespmem:$0x1FF40];
	v8 =	vadd.f32 v51, v45;
	v61 =	vperm.xlane v3, v1  }
0x104: {  	v5 =	vadd.f32 v5, v6;
	v4 =	vadd.f32 v60, v4  }
0x105: {  	v6 =	vadd.f32 v56, v48;
	v3 =	vadd.f32 v61, v3  }
0x106: {  	v8 =	vsel vm0, v31, v8;
	v4 =	vsel vm0, v5, v4  }
0x107: {  	v5 =	vperm.xlane v8, v2;
	v3 =	vsel vm0, v6, v3;
	v6 =	vperm.xlane v4, v2  }
0x108: {  	v13 =	vmul.f32 v13, v16;
	v12 =	vmul.f32 v12, v15;
	v10 =	vsel vm0, v27, v10  }
0x109: {  	v16 =	vperm.xlane v10, v2;
	v5 =	vadd.f32 v5, v8;
	v4 =	vadd.f32 v6, v4  }
0x10a: {  	v6 =	vadd.f32 v12, v13  }
0x10b: {  	v10 =	vadd.f32 v16, v10;
	v8 =	vmul.f32 v19, v20;
	v19 =	vld [tilespmem:$0x1FF50];
	v4 =	vsel vm1, v5, v4  }
0x10c: {  	v16 =	vperm.xlane v3, v2;
	v5 =	vadd.f32 v6, v44;
	v6 =	vperm.xlane v4, v24;
	_ =	sdelay $0x1  }
0x10d: {  	v3 =	vadd.f32 v16, v3;
	v4 =	vadd.f32 v6, v4  }
0x10e: {  	v15 =	vmul.f32 v17, v18;
	v18 =	vmul.f32 v35, v36  }
0x10f: {  	v17 =	vmul.f32 v33, v34;
	v3 =	vsel vm1, v10, v3;
	v4 =	vsel vm3, v19, v4;
	v19 =	vld [tilespmem:$0x1FF60]  }
0x110: {  	v9 =	vmul.f32 v9, v58;
	v10 =	vperm.xlane v3, v24  }
0x111: {  	v16 =	vmul.f32 v28, v32;
	v8 =	vadd.f32 v8, v15;
	v15 =	vmul.f32 v29, v30  }
0x112: {  	v12 =	vmul.f32 v21, v23;
	v13 =	vmul.f32 v25, v26;
	v3 =	vadd.f32 v10, v3  }
0x113: {  	v59 =	vperm.xlane v7, v1;
	v15 =	vadd.f32 v15, v16;
	v16 =	vmul.f32 v52, v54  }
0x114: {  	v6 =	vadd.f32 v13, v12;
	v10 =	vmul.f32 v37, v38;
	v3 =	vsel vm3, v19, v3  }
0x115: {  	v12 =	vmul.f32 v39, v40;
	v4 =	vmax.f32 v4, $1.000000020e-24;
	v3 =	vmax.f32 v3, $1.000000020e-24  }
0x116: {  	v7 =	vadd.f32 v59, v7;
	v13 =	vmul.f32 v41, v42;
	v3 =	vmul.f32 v3, v4  }
0x117: {  	v19 =	vmul.f32 v43, v50;
	v4 =	vadd.f32 v18, v17;
	v17 =	vmul.f32 v57, v53  }
0x118: {  	v18 =	vmul.f32 v62, v49;
	v20 =	vshra.s32 v3, $0x1;
	v3 =	vmul.f32 $5.000000000e-01, v3  }
0x119: {  	v10 =	vadd.f32 v12, v10;
	v12 =	vadd.f32 v19, v13;
	v13 =	vsub.s32 $0x5F3759DF, v20  }
0x11a: {  	v16 =	vadd.f32 v17, v16;
	v9 =	vadd.f32 v18, v9;
	v17 =	vmul.f32 v13, v3  }
0x11b: {  	v6 =	vadd.f32 v6, v8;
	v8 =	vperm.xlane v5, v0;
	v4 =	vadd.f32 v4, v15  }
0x11c: {  	v10 =	vadd.f32 v12, v10;
	v18 =	vld [tilespmem:$0x1FF70];
	v9 =	vadd.f32 v9, v16;
	v12 =	vmul.f32 v13, v17  }
0x11d: {  	v5 =	vadd.f32 v8, v5;
	v8 =	vperm.xlane v6, v0;
	v15 =	vperm.xlane v4, v0  }
0x11e: {  	v16 =	vperm.xlane v10, v0;
	v17 =	vperm.xlane v9, v0;
	v12 =	vsub.f32 $1.500000000e+00, v12  }
0x11f: {  	v55 =	vperm.xlane v11, v1;
	v6 =	vadd.f32 v8, v6;
	v4 =	vadd.f32 v15, v4  }
0x120: {  	v8 =	vadd.f32 v16, v10;
	v9 =	vadd.f32 v17, v9;
	v10 =	vmul.f32 v13, v12  }
0x121: {  	v5 =	vsel vm2, v18, v5;
	v4 =	vsel vm2, v6, v4;
	v12 =	vperm.xlane v22, v1  }
0x122: {  	v13 =	vperm.xlane v5, v1;
	v6 =	vsel vm2, v8, v9;
	v8 =	vmul.f32 v10, v3  }
0x123: {  	v11 =	vadd.f32 v55, v11;
	v9 =	vperm.xlane v4, v1;
	v15 =	vperm.xlane v6, v1  }
0x124: {  	v12 =	vadd.f32 v12, v22;
	v5 =	vadd.f32 v13, v5;
	v8 =	vmul.f32 v8, v10  }
0x125: {  	v7 =	vsel vm0, v11, v7;
	v4 =	vadd.f32 v9, v4;
	v6 =	vadd.f32 v15, v6  }
0x126: {  	v9 =	vperm.xlane v14, v2;
	v5 =	vsel vm0, v12, v5;
	v8 =	vsub.f32 $1.500000000e+00, v8  }
0x127: {  	v4 =	vsel vm0, v4, v6;
	v6 =	vperm.xlane v7, v2;
	v11 =	vperm.xlane v5, v2  }
0x128: {  	v12 =	vperm.xlane v4, v2;
	v8 =	vmul.f32 v8, v10  }
0x129: {  	v9 =	vadd.f32 v9, v14;
	v6 =	vadd.f32 v6, v7  }
0x12a: {  	v5 =	vadd.f32 v11, v5;
	v4 =	vadd.f32 v12, v4;
	v3 =	vmul.f32 v8, v3;
	_ =	sdelay $0x1  }
0x12b: {  	v6 =	vsel vm1, v9, v6;
	v4 =	vsel vm1, v5, v4;
	v3 =	vmul.f32 v3, v8  }
0x12c: {  	v5 =	vperm.xlane v6, v24;
	v7 =	vperm.xlane v4, v24  }
0x12d: {  	v3 =	vsub.f32 $1.500000000e+00, v3  }
0x12e: {  	v5 =	vadd.f32 v5, v6;
	v4 =	vadd.f32 v7, v4  }
0x12f: {  	v3 =	vmul.f32 v3, v8  }
0x130: {  	v4 =	vsel vm3, v5, v4  }
0x131: {  	v3 =	vmul.f32 v3, v4  }
0x132: {  	s14 =	simm.s32 $0x15000  }
0x133: {  	s15 =	simm.s32 $0x400;
	[tilespmem:s14+$0x0] =	vst v3  }
0x134: {  	v3 =	vld [tilespmem:s15+$0x9000]  }
0x135: {  	v4 =	vld [tilespmem:s15+$0x5000]  }
0x136: {  	v5 =	vld [tilespmem:s15+$0x9010]  }
0x137: {  	v6 =	vld [tilespmem:s15+$0x5010]  }
0x138: {  	v7 =	vld [tilespmem:s15+$0x9020]  }
0x139: {  	v8 =	vld [tilespmem:s15+$0x5020]  }
0x13a: {  	v9 =	vld [tilespmem:s15+$0x9030]  }
0x13b: {  	v10 =	vld [tilespmem:s15+$0x5030]  }
0x13c: {  	v11 =	vld [tilespmem:s15+$0x9200]  }
0x13d: {  	v14 =	vld [tilespmem:s15+$0x9210];
	v12 =	vmul.f32 v3, v3;
	v13 =	vmul.f32 v5, v5  }
0x13e: {  	v15 =	vld [tilespmem:s15+$0x9220];
	v3 =	vmul.f32 v3, v4;
	v5 =	vmul.f32 v5, v6  }
0x13f: {  	v22 =	vld [tilespmem:s15+$0x9330];
	v4 =	vmul.f32 v4, v4;
	v6 =	vmul.f32 v6, v6  }
0x140: {  	v39 =	vld [tilespmem:s15+$0x53B0];
	v16 =	vmul.f32 v9, v9;
	v9 =	vmul.f32 v9, v10;
	v12 =	vadd.f32 v13, v12  }
0x141: {  	v13 =	vld [tilespmem:s15+$0x9230];
	v3 =	vadd.f32 v5, v3;
	v5 =	vmul.f32 v7, v7;
	v7 =	vmul.f32 v7, v8  }
0x142: {  	v48 =	vld [tilespmem:s15+$0x5150];
	v4 =	vadd.f32 v6, v4;
	v6 =	vmul.f32 v8, v8;
	v8 =	vmul.f32 v10, v10  }
0x143: {  	v5 =	vadd.f32 v16, v5  }
0x144: {  	v27 =	vmul.f32 v22, v22;
	v7 =	vadd.f32 v9, v7;
	v6 =	vadd.f32 v8, v6;
	v8 =	vld [tilespmem:s15+$0x5220]  }
0x145: {  	v10 =	vmul.f32 v14, v14;
	v9 =	vmul.f32 v11, v11;
	v5 =	vadd.f32 v5, v12;
	v12 =	vld [tilespmem:s15+$0x5200]  }
0x146: {  	v16 =	vmul.f32 v15, v15;
	v3 =	vadd.f32 v7, v3;
	v7 =	vld [tilespmem:s15+$0x5210];
	v17 =	vmul.f32 v13, v13  }
0x147: {  	v43 =	vmul.f32 v39, v39;
	v54 =	vmul.f32 v48, v48;
	v4 =	vadd.f32 v6, v4;
	v6 =	vld [tilespmem:s15+$0x5230]  }
0x148: {  	v9 =	vadd.f32 v10, v9;
	v10 =	vadd.f32 v17, v16;
	v16 =	vperm.xlane v3, v0  }
0x149: {  	v18 =	vld [tilespmem:s15+$0x9110];
	v17 =	vperm.xlane v5, v0;
	v15 =	vmul.f32 v15, v8  }
0x14a: {  	v21 =	vld [tilespmem:s15+$0x9130];
	v8 =	vmul.f32 v8, v8;
	v9 =	vadd.f32 v10, v9;
	v11 =	vmul.f32 v11, v12  }
0x14b: {  	v20 =	vld [tilespmem:s15+$0x9120];
	v12 =	vmul.f32 v12, v12;
	v5 =	vadd.f32 v17, v5;
	v14 =	vmul.f32 v14, v7  }
0x14c: {  	v10 =	vld [tilespmem:s15+$0x9100];
	v7 =	vmul.f32 v7, v7;
	v3 =	vadd.f32 v16, v3;
	v13 =	vmul.f32 v13, v6  }
0x14d: {  	v6 =	vmul.f32 v6, v6;
	v17 =	vperm.xlane v9, v0;
	v11 =	vadd.f32 v14, v11  }
0x14e: {  	v19 =	vperm.xlane v4, v0;
	v14 =	vld [tilespmem:s15+$0x5100];
	v13 =	vadd.f32 v13, v15;
	v7 =	vadd.f32 v7, v12  }
0x14f: {  	v16 =	vmul.f32 v21, v21;
	v12 =	vld [tilespmem:s15+$0x5110];
	v6 =	vadd.f32 v6, v8;
	v9 =	vadd.f32 v17, v9  }
0x150: {  	v8 =	vld [tilespmem:s15+$0x5120];
	v15 =	vmul.f32 v18, v18;
	v11 =	vadd.f32 v13, v11;
	v13 =	vmul.f32 v20, v20  }
0x151: {  	v17 =	vld [tilespmem:s15+$0x9300];
	v6 =	vadd.f32 v6, v7;
	v5 =	vsel vm2, v5, v9;
	v9 =	vmul.f32 v10, v10  }
0x152: {  	v4 =	vadd.f32 v19, v4;
	v7 =	vld [tilespmem:s15+$0x9310];
	v13 =	vadd.f32 v16, v13;
	v16 =	vperm.xlane v11, v0  }
0x153: {  	v23 =	vperm.xlane v6, v0;
	v19 =	vperm.xlane v5, v1;
	v9 =	vadd.f32 v15, v9;
	v15 =	vld [tilespmem:s15+$0x9320]  }
0x154: {  	v10 =	vmul.f32 v10, v14;
	v18 =	vmul.f32 v18, v12;
	v11 =	vadd.f32 v16, v11;
	v16 =	vld [tilespmem:s15+$0x5310]  }
0x155: {  	v14 =	vmul.f32 v14, v14;
	v12 =	vmul.f32 v12, v12;
	v5 =	vadd.f32 v19, v5;
	v19 =	vld [tilespmem:s15+$0x5130]  }
0x156: {  	v63 =	vmovc v24;
	v10 =	vadd.f32 v18, v10;
	v18 =	vld [tilespmem:s15+$0x5320];
	v24 =	vmul.f32 v17, v17;
	v9 =	vadd.f32 v13, v9  }
0x157: {  	v25 =	vmul.f32 v7, v7;
	v13 =	vmul.f32 v20, v8;
	v20 =	vld [tilespmem:s15+$0x5300]  }
0x158: {  	v6 =	vadd.f32 v23, v6;
	v8 =	vmul.f32 v8, v8;
	v23 =	vperm.xlane v9, v0  }
0x159: {  	v12 =	vadd.f32 v12, v14;
	v14 =	vld [tilespmem:s15+$0x5330];
	v26 =	vmul.f32 v15, v15;
	v7 =	vmul.f32 v7, v16  }
0x15a: {  	v21 =	vmul.f32 v21, v19;
	v19 =	vmul.f32 v19, v19  }
0x15b: {  	v9 =	vadd.f32 v23, v9;
	v23 =	vadd.f32 v25, v24;
	v15 =	vmul.f32 v15, v18  }
0x15c: {  	v24 =	vadd.f32 v27, v26;
	v17 =	vmul.f32 v17, v20;
	v13 =	vadd.f32 v21, v13  }
0x15d: {  	v8 =	vadd.f32 v19, v8;
	v19 =	vmul.f32 v20, v20;
	v20 =	vmul.f32 v16, v16  }
0x15e: {  	v21 =	vadd.f32 v24, v23;
	v23 =	vmul.f32 v14, v14;
	v14 =	vmul.f32 v22, v14  }
0x15f: {  	v7 =	vadd.f32 v7, v17;
	v8 =	vadd.f32 v8, v12;
	v12 =	vmul.f32 v18, v18  }
0x160: {  	v16 =	vadd.f32 v20, v19;
	v19 =	vperm.xlane v21, v0;
	v14 =	vadd.f32 v14, v15  }
0x161: {  	v3 =	vsel vm2, v3, v11;
	v11 =	vld [tilespmem:s15+$0x9080];
	v10 =	vadd.f32 v13, v10;
	v12 =	vadd.f32 v23, v12  }
0x162: {  	v13 =	vperm.xlane v8, v0;
	v17 =	vadd.f32 v19, v21;
	v7 =	vadd.f32 v14, v7  }
0x163: {  	v4 =	vsel vm2, v4, v6;
	v18 =	vperm.xlane v10, v0;
	v14 =	vld [tilespmem:s15+$0x9090];
	v12 =	vadd.f32 v12, v16  }
0x164: {  	v6 =	vadd.f32 v13, v8;
	v8 =	vld [tilespmem:s15+$0x90B0];
	v9 =	vsel vm2, v9, v17;
	v13 =	vperm.xlane v7, v0  }
0x165: {  	v17 =	vld [tilespmem:s15+$0x90A0];
	v15 =	vperm.xlane v12, v0;
	v16 =	vperm.xlane v9, v1  }
0x166: {  	v20 =	vmul.f32 v11, v11;
	v19 =	vld [tilespmem:s15+$0x5090];
	v10 =	vadd.f32 v18, v10;
	v7 =	vadd.f32 v13, v7  }
0x167: {  	v18 =	vperm.xlane v4, v1;
	v12 =	vadd.f32 v15, v12;
	v9 =	vadd.f32 v16, v9  }
0x168: {  	v24 =	vld [tilespmem:s15+$0x5280];
	v16 =	vperm.xlane v3, v1;
	v21 =	vmul.f32 v14, v14;
	v7 =	vsel vm2, v10, v7  }
0x169: {  	v15 =	vld [tilespmem:s15+$0x5080];
	v22 =	vmul.f32 v8, v8;
	v6 =	vsel vm2, v6, v12;
	v5 =	vsel vm0, v5, v9  }
0x16a: {  	v23 =	vld [tilespmem:s15+$0x9280];
	v9 =	vadd.f32 v18, v4;
	v10 =	vmul.f32 v17, v17;
	v4 =	vperm.xlane v6, v1  }
0x16b: {  	v14 =	vmul.f32 v14, v19;
	v12 =	vld [tilespmem:s15+$0x50A0];
	v13 =	vperm.xlane v5, v2  }
0x16c: {  	v19 =	vmul.f32 v19, v19;
	v18 =	vld [tilespmem:s15+$0x50B0];
	v10 =	vadd.f32 v22, v10;
	v6 =	vadd.f32 v4, v6  }
0x16d: {  	v4 =	vadd.f32 v16, v3;
	v3 =	vperm.xlane v7, v1;
	v5 =	vadd.f32 v13, v5;
	v16 =	vld [tilespmem:s15+$0x9290]  }
0x16e: {  	v13 =	vadd.f32 v21, v20;
	v11 =	vmul.f32 v11, v15;
	v20 =	vld [tilespmem:s15+$0x5290];
	v6 =	vsel vm0, v9, v6  }
0x16f: {  	v15 =	vmul.f32 v15, v15;
	v21 =	vld [tilespmem:s15+$0x92B0];
	v9 =	vadd.f32 v3, v7;
	v3 =	vperm.xlane v6, v2  }
0x170: {  	v10 =	vadd.f32 v10, v13;
	v13 =	vld [tilespmem:s15+$0x92A0];
	v17 =	vmul.f32 v17, v12;
	v12 =	vmul.f32 v12, v12  }
0x171: {  	v7 =	vadd.f32 v3, v6;
	v3 =	vadd.f32 v14, v11;
	v6 =	vmul.f32 v8, v18;
	v11 =	vld [tilespmem:s15+$0x52A0]  }
0x172: {  	v8 =	vperm.xlane v10, v0;
	v14 =	vadd.f32 v19, v15;
	v15 =	vmul.f32 v18, v18;
	v18 =	vld [tilespmem:s15+$0x52B0]  }
0x173: {  	v22 =	vmul.f32 v24, v24;
	v25 =	vmul.f32 v20, v20;
	v6 =	vadd.f32 v6, v17  }
0x174: {  	v10 =	vadd.f32 v8, v10;
	v8 =	vadd.f32 v15, v12;
	v12 =	vmul.f32 v23, v23  }
0x175: {  	v19 =	vld [tilespmem:s15+$0x9180];
	v15 =	vmul.f32 v16, v16;
	v17 =	vmul.f32 v21, v21;
	v22 =	vadd.f32 v25, v22  }
0x176: {  	v25 =	vld [tilespmem:s15+$0x91B0];
	v23 =	vmul.f32 v23, v24;
	v3 =	vadd.f32 v6, v3;
	v6 =	vmul.f32 v13, v13  }
0x177: {  	v24 =	vld [tilespmem:s15+$0x9390];
	v26 =	vmul.f32 v11, v11;
	v27 =	vmul.f32 v18, v18  }
0x178: {  	v12 =	vadd.f32 v15, v12;
	v15 =	vld [tilespmem:s15+$0x9190];
	v11 =	vmul.f32 v13, v11;
	v13 =	vmul.f32 v21, v18  }
0x179: {  	v14 =	vadd.f32 v8, v14;
	v18 =	vld [tilespmem:s15+$0x93B0];
	v6 =	vadd.f32 v17, v6;
	v8 =	vperm.xlane v3, v0  }
0x17a: {  	v16 =	vmul.f32 v16, v20;
	v17 =	vld [tilespmem:s15+$0x91A0];
	v26 =	vadd.f32 v27, v26;
	v11 =	vadd.f32 v13, v11  }
0x17b: {  	v13 =	vld [tilespmem:s15+$0x5180];
	v6 =	vadd.f32 v6, v12;
	v8 =	vadd.f32 v8, v3;
	v3 =	vperm.xlane v14, v0  }
0x17c: {  	v21 =	vmul.f32 v19, v19;
	v28 =	vmul.f32 v25, v25;
	v20 =	vadd.f32 v26, v22  }
0x17d: {  	v29 =	vmul.f32 v24, v24;
	v12 =	vld [tilespmem:s15+$0x9380];
	v26 =	vperm.xlane v6, v0;
	v3 =	vadd.f32 v3, v14  }
0x17e: {  	v22 =	vld [tilespmem:s15+$0x93A0];
	v14 =	vadd.f32 v16, v23;
	v23 =	vmul.f32 v15, v15;
	v16 =	vperm.xlane v20, v0  }
0x17f: {  	v38 =	vmul.f32 v18, v18;
	v27 =	vmul.f32 v17, v17  }
0x180: {  	v6 =	vadd.f32 v26, v6;
	v19 =	vmul.f32 v19, v13;
	v16 =	vadd.f32 v16, v20  }
0x181: {  	v30 =	vld [tilespmem:s15+$0x51B0];
	v13 =	vmul.f32 v13, v13;
	v20 =	vadd.f32 v23, v21;
	v21 =	vadd.f32 v28, v27  }
0x182: {  	v26 =	vld [tilespmem:s15+$0x5190];
	v6 =	vsel vm2, v10, v6;
	v10 =	vadd.f32 v11, v14;
	v14 =	vmul.f32 v12, v12  }
0x183: {  	v23 =	vld [tilespmem:s15+$0x5380];
	v31 =	vmul.f32 v22, v22;
	v27 =	vperm.xlane v6, v1  }
0x184: {  	v11 =	vld [tilespmem:s15+$0x51A0];
	v3 =	vsel vm2, v3, v16;
	v16 =	vadd.f32 v21, v20;
	v14 =	vadd.f32 v29, v14  }
0x185: {  	v29 =	vadd.f32 v38, v31;
	v21 =	vperm.xlane v10, v0;
	v31 =	vperm.xlane v3, v1  }
0x186: {  	v28 =	vld [tilespmem:s15+$0x5390];
	v40 =	vperm.xlane v16, v0;
	v6 =	vadd.f32 v27, v6;
	v27 =	vmul.f32 v30, v30  }
0x187: {  	v20 =	vld [tilespmem:s15+$0x53A0];
	v14 =	vadd.f32 v29, v14;
	v29 =	vmul.f32 v15, v26;
	v26 =	vmul.f32 v26, v26  }
0x188: {  	v15 =	vadd.f32 v21, v10;
	v41 =	vmul.f32 v23, v23;
	v3 =	vadd.f32 v31, v3  }
0x189: {  	v31 =	vld [tilespmem:s15+$0x5140];
	v21 =	vmul.f32 v11, v11;
	v16 =	vadd.f32 v40, v16;
	v10 =	vperm.xlane v14, v0  }
0x18a: {  	v11 =	vmul.f32 v17, v11;
	v17 =	vmul.f32 v25, v30;
	v30 =	vld [tilespmem:s15+$0x9250];
	v13 =	vadd.f32 v26, v13  }
0x18b: {  	v42 =	vmul.f32 v28, v28;
	v40 =	vld [tilespmem:s15+$0x9340];
	v19 =	vadd.f32 v29, v19;
	v10 =	vadd.f32 v10, v14  }
0x18c: {  	v21 =	vadd.f32 v27, v21;
	v14 =	vmul.f32 v20, v20;
	v20 =	vmul.f32 v22, v20;
	v22 =	vld [tilespmem:s15+$0x9070]  }
0x18d: {  	v11 =	vadd.f32 v17, v11;
	v10 =	vsel vm2, v16, v10;
	v16 =	vadd.f32 v42, v41;
	v41 =	vld [tilespmem:s15+$0x5340]  }
0x18e: {  	v18 =	vmul.f32 v18, v39;
	v12 =	vmul.f32 v12, v23;
	v14 =	vadd.f32 v43, v14;
	v42 =	vld [tilespmem:s15+$0x9350]  }
0x18f: {  	v13 =	vadd.f32 v21, v13;
	v11 =	vadd.f32 v11, v19;
	v43 =	vld [tilespmem:s15+$0x5350];
	v26 =	vperm.xlane v10, v1  }
0x190: {  	v17 =	vld [tilespmem:s15+$0x9050];
	v53 =	vmul.f32 v31, v31;
	v47 =	vmul.f32 v30, v30;
	v14 =	vadd.f32 v14, v16  }
0x191: {  	v23 =	vld [tilespmem:s15+$0x5050];
	v56 =	vmul.f32 v40, v40;
	v25 =	vperm.xlane v13, v0;
	v10 =	vadd.f32 v26, v10  }
0x192: {  	v34 =	vadd.f32 v54, v53;
	v29 =	vmul.f32 v22, v22;
	v26 =	vperm.xlane v14, v0  }
0x193: {  	v6 =	vsel vm0, v6, v10;
	v10 =	vmul.f32 v24, v28;
	v57 =	vmul.f32 v42, v42  }
0x194: {  	v21 =	vld [tilespmem:s15+$0x9040];
	v13 =	vadd.f32 v25, v13;
	v62 =	vmul.f32 v41, v41;
	v53 =	vmul.f32 v43, v43  }
0x195: {  	v24 =	vld [tilespmem:s15+$0x9060];
	v25 =	vperm.xlane v6, v2;
	v14 =	vadd.f32 v26, v14;
	v26 =	vmul.f32 v17, v17  }
0x196: {  	v8 =	vsel vm2, v8, v15;
	v19 =	vld [tilespmem:s15+$0x5060];
	v17 =	vmul.f32 v17, v23;
	v23 =	vmul.f32 v23, v23  }
0x197: {  	v10 =	vadd.f32 v10, v12;
	v12 =	vadd.f32 v18, v20;
	v20 =	vperm.xlane v11, v0  }
0x198: {  	v16 =	vld [tilespmem:s15+$0x5040];
	v35 =	vadd.f32 v57, v56;
	v6 =	vadd.f32 v25, v6;
	v13 =	vsel vm2, v13, v14  }
0x199: {  	v27 =	vld [tilespmem:s15+$0x5240];
	v25 =	vperm.xlane v13, v1;
	v10 =	vadd.f32 v12, v10;
	v12 =	vmul.f32 v21, v21  }
0x19a: {  	v18 =	vld [tilespmem:s15+$0x5070];
	v5 =	vsel vm1, v5, v6;
	v28 =	vmul.f32 v24, v24;
	v6 =	vadd.f32 v20, v11  }
0x19b: {  	v14 =	vld [tilespmem:s15+$0x9240];
	v24 =	vmul.f32 v24, v19;
	v13 =	vadd.f32 v25, v13;
	v11 =	vperm.xlane v10, v0  }
0x19c: {  	v25 =	vld [tilespmem:s15+$0x5250];
	v20 =	vperm.xlane v5, v63;
	v12 =	vadd.f32 v26, v12;
	v26 =	vadd.f32 v29, v28  }
0x19d: {  	v28 =	vld [tilespmem:s15+$0x9260];
	v3 =	vsel vm0, v3, v13;
	v13 =	vmul.f32 v21, v16;
	v16 =	vmul.f32 v16, v16  }
0x19e: {  	v21 =	vld [tilespmem:s15+$0x5260];
	v29 =	vperm.xlane v3, v2;
	v2 =	vadd.f32 v20, v5;
	v12 =	vadd.f32 v26, v12  }
0x19f: {  	v20 =	vld [tilespmem:s15+$0x9270];
	v13 =	vadd.f32 v17, v13;
	v17 =	vmul.f32 v22, v18;
	v18 =	vmul.f32 v18, v18  }
0x1a0: {  	v26 =	vld [tilespmem:s15+$0x5270];
	v16 =	vadd.f32 v23, v16;
	v22 =	vmul.f32 v27, v27;
	v23 =	vmul.f32 v14, v14  }
0x1a1: {  	[tilespmem:$0x1FF90] =	vst v2;
	v2 =	vadd.f32 v11, v10;
	v3 =	vadd.f32 v29, v3;
	v29 =	vperm.xlane v12, v0  }
0x1a2: {  	v45 =	vld [tilespmem:s15+$0x9150];
	v11 =	vmul.f32 v19, v19;
	v46 =	vmul.f32 v25, v25;
	v23 =	vadd.f32 v47, v23  }
0x1a3: {  	v19 =	vld [tilespmem:s15+$0x9140];
	v29 =	vadd.f32 v29, v12;
	v12 =	vadd.f32 v17, v24;
	v17 =	vmul.f32 v28, v28  }
0x1a4: {  	v49 =	vld [tilespmem:s15+$0x9160];
	v11 =	vadd.f32 v18, v11;
	v18 =	vmul.f32 v21, v21;
	v22 =	vadd.f32 v46, v22  }
0x1a5: {  	v51 =	vld [tilespmem:s15+$0x5160];
	[tilespmem:$0x1FFA0] =	vst v2;
	v2 =	vsel vm0, v4, v9;
	v24 =	vmul.f32 v20, v20;
	v50 =	vmul.f32 v26, v26  }
0x1a6: {  	v52 =	vld [tilespmem:s15+$0x5170];
	v9 =	vadd.f32 v11, v16;
	v11 =	vmul.f32 v14, v27;
	v16 =	vmul.f32 v30, v25  }
0x1a7: {  	v33 =	vld [tilespmem:s15+$0x52E0];
	v43 =	vmul.f32 v42, v43;
	v17 =	vadd.f32 v24, v17;
	v18 =	vadd.f32 v50, v18  }
0x1a8: {  	v24 =	vld [tilespmem:s15+$0x9170];
	v30 =	vmul.f32 v19, v31;
	v11 =	vadd.f32 v16, v11;
	v16 =	vperm.xlane v9, v0  }
0x1a9: {  	v36 =	vld [tilespmem:s15+$0x91C0];
	v14 =	vadd.f32 v17, v23;
	v17 =	vmul.f32 v28, v21;
	v18 =	vadd.f32 v18, v22  }
0x1aa: {  	v21 =	vadd.f32 v12, v13;
	v12 =	vmul.f32 v20, v26;
	v26 =	vmul.f32 v19, v19;
	v19 =	vld [tilespmem:s15+$0x50D0]  }
0x1ab: {  	v37 =	vld [tilespmem:s15+$0x51C0];
	v3 =	vsel vm1, v7, v3;
	v27 =	vmul.f32 v45, v45;
	v9 =	vadd.f32 v16, v9  }
0x1ac: {  	v39 =	vld [tilespmem:s15+$0x51D0];
	v13 =	vperm.xlane v14, v0;
	v20 =	vperm.xlane v18, v0;
	v17 =	vadd.f32 v12, v17  }
0x1ad: {  	v38 =	vld [tilespmem:s15+$0x91D0];
	v26 =	vadd.f32 v27, v26;
	v27 =	vmul.f32 v45, v48;
	v55 =	vmul.f32 v24, v52  }
0x1ae: {  	v12 =	vld [tilespmem:s15+$0x9360];
	v7 =	vadd.f32 v13, v14;
	v16 =	vadd.f32 v20, v18;
	v18 =	vperm.xlane v3, v63  }
0x1af: {  	v14 =	vld [tilespmem:s15+$0x5360];
	v20 =	vadd.f32 v17, v11;
	v17 =	vperm.xlane v21, v0;
	v46 =	vmul.f32 v19, v19  }
0x1b0: {  	[tilespmem:$0x1FFB0] =	vst v2;
	v11 =	vld [tilespmem:s15+$0x9370];
	v23 =	vsel vm2, v29, v7;
	v9 =	vsel vm2, v9, v16;
	v2 =	vadd.f32 v18, v3  }
0x1b1: {  	v16 =	vld [tilespmem:s15+$0x90C0];
	v22 =	vadd.f32 v17, v21;
	v21 =	vperm.xlane v20, v0;
	v29 =	vmul.f32 v24, v24  }
0x1b2: {  	v57 =	vadd.f32 v53, v62;
	v17 =	vld [tilespmem:s15+$0x50C0];
	v3 =	vperm.xlane v23, v1;
	v25 =	vperm.xlane v9, v1  }
0x1b3: {  	v18 =	vld [tilespmem:s15+$0x90D0];
	v58 =	vmul.f32 v12, v12;
	[tilespmem:$0x1FFC0] =	vst v2;
	v28 =	vadd.f32 v21, v20;
	v2 =	vperm.xlane v8, v1  }
0x1b4: {  	v13 =	vld [tilespmem:s15+$0x5370];
	v23 =	vadd.f32 v3, v23;
	v3 =	vmul.f32 v49, v49;
	v31 =	vadd.f32 v25, v9  }
0x1b5: {  	v42 =	vld [tilespmem:s15+$0x91F0];
	v9 =	vadd.f32 v27, v30;
	v30 =	vmul.f32 v51, v51;
	v59 =	vmul.f32 v11, v11  }
0x1b6: {  	v24 =	vld [tilespmem:s15+$0x90F0];
	v54 =	vmul.f32 v14, v14;
	v3 =	vadd.f32 v29, v3;
	v29 =	vmul.f32 v49, v51  }
0x1b7: {  	v20 =	vld [tilespmem:s15+$0x90E0];
	v32 =	vadd.f32 v59, v58;
	v48 =	vmul.f32 v17, v17;
	v58 =	vmul.f32 v16, v16  }
0x1b8: {  	v21 =	vld [tilespmem:s15+$0x50E0];
	v59 =	vmul.f32 v18, v18;
	v3 =	vadd.f32 v3, v26;
	v27 =	vadd.f32 v55, v29  }
0x1b9: {  	v25 =	vld [tilespmem:s15+$0x50F0];
	v51 =	vmul.f32 v33, v33;
	v63 =	vadd.f32 v32, v35;
	v55 =	vmul.f32 v13, v13  }
0x1ba: {  	v26 =	vld [tilespmem:s15+$0x92C0];
	v60 =	vadd.f32 v27, v9;
	v9 =	vmul.f32 v52, v52;
	v61 =	vperm.xlane v3, v0  }
0x1bb: {  	v29 =	vld [tilespmem:s15+$0x52C0];
	v49 =	vadd.f32 v59, v58;
	v56 =	vperm.xlane v63, v0;
	v44 =	vadd.f32 v55, v54  }
0x1bc: {  	v32 =	vld [tilespmem:s15+$0x92E0];
	v15 =	vadd.f32 v9, v30;
	v3 =	vadd.f32 v61, v3;
	v52 =	vperm.xlane v60, v0  }
0x1bd: {  	v35 =	vld [tilespmem:s15+$0x52F0];
	v61 =	vmul.f32 v24, v24;
	v62 =	vadd.f32 v56, v63;
	v47 =	vadd.f32 v44, v57  }
0x1be: {  	v27 =	vld [tilespmem:s15+$0x92D0];
	v63 =	vmul.f32 v21, v21;
	v57 =	vmul.f32 v25, v25;
	v45 =	vadd.f32 v15, v34  }
0x1bf: {  	v30 =	vld [tilespmem:s15+$0x52D0];
	v15 =	vadd.f32 v52, v60;
	v60 =	vmul.f32 v20, v20;
	v3 =	vsel vm2, v3, v62  }
0x1c0: {  	v46 =	vadd.f32 v46, v48;
	v34 =	vld [tilespmem:s15+$0x92F0];
	v44 =	vadd.f32 v57, v63;
	v62 =	vperm.xlane v3, v1  }
0x1c1: {  	v58 =	vadd.f32 v61, v60;
	v59 =	vperm.xlane v45, v0;
	v60 =	vmul.f32 v40, v41;
	v40 =	vld [tilespmem:s15+$0x91E0]  }
0x1c2: {  	v41 =	vld [tilespmem:s15+$0x51E0];
	v50 =	vadd.f32 v44, v46;
	v61 =	vperm.xlane v47, v0;
	v52 =	vadd.f32 v62, v3  }
0x1c3: {  	v44 =	vld [tilespmem:s15+$0x51F0];
	v3 =	vmul.f32 v26, v26;
	v48 =	vadd.f32 v58, v49;
	v49 =	vadd.f32 v43, v60  }
0x1c4: {  	v46 =	vld [tilespmem:s15+$0x93D0];
	v54 =	vadd.f32 v61, v47;
	v60 =	vperm.xlane v50, v0;
	v61 =	vmul.f32 v27, v27  }
0x1c5: {  	v62 =	vmul.f32 v29, v29;
	v53 =	vadd.f32 v59, v45;
	v43 =	vld [tilespmem:s15+$0x93C0];
	v63 =	vperm.xlane v48, v0  }
0x1c6: {  	v45 =	vld [tilespmem:s15+$0x53C0];
	v56 =	vadd.f32 v60, v50;
	v57 =	vadd.f32 v61, v3;
	v3 =	vmul.f32 v32, v32  }
0x1c7: {  	v47 =	vld [tilespmem:s15+$0x53D0];
	v50 =	vmul.f32 v34, v34;
	v55 =	vadd.f32 v63, v48;
	v63 =	vmul.f32 v30, v30  }
0x1c8: {  	v58 =	vmul.f32 v37, v37;
	v61 =	vmul.f32 v35, v35;
	v48 =	vld [tilespmem:s15+$0x93E0]  }
0x1c9: {  	[tilespmem:$0x1FF80] =	vst v6;
	v60 =	vmul.f32 v36, v36;
	v59 =	vadd.f32 v63, v62;
	v63 =	vadd.f32 v50, v3;
	v50 =	vld [tilespmem:s15+$0x53E0]  }
0x1ca: {  	s13 =	sshll.u32 s0, $0x9;
	s16 =	simm.s32 $0x2000;
	[tilespmem:$0x1FFD0] =	vst v2;
	v3 =	vadd.f32 v61, v51;
	v61 =	vmul.f32 v39, v39;
	v62 =	vmul.f32 v38, v38;
	v51 =	vld [tilespmem:s15+$0x93F0]  }
.LBB2_5:
0x1cb: {  	_ =	sdelay $0x1  }
0x1cc: {  	v63 =	vadd.f32 v63, v57;
	v2 =	vmul.f32 v41, v41  }
0x1cd: {  	v57 =	vld [tilespmem:s15+$0x53F0];
	v3 =	vadd.f32 v3, v59;
	v5 =	vmul.f32 v40, v40;
	v59 =	vmul.f32 v44, v44  }
0x1ce: {  	v60 =	vadd.f32 v62, v60;
	v4 =	vmul.f32 v42, v42;
	v62 =	vmul.f32 v45, v45  }
0x1cf: {  	v58 =	vadd.f32 v61, v58;
	v6 =	vmul.f32 v43, v43;
	v61 =	vmul.f32 v47, v47  }
0x1d0: {  	v7 =	vmul.f32 v46, v46;
	v9 =	vmul.f32 v48, v48  }
0x1d1: {  	v10 =	vmul.f32 v51, v51;
	v4 =	vadd.f32 v4, v5;
	v5 =	vmul.f32 v50, v50  }
0x1d2: {  	v2 =	vadd.f32 v59, v2;
	v59 =	vmul.f32 v57, v57;
	v7 =	vadd.f32 v7, v6;
	v6 =	vld [tilespmem:$0x1FF80]  }
0x1d3: {  	v61 =	vadd.f32 v61, v62;
	v62 =	vld [tilespmem:$0x1FFA0];
	v9 =	vadd.f32 v10, v9  }
0x1d4: {  	v5 =	vadd.f32 v59, v5;
	v2 =	vadd.f32 v2, v58  }
0x1d5: {  	v4 =	vadd.f32 v4, v60;
	v7 =	vadd.f32 v9, v7;
	v9 =	vperm.xlane v3, v0  }
0x1d6: {  	v5 =	vadd.f32 v5, v61  }
0x1d7: {  	v59 =	vperm.xlane v2, v0;
	v60 =	vperm.xlane v4, v0;
	v3 =	vadd.f32 v9, v3  }
0x1d8: {  	v61 =	vperm.xlane v7, v0;
	v6 =	vsel vm2, v6, v62;
	v9 =	vperm.xlane v5, v0  }
0x1d9: {  	v62 =	vperm.xlane v63, v0;
	v2 =	vadd.f32 v59, v2;
	v4 =	vadd.f32 v60, v4  }
0x1da: {  	v53 =	vsel vm2, v53, v54;
	v7 =	vadd.f32 v61, v7;
	v5 =	vadd.f32 v9, v5  }
0x1db: {  	v54 =	vperm.xlane v53, v1;
	v58 =	vadd.f32 v62, v63  }
0x1dc: {  	v3 =	vsel vm2, v56, v3;
	v62 =	vld [tilespmem:$0x1FFE0];
	v4 =	vsel vm2, v4, v7;
	v2 =	vsel vm2, v2, v5  }
0x1dd: {  	v9 =	vsel vm2, v55, v58;
	v5 =	vperm.xlane v3, v1;
	v60 =	vperm.xlane v2, v1  }
0x1de: {  	v7 =	vadd.f32 v54, v53;
	v61 =	vperm.xlane v4, v1;
	v55 =	vperm.xlane v9, v1  }
0x1df: {  	v12 =	vmul.f32 v12, v14;
	v3 =	vadd.f32 v5, v3;
	v2 =	vadd.f32 v60, v2  }
0x1e0: {  	v4 =	vadd.f32 v61, v4;
	v5 =	vadd.f32 v55, v9;
	v9 =	vsel vm0, v23, v52  }
0x1e1: {  	v7 =	vsel vm0, v31, v7;
	v14 =	vperm.xlane v9, v62;
	v2 =	vsel vm0, v3, v2  }
0x1e2: {  	v63 =	vld [tilespmem:$0x1FFF0];
	v4 =	vsel vm0, v5, v4;
	v3 =	vperm.xlane v7, v62;
	v5 =	vperm.xlane v2, v62  }
0x1e3: {  	v11 =	vmul.f32 v11, v13;
	v9 =	vadd.f32 v14, v9;
	v14 =	vperm.xlane v4, v62  }
0x1e4: {  	v3 =	vadd.f32 v3, v7;
	v2 =	vadd.f32 v5, v2  }
0x1e5: {  	v4 =	vadd.f32 v14, v4;
	v5 =	vadd.f32 v11, v12  }
0x1e6: {  	v7 =	vmul.f32 v18, v19;
	v18 =	vld [tilespmem:$0x1FFC0];
	v2 =	vsel vm1, v3, v2  }
0x1e7: {  	v3 =	vsel vm1, v9, v4;
	v4 =	vadd.f32 v5, v49;
	v5 =	vperm.xlane v2, v63;
	_ =	sdelay $0x1  }
0x1e8: {  	v2 =	vadd.f32 v5, v2;
	_ =	sdelay $0x1  }
0x1e9: {  	v13 =	vmul.f32 v16, v17;
	v16 =	vmul.f32 v32, v33;
	v2 =	vsel vm3, v18, v2;
	v18 =	vld [tilespmem:$0x1FF90]  }
0x1ea: {  	v17 =	vmul.f32 v34, v35;
	v9 =	vperm.xlane v3, v63  }
0x1eb: {  	v14 =	vmul.f32 v26, v29;
	v7 =	vadd.f32 v7, v13;
	v13 =	vmul.f32 v27, v30  }
0x1ec: {  	v11 =	vmul.f32 v20, v21;
	v12 =	vmul.f32 v24, v25;
	v3 =	vadd.f32 v9, v3  }
0x1ed: {  	v19 =	vmul.f32 v51, v57;
	v13 =	vadd.f32 v13, v14;
	v14 =	vmul.f32 v43, v45  }
0x1ee: {  	v5 =	vadd.f32 v12, v11;
	v9 =	vmul.f32 v36, v37;
	v3 =	vsel vm3, v18, v3  }
0x1ef: {  	v11 =	vmul.f32 v38, v39;
	v2 =	vmax.f32 v2, $1.000000020e-24;
	v3 =	vmax.f32 v3, $1.000000020e-24  }
0x1f0: {  	v12 =	vmul.f32 v40, v41;
	v2 =	vmul.f32 v3, v2  }
0x1f1: {  	v18 =	vmul.f32 v42, v44;
	v3 =	vadd.f32 v17, v16;
	v16 =	vmul.f32 v46, v47  }
0x1f2: {  	v17 =	vmul.f32 v48, v50;
	v20 =	vshra.s32 v2, $0x1;
	v2 =	vmul.f32 $5.000000000e-01, v2  }
0x1f3: {  	v9 =	vadd.f32 v11, v9;
	v11 =	vadd.f32 v18, v12;
	v12 =	vsub.s32 $0x5F3759DF, v20  }
0x1f4: {  	v14 =	vadd.f32 v16, v14;
	v16 =	vadd.f32 v19, v17;
	v17 =	vmul.f32 v12, v2  }
0x1f5: {  	v5 =	vadd.f32 v5, v7;
	v7 =	vperm.xlane v4, v0;
	v3 =	vadd.f32 v3, v13  }
0x1f6: {  	v9 =	vadd.f32 v11, v9;
	v11 =	vadd.f32 v16, v14;
	v13 =	vmul.f32 v12, v17  }
0x1f7: {  	v4 =	vadd.f32 v7, v4;
	v7 =	vperm.xlane v5, v0;
	v14 =	vperm.xlane v3, v0  }
0x1f8: {  	v16 =	vperm.xlane v9, v0;
	v17 =	vperm.xlane v11, v0;
	v13 =	vsub.f32 $1.500000000e+00, v13  }
0x1f9: {  	v5 =	vadd.f32 v7, v5;
	v3 =	vadd.f32 v14, v3  }
0x1fa: {  	v7 =	vadd.f32 v16, v9;
	v9 =	vadd.f32 v17, v11;
	v11 =	vmul.f32 v12, v13;
	v12 =	vld [tilespmem:$0x1FFD0]  }
0x1fb: {  	v10 =	vperm.xlane v6, v1;
	v4 =	vsel vm2, v15, v4;
	v3 =	vsel vm2, v5, v3  }
0x1fc: {  	v13 =	vperm.xlane v4, v1;
	v5 =	vsel vm2, v7, v9;
	v9 =	vperm.xlane v3, v1  }
0x1fd: {  	v22 =	vsel vm2, v22, v28;
	v6 =	vadd.f32 v10, v6;
	v10 =	vperm.xlane v5, v1  }
0x1fe: {  	v7 =	vmul.f32 v11, v2;
	v4 =	vadd.f32 v13, v4;
	v3 =	vadd.f32 v9, v3;
	v13 =	vld [tilespmem:$0x1FFB0]  }
0x1ff: {  	v5 =	vadd.f32 v10, v5;
	v8 =	vadd.f32 v12, v8;
	v12 =	vperm.xlane v22, v1  }
0x200: {  	v7 =	vmul.f32 v7, v11  }
0x201: {  	v3 =	vsel vm0, v3, v5;
	v12 =	vadd.f32 v12, v22  }
0x202: {  	v7 =	vsub.f32 $1.500000000e+00, v7;
	v10 =	vperm.xlane v3, v62;
	v6 =	vsel vm0, v8, v6  }
0x203: {  	v9 =	vperm.xlane v13, v62;
	v5 =	vperm.xlane v6, v62;
	v4 =	vsel vm0, v12, v4  }
0x204: {  	v7 =	vmul.f32 v7, v11;
	v8 =	vperm.xlane v4, v62  }
0x205: {  	v3 =	vadd.f32 v10, v3;
	v9 =	vadd.f32 v9, v13  }
0x206: {  	v5 =	vadd.f32 v5, v6;
	v2 =	vmul.f32 v7, v2;
	v4 =	vadd.f32 v8, v4;
	_ =	sdelay $0x1  }
0x207: {  	v5 =	vsel vm1, v9, v5;
	v2 =	vmul.f32 v2, v7;
	v3 =	vsel vm1, v4, v3  }
0x208: {  	v4 =	vperm.xlane v5, v63;
	v6 =	vperm.xlane v3, v63  }
0x209: {  	v2 =	vsub.f32 $1.500000000e+00, v2  }
0x20a: {  	v4 =	vadd.f32 v4, v5;
	v3 =	vadd.f32 v6, v3  }
0x20b: {  	v2 =	vmul.f32 v2, v7  }
0x20c: {  	v3 =	vsel vm3, v4, v3  }
0x20d: {  	v2 =	vmul.f32 v2, v3  }
0x20e: {  	s14 =	sadd.s32 $0x10, s14  }
0x20f: {  	s15 =	sshra.s32 s16, $0x2;
	[tilespmem:s14+$0x0] =	vst v2  }
0x210: {  	v2 =	vld [tilespmem:s15+$0x9000]  }
0x211: {  	v3 =	vld [tilespmem:s15+$0x5000]  }
0x212: {  	v4 =	vld [tilespmem:s15+$0x9010]  }
0x213: {  	v5 =	vld [tilespmem:s15+$0x5010]  }
0x214: {  	v6 =	vld [tilespmem:s15+$0x9020]  }
0x215: {  	v8 =	vld [tilespmem:s15+$0x9030]  }
0x216: {  	v7 =	vld [tilespmem:s15+$0x5020]  }
0x217: {  	v9 =	vld [tilespmem:s15+$0x5030];
	v11 =	vmul.f32 v2, v2  }
0x218: {  	v12 =	vmul.f32 v4, v4;
	v2 =	vmul.f32 v2, v3  }
0x219: {  	v10 =	vld [tilespmem:s15+$0x9200];
	v4 =	vmul.f32 v4, v5;
	v3 =	vmul.f32 v3, v3  }
0x21a: {  	v13 =	vld [tilespmem:s15+$0x9210];
	v5 =	vmul.f32 v5, v5;
	v15 =	vmul.f32 v8, v8;
	v11 =	vadd.f32 v12, v11  }
0x21b: {  	v14 =	vld [tilespmem:s15+$0x9220];
	v2 =	vadd.f32 v4, v2;
	v4 =	vmul.f32 v6, v6;
	v6 =	vmul.f32 v6, v7  }
0x21c: {  	v12 =	vld [tilespmem:s15+$0x9230];
	v3 =	vadd.f32 v5, v3;
	v5 =	vmul.f32 v7, v7;
	v7 =	vmul.f32 v9, v9  }
0x21d: {  	v8 =	vmul.f32 v8, v9  }
0x21e: {  	v4 =	vadd.f32 v15, v4;
	v5 =	vadd.f32 v7, v5  }
0x21f: {  	v9 =	vmul.f32 v13, v13;
	v6 =	vadd.f32 v8, v6;
	v7 =	vld [tilespmem:s15+$0x5220]  }
0x220: {  	v8 =	vmul.f32 v10, v10;
	v4 =	vadd.f32 v4, v11;
	v11 =	vld [tilespmem:s15+$0x5200];
	v3 =	vadd.f32 v5, v3  }
0x221: {  	v15 =	vmul.f32 v14, v14;
	v2 =	vadd.f32 v6, v2;
	v6 =	vld [tilespmem:s15+$0x5210];
	v16 =	vmul.f32 v12, v12  }
0x222: {  	v8 =	vadd.f32 v9, v8;
	v5 =	vld [tilespmem:s15+$0x5230];
	v18 =	vperm.xlane v3, v0  }
0x223: {  	v17 =	vld [tilespmem:s15+$0x9110];
	v9 =	vadd.f32 v16, v15;
	v15 =	vperm.xlane v2, v0;
	v16 =	vperm.xlane v4, v0  }
0x224: {  	v21 =	vld [tilespmem:s15+$0x9330];
	v14 =	vmul.f32 v14, v7;
	v7 =	vmul.f32 v7, v7  }
0x225: {  	v20 =	vld [tilespmem:s15+$0x9130];
	v3 =	vadd.f32 v18, v3;
	v8 =	vadd.f32 v9, v8;
	v10 =	vmul.f32 v10, v11  }
0x226: {  	v19 =	vld [tilespmem:s15+$0x9120];
	v11 =	vmul.f32 v11, v11;
	v4 =	vadd.f32 v16, v4;
	v13 =	vmul.f32 v13, v6  }
0x227: {  	v9 =	vld [tilespmem:s15+$0x9100];
	v6 =	vmul.f32 v6, v6;
	v2 =	vadd.f32 v15, v2;
	v12 =	vmul.f32 v12, v5  }
0x228: {  	v5 =	vmul.f32 v5, v5;
	v16 =	vperm.xlane v8, v0;
	v10 =	vadd.f32 v13, v10  }
0x229: {  	v26 =	vmul.f32 v21, v21;
	v13 =	vld [tilespmem:s15+$0x5100];
	v12 =	vadd.f32 v12, v14;
	v6 =	vadd.f32 v6, v11  }
0x22a: {  	v15 =	vmul.f32 v20, v20;
	v11 =	vld [tilespmem:s15+$0x5110];
	v5 =	vadd.f32 v5, v7;
	v8 =	vadd.f32 v16, v8  }
0x22b: {  	v7 =	vld [tilespmem:s15+$0x5120];
	v14 =	vmul.f32 v17, v17;
	v10 =	vadd.f32 v12, v10;
	v12 =	vmul.f32 v19, v19  }
0x22c: {  	v16 =	vld [tilespmem:s15+$0x9300];
	v5 =	vadd.f32 v5, v6;
	v4 =	vsel vm2, v4, v8;
	v8 =	vmul.f32 v9, v9  }
0x22d: {  	v6 =	vld [tilespmem:s15+$0x9310];
	v12 =	vadd.f32 v15, v12;
	v15 =	vperm.xlane v10, v0;
	v18 =	vperm.xlane v4, v1  }
0x22e: {  	v22 =	vperm.xlane v5, v0;
	v9 =	vmul.f32 v9, v13;
	v8 =	vadd.f32 v14, v8;
	v14 =	vld [tilespmem:s15+$0x9320]  }
0x22f: {  	v17 =	vmul.f32 v17, v11;
	v13 =	vmul.f32 v13, v13;
	v4 =	vadd.f32 v18, v4;
	v18 =	vld [tilespmem:s15+$0x5130]  }
0x230: {  	v11 =	vmul.f32 v11, v11;
	v10 =	vadd.f32 v15, v10;
	v15 =	vld [tilespmem:s15+$0x5310];
	v8 =	vadd.f32 v12, v8  }
0x231: {  	v5 =	vadd.f32 v22, v5;
	v23 =	vmul.f32 v16, v16;
	v12 =	vmul.f32 v19, v7;
	v19 =	vld [tilespmem:s15+$0x5300]  }
0x232: {  	v9 =	vadd.f32 v17, v9;
	v17 =	vld [tilespmem:s15+$0x5320];
	v24 =	vmul.f32 v6, v6;
	v22 =	vperm.xlane v8, v0  }
0x233: {  	v11 =	vadd.f32 v11, v13;
	v13 =	vld [tilespmem:s15+$0x5330];
	v7 =	vmul.f32 v7, v7;
	v25 =	vmul.f32 v14, v14  }
0x234: {  	v20 =	vmul.f32 v20, v18;
	v18 =	vmul.f32 v18, v18;
	v8 =	vadd.f32 v22, v8  }
0x235: {  	v6 =	vmul.f32 v6, v15;
	v22 =	vadd.f32 v24, v23;
	v23 =	vadd.f32 v26, v25  }
0x236: {  	v16 =	vmul.f32 v16, v19;
	v12 =	vadd.f32 v20, v12;
	v7 =	vadd.f32 v18, v7  }
0x237: {  	v18 =	vmul.f32 v19, v19;
	v19 =	vmul.f32 v15, v15;
	v20 =	vadd.f32 v23, v22  }
0x238: {  	v22 =	vmul.f32 v13, v13;
	v7 =	vadd.f32 v7, v11;
	v11 =	vmul.f32 v17, v17  }
0x239: {  	v14 =	vmul.f32 v14, v17;
	v13 =	vmul.f32 v21, v13;
	v6 =	vadd.f32 v6, v16  }
0x23a: {  	v15 =	vadd.f32 v19, v18;
	v18 =	vperm.xlane v20, v0;
	v11 =	vadd.f32 v22, v11  }
0x23b: {  	v9 =	vadd.f32 v12, v9;
	v13 =	vadd.f32 v13, v14  }
0x23c: {  	v2 =	vsel vm2, v2, v10;
	v10 =	vld [tilespmem:s15+$0x9080];
	v16 =	vadd.f32 v18, v20;
	v11 =	vadd.f32 v11, v15  }
0x23d: {  	v3 =	vsel vm2, v3, v5;
	v12 =	vperm.xlane v7, v0;
	v17 =	vperm.xlane v9, v0  }
0x23e: {  	v6 =	vadd.f32 v13, v6;
	v13 =	vld [tilespmem:s15+$0x9090];
	v8 =	vsel vm2, v8, v16;
	v14 =	vperm.xlane v11, v0  }
0x23f: {  	v5 =	vadd.f32 v12, v7;
	v12 =	vld [tilespmem:s15+$0x90B0];
	v9 =	vadd.f32 v17, v9;
	v15 =	vperm.xlane v8, v1  }
0x240: {  	v17 =	vperm.xlane v3, v1;
	v16 =	vld [tilespmem:s15+$0x90A0];
	v7 =	vperm.xlane v6, v0;
	v11 =	vadd.f32 v14, v11  }
0x241: {  	v29 =	vld [tilespmem:s15+$0x51B0];
	v19 =	vmul.f32 v10, v10;
	v8 =	vadd.f32 v15, v8  }
0x242: {  	v24 =	vld [tilespmem:s15+$0x5280];
	v3 =	vadd.f32 v17, v3;
	v6 =	vadd.f32 v7, v6;
	v5 =	vsel vm2, v5, v11  }
0x243: {  	v14 =	vld [tilespmem:s15+$0x5080];
	v15 =	vperm.xlane v2, v1;
	v7 =	vsel vm0, v4, v8;
	v4 =	vperm.xlane v5, v1  }
0x244: {  	v18 =	vld [tilespmem:s15+$0x5090];
	v20 =	vmul.f32 v13, v13;
	v6 =	vsel vm2, v9, v6;
	v11 =	vperm.xlane v7, v62  }
0x245: {  	v21 =	vmul.f32 v12, v12;
	v8 =	vld [tilespmem:s15+$0x50A0];
	v9 =	vmul.f32 v16, v16;
	v23 =	vadd.f32 v4, v5  }
0x246: {  	v45 =	vmul.f32 v29, v29;
	v22 =	vld [tilespmem:s15+$0x9280];
	v4 =	vadd.f32 v15, v2;
	v5 =	vadd.f32 v11, v7  }
0x247: {  	v17 =	vld [tilespmem:s15+$0x50B0];
	v2 =	vperm.xlane v6, v1;
	v7 =	vadd.f32 v20, v19;
	v11 =	vadd.f32 v21, v9  }
0x248: {  	v10 =	vmul.f32 v10, v14;
	v19 =	vld [tilespmem:s15+$0x5290];
	v21 =	vmul.f32 v24, v24;
	v3 =	vsel vm0, v3, v23  }
0x249: {  	v15 =	vld [tilespmem:s15+$0x9290];
	v9 =	vadd.f32 v2, v6;
	v6 =	vmul.f32 v13, v18;
	v2 =	vperm.xlane v3, v62  }
0x24a: {  	v20 =	vld [tilespmem:s15+$0x92B0];
	v13 =	vmul.f32 v14, v14;
	v11 =	vadd.f32 v11, v7;
	v16 =	vmul.f32 v16, v8  }
0x24b: {  	v14 =	vld [tilespmem:s15+$0x92A0];
	v18 =	vmul.f32 v18, v18;
	v8 =	vmul.f32 v8, v8;
	v7 =	vadd.f32 v2, v3  }
0x24c: {  	v2 =	vadd.f32 v6, v10;
	v3 =	vmul.f32 v12, v17;
	v6 =	vld [tilespmem:s15+$0x52A0];
	v10 =	vperm.xlane v11, v0  }
0x24d: {  	v12 =	vadd.f32 v18, v13;
	v13 =	vmul.f32 v17, v17;
	v17 =	vld [tilespmem:s15+$0x52B0];
	v23 =	vmul.f32 v19, v19  }
0x24e: {  	v3 =	vadd.f32 v3, v16;
	v10 =	vadd.f32 v10, v11;
	v11 =	vmul.f32 v22, v22  }
0x24f: {  	v18 =	vld [tilespmem:s15+$0x9180];
	v8 =	vadd.f32 v13, v8;
	v13 =	vmul.f32 v15, v15;
	v16 =	vmul.f32 v20, v20  }
0x250: {  	v21 =	vadd.f32 v23, v21;
	v23 =	vld [tilespmem:s15+$0x91B0];
	v22 =	vmul.f32 v22, v24;
	v2 =	vadd.f32 v3, v2  }
0x251: {  	v24 =	vld [tilespmem:s15+$0x9390];
	v3 =	vmul.f32 v14, v14;
	v11 =	vadd.f32 v13, v11;
	v25 =	vmul.f32 v6, v6  }
0x252: {  	v13 =	vld [tilespmem:s15+$0x9190];
	v12 =	vadd.f32 v8, v12;
	v26 =	vmul.f32 v17, v17;
	v6 =	vmul.f32 v14, v6  }
0x253: {  	v14 =	vmul.f32 v20, v17;
	v17 =	vld [tilespmem:s15+$0x93B0];
	v3 =	vadd.f32 v16, v3;
	v8 =	vperm.xlane v2, v0  }
0x254: {  	v15 =	vmul.f32 v15, v19;
	v20 =	vmul.f32 v18, v18;
	v16 =	vld [tilespmem:s15+$0x91A0];
	v25 =	vadd.f32 v26, v25  }
0x255: {  	v3 =	vadd.f32 v3, v11;
	v11 =	vld [tilespmem:s15+$0x9380];
	v8 =	vadd.f32 v8, v2;
	v2 =	vperm.xlane v12, v0  }
0x256: {  	v6 =	vadd.f32 v14, v6;
	v27 =	vmul.f32 v23, v23;
	v19 =	vadd.f32 v25, v21;
	v21 =	vld [tilespmem:s15+$0x93A0]  }
0x257: {  	v14 =	vld [tilespmem:s15+$0x5180];
	v28 =	vmul.f32 v24, v24;
	v25 =	vperm.xlane v3, v0;
	v2 =	vadd.f32 v2, v12  }
0x258: {  	v12 =	vadd.f32 v15, v22;
	v22 =	vmul.f32 v13, v13;
	v31 =	vmul.f32 v17, v17  }
0x259: {  	v15 =	vperm.xlane v19, v0;
	v26 =	vmul.f32 v16, v16  }
0x25a: {  	v3 =	vadd.f32 v25, v3;
	v25 =	vld [tilespmem:s15+$0x5190];
	v6 =	vadd.f32 v6, v12;
	v12 =	vmul.f32 v11, v11  }
0x25b: {  	v15 =	vadd.f32 v15, v19;
	v19 =	vadd.f32 v22, v20;
	v22 =	vld [tilespmem:s15+$0x5380];
	v30 =	vmul.f32 v21, v21  }
0x25c: {  	v18 =	vmul.f32 v18, v14;
	v14 =	vmul.f32 v14, v14;
	v20 =	vadd.f32 v27, v26;
	v27 =	vld [tilespmem:s15+$0x5390]  }
0x25d: {  	v3 =	vsel vm2, v10, v3;
	v10 =	vld [tilespmem:s15+$0x51A0];
	v12 =	vadd.f32 v28, v12;
	v28 =	vadd.f32 v31, v30  }
0x25e: {  	v26 =	vperm.xlane v3, v1;
	v2 =	vsel vm2, v2, v15;
	v19 =	vadd.f32 v20, v19;
	v20 =	vld [tilespmem:s15+$0x53A0]  }
0x25f: {  	v15 =	vperm.xlane v6, v0;
	v30 =	vperm.xlane v2, v1;
	v31 =	vld [tilespmem:s15+$0x53B0];
	v12 =	vadd.f32 v28, v12  }
0x260: {  	v4 =	vsel vm0, v4, v9;
	v13 =	vmul.f32 v13, v25;
	v25 =	vmul.f32 v25, v25  }
0x261: {  	v15 =	vadd.f32 v15, v6;
	v28 =	vperm.xlane v19, v0;
	v6 =	vperm.xlane v12, v0  }
0x262: {  	v3 =	vadd.f32 v26, v3;
	v46 =	vmul.f32 v27, v27;
	v26 =	vmul.f32 v10, v10  }
0x263: {  	v19 =	vadd.f32 v28, v19;
	v28 =	vmul.f32 v22, v22;
	v6 =	vadd.f32 v6, v12  }
0x264: {  	v2 =	vadd.f32 v30, v2;
	v47 =	vmul.f32 v31, v31;
	v12 =	vmul.f32 v20, v20  }
0x265: {  	v14 =	vadd.f32 v25, v14;
	v25 =	vadd.f32 v45, v26;
	v6 =	vsel vm2, v19, v6  }
0x266: {  	v48 =	vld [tilespmem:s15+$0x9160];
	v19 =	vadd.f32 v46, v28;
	v12 =	vadd.f32 v47, v12;
	v26 =	vperm.xlane v6, v1  }
0x267: {  	v51 =	vld [tilespmem:s15+$0x5160];
	v10 =	vmul.f32 v16, v10;
	v16 =	vmul.f32 v23, v29;
	v14 =	vadd.f32 v25, v14  }
0x268: {  	v20 =	vmul.f32 v21, v20;
	v21 =	vld [tilespmem:s15+$0x9070];
	v12 =	vadd.f32 v12, v19;
	v6 =	vadd.f32 v26, v6  }
0x269: {  	v11 =	vmul.f32 v11, v22;
	v23 =	vld [tilespmem:s15+$0x9040];
	v13 =	vadd.f32 v13, v18;
	v18 =	vperm.xlane v14, v0  }
0x26a: {  	v10 =	vadd.f32 v16, v10;
	v28 =	vld [tilespmem:s15+$0x9250];
	v25 =	vperm.xlane v12, v0;
	v3 =	vsel vm0, v3, v6  }
0x26b: {  	v16 =	vld [tilespmem:s15+$0x9050];
	v14 =	vadd.f32 v18, v14;
	v6 =	vmul.f32 v24, v27;
	v18 =	vperm.xlane v3, v62  }
0x26c: {  	v17 =	vmul.f32 v17, v31;
	v10 =	vadd.f32 v10, v13;
	v24 =	vld [tilespmem:s15+$0x9060];
	v12 =	vadd.f32 v25, v12  }
0x26d: {  	v22 =	vld [tilespmem:s15+$0x5050];
	v27 =	vmul.f32 v21, v21;
	v6 =	vadd.f32 v6, v11;
	v3 =	vadd.f32 v18, v3  }
0x26e: {  	v13 =	vld [tilespmem:s15+$0x5060];
	v11 =	vadd.f32 v17, v20;
	v12 =	vsel vm2, v14, v12;
	v18 =	vperm.xlane v10, v0  }
0x26f: {  	v19 =	vld [tilespmem:s15+$0x5040];
	v30 =	vmul.f32 v28, v28;
	v20 =	vperm.xlane v12, v1;
	v3 =	vsel vm1, v5, v3  }
0x270: {  	v14 =	vld [tilespmem:s15+$0x9240];
	v5 =	vadd.f32 v11, v6;
	v6 =	vmul.f32 v23, v23;
	v10 =	vadd.f32 v18, v10  }
0x271: {  	v25 =	vld [tilespmem:s15+$0x5240];
	v11 =	vmul.f32 v16, v16;
	v26 =	vmul.f32 v24, v24;
	v12 =	vadd.f32 v20, v12  }
0x272: {  	v8 =	vsel vm2, v8, v15;
	v17 =	vld [tilespmem:s15+$0x5070];
	v18 =	vperm.xlane v3, v63;
	[tilespmem:$0x1FF80] =	vst v10;
	v10 =	vperm.xlane v5, v0  }
0x273: {  	v20 =	vld [tilespmem:s15+$0x5250];
	v6 =	vadd.f32 v11, v6;
	v11 =	vadd.f32 v27, v26;
	v2 =	vsel vm0, v2, v12  }
0x274: {  	v26 =	vld [tilespmem:s15+$0x9260];
	v12 =	vmul.f32 v23, v19;
	v3 =	vadd.f32 v18, v3;
	v18 =	vmul.f32 v24, v13  }
0x275: {  	v23 =	vld [tilespmem:s15+$0x5260];
	v24 =	vmul.f32 v14, v14;
	v27 =	vperm.xlane v2, v62;
	v5 =	vadd.f32 v10, v5  }
0x276: {  	v6 =	vadd.f32 v11, v6;
	v11 =	vld [tilespmem:s15+$0x9270];
	[tilespmem:$0x1FF90] =	vst v3;
	v3 =	vmul.f32 v16, v22;
	v16 =	vmul.f32 v19, v19  }
0x277: {  	v19 =	vmul.f32 v22, v22;
	v22 =	vld [tilespmem:s15+$0x5270];
	v24 =	vadd.f32 v30, v24;
	[tilespmem:$0x1FFA0] =	vst v5;
	v5 =	vmul.f32 v13, v13  }
0x278: {  	v52 =	vld [tilespmem:s15+$0x9340];
	v2 =	vadd.f32 v27, v2;
	v13 =	vperm.xlane v6, v0;
	v29 =	vmul.f32 v20, v20  }
0x279: {  	v53 =	vld [tilespmem:s15+$0x5340];
	v3 =	vadd.f32 v3, v12;
	v12 =	vmul.f32 v21, v17;
	v17 =	vmul.f32 v17, v17  }
0x27a: {  	v54 =	vld [tilespmem:s15+$0x9350];
	v16 =	vadd.f32 v19, v16;
	v19 =	vmul.f32 v25, v25;
	v6 =	vadd.f32 v13, v6  }
0x27b: {  	v27 =	vld [tilespmem:s15+$0x9150];
	v13 =	vmul.f32 v26, v26;
	v12 =	vadd.f32 v12, v18;
	v18 =	vmul.f32 v11, v11  }
0x27c: {  	v31 =	vld [tilespmem:s15+$0x5150];
	v5 =	vadd.f32 v17, v5;
	v17 =	vmul.f32 v23, v23;
	v50 =	vmul.f32 v22, v22  }
0x27d: {  	v30 =	vld [tilespmem:s15+$0x9170];
	v2 =	vsel vm1, v7, v2;
	v13 =	vadd.f32 v18, v13;
	v18 =	vadd.f32 v29, v19  }
0x27e: {  	[tilespmem:$0x1FFB0] =	vst v4;
	v11 =	vmul.f32 v11, v22;
	v29 =	vld [tilespmem:s15+$0x5170];
	v4 =	vadd.f32 v5, v16;
	v17 =	vadd.f32 v50, v17  }
0x27f: {  	v55 =	vld [tilespmem:s15+$0x5350];
	v5 =	vmul.f32 v14, v25;
	v14 =	vmul.f32 v26, v23;
	v9 =	vadd.f32 v13, v24  }
0x280: {  	v19 =	vmul.f32 v27, v27;
	v13 =	vmul.f32 v28, v20;
	v20 =	vld [tilespmem:s15+$0x90E0];
	v16 =	vadd.f32 v17, v18  }
0x281: {  	v3 =	vadd.f32 v12, v3;
	v26 =	vmul.f32 v31, v31;
	v24 =	vld [tilespmem:s15+$0x90F0];
	v17 =	vperm.xlane v9, v0  }
0x282: {  	v32 =	vld [tilespmem:s15+$0x92E0];
	v5 =	vadd.f32 v13, v5;
	v13 =	vperm.xlane v4, v0;
	v18 =	vperm.xlane v16, v0  }
0x283: {  	v10 =	vld [tilespmem:s15+$0x9140];
	v11 =	vadd.f32 v11, v14;
	v25 =	vmul.f32 v30, v29;
	v7 =	vadd.f32 v17, v9  }
0x284: {  	v21 =	vld [tilespmem:s15+$0x5140];
	v4 =	vadd.f32 v13, v4;
	v9 =	vadd.f32 v18, v16;
	v16 =	vperm.xlane v2, v63  }
0x285: {  	v33 =	vld [tilespmem:s15+$0x52E0];
	v5 =	vadd.f32 v11, v5;
	v17 =	vperm.xlane v3, v0;
	v60 =	vmul.f32 v20, v20  }
0x286: {  	v34 =	vld [tilespmem:s15+$0x92F0];
	v61 =	vmul.f32 v24, v24;
	v6 =	vsel vm2, v6, v7;
	v2 =	vadd.f32 v16, v2  }
0x287: {  	v11 =	vld [tilespmem:s15+$0x9370];
	v22 =	vadd.f32 v17, v3;
	v3 =	vperm.xlane v5, v0;
	v4 =	vsel vm2, v4, v9  }
0x288: {  	v13 =	vld [tilespmem:s15+$0x5370];
	v9 =	vmul.f32 v10, v10;
	v45 =	vadd.f32 v61, v60;
	[tilespmem:$0x1FFC0] =	vst v2;
	v2 =	vperm.xlane v6, v1  }
0x289: {  	v35 =	vld [tilespmem:s15+$0x52F0];
	v7 =	vperm.xlane v4, v1;
	v28 =	vadd.f32 v3, v5;
	v3 =	vmul.f32 v10, v21  }
0x28a: {  	v12 =	vld [tilespmem:s15+$0x9360];
	v23 =	vadd.f32 v2, v6;
	v2 =	vmul.f32 v48, v48;
	v6 =	vmul.f32 v30, v30  }
0x28b: {  	v36 =	vld [tilespmem:s15+$0x91C0];
	v5 =	vmul.f32 v21, v21;
	v10 =	vmul.f32 v27, v31;
	v9 =	vadd.f32 v19, v9  }
0x28c: {  	v18 =	vld [tilespmem:s15+$0x90D0];
	v27 =	vmul.f32 v11, v11;
	v2 =	vadd.f32 v6, v2;
	v6 =	vmul.f32 v48, v51  }
0x28d: {  	v19 =	vld [tilespmem:s15+$0x50D0];
	v57 =	vmul.f32 v13, v13;
	v31 =	vadd.f32 v7, v4;
	v3 =	vadd.f32 v10, v3  }
0x28e: {  	v14 =	vld [tilespmem:s15+$0x5360];
	v4 =	vmul.f32 v51, v51;
	v7 =	vmul.f32 v52, v52;
	v6 =	vadd.f32 v25, v6  }
0x28f: {  	v37 =	vld [tilespmem:s15+$0x51C0];
	v10 =	vmul.f32 v12, v12;
	v2 =	vadd.f32 v2, v9;
	v9 =	vmul.f32 v54, v54  }
0x290: {  	v17 =	vld [tilespmem:s15+$0x50C0];
	v5 =	vadd.f32 v26, v5;
	v3 =	vadd.f32 v6, v3;
	v6 =	vmul.f32 v29, v29  }
0x291: {  	v16 =	vld [tilespmem:s15+$0x90C0];
	v59 =	vmul.f32 v18, v18;
	v7 =	vadd.f32 v9, v7;
	v9 =	vadd.f32 v27, v10  }
0x292: {  	v21 =	vld [tilespmem:s15+$0x50E0];
	v58 =	vmul.f32 v19, v19;
	v4 =	vadd.f32 v6, v4;
	v6 =	vperm.xlane v8, v1  }
0x293: {  	v25 =	vld [tilespmem:s15+$0x50F0];
	v10 =	vmul.f32 v14, v14;
	v7 =	vadd.f32 v9, v7;
	v9 =	vperm.xlane v3, v0  }
0x294: {  	v38 =	vld [tilespmem:s15+$0x91D0];
	[tilespmem:$0x1FFD0] =	vst v6;
	v6 =	vmul.f32 v53, v53;
	v4 =	vadd.f32 v4, v5;
	v5 =	vmul.f32 v55, v55  }
0x295: {  	v39 =	vld [tilespmem:s15+$0x51D0];
	v56 =	vperm.xlane v2, v0;
	v15 =	vadd.f32 v9, v3;
	v3 =	vperm.xlane v7, v0  }
0x296: {  	v40 =	vld [tilespmem:s15+$0x91E0];
	v10 =	vadd.f32 v57, v10;
	v9 =	vmul.f32 v16, v16;
	v5 =	vadd.f32 v5, v6  }
0x297: {  	v41 =	vld [tilespmem:s15+$0x51E0];
	v6 =	vmul.f32 v17, v17;
	v3 =	vadd.f32 v3, v7;
	v7 =	vmul.f32 v21, v21  }
0x298: {  	v26 =	vld [tilespmem:s15+$0x92C0];
	v9 =	vadd.f32 v59, v9;
	v5 =	vadd.f32 v10, v5;
	v10 =	vmul.f32 v25, v25  }
0x299: {  	v30 =	vld [tilespmem:s15+$0x52D0];
	v2 =	vadd.f32 v56, v2;
	v62 =	vperm.xlane v4, v0;
	v6 =	vadd.f32 v58, v6  }
0x29a: {  	v63 =	vmul.f32 v52, v53;
	v27 =	vld [tilespmem:s15+$0x92D0];
	v9 =	vadd.f32 v45, v9;
	v7 =	vadd.f32 v10, v7  }
0x29b: {  	v60 =	vmul.f32 v36, v36;
	v29 =	vld [tilespmem:s15+$0x52C0];
	v2 =	vsel vm2, v2, v3;
	v53 =	vadd.f32 v62, v4  }
0x29c: {  	v42 =	vld [tilespmem:s15+$0x91F0];
	v4 =	vperm.xlane v9, v0;
	v3 =	vadd.f32 v7, v6;
	v6 =	vperm.xlane v5, v0  }
0x29d: {  	v44 =	vld [tilespmem:s15+$0x51F0];
	v10 =	vmul.f32 v54, v55;
	v7 =	vperm.xlane v2, v1  }
0x29e: {  	v43 =	vld [tilespmem:s15+$0x93C0];
	v55 =	vadd.f32 v4, v9;
	v54 =	vadd.f32 v6, v5;
	v5 =	vperm.xlane v3, v0  }
0x29f: {  	p1 =	sne.s32 s16, $0xF000;
	v46 =	vld [tilespmem:s15+$0x93D0];
	v52 =	vadd.f32 v7, v2;
	v2 =	vmul.f32 v26, v26;
	v6 =	vmul.f32 v27, v27  }
.Ltmp3:
0x2a0: {  	v47 =	vld [tilespmem:s15+$0x53D0];
	v4 =	vmul.f32 v29, v29;
	v7 =	vmul.f32 v30, v30;
	v56 =	vadd.f32 v5, v3;
	(pc) =	sbr.rel @p1 .LBB2_5-.Ltmp3, $4  }
0x2a1: {  	v50 =	vld [tilespmem:s15+$0x53E0];
	v57 =	vadd.f32 v6, v2;
	v2 =	vmul.f32 v32, v32;
	v3 =	vmul.f32 v34, v34  }
0x2a2: {  	v48 =	vld [tilespmem:s15+$0x93E0];
	v59 =	vadd.f32 v7, v4;
	v4 =	vmul.f32 v33, v33;
	v5 =	vmul.f32 v35, v35  }
0x2a3: {  	v61 =	vmul.f32 v39, v39;
	v51 =	vld [tilespmem:s15+$0x93F0];
	v58 =	vmul.f32 v37, v37;
	v49 =	vadd.f32 v10, v63  }
0x2a4: {  	s16 =	sadd.s32 $0x1000, s16;
	v45 =	vld [tilespmem:s15+$0x53C0];
	v62 =	vmul.f32 v38, v38;
	v63 =	vadd.f32 v3, v2;
	v3 =	vadd.f32 v5, v4  }
0x2a5: {  	v4 =	vmul.f32 v41, v41;
	v5 =	vmul.f32 v40, v40;
	v6 =	vld [tilespmem:s15+$0x53F0]  }
0x2a6: {  	v7 =	vmul.f32 v44, v44;
	v9 =	vmul.f32 v42, v42  }
0x2a7: {  	v58 =	vadd.f32 v61, v58;
	v61 =	vmul.f32 v46, v46;
	v2 =	vadd.f32 v63, v57  }
0x2a8: {  	v3 =	vadd.f32 v3, v59;
	v10 =	vadd.f32 v62, v60;
	v59 =	vmul.f32 v43, v43  }
0x2a9: {  	v60 =	vmul.f32 v47, v47;
	v5 =	vadd.f32 v9, v5;
	v9 =	vmul.f32 v50, v50  }
0x2aa: {  	v4 =	vadd.f32 v7, v4;
	v57 =	vmul.f32 v45, v45;
	v7 =	vmul.f32 v6, v6  }
0x2ab: {  	v62 =	vmul.f32 v48, v48;
	v63 =	vmul.f32 v51, v51;
	v59 =	vadd.f32 v61, v59  }
0x2ac: {  	v57 =	vadd.f32 v60, v57;
	v7 =	vadd.f32 v7, v9  }
0x2ad: {  	v4 =	vadd.f32 v4, v58;
	v9 =	vadd.f32 v63, v62  }
0x2ae: {  	v5 =	vadd.f32 v5, v10;
	v10 =	vperm.xlane v2, v0;
	v7 =	vadd.f32 v7, v57  }
0x2af: {  	v58 =	vperm.xlane v4, v0;
	v62 =	vperm.xlane v3, v0;
	v9 =	vadd.f32 v9, v59  }
0x2b0: {  	v2 =	vadd.f32 v10, v2;
	v10 =	vperm.xlane v5, v0;
	v63 =	vperm.xlane v7, v0  }
0x2b1: {  	v4 =	vadd.f32 v58, v4;
	v3 =	vadd.f32 v62, v3;
	v59 =	vperm.xlane v9, v0  }
0x2b2: {  	v53 =	vsel vm2, v53, v54;
	v5 =	vadd.f32 v10, v5;
	v7 =	vadd.f32 v63, v7  }
0x2b3: {  	v10 =	vperm.xlane v53, v1;
	v3 =	vsel vm2, v56, v3;
	v9 =	vadd.f32 v59, v9  }
0x2b4: {  	v2 =	vsel vm2, v55, v2;
	v56 =	vld [tilespmem:$0x1FFE0];
	v4 =	vsel vm2, v4, v7;
	v7 =	vperm.xlane v3, v1  }
0x2b5: {  	v5 =	vsel vm2, v5, v9;
	v9 =	vadd.f32 v10, v53;
	v10 =	vperm.xlane v4, v1  }
0x2b6: {  	v62 =	vperm.xlane v2, v1;
	v63 =	vperm.xlane v5, v1  }
0x2b7: {  	v3 =	vadd.f32 v7, v3;
	v4 =	vadd.f32 v10, v4  }
0x2b8: {  	v2 =	vadd.f32 v62, v2;
	v9 =	vsel vm0, v31, v9;
	v5 =	vadd.f32 v63, v5  }
0x2b9: {  	v3 =	vsel vm0, v3, v4;
	v4 =	vperm.xlane v9, v56  }
0x2ba: {  	v2 =	vsel vm0, v2, v5  }
0x2bb: {  	v5 =	vperm.xlane v3, v56;
	v4 =	vadd.f32 v4, v9;
	v9 =	vmul.f32 v18, v19;
	v19 =	vld [tilespmem:$0x1FFF0]  }
0x2bc: {  	v11 =	vmul.f32 v11, v13;
	v7 =	vsel vm0, v23, v52;
	v10 =	vmul.f32 v12, v14  }
0x2bd: {  	v12 =	vperm.xlane v7, v56;
	v3 =	vadd.f32 v5, v3  }
0x2be: {  	v5 =	vadd.f32 v11, v10  }
0x2bf: {  	v13 =	vmul.f32 v16, v17;
	v17 =	vld [tilespmem:$0x1FFC0];
	v7 =	vadd.f32 v12, v7;
	v3 =	vsel vm1, v4, v3  }
0x2c0: {  	v12 =	vperm.xlane v2, v56;
	v4 =	vadd.f32 v5, v49;
	v5 =	vperm.xlane v3, v19;
	_ =	sdelay $0x1  }
0x2c1: {  	v2 =	vadd.f32 v12, v2;
	v3 =	vadd.f32 v5, v3  }
0x2c2: {  	v16 =	vmul.f32 v34, v35  }
0x2c3: {  	v10 =	vmul.f32 v20, v21;
	v2 =	vsel vm1, v7, v2;
	v3 =	vsel vm3, v17, v3;
	v17 =	vld [tilespmem:$0x1FF90]  }
0x2c4: {  	v11 =	vmul.f32 v24, v25;
	v7 =	vperm.xlane v2, v19  }
0x2c5: {  	v12 =	vmul.f32 v26, v29;
	v9 =	vadd.f32 v9, v13;
	v13 =	vmul.f32 v27, v30  }
0x2c6: {  	v6 =	vmul.f32 v51, v6;
	v14 =	vmul.f32 v32, v33;
	v2 =	vadd.f32 v7, v2  }
0x2c7: {  	v12 =	vadd.f32 v13, v12;
	v13 =	vmul.f32 v43, v45;
	v5 =	vadd.f32 v11, v10  }
0x2c8: {  	v7 =	vmul.f32 v36, v37;
	v10 =	vmul.f32 v38, v39;
	v2 =	vsel vm3, v17, v2  }
0x2c9: {  	v11 =	vmul.f32 v40, v41;
	v3 =	vmax.f32 v3, $1.000000020e-24;
	v2 =	vmax.f32 v2, $1.000000020e-24  }
0x2ca: {  	v7 =	vadd.f32 v10, v7;
	v5 =	vadd.f32 v5, v9;
	v2 =	vmul.f32 v2, v3  }
0x2cb: {  	v9 =	vperm.xlane v4, v0;
	v17 =	vmul.f32 v42, v44;
	v3 =	vadd.f32 v16, v14  }
0x2cc: {  	v14 =	vmul.f32 v46, v47;
	v18 =	vshra.s32 v2, $0x1;
	v2 =	vmul.f32 $5.000000000e-01, v2  }
0x2cd: {  	v16 =	vmul.f32 v48, v50;
	v10 =	vadd.f32 v17, v11;
	v11 =	vsub.s32 $0x5F3759DF, v18  }
0x2ce: {  	v61 =	vld [tilespmem:$0x1FFA0];
	v13 =	vadd.f32 v14, v13;
	v3 =	vadd.f32 v3, v12;
	v14 =	vmul.f32 v11, v2  }
0x2cf: {  	v60 =	vld [tilespmem:$0x1FF80];
	v4 =	vadd.f32 v9, v4;
	v9 =	vperm.xlane v5, v0;
	v6 =	vadd.f32 v6, v16  }
0x2d0: {  	v7 =	vadd.f32 v10, v7;
	v12 =	vperm.xlane v3, v0;
	v10 =	vmul.f32 v11, v14  }
0x2d1: {  	v5 =	vadd.f32 v9, v5;
	v6 =	vadd.f32 v6, v13  }
0x2d2: {  	v3 =	vadd.f32 v12, v3;
	v10 =	vsub.f32 $1.500000000e+00, v10  }
0x2d3: {  	v13 =	vperm.xlane v7, v0;
	v14 =	vperm.xlane v6, v0  }
0x2d4: {  	v60 =	vsel vm2, v60, v61;
	v3 =	vsel vm2, v5, v3;
	v9 =	vmul.f32 v11, v10;
	v10 =	vld [tilespmem:$0x1FFD0]  }
0x2d5: {  	v7 =	vadd.f32 v13, v7;
	v6 =	vadd.f32 v14, v6;
	v12 =	vperm.xlane v3, v1  }
0x2d6: {  	v22 =	vsel vm2, v22, v28;
	v61 =	vperm.xlane v60, v1;
	v4 =	vsel vm2, v15, v4  }
0x2d7: {  	v5 =	vsel vm2, v7, v6;
	v3 =	vadd.f32 v12, v3;
	v12 =	vld [tilespmem:$0x1FFB0];
	v6 =	vmul.f32 v9, v2  }
0x2d8: {  	v11 =	vperm.xlane v4, v1;
	v7 =	vadd.f32 v61, v60;
	v13 =	vperm.xlane v5, v1  }
0x2d9: {  	v6 =	vmul.f32 v6, v9;
	v8 =	vadd.f32 v10, v8;
	v10 =	vperm.xlane v22, v1  }
0x2da: {  	v4 =	vadd.f32 v11, v4;
	v5 =	vadd.f32 v13, v5  }
0x2db: {  	v6 =	vsub.f32 $1.500000000e+00, v6;
	v10 =	vadd.f32 v10, v22  }
0x2dc: {  	v3 =	vsel vm0, v3, v5;
	v11 =	vperm.xlane v12, v56;
	v7 =	vsel vm0, v8, v7  }
0x2dd: {  	v5 =	vperm.xlane v7, v56;
	v6 =	vmul.f32 v6, v9;
	v4 =	vsel vm0, v10, v4  }
0x2de: {  	v10 =	vperm.xlane v3, v56;
	v8 =	vperm.xlane v4, v56  }
0x2df: {  	v9 =	vadd.f32 v11, v12;
	v5 =	vadd.f32 v5, v7  }
0x2e0: {  	v2 =	vmul.f32 v6, v2;
	v3 =	vadd.f32 v10, v3;
	v4 =	vadd.f32 v8, v4;
	_ =	sdelay $0x1  }
0x2e1: {  	v5 =	vsel vm1, v9, v5;
	v2 =	vmul.f32 v2, v6;
	v3 =	vsel vm1, v4, v3  }
0x2e2: {  	v4 =	vperm.xlane v5, v19;
	v7 =	vperm.xlane v3, v19  }
0x2e3: {  	v2 =	vsub.f32 $1.500000000e+00, v2  }
0x2e4: {  	v4 =	vadd.f32 v4, v5;
	v3 =	vadd.f32 v7, v3  }
0x2e5: {  	v2 =	vmul.f32 v2, v6  }
0x2e6: {  	v3 =	vsel vm3, v4, v3  }
0x2e7: {  	s16 =	sadd.s32 s4, s13;
	v2 =	vmul.f32 v2, v3  }
0x2e8: {  	s14 =	sadd.s32 $0x10, s14;
	s15 =	sshrl.u32 s16, $0x3  }
0x2e9: {  	p1 =	seq.s32 s0, $0x13;
	s15 =	sadd.s32 s2, s15;
	[tilespmem:s14+$0x0] =	vst v2  }
0x2ea: {  	[hbm4b:s15+s3] =	stream.linear.scatter [tilespmem:s28], [sflag:$0x3], $0x100, $0x38;
	[tilespmem:$0x15200] =	vst v63  }
0x2eb: {  	s16 =	simm.s32 @!p1 $0x5000;
	s14 =	sadd.s32 @!p1 $0x200, s13;
	s15 =	simm.s32 @!p1 $0x80  }
0x2ec: {  	[tilespmem:s16], [sflag:$0x1] =	stream.indirect.gather @!p1 [hbm4b:s5+s15], $0x40, s14, s15, $0xb8;
	[tilespmem:$0x15200] =	vst v63  }
0x2ed: {  	s14 =	sadd.s32 @!p1 $0x2A00, s13;
	s16 =	simm.s32 @!p1 $0x9000  }
0x2ee: {  	[tilespmem:s16], [sflag:$0x1] =	stream.indirect.gather @!p1 [hbm4b:s5+s15], $0x40, s14, s15, $0xb8;
	[tilespmem:$0x15200] =	vst v63  }
0x2ef: {  	s14 =	sadd.s32 @!p1 $0x280, s13;
	s16 =	simm.s32 @!p1 $0x7000  }
0x2f0: {  	[tilespmem:s16], [sflag:$0x1] =	stream.indirect.gather @!p1 [hbm4b:s5+s15], $0x40, s14, s15, $0xb8;
	[tilespmem:$0x15200] =	vst v63  }
0x2f1: {  	s14 =	sadd.s32 @!p1 $0x2A80, s13;
	s16 =	simm.s32 @!p1 $0xB000  }
0x2f2: {  	[tilespmem:s16], [sflag:$0x1] =	stream.indirect.gather @!p1 [hbm4b:s5+s15], $0x40, s14, s15, $0xb8;
	[tilespmem:$0x15200] =	vst v63  }
0x2f3: {  	_ =	swait.ge [sflag:s29], $0x2000  }
0x2f4: {  	[sflag:s29] =	ssyncset.done $0x0  }
0x2f5: {  	[sflag:s29] =	ssyncadd.s32 $0xFFFFE000  }
0x2f6: {  	_ =	swait.ge [sflag:s29], $0x2000  }
0x2f7: {  	[sflag:s29] =	ssyncset.done $0x0  }
0x2f8: {  	[sflag:s29] =	ssyncadd.s32 $0xFFFFE000  }
0x2f9: {  	_ =	swait.ge [sflag:s29], $0x2000  }
0x2fa: {  	[sflag:s29] =	ssyncset.done $0x0  }
0x2fb: {  	[sflag:s29] =	ssyncadd.s32 $0xFFFFE000  }
0x2fc: {  	_ =	swait.ge [sflag:s29], $0x2000  }
0x2fd: {  	[sflag:s29] =	ssyncset.done $0x0  }
0x2fe: {  	s14 =	simm.s32 @!p0 $0x3;
	[sflag:s29] =	ssyncadd.s32 $0xFFFFE000  }
0x2ff: {  	_ =	swait.ge @!p0 [sflag:s14], $0x100  }
0x300: {  	[sflag:s14] =	ssyncset.done @!p0 $0x0  }
0x301: {  	s16 =	simm.s32 $0x0;
	[sflag:s14] =	ssyncadd.s32 @!p0 $0xFFFFFF00  }
0x302: {  	v2 =	vld [tilespmem:s16+$0x11000]  }
0x303: {  	v3 =	vld [tilespmem:s16+$0xD000]  }
0x304: {  	v4 =	vld [tilespmem:s16+$0x11010]  }
0x305: {  	v5 =	vld [tilespmem:s16+$0xD010]  }
0x306: {  	v6 =	vld [tilespmem:s16+$0x11020]  }
0x307: {  	v7 =	vld [tilespmem:s16+$0xD020]  }
0x308: {  	v8 =	vld [tilespmem:s16+$0x11030]  }
0x309: {  	v9 =	vld [tilespmem:s16+$0xD030]  }
0x30a: {  	v10 =	vld [tilespmem:s16+$0x11200]  }
0x30b: {  	v13 =	vld [tilespmem:s16+$0x11210]  }
0x30c: {  	v14 =	vld [tilespmem:s16+$0x11220];
	v11 =	vmul.f32 v2, v2;
	v12 =	vmul.f32 v4, v4  }
0x30d: {  	v21 =	vld [tilespmem:s16+$0x11330];
	v2 =	vmul.f32 v2, v3;
	v4 =	vmul.f32 v4, v5  }
0x30e: {  	v29 =	vld [tilespmem:s16+$0xD1B0];
	v3 =	vmul.f32 v3, v3;
	v5 =	vmul.f32 v5, v5  }
0x30f: {  	v59 =	vld [tilespmem:s16+$0x11160];
	v15 =	vmul.f32 v8, v8;
	v8 =	vmul.f32 v8, v9;
	v11 =	vadd.f32 v12, v11  }
0x310: {  	v12 =	vld [tilespmem:s16+$0x11230];
	v2 =	vadd.f32 v4, v2;
	v4 =	vmul.f32 v6, v6;
	v6 =	vmul.f32 v6, v7  }
0x311: {  	v61 =	vld [tilespmem:s16+$0xD160];
	v3 =	vadd.f32 v5, v3;
	v5 =	vmul.f32 v7, v7;
	v7 =	vmul.f32 v9, v9  }
0x312: {  	v4 =	vadd.f32 v15, v4  }
0x313: {  	v26 =	vmul.f32 v21, v21;
	v6 =	vadd.f32 v8, v6;
	v5 =	vadd.f32 v7, v5;
	v7 =	vld [tilespmem:s16+$0xD220]  }
0x314: {  	v9 =	vmul.f32 v13, v13;
	v8 =	vmul.f32 v10, v10;
	v4 =	vadd.f32 v4, v11;
	v11 =	vld [tilespmem:s16+$0xD200]  }
0x315: {  	v15 =	vmul.f32 v14, v14;
	v2 =	vadd.f32 v6, v2;
	v6 =	vld [tilespmem:s16+$0xD210];
	v16 =	vmul.f32 v12, v12  }
0x316: {  	v52 =	vmul.f32 v29, v29;
	v46 =	vmul.f32 v59, v61;
	v3 =	vadd.f32 v5, v3;
	v5 =	vld [tilespmem:s16+$0xD230]  }
0x317: {  	v8 =	vadd.f32 v9, v8;
	v9 =	vadd.f32 v16, v15;
	v15 =	vperm.xlane v2, v0  }
0x318: {  	v17 =	vld [tilespmem:s16+$0x11110];
	v16 =	vperm.xlane v4, v0;
	v14 =	vmul.f32 v14, v7  }
0x319: {  	v20 =	vld [tilespmem:s16+$0x11130];
	v7 =	vmul.f32 v7, v7;
	v8 =	vadd.f32 v9, v8;
	v10 =	vmul.f32 v10, v11  }
0x31a: {  	v51 =	vmovc v19;
	v19 =	vld [tilespmem:s16+$0x11120];
	v11 =	vmul.f32 v11, v11;
	v4 =	vadd.f32 v16, v4;
	v13 =	vmul.f32 v13, v6  }
0x31b: {  	v9 =	vld [tilespmem:s16+$0x11100];
	v6 =	vmul.f32 v6, v6;
	v2 =	vadd.f32 v15, v2;
	v12 =	vmul.f32 v12, v5  }
0x31c: {  	v5 =	vmul.f32 v5, v5;
	v16 =	vperm.xlane v8, v0;
	v10 =	vadd.f32 v13, v10  }
0x31d: {  	v18 =	vperm.xlane v3, v0;
	v13 =	vld [tilespmem:s16+$0xD100];
	v12 =	vadd.f32 v12, v14;
	v6 =	vadd.f32 v6, v11  }
0x31e: {  	v15 =	vmul.f32 v20, v20;
	v11 =	vld [tilespmem:s16+$0xD110];
	v5 =	vadd.f32 v5, v7;
	v8 =	vadd.f32 v16, v8  }
0x31f: {  	v7 =	vld [tilespmem:s16+$0xD120];
	v14 =	vmul.f32 v17, v17;
	v10 =	vadd.f32 v12, v10;
	v12 =	vmul.f32 v19, v19  }
0x320: {  	v16 =	vld [tilespmem:s16+$0x11300];
	v5 =	vadd.f32 v5, v6;
	v4 =	vsel vm2, v4, v8;
	v8 =	vmul.f32 v9, v9  }
0x321: {  	v3 =	vadd.f32 v18, v3;
	v6 =	vld [tilespmem:s16+$0x11310];
	v12 =	vadd.f32 v15, v12;
	v15 =	vperm.xlane v10, v0  }
0x322: {  	v22 =	vperm.xlane v5, v0;
	v18 =	vperm.xlane v4, v1;
	v8 =	vadd.f32 v14, v8;
	v14 =	vld [tilespmem:s16+$0x11320]  }
0x323: {  	v9 =	vmul.f32 v9, v13;
	v17 =	vmul.f32 v17, v11;
	v10 =	vadd.f32 v15, v10;
	v15 =	vld [tilespmem:s16+$0xD310]  }
0x324: {  	v13 =	vmul.f32 v13, v13;
	v11 =	vmul.f32 v11, v11;
	v4 =	vadd.f32 v18, v4;
	v18 =	vld [tilespmem:s16+$0xD130]  }
0x325: {  	v9 =	vadd.f32 v17, v9;
	v17 =	vld [tilespmem:s16+$0xD320];
	v23 =	vmul.f32 v16, v16;
	v8 =	vadd.f32 v12, v8  }
0x326: {  	v24 =	vmul.f32 v6, v6;
	v12 =	vmul.f32 v19, v7;
	v19 =	vld [tilespmem:s16+$0xD300]  }
0x327: {  	v5 =	vadd.f32 v22, v5;
	v7 =	vmul.f32 v7, v7;
	v22 =	vperm.xlane v8, v0  }
0x328: {  	v11 =	vadd.f32 v11, v13;
	v13 =	vld [tilespmem:s16+$0xD330];
	v25 =	vmul.f32 v14, v14;
	v6 =	vmul.f32 v6, v15  }
0x329: {  	v2 =	vsel vm2, v2, v10;
	v20 =	vmul.f32 v20, v18;
	v18 =	vmul.f32 v18, v18  }
0x32a: {  	v8 =	vadd.f32 v22, v8;
	v22 =	vadd.f32 v24, v23;
	v14 =	vmul.f32 v14, v17  }
0x32b: {  	v23 =	vadd.f32 v26, v25;
	v16 =	vmul.f32 v16, v19;
	v12 =	vadd.f32 v20, v12  }
0x32c: {  	v7 =	vadd.f32 v18, v7;
	v18 =	vmul.f32 v19, v19;
	v19 =	vmul.f32 v15, v15  }
0x32d: {  	v62 =	vld [tilespmem:s16+$0x11170];
	v20 =	vadd.f32 v23, v22;
	v22 =	vmul.f32 v13, v13;
	v13 =	vmul.f32 v21, v13  }
0x32e: {  	v63 =	vld [tilespmem:s16+$0xD170];
	v6 =	vadd.f32 v6, v16;
	v7 =	vadd.f32 v7, v11;
	v11 =	vmul.f32 v17, v17  }
0x32f: {  	v15 =	vadd.f32 v19, v18;
	v18 =	vperm.xlane v20, v0;
	v13 =	vadd.f32 v13, v14  }
0x330: {  	v41 =	vld [tilespmem:s16+$0x11340];
	v9 =	vadd.f32 v12, v9;
	v11 =	vadd.f32 v22, v11;
	v12 =	vperm.xlane v7, v0  }
0x331: {  	v10 =	vld [tilespmem:s16+$0x11080];
	v3 =	vsel vm2, v3, v5;
	v16 =	vadd.f32 v18, v20;
	v6 =	vadd.f32 v13, v6  }
0x332: {  	v17 =	vperm.xlane v9, v0;
	v11 =	vadd.f32 v11, v15;
	v5 =	vadd.f32 v12, v7;
	v12 =	vld [tilespmem:s16+$0x110B0]  }
0x333: {  	v33 =	vmul.f32 v62, v63;
	v8 =	vsel vm2, v8, v16;
	v16 =	vld [tilespmem:s16+$0x110A0];
	v7 =	vperm.xlane v6, v0  }
0x334: {  	v47 =	vmul.f32 v61, v61;
	v9 =	vadd.f32 v17, v9;
	v14 =	vperm.xlane v11, v0  }
0x335: {  	v13 =	vld [tilespmem:s16+$0x11090];
	v17 =	vperm.xlane v3, v1;
	v15 =	vperm.xlane v8, v1;
	v6 =	vadd.f32 v7, v6  }
0x336: {  	v43 =	vld [tilespmem:s16+$0x11350];
	v48 =	vmul.f32 v41, v41;
	v19 =	vmul.f32 v10, v10;
	v11 =	vadd.f32 v14, v11  }
0x337: {  	v3 =	vadd.f32 v17, v3;
	v8 =	vadd.f32 v15, v8;
	v14 =	vld [tilespmem:s16+$0xD080];
	v6 =	vsel vm2, v9, v6  }
0x338: {  	v18 =	vld [tilespmem:s16+$0xD090];
	v21 =	vmul.f32 v12, v12;
	v5 =	vsel vm2, v5, v11;
	v9 =	vmul.f32 v16, v16  }
0x339: {  	v15 =	vperm.xlane v2, v1;
	v7 =	vsel vm0, v4, v8;
	v8 =	vld [tilespmem:s16+$0xD0A0];
	v4 =	vperm.xlane v5, v1  }
0x33a: {  	v23 =	vld [tilespmem:s16+$0xD280];
	v20 =	vmul.f32 v13, v13;
	v11 =	vperm.xlane v7, v56;
	v9 =	vadd.f32 v21, v9  }
0x33b: {  	v22 =	vld [tilespmem:s16+$0x11280];
	v5 =	vadd.f32 v4, v5;
	v4 =	vadd.f32 v15, v2;
	v2 =	vperm.xlane v6, v1  }
0x33c: {  	v17 =	vld [tilespmem:s16+$0xD0B0];
	v7 =	vadd.f32 v11, v7;
	v11 =	vadd.f32 v20, v19;
	v19 =	vmul.f32 v10, v14  }
0x33d: {  	v15 =	vld [tilespmem:s16+$0x11290];
	v3 =	vsel vm0, v3, v5;
	v5 =	vadd.f32 v2, v6;
	v6 =	vmul.f32 v13, v18  }
0x33e: {  	v20 =	vld [tilespmem:s16+$0xD290];
	v13 =	vmul.f32 v14, v14;
	v14 =	vmul.f32 v16, v8  }
0x33f: {  	v9 =	vadd.f32 v9, v11;
	v11 =	vld [tilespmem:s16+$0x112A0];
	v16 =	vmul.f32 v18, v18;
	v2 =	vperm.xlane v3, v56  }
0x340: {  	v49 =	vmul.f32 v43, v43;
	v18 =	vld [tilespmem:s16+$0x112B0];
	v8 =	vmul.f32 v8, v8  }
0x341: {  	v13 =	vadd.f32 v16, v13;
	v10 =	vadd.f32 v2, v3;
	v3 =	vmul.f32 v12, v17;
	v12 =	vld [tilespmem:s16+$0xD2A0]  }
0x342: {  	v16 =	vmul.f32 v17, v17;
	v2 =	vadd.f32 v6, v19;
	v6 =	vperm.xlane v9, v0;
	v17 =	vld [tilespmem:s16+$0xD2B0]  }
0x343: {  	v21 =	vmul.f32 v23, v23;
	v24 =	vmul.f32 v20, v20;
	v3 =	vadd.f32 v3, v14  }
0x344: {  	v9 =	vadd.f32 v6, v9;
	v6 =	vadd.f32 v16, v8;
	v8 =	vmul.f32 v22, v22  }
0x345: {  	v14 =	vmul.f32 v15, v15;
	v16 =	vmul.f32 v18, v18;
	v21 =	vadd.f32 v24, v21;
	v24 =	vld [tilespmem:s16+$0x111B0]  }
0x346: {  	v19 =	vld [tilespmem:s16+$0x11180];
	v15 =	vmul.f32 v15, v20;
	v2 =	vadd.f32 v3, v2;
	v3 =	vmul.f32 v11, v11  }
0x347: {  	v8 =	vadd.f32 v14, v8;
	v14 =	vld [tilespmem:s16+$0x11190];
	v25 =	vmul.f32 v12, v12;
	v26 =	vmul.f32 v17, v17  }
0x348: {  	v11 =	vmul.f32 v11, v12;
	v12 =	vmul.f32 v18, v17;
	v17 =	vld [tilespmem:s16+$0x113B0]  }
0x349: {  	v13 =	vadd.f32 v6, v13;
	v3 =	vadd.f32 v16, v3;
	v16 =	vld [tilespmem:s16+$0x111A0];
	v6 =	vperm.xlane v2, v0  }
0x34a: {  	v25 =	vadd.f32 v26, v25;
	v26 =	vld [tilespmem:s16+$0x11380];
	v11 =	vadd.f32 v12, v11;
	v27 =	vmul.f32 v24, v24  }
0x34b: {  	v12 =	vld [tilespmem:s16+$0xD180];
	v3 =	vadd.f32 v3, v8;
	v8 =	vmul.f32 v22, v23;
	v6 =	vadd.f32 v6, v2  }
0x34c: {  	v22 =	vld [tilespmem:s16+$0x11390];
	v2 =	vperm.xlane v13, v0;
	v20 =	vadd.f32 v25, v21;
	v18 =	vmul.f32 v14, v14  }
0x34d: {  	v21 =	vld [tilespmem:s16+$0x113A0];
	v23 =	vperm.xlane v3, v0;
	v8 =	vadd.f32 v15, v8;
	v15 =	vmul.f32 v19, v19  }
0x34e: {  	v2 =	vadd.f32 v2, v13;
	v31 =	vmul.f32 v17, v17;
	v13 =	vperm.xlane v20, v0  }
0x34f: {  	v25 =	vmul.f32 v16, v16;
	v3 =	vadd.f32 v23, v3;
	v8 =	vadd.f32 v11, v8  }
0x350: {  	v23 =	vld [tilespmem:s16+$0xD190];
	v11 =	vmul.f32 v26, v26;
	v15 =	vadd.f32 v18, v15;
	v19 =	vmul.f32 v19, v12  }
0x351: {  	v12 =	vmul.f32 v12, v12;
	v28 =	vmul.f32 v22, v22;
	v13 =	vadd.f32 v13, v20;
	v20 =	vld [tilespmem:s16+$0xD380]  }
0x352: {  	v18 =	vadd.f32 v27, v25;
	v27 =	vld [tilespmem:s16+$0xD390];
	v3 =	vsel vm2, v9, v3;
	v30 =	vmul.f32 v21, v21  }
0x353: {  	v9 =	vld [tilespmem:s16+$0xD1A0];
	v25 =	vperm.xlane v3, v1;
	v11 =	vadd.f32 v28, v11;
	v2 =	vsel vm2, v2, v13  }
0x354: {  	v13 =	vadd.f32 v18, v15;
	v15 =	vld [tilespmem:s16+$0xD3A0];
	v18 =	vperm.xlane v8, v0;
	v28 =	vadd.f32 v31, v30  }
0x355: {  	v30 =	vperm.xlane v2, v1;
	v31 =	vld [tilespmem:s16+$0xD3B0];
	v14 =	vmul.f32 v14, v23  }
0x356: {  	v3 =	vadd.f32 v25, v3;
	v23 =	vmul.f32 v23, v23;
	v11 =	vadd.f32 v28, v11  }
0x357: {  	v8 =	vadd.f32 v18, v8;
	v28 =	vperm.xlane v13, v0;
	v53 =	vmul.f32 v27, v27  }
0x358: {  	v25 =	vmul.f32 v9, v9;
	v12 =	vadd.f32 v23, v12;
	v18 =	vperm.xlane v11, v0  }
0x359: {  	v9 =	vmul.f32 v16, v9;
	v13 =	vadd.f32 v28, v13;
	v28 =	vmul.f32 v20, v20  }
0x35a: {  	v54 =	vmul.f32 v31, v31;
	v11 =	vadd.f32 v18, v11;
	v18 =	vmul.f32 v15, v15  }
0x35b: {  	v16 =	vmul.f32 v24, v29;
	v14 =	vadd.f32 v14, v19;
	v23 =	vadd.f32 v52, v25  }
0x35c: {  	v29 =	vld [tilespmem:s16+$0xD250];
	v11 =	vsel vm2, v13, v11;
	v13 =	vadd.f32 v53, v28;
	v18 =	vadd.f32 v54, v18  }
0x35d: {  	v42 =	vld [tilespmem:s16+$0xD340];
	v9 =	vadd.f32 v16, v9;
	v17 =	vmul.f32 v17, v31;
	v25 =	vperm.xlane v11, v1  }
0x35e: {  	v15 =	vmul.f32 v21, v15;
	v21 =	vld [tilespmem:s16+$0x11070];
	v12 =	vadd.f32 v23, v12;
	v13 =	vadd.f32 v18, v13  }
0x35f: {  	v19 =	vld [tilespmem:s16+$0x11050];
	v20 =	vmul.f32 v26, v20;
	v9 =	vadd.f32 v9, v14;
	v11 =	vadd.f32 v25, v11  }
0x360: {  	v23 =	vld [tilespmem:s16+$0x11040];
	v15 =	vadd.f32 v17, v15;
	v16 =	vperm.xlane v12, v0;
	v24 =	vperm.xlane v13, v0  }
0x361: {  	v55 =	vmul.f32 v29, v29;
	v3 =	vsel vm0, v3, v11;
	v11 =	vmul.f32 v22, v27;
	v22 =	vld [tilespmem:s16+$0x11060]  }
0x362: {  	v18 =	vld [tilespmem:s16+$0xD040];
	v12 =	vadd.f32 v16, v12;
	v16 =	vperm.xlane v3, v56;
	v13 =	vadd.f32 v24, v13  }
0x363: {  	v14 =	vld [tilespmem:s16+$0xD060];
	v54 =	vmul.f32 v42, v42;
	v27 =	vmul.f32 v21, v21;
	v11 =	vadd.f32 v11, v20  }
0x364: {  	v3 =	vadd.f32 v16, v3;
	v12 =	vsel vm2, v12, v13;
	v16 =	vperm.xlane v9, v0  }
0x365: {  	v24 =	vld [tilespmem:s16+$0xD050];
	v17 =	vperm.xlane v12, v1;
	v11 =	vadd.f32 v15, v11;
	v15 =	vmul.f32 v19, v19  }
0x366: {  	v20 =	vld [tilespmem:s16+$0x11240];
	v3 =	vsel vm1, v7, v3;
	v7 =	vmul.f32 v23, v23;
	v26 =	vmul.f32 v22, v22  }
0x367: {  	v23 =	vmul.f32 v23, v18;
	v18 =	vmul.f32 v18, v18  }
0x368: {  	v2 =	vadd.f32 v30, v2;
	v13 =	vld [tilespmem:s16+$0xD070];
	v22 =	vmul.f32 v22, v14;
	v14 =	vmul.f32 v14, v14  }
0x369: {  	v25 =	vld [tilespmem:s16+$0xD240];
	v9 =	vadd.f32 v16, v9;
	v16 =	vperm.xlane v11, v0;
	v28 =	vperm.xlane v3, v51  }
0x36a: {  	v12 =	vadd.f32 v17, v12;
	v19 =	vmul.f32 v19, v24;
	v24 =	vmul.f32 v24, v24  }
0x36b: {  	v15 =	vadd.f32 v15, v7;
	v26 =	vadd.f32 v27, v26;
	v30 =	vmul.f32 v20, v20  }
0x36c: {  	v17 =	vld [tilespmem:s16+$0x11250];
	v2 =	vsel vm0, v2, v12;
	v3 =	vadd.f32 v28, v3;
	v7 =	vadd.f32 v16, v11  }
0x36d: {  	v12 =	vld [tilespmem:s16+$0x11260];
	v19 =	vadd.f32 v19, v23;
	v21 =	vmul.f32 v21, v13;
	v13 =	vmul.f32 v13, v13  }
0x36e: {  	[tilespmem:$0x1FE50] =	vst v9;
	v16 =	vld [tilespmem:s16+$0xD270];
	v18 =	vadd.f32 v24, v18;
	v24 =	vmul.f32 v25, v25;
	v11 =	vsel vm2, v6, v8  }
0x36f: {  	v9 =	vmovc v51;
	v27 =	vperm.xlane v2, v56;
	v15 =	vadd.f32 v26, v15;
	v26 =	vld [tilespmem:s16+$0x11270];
	v21 =	vadd.f32 v21, v22  }
0x370: {  	v51 =	vmul.f32 v63, v63;
	[tilespmem:$0x1FE90] =	vst v3;
	v3 =	vld [tilespmem:s16+$0xD260];
	v13 =	vadd.f32 v13, v14;
	v24 =	vadd.f32 v55, v24  }
0x371: {  	v31 =	vld [tilespmem:s16+$0x11150];
	v2 =	vadd.f32 v27, v2;
	v27 =	vperm.xlane v15, v0;
	v57 =	vmul.f32 v17, v17  }
0x372: {  	v17 =	vmul.f32 v17, v29;
	v18 =	vadd.f32 v13, v18;
	v13 =	vmul.f32 v20, v25  }
0x373: {  	v44 =	vld [tilespmem:s16+$0xD350];
	v35 =	vadd.f32 v51, v47;
	v22 =	vmul.f32 v12, v12;
	v60 =	vmul.f32 v16, v16  }
0x374: {  	v58 =	vld [tilespmem:s16+$0xD150];
	v15 =	vadd.f32 v27, v15;
	v27 =	vmul.f32 v26, v26;
	v16 =	vmul.f32 v26, v16  }
0x375: {  	v32 =	vld [tilespmem:s16+$0xD2C0];
	v30 =	vadd.f32 v57, v30;
	v14 =	vmul.f32 v3, v3;
	v3 =	vmul.f32 v12, v3  }
0x376: {  	v29 =	vmul.f32 v31, v31;
	v51 =	vld [tilespmem:s16+$0x113C0];
	v17 =	vadd.f32 v17, v13;
	v22 =	vadd.f32 v27, v22  }
0x377: {  	v34 =	vld [tilespmem:s16+$0xD2E0];
	v2 =	vsel vm1, v10, v2;
	v14 =	vadd.f32 v60, v14;
	v3 =	vadd.f32 v16, v3  }
0x378: {  	v36 =	vld [tilespmem:s16+$0xD2F0];
	v60 =	vmul.f32 v44, v44;
	v44 =	vmul.f32 v43, v44;
	v20 =	vadd.f32 v22, v30  }
0x379: {  	v28 =	vld [tilespmem:s16+$0x11140];
	v30 =	vmul.f32 v58, v58;
	v12 =	vadd.f32 v14, v24;
	v14 =	vadd.f32 v21, v19  }
0x37a: {  	v16 =	vld [tilespmem:s16+$0xD360];
	v21 =	vperm.xlane v18, v0;
	v39 =	vadd.f32 v60, v54;
	v54 =	vmul.f32 v32, v32  }
0x37b: {  	v23 =	vld [tilespmem:s16+$0xD140];
	v24 =	vsel vm0, v4, v5;
	v4 =	vmul.f32 v51, v51;
	v19 =	vperm.xlane v20, v0  }
0x37c: {  	v37 =	vld [tilespmem:s16+$0x111C0];
	v3 =	vadd.f32 v3, v17;
	v22 =	vperm.xlane v12, v0;
	v17 =	vperm.xlane v14, v0  }
0x37d: {  	v38 =	vld [tilespmem:s16+$0xD1C0];
	v18 =	vadd.f32 v21, v18;
	v10 =	vadd.f32 v19, v20;
	v20 =	vperm.xlane v2, v9  }
0x37e: {  	v13 =	vld [tilespmem:s16+$0x11360];
	v19 =	vadd.f32 v22, v12;
	v22 =	vadd.f32 v17, v14;
	v14 =	vperm.xlane v3, v0  }
0x37f: {  	v61 =	vmul.f32 v16, v16;
	v12 =	vld [tilespmem:s16+$0x11370];
	v21 =	vsel vm2, v15, v10;
	v2 =	vadd.f32 v20, v2  }
0x380: {  	v17 =	vld [tilespmem:s16+$0x110C0];
	v20 =	vmul.f32 v28, v28;
	v27 =	vadd.f32 v14, v3;
	v3 =	vmul.f32 v28, v23  }
0x381: {  	v15 =	vld [tilespmem:s16+$0xD370];
	v25 =	vsel vm2, v18, v19;
	v14 =	vmul.f32 v23, v23;
	[tilespmem:$0x1FE80] =	vst v2;
	v2 =	vperm.xlane v21, v1  }
0x382: {  	v18 =	vld [tilespmem:s16+$0xD0C0];
	v26 =	vperm.xlane v25, v1;
	v28 =	vadd.f32 v29, v20;
	v29 =	vmul.f32 v31, v58  }
0x383: {  	v19 =	vld [tilespmem:s16+$0x110D0];
	v14 =	vadd.f32 v30, v14;
	v30 =	vmul.f32 v13, v13;
	v2 =	vadd.f32 v2, v21  }
0x384: {  	v23 =	vld [tilespmem:s16+$0xD0E0];
	v21 =	vmul.f32 v62, v62;
	v3 =	vadd.f32 v29, v3;
	v29 =	vadd.f32 v33, v46  }
0x385: {  	v20 =	vld [tilespmem:s16+$0xD0D0];
	v31 =	vadd.f32 v26, v25;
	v50 =	vmul.f32 v12, v12;
	[tilespmem:$0x1FE70] =	vst v2;
	v2 =	vmul.f32 v59, v59  }
0x386: {  	v25 =	vld [tilespmem:s16+$0x110F0];
	v33 =	vadd.f32 v49, v48;
	v63 =	vmul.f32 v17, v17;
	v3 =	vadd.f32 v29, v3  }
0x387: {  	v26 =	vld [tilespmem:s16+$0xD0F0];
	v45 =	vadd.f32 v35, v14;
	v62 =	vmul.f32 v15, v15;
	v2 =	vadd.f32 v21, v2  }
0x388: {  	v53 =	vadd.f32 v50, v30;
	v47 =	vmul.f32 v18, v18;
	v21 =	vld [tilespmem:s16+$0x110E0];
	v59 =	vperm.xlane v3, v0  }
0x389: {  	v8 =	vld [tilespmem:s16+$0x113E0];
	v57 =	vmul.f32 v19, v19;
	v60 =	vmul.f32 v23, v23;
	v2 =	vadd.f32 v2, v28  }
0x38a: {  	v43 =	vld [tilespmem:s16+$0x111F0];
	v46 =	vmul.f32 v20, v20;
	v55 =	vadd.f32 v53, v33;
	v3 =	vadd.f32 v59, v3  }
0x38b: {  	v10 =	vld [tilespmem:s16+$0x113D0];
	v40 =	vadd.f32 v62, v61;
	v5 =	vadd.f32 v57, v63;
	v52 =	vperm.xlane v2, v0  }
0x38c: {  	v29 =	vld [tilespmem:s16+$0x112D0];
	v61 =	vmul.f32 v26, v26;
	v46 =	vadd.f32 v46, v47;
	[tilespmem:$0x1FEA0] =	vst v3;
	v3 =	vperm.xlane v55, v0  }
0x38d: {  	v30 =	vld [tilespmem:s16+$0xD2D0];
	v59 =	vmul.f32 v25, v25;
	v58 =	vmul.f32 v21, v21;
	v2 =	vadd.f32 v52, v2  }
0x38e: {  	v35 =	vld [tilespmem:s16+$0x112F0];
	v63 =	vperm.xlane v45, v0;
	v3 =	vadd.f32 v3, v55;
	v55 =	vadd.f32 v61, v60  }
0x38f: {  	v57 =	vmul.f32 v41, v42;
	v28 =	vld [tilespmem:s16+$0x112C0];
	v52 =	vadd.f32 v40, v39;
	v62 =	vadd.f32 v59, v58  }
0x390: {  	v33 =	vld [tilespmem:s16+$0x112E0];
	v45 =	vadd.f32 v63, v45;
	v2 =	vsel vm2, v2, v3;
	v3 =	vadd.f32 v55, v46  }
0x391: {  	v48 =	vld [tilespmem:s16+$0xD1F0];
	v63 =	vmul.f32 v29, v29;
	v58 =	vperm.xlane v52, v0;
	v5 =	vadd.f32 v62, v5  }
0x392: {  	v41 =	vld [tilespmem:s16+$0x111E0];
	v55 =	vmul.f32 v30, v30;
	v61 =	vperm.xlane v3, v0  }
0x393: {  	v44 =	vadd.f32 v44, v57;
	v40 =	vld [tilespmem:s16+$0xD1D0];
	v59 =	vperm.xlane v2, v1;
	v60 =	vperm.xlane v5, v0  }
0x394: {  	[tilespmem:$0x1FE60] =	vst v7;
	v42 =	vld [tilespmem:s16+$0xD1E0];
	v62 =	vmul.f32 v28, v28;
	v46 =	vadd.f32 v58, v52;
	v7 =	vadd.f32 v61, v3  }
0x395: {  	v53 =	vld [tilespmem:s16+$0xD3C0];
	v61 =	vmul.f32 v35, v35;
	v49 =	vadd.f32 v60, v5;
	v60 =	vmul.f32 v33, v33  }
0x396: {  	v39 =	vld [tilespmem:s16+$0x111D0];
	v6 =	vadd.f32 v55, v54;
	v54 =	vmul.f32 v38, v38;
	v47 =	vadd.f32 v63, v62  }
0x397: {  	v52 =	vld [tilespmem:s16+$0xD3D0];
	v62 =	vmul.f32 v34, v34;
	v63 =	vmul.f32 v36, v36;
	v50 =	vadd.f32 v61, v60  }
0x398: {  	v57 =	vld [tilespmem:s16+$0xD3E0];
	v55 =	vmul.f32 v37, v37;
	v9 =	vadd.f32 v59, v2;
	v59 =	vmul.f32 v40, v40  }
0x399: {  	v2 =	vmul.f32 v43, v43;
	v58 =	vadd.f32 v63, v62;
	v47 =	vadd.f32 v50, v47;
	v50 =	vld [tilespmem:s16+$0xD3F0]  }
0x39a: {  	v62 =	vmul.f32 v42, v42;
	v63 =	vmul.f32 v41, v41;
	v61 =	vld [tilespmem:s16+$0x113F0]  }
0x39b: {  	v54 =	vadd.f32 v59, v54;
	v60 =	vmul.f32 v39, v39;
	v6 =	vadd.f32 v58, v6  }
0x39c: {  	v58 =	vmul.f32 v48, v48;
	v59 =	vmul.f32 v52, v52;
	v5 =	vadd.f32 v2, v63  }
0x39d: {  	v63 =	vmul.f32 v10, v10;
	v55 =	vadd.f32 v60, v55;
	v60 =	vmul.f32 v53, v53  }
0x39e: {  	v58 =	vadd.f32 v58, v62;
	v62 =	vmul.f32 v57, v57;
	v3 =	vmul.f32 v50, v50  }
0x39f: {  	v59 =	vadd.f32 v59, v60;
	v60 =	vmul.f32 v8, v8;
	v2 =	vmul.f32 v61, v61  }
0x3a0: {  	v4 =	vadd.f32 v63, v4;
	v3 =	vadd.f32 v3, v62  }
0x3a1: {  	v5 =	vadd.f32 v5, v55;
	v2 =	vadd.f32 v2, v60  }
0x3a2: {  	v54 =	vadd.f32 v58, v54;
	v60 =	vperm.xlane v47, v0;
	v3 =	vadd.f32 v3, v59  }
0x3a3: {  	v58 =	vperm.xlane v5, v0;
	v62 =	vperm.xlane v6, v0;
	v2 =	vadd.f32 v2, v4  }
0x3a4: {  	v4 =	vperm.xlane v54, v0;
	v47 =	vadd.f32 v60, v47;
	v60 =	vperm.xlane v3, v0  }
0x3a5: {  	v5 =	vadd.f32 v58, v5;
	v6 =	vadd.f32 v62, v6;
	v62 =	vperm.xlane v2, v0  }
0x3a6: {  	v45 =	vsel vm2, v45, v46;
	v4 =	vadd.f32 v4, v54;
	v3 =	vadd.f32 v60, v3  }
0x3a7: {  	v2 =	vadd.f32 v62, v2;
	v6 =	vsel vm2, v7, v6;
	v7 =	vperm.xlane v45, v1  }
0x3a8: {  	v3 =	vsel vm2, v4, v3  }
0x3a9: {  	v2 =	vsel vm2, v5, v2;
	v5 =	vadd.f32 v7, v45;
	v7 =	vperm.xlane v3, v1  }
0x3aa: {  	v47 =	vsel vm2, v49, v47;
	v4 =	vperm.xlane v6, v1  }
0x3ab: {  	v59 =	vperm.xlane v47, v1;
	v60 =	vperm.xlane v2, v1;
	v3 =	vadd.f32 v7, v3;
	v7 =	vld [tilespmem:$0x1FE70]  }
0x3ac: {  	v4 =	vadd.f32 v4, v6  }
0x3ad: {  	v2 =	vadd.f32 v60, v2;
	v6 =	vadd.f32 v59, v47  }
0x3ae: {  	v5 =	vsel vm0, v31, v5;
	v3 =	vsel vm0, v4, v3  }
0x3af: {  	v62 =	vld [tilespmem:$0x1FFF0];
	v2 =	vsel vm0, v6, v2;
	v4 =	vperm.xlane v5, v56;
	v6 =	vperm.xlane v3, v56  }
0x3b0: {  	v12 =	vmul.f32 v12, v15;
	v7 =	vsel vm0, v7, v9;
	v9 =	vmul.f32 v13, v16  }
0x3b1: {  	v4 =	vadd.f32 v4, v5;
	v3 =	vadd.f32 v6, v3;
	v13 =	vperm.xlane v7, v56  }
0x3b2: {  	v6 =	vadd.f32 v12, v9  }
0x3b3: {  	v15 =	vmul.f32 v17, v18;
	v18 =	vld [tilespmem:$0x1FE80];
	v3 =	vsel vm1, v4, v3;
	v7 =	vadd.f32 v13, v7  }
0x3b4: {  	v13 =	vperm.xlane v2, v56;
	v4 =	vadd.f32 v6, v44;
	v6 =	vperm.xlane v3, v62;
	_ =	sdelay $0x1  }
0x3b5: {  	v17 =	vmul.f32 v35, v36;
	v2 =	vadd.f32 v13, v2;
	v3 =	vadd.f32 v6, v3  }
0x3b6: {  	v8 =	vmul.f32 v8, v57;
	v5 =	vmul.f32 v19, v20  }
0x3b7: {  	v9 =	vmul.f32 v21, v23;
	v2 =	vsel vm1, v7, v2;
	v3 =	vsel vm3, v18, v3;
	v18 =	vld [tilespmem:$0x1FE90]  }
0x3b8: {  	v22 =	vsel vm2, v22, v27;
	v14 =	vld [tilespmem:$0x1FE60];
	v12 =	vmul.f32 v25, v26;
	v7 =	vperm.xlane v2, v62  }
0x3b9: {  	v63 =	vld [tilespmem:$0x1FE50];
	v5 =	vadd.f32 v5, v15;
	v15 =	vmul.f32 v29, v30;
	v13 =	vmul.f32 v28, v32  }
0x3ba: {  	v16 =	vmul.f32 v33, v34;
	v6 =	vadd.f32 v12, v9;
	v2 =	vadd.f32 v7, v2  }
0x3bb: {  	v9 =	vmul.f32 v39, v40;
	v12 =	vmul.f32 v41, v42;
	v13 =	vadd.f32 v15, v13  }
0x3bc: {  	v15 =	vmul.f32 v51, v53;
	v5 =	vadd.f32 v6, v5;
	v2 =	vsel vm3, v18, v2  }
0x3bd: {  	v6 =	vperm.xlane v4, v0;
	v3 =	vmax.f32 v3, $1.000000020e-24;
	v2 =	vmax.f32 v2, $1.000000020e-24  }
0x3be: {  	v63 =	vsel vm2, v63, v14;
	v7 =	vmul.f32 v37, v38;
	v2 =	vmul.f32 v2, v3  }
0x3bf: {  	v18 =	vmul.f32 v43, v48;
	v3 =	vadd.f32 v17, v16;
	v16 =	vmul.f32 v10, v52  }
0x3c0: {  	v17 =	vmul.f32 v61, v50;
	v19 =	vshra.s32 v2, $0x1;
	v2 =	vmul.f32 $5.000000000e-01, v2  }
0x3c1: {  	v7 =	vadd.f32 v9, v7;
	v9 =	vadd.f32 v18, v12;
	v12 =	vsub.s32 $0x5F3759DF, v19  }
0x3c2: {  	v10 =	vld [tilespmem:$0x1FEA0];
	v15 =	vadd.f32 v16, v15;
	v8 =	vadd.f32 v17, v8;
	v16 =	vmul.f32 v12, v2  }
0x3c3: {  	v4 =	vadd.f32 v6, v4;
	v6 =	vperm.xlane v5, v0;
	v3 =	vadd.f32 v3, v13  }
0x3c4: {  	v7 =	vadd.f32 v9, v7;
	v8 =	vadd.f32 v8, v15;
	v9 =	vmul.f32 v12, v16  }
0x3c5: {  	v58 =	vperm.xlane v63, v1;
	v5 =	vadd.f32 v6, v5;
	v13 =	vperm.xlane v3, v0  }
0x3c6: {  	v15 =	vperm.xlane v7, v0;
	v16 =	vperm.xlane v8, v0;
	v9 =	vsub.f32 $1.500000000e+00, v9  }
0x3c7: {  	v4 =	vsel vm2, v10, v4;
	v10 =	vperm.xlane v22, v1;
	v3 =	vadd.f32 v13, v3  }
0x3c8: {  	v6 =	vadd.f32 v15, v7;
	v7 =	vadd.f32 v16, v8;
	v8 =	vmul.f32 v12, v9  }
0x3c9: {  	v54 =	vperm.xlane v11, v1;
	v10 =	vadd.f32 v10, v22;
	v3 =	vsel vm2, v5, v3  }
0x3ca: {  	v12 =	vperm.xlane v4, v1;
	v5 =	vsel vm2, v6, v7;
	v6 =	vmul.f32 v8, v2  }
0x3cb: {  	v13 =	vperm.xlane v3, v1;
	v9 =	vadd.f32 v54, v11;
	v14 =	vperm.xlane v5, v1  }
0x3cc: {  	v7 =	vadd.f32 v58, v63;
	v4 =	vadd.f32 v12, v4;
	v6 =	vmul.f32 v6, v8  }
0x3cd: {  	v3 =	vadd.f32 v13, v3;
	v12 =	vperm.xlane v24, v56;
	v5 =	vadd.f32 v14, v5  }
0x3ce: {  	v7 =	vsel vm0, v9, v7;
	v4 =	vsel vm0, v10, v4;
	v6 =	vsub.f32 $1.500000000e+00, v6  }
0x3cf: {  	v3 =	vsel vm0, v3, v5;
	v5 =	vperm.xlane v7, v56;
	v9 =	vperm.xlane v4, v56  }
0x3d0: {  	v10 =	vperm.xlane v3, v56;
	v6 =	vmul.f32 v6, v8  }
0x3d1: {  	v5 =	vadd.f32 v5, v7;
	v4 =	vadd.f32 v9, v4  }
0x3d2: {  	v8 =	vadd.f32 v12, v24;
	v3 =	vadd.f32 v10, v3;
	v2 =	vmul.f32 v6, v2;
	_ =	sdelay $0x1  }
0x3d3: {  	v5 =	vsel vm1, v8, v5;
	v3 =	vsel vm1, v4, v3;
	v2 =	vmul.f32 v2, v6  }
0x3d4: {  	v4 =	vperm.xlane v5, v62;
	v7 =	vperm.xlane v3, v62  }
0x3d5: {  	v2 =	vsub.f32 $1.500000000e+00, v2  }
0x3d6: {  	v4 =	vadd.f32 v4, v5;
	v3 =	vadd.f32 v7, v3  }
0x3d7: {  	v2 =	vmul.f32 v2, v6  }
0x3d8: {  	v3 =	vsel vm3, v4, v3  }
0x3d9: {  	v2 =	vmul.f32 v2, v3  }
0x3da: {  	s14 =	simm.s32 $0x15100  }
0x3db: {  	s15 =	simm.s32 $0x400;
	[tilespmem:s14+$0x0] =	vst v2  }
0x3dc: {  	v2 =	vld [tilespmem:s15+$0x11000]  }
0x3dd: {  	v3 =	vld [tilespmem:s15+$0xD000]  }
0x3de: {  	v4 =	vld [tilespmem:s15+$0x11010]  }
0x3df: {  	v5 =	vld [tilespmem:s15+$0xD010]  }
0x3e0: {  	v6 =	vld [tilespmem:s15+$0x11020]  }
0x3e1: {  	v7 =	vld [tilespmem:s15+$0xD020]  }
0x3e2: {  	v8 =	vld [tilespmem:s15+$0x11030]  }
0x3e3: {  	v9 =	vld [tilespmem:s15+$0xD030]  }
0x3e4: {  	v10 =	vld [tilespmem:s15+$0x11200]  }
0x3e5: {  	v13 =	vld [tilespmem:s15+$0x11210];
	v11 =	vmul.f32 v2, v2  }
0x3e6: {  	v14 =	vld [tilespmem:s15+$0x11220];
	v12 =	vmul.f32 v4, v4;
	v2 =	vmul.f32 v2, v3  }
0x3e7: {  	v21 =	vld [tilespmem:s15+$0x11330];
	v4 =	vmul.f32 v4, v5;
	v3 =	vmul.f32 v3, v3  }
0x3e8: {  	v29 =	vld [tilespmem:s15+$0xD1B0];
	v5 =	vmul.f32 v5, v5;
	v15 =	vmul.f32 v8, v8;
	v11 =	vadd.f32 v12, v11  }
0x3e9: {  	v50 =	vld [tilespmem:s15+$0x11160];
	v2 =	vadd.f32 v4, v2;
	v4 =	vmul.f32 v6, v6;
	v6 =	vmul.f32 v6, v7  }
0x3ea: {  	v12 =	vld [tilespmem:s15+$0x11230];
	v3 =	vadd.f32 v5, v3;
	v5 =	vmul.f32 v7, v7;
	v7 =	vmul.f32 v9, v9  }
0x3eb: {  	v52 =	vld [tilespmem:s15+$0xD160];
	v8 =	vmul.f32 v8, v9  }
0x3ec: {  	v26 =	vmul.f32 v21, v21;
	v4 =	vadd.f32 v15, v4;
	v5 =	vadd.f32 v7, v5  }
0x3ed: {  	v43 =	vmul.f32 v29, v29;
	v9 =	vmul.f32 v13, v13;
	v6 =	vadd.f32 v8, v6;
	v7 =	vld [tilespmem:s15+$0xD220]  }
0x3ee: {  	v8 =	vmul.f32 v10, v10;
	v4 =	vadd.f32 v4, v11;
	v11 =	vld [tilespmem:s15+$0xD200];
	v3 =	vadd.f32 v5, v3  }
0x3ef: {  	v15 =	vmul.f32 v14, v14;
	v2 =	vadd.f32 v6, v2;
	v6 =	vld [tilespmem:s15+$0xD210];
	v16 =	vmul.f32 v12, v12  }
0x3f0: {  	v54 =	vmul.f32 v50, v52;
	v8 =	vadd.f32 v9, v8;
	v5 =	vld [tilespmem:s15+$0xD230];
	v18 =	vperm.xlane v3, v0  }
0x3f1: {  	v17 =	vld [tilespmem:s15+$0x11110];
	v9 =	vadd.f32 v16, v15;
	v15 =	vperm.xlane v2, v0;
	v16 =	vperm.xlane v4, v0  }
0x3f2: {  	v42 =	vld [tilespmem:s15+$0x11350];
	v14 =	vmul.f32 v14, v7;
	v7 =	vmul.f32 v7, v7  }
0x3f3: {  	v20 =	vld [tilespmem:s15+$0x11130];
	v3 =	vadd.f32 v18, v3;
	v8 =	vadd.f32 v9, v8;
	v10 =	vmul.f32 v10, v11  }
0x3f4: {  	v19 =	vld [tilespmem:s15+$0x11120];
	v11 =	vmul.f32 v11, v11;
	v4 =	vadd.f32 v16, v4;
	v13 =	vmul.f32 v13, v6  }
0x3f5: {  	v9 =	vld [tilespmem:s15+$0x11100];
	v6 =	vmul.f32 v6, v6;
	v2 =	vadd.f32 v15, v2;
	v12 =	vmul.f32 v12, v5  }
0x3f6: {  	v5 =	vmul.f32 v5, v5;
	v16 =	vperm.xlane v8, v0;
	v10 =	vadd.f32 v13, v10  }
0x3f7: {  	v57 =	vmul.f32 v42, v42;
	v13 =	vld [tilespmem:s15+$0xD100];
	v12 =	vadd.f32 v12, v14;
	v6 =	vadd.f32 v6, v11  }
0x3f8: {  	v15 =	vmul.f32 v20, v20;
	v11 =	vld [tilespmem:s15+$0xD110];
	v5 =	vadd.f32 v5, v7;
	v8 =	vadd.f32 v16, v8  }
0x3f9: {  	v7 =	vld [tilespmem:s15+$0xD120];
	v14 =	vmul.f32 v17, v17;
	v10 =	vadd.f32 v12, v10;
	v12 =	vmul.f32 v19, v19  }
0x3fa: {  	v16 =	vld [tilespmem:s15+$0x11300];
	v5 =	vadd.f32 v5, v6;
	v4 =	vsel vm2, v4, v8;
	v8 =	vmul.f32 v9, v9  }
0x3fb: {  	v6 =	vld [tilespmem:s15+$0x11310];
	v12 =	vadd.f32 v15, v12;
	v15 =	vperm.xlane v10, v0;
	v18 =	vperm.xlane v4, v1  }
0x3fc: {  	v22 =	vperm.xlane v5, v0;
	v9 =	vmul.f32 v9, v13;
	v8 =	vadd.f32 v14, v8;
	v14 =	vld [tilespmem:s15+$0x11320]  }
0x3fd: {  	v17 =	vmul.f32 v17, v11;
	v13 =	vmul.f32 v13, v13;
	v4 =	vadd.f32 v18, v4;
	v18 =	vld [tilespmem:s15+$0xD130]  }
0x3fe: {  	v11 =	vmul.f32 v11, v11;
	v10 =	vadd.f32 v15, v10;
	v15 =	vld [tilespmem:s15+$0xD310];
	v8 =	vadd.f32 v12, v8  }
0x3ff: {  	v5 =	vadd.f32 v22, v5;
	v23 =	vmul.f32 v16, v16;
	v12 =	vmul.f32 v19, v7;
	v19 =	vld [tilespmem:s15+$0xD300]  }
0x400: {  	v9 =	vadd.f32 v17, v9;
	v17 =	vld [tilespmem:s15+$0xD320];
	v24 =	vmul.f32 v6, v6;
	v22 =	vperm.xlane v8, v0  }
0x401: {  	v11 =	vadd.f32 v11, v13;
	v13 =	vld [tilespmem:s15+$0xD330];
	v7 =	vmul.f32 v7, v7;
	v25 =	vmul.f32 v14, v14  }
0x402: {  	v20 =	vmul.f32 v20, v18;
	v18 =	vmul.f32 v18, v18;
	v8 =	vadd.f32 v22, v8  }
0x403: {  	v6 =	vmul.f32 v6, v15;
	v22 =	vadd.f32 v24, v23;
	v23 =	vadd.f32 v26, v25  }
0x404: {  	v16 =	vmul.f32 v16, v19;
	v12 =	vadd.f32 v20, v12;
	v7 =	vadd.f32 v18, v7  }
0x405: {  	v18 =	vmul.f32 v19, v19;
	v19 =	vmul.f32 v15, v15;
	v20 =	vadd.f32 v23, v22  }
0x406: {  	v22 =	vmul.f32 v13, v13;
	v7 =	vadd.f32 v7, v11;
	v11 =	vmul.f32 v17, v17  }
0x407: {  	v14 =	vmul.f32 v14, v17;
	v13 =	vmul.f32 v21, v13;
	v6 =	vadd.f32 v6, v16  }
0x408: {  	v15 =	vadd.f32 v19, v18;
	v18 =	vperm.xlane v20, v0;
	v11 =	vadd.f32 v22, v11  }
0x409: {  	v53 =	vld [tilespmem:s15+$0xD170];
	v2 =	vsel vm2, v2, v10;
	v9 =	vadd.f32 v12, v9;
	v13 =	vadd.f32 v13, v14  }
0x40a: {  	v10 =	vld [tilespmem:s15+$0x11080];
	v12 =	vperm.xlane v7, v0;
	v16 =	vadd.f32 v18, v20;
	v11 =	vadd.f32 v11, v15  }
0x40b: {  	v3 =	vsel vm2, v3, v5;
	v17 =	vperm.xlane v9, v0;
	v6 =	vadd.f32 v13, v6  }
0x40c: {  	v13 =	vld [tilespmem:s15+$0x11090];
	v5 =	vadd.f32 v12, v7;
	v8 =	vsel vm2, v8, v16;
	v14 =	vperm.xlane v11, v0  }
0x40d: {  	v12 =	vld [tilespmem:s15+$0x110B0];
	v9 =	vadd.f32 v17, v9;
	v17 =	vperm.xlane v3, v1;
	v15 =	vperm.xlane v8, v1  }
0x40e: {  	v32 =	vmul.f32 v53, v53;
	v16 =	vld [tilespmem:s15+$0x110A0];
	v7 =	vperm.xlane v6, v0;
	v11 =	vadd.f32 v14, v11  }
0x40f: {  	v24 =	vld [tilespmem:s15+$0xD280];
	v19 =	vmul.f32 v10, v10;
	v3 =	vadd.f32 v17, v3;
	v8 =	vadd.f32 v15, v8  }
0x410: {  	v6 =	vadd.f32 v7, v6;
	v14 =	vld [tilespmem:s15+$0xD080];
	v15 =	vperm.xlane v2, v1;
	v5 =	vsel vm2, v5, v11  }
0x411: {  	v22 =	vld [tilespmem:s15+$0x11280];
	v20 =	vmul.f32 v13, v13;
	v7 =	vsel vm0, v4, v8;
	v4 =	vperm.xlane v5, v1  }
0x412: {  	v18 =	vld [tilespmem:s15+$0xD090];
	v6 =	vsel vm2, v9, v6;
	v21 =	vmul.f32 v12, v12;
	v11 =	vperm.xlane v7, v56  }
0x413: {  	v8 =	vld [tilespmem:s15+$0xD0A0];
	v9 =	vmul.f32 v16, v16;
	v23 =	vadd.f32 v4, v5;
	v4 =	vadd.f32 v15, v2  }
0x414: {  	v17 =	vld [tilespmem:s15+$0xD0B0];
	v2 =	vperm.xlane v6, v1;
	v5 =	vadd.f32 v11, v7;
	v7 =	vadd.f32 v20, v19  }
0x415: {  	v11 =	vadd.f32 v21, v9;
	v15 =	vld [tilespmem:s15+$0x11290];
	v10 =	vmul.f32 v10, v14;
	v3 =	vsel vm0, v3, v23  }
0x416: {  	v19 =	vld [tilespmem:s15+$0xD290];
	v21 =	vmul.f32 v24, v24;
	v9 =	vadd.f32 v2, v6;
	v2 =	vperm.xlane v3, v56  }
0x417: {  	v20 =	vld [tilespmem:s15+$0x112B0];
	v6 =	vmul.f32 v13, v18;
	v13 =	vmul.f32 v14, v14;
	v11 =	vadd.f32 v11, v7  }
0x418: {  	v14 =	vld [tilespmem:s15+$0x112A0];
	v16 =	vmul.f32 v16, v8;
	v18 =	vmul.f32 v18, v18;
	v7 =	vadd.f32 v2, v3  }
0x419: {  	v2 =	vadd.f32 v6, v10;
	v3 =	vmul.f32 v12, v17;
	v6 =	vld [tilespmem:s15+$0xD2A0];
	v10 =	vperm.xlane v11, v0  }
0x41a: {  	v8 =	vmul.f32 v8, v8;
	v12 =	vadd.f32 v18, v13;
	v13 =	vmul.f32 v17, v17;
	v17 =	vld [tilespmem:s15+$0xD2B0]  }
0x41b: {  	v23 =	vmul.f32 v19, v19;
	v3 =	vadd.f32 v3, v16;
	v10 =	vadd.f32 v10, v11  }
0x41c: {  	v8 =	vadd.f32 v13, v8;
	v11 =	vmul.f32 v22, v22;
	v13 =	vmul.f32 v15, v15  }
0x41d: {  	v18 =	vld [tilespmem:s15+$0x11180];
	v16 =	vmul.f32 v20, v20;
	v21 =	vadd.f32 v23, v21;
	v22 =	vmul.f32 v22, v24  }
0x41e: {  	v23 =	vld [tilespmem:s15+$0x111B0];
	v15 =	vmul.f32 v15, v19;
	v2 =	vadd.f32 v3, v2;
	v3 =	vmul.f32 v14, v14  }
0x41f: {  	v24 =	vld [tilespmem:s15+$0x11390];
	v25 =	vmul.f32 v6, v6;
	v26 =	vmul.f32 v17, v17  }
0x420: {  	v11 =	vadd.f32 v13, v11;
	v13 =	vld [tilespmem:s15+$0x11190];
	v6 =	vmul.f32 v14, v6;
	v14 =	vmul.f32 v20, v17  }
0x421: {  	v12 =	vadd.f32 v8, v12;
	v17 =	vld [tilespmem:s15+$0x113B0];
	v3 =	vadd.f32 v16, v3;
	v8 =	vperm.xlane v2, v0  }
0x422: {  	v20 =	vmul.f32 v18, v18;
	v16 =	vld [tilespmem:s15+$0x111A0];
	v25 =	vadd.f32 v26, v25;
	v6 =	vadd.f32 v14, v6  }
0x423: {  	v14 =	vld [tilespmem:s15+$0xD180];
	v3 =	vadd.f32 v3, v11;
	v8 =	vadd.f32 v8, v2;
	v2 =	vperm.xlane v12, v0  }
0x424: {  	v27 =	vmul.f32 v23, v23;
	v28 =	vmul.f32 v24, v24;
	v11 =	vld [tilespmem:s15+$0x11380]  }
0x425: {  	v19 =	vadd.f32 v25, v21;
	v25 =	vperm.xlane v3, v0;
	v2 =	vadd.f32 v2, v12  }
0x426: {  	v21 =	vld [tilespmem:s15+$0x113A0];
	v12 =	vadd.f32 v15, v22;
	v22 =	vmul.f32 v13, v13;
	v31 =	vmul.f32 v17, v17  }
0x427: {  	v15 =	vperm.xlane v19, v0;
	v26 =	vmul.f32 v16, v16  }
0x428: {  	v3 =	vadd.f32 v25, v3;
	v6 =	vadd.f32 v6, v12;
	v18 =	vmul.f32 v18, v14  }
0x429: {  	v25 =	vld [tilespmem:s15+$0xD190];
	v14 =	vmul.f32 v14, v14;
	v12 =	vmul.f32 v11, v11;
	v15 =	vadd.f32 v15, v19  }
0x42a: {  	v19 =	vadd.f32 v22, v20;
	v20 =	vadd.f32 v27, v26;
	v22 =	vld [tilespmem:s15+$0xD380];
	v3 =	vsel vm2, v10, v3  }
0x42b: {  	v4 =	vsel vm0, v4, v9;
	v27 =	vld [tilespmem:s15+$0xD390];
	v30 =	vmul.f32 v21, v21;
	v26 =	vperm.xlane v3, v1  }
0x42c: {  	v10 =	vld [tilespmem:s15+$0xD1A0];
	v12 =	vadd.f32 v28, v12;
	v2 =	vsel vm2, v2, v15;
	v19 =	vadd.f32 v20, v19  }
0x42d: {  	v20 =	vld [tilespmem:s15+$0xD3A0];
	v15 =	vperm.xlane v6, v0;
	v28 =	vadd.f32 v31, v30;
	v30 =	vperm.xlane v2, v1  }
0x42e: {  	v31 =	vld [tilespmem:s15+$0xD3B0];
	v13 =	vmul.f32 v13, v25;
	v3 =	vadd.f32 v26, v3;
	v25 =	vmul.f32 v25, v25  }
0x42f: {  	v15 =	vadd.f32 v15, v6;
	v12 =	vadd.f32 v28, v12;
	v28 =	vperm.xlane v19, v0  }
0x430: {  	v45 =	vmul.f32 v27, v27;
	v2 =	vadd.f32 v30, v2;
	v11 =	vmul.f32 v11, v22  }
0x431: {  	v26 =	vmul.f32 v10, v10;
	v14 =	vadd.f32 v25, v14;
	v6 =	vperm.xlane v12, v0  }
0x432: {  	v10 =	vmul.f32 v16, v10;
	v19 =	vadd.f32 v28, v19;
	v28 =	vmul.f32 v22, v22  }
0x433: {  	v46 =	vmul.f32 v31, v31;
	v6 =	vadd.f32 v6, v12;
	v12 =	vmul.f32 v20, v20  }
0x434: {  	v16 =	vmul.f32 v23, v29;
	v13 =	vadd.f32 v13, v18;
	v25 =	vadd.f32 v43, v26  }
0x435: {  	v29 =	vld [tilespmem:s15+$0x11250];
	v6 =	vsel vm2, v19, v6;
	v19 =	vadd.f32 v45, v28;
	v12 =	vadd.f32 v46, v12  }
0x436: {  	v8 =	vsel vm2, v8, v15;
	v10 =	vadd.f32 v16, v10;
	v26 =	vperm.xlane v6, v1  }
0x437: {  	v20 =	vmul.f32 v21, v20;
	v21 =	vld [tilespmem:s15+$0x11070];
	v14 =	vadd.f32 v25, v14;
	v12 =	vadd.f32 v12, v19  }
0x438: {  	[tilespmem:$0x1FEE0] =	vst v4;
	v4 =	vperm.xlane v8, v1;
	v16 =	vld [tilespmem:s15+$0x11050];
	v17 =	vmul.f32 v17, v31;
	v6 =	vadd.f32 v26, v6  }
0x439: {  	v23 =	vld [tilespmem:s15+$0x11040];
	v10 =	vadd.f32 v10, v13;
	v18 =	vperm.xlane v14, v0;
	v25 =	vperm.xlane v12, v0  }
0x43a: {  	v48 =	vmul.f32 v29, v29;
	v3 =	vsel vm0, v3, v6;
	v6 =	vmul.f32 v24, v27;
	v24 =	vld [tilespmem:s15+$0x11060]  }
0x43b: {  	v13 =	vld [tilespmem:s15+$0xD060];
	v14 =	vadd.f32 v18, v14;
	v18 =	vperm.xlane v3, v56;
	v12 =	vadd.f32 v25, v12  }
0x43c: {  	v28 =	vmul.f32 v21, v21;
	v6 =	vadd.f32 v6, v11;
	v11 =	vadd.f32 v17, v20  }
0x43d: {  	v19 =	vld [tilespmem:s15+$0xD040];
	v25 =	vmul.f32 v16, v16;
	v3 =	vadd.f32 v18, v3;
	v12 =	vsel vm2, v14, v12  }
0x43e: {  	v40 =	vld [tilespmem:s15+$0x11340];
	v18 =	vperm.xlane v10, v0;
	v20 =	vperm.xlane v12, v1;
	v11 =	vadd.f32 v11, v6  }
0x43f: {  	v14 =	vld [tilespmem:s15+$0x11240];
	v3 =	vsel vm1, v5, v3;
	v5 =	vmul.f32 v23, v23;
	v27 =	vmul.f32 v24, v24  }
0x440: {  	v22 =	vld [tilespmem:s15+$0xD050];
	v6 =	vadd.f32 v18, v10;
	v24 =	vmul.f32 v24, v13;
	v12 =	vadd.f32 v20, v12  }
0x441: {  	v26 =	vld [tilespmem:s15+$0xD240];
	v10 =	vperm.xlane v11, v0;
	v18 =	vperm.xlane v3, v62;
	v25 =	vadd.f32 v25, v5  }
0x442: {  	v20 =	vld [tilespmem:s15+$0xD250];
	v27 =	vadd.f32 v28, v27;
	v2 =	vsel vm0, v2, v12;
	v12 =	vmul.f32 v23, v19  }
0x443: {  	v17 =	vld [tilespmem:s15+$0xD070];
	v3 =	vadd.f32 v18, v3;
	v5 =	vadd.f32 v10, v11;
	v11 =	vmul.f32 v13, v13  }
0x444: {  	v23 =	vld [tilespmem:s15+$0xD260];
	v30 =	vperm.xlane v2, v56;
	v18 =	vadd.f32 v27, v25;
	v27 =	vmul.f32 v14, v14  }
0x445: {  	v25 =	vld [tilespmem:s15+$0xD270];
	v56 =	vmul.f32 v40, v40;
	[tilespmem:$0x1FEC0] =	vst v3;
	v3 =	vmul.f32 v16, v22  }
0x446: {  	v28 =	vld [tilespmem:s15+$0x11260];
	v16 =	vmul.f32 v19, v19;
	v22 =	vmul.f32 v22, v22  }
0x447: {  	v19 =	vld [tilespmem:s15+$0x11270];
	v2 =	vadd.f32 v30, v2;
	v13 =	vperm.xlane v18, v0;
	v47 =	vmul.f32 v20, v20  }
0x448: {  	v3 =	vadd.f32 v3, v12;
	v12 =	vmul.f32 v21, v17;
	v17 =	vmul.f32 v17, v17  }
0x449: {  	v31 =	vld [tilespmem:s15+$0x11140];
	v27 =	vadd.f32 v48, v27;
	v16 =	vadd.f32 v22, v16;
	v22 =	vmul.f32 v26, v26  }
0x44a: {  	v21 =	vld [tilespmem:s15+$0xD140];
	v11 =	vadd.f32 v17, v11;
	v17 =	vmul.f32 v23, v23;
	v51 =	vmul.f32 v25, v25  }
0x44b: {  	v49 =	vld [tilespmem:s15+$0xD150];
	v13 =	vadd.f32 v13, v18;
	v18 =	vmul.f32 v28, v28;
	v12 =	vadd.f32 v12, v24  }
0x44c: {  	v30 =	vld [tilespmem:s15+$0x11150];
	v22 =	vadd.f32 v47, v22;
	v24 =	vmul.f32 v19, v19;
	v17 =	vadd.f32 v51, v17  }
0x44d: {  	v41 =	vld [tilespmem:s15+$0xD340];
	v9 =	vadd.f32 v11, v16;
	v11 =	vmul.f32 v14, v26;
	v16 =	vmul.f32 v29, v20  }
0x44e: {  	v34 =	vld [tilespmem:s15+$0x112F0];
	v3 =	vadd.f32 v12, v3;
	v12 =	vmul.f32 v19, v25;
	v18 =	vadd.f32 v24, v18  }
0x44f: {  	v35 =	vld [tilespmem:s15+$0xD2F0];
	v26 =	vmul.f32 v31, v31;
	v29 =	vmul.f32 v21, v21;
	v17 =	vadd.f32 v17, v22  }
0x450: {  	v24 =	vld [tilespmem:s15+$0x11170];
	v11 =	vadd.f32 v16, v11;
	v16 =	vperm.xlane v9, v0;
	v14 =	vadd.f32 v18, v27  }
0x451: {  	v36 =	vld [tilespmem:s15+$0x111C0];
	v2 =	vsel vm1, v7, v2;
	v18 =	vmul.f32 v28, v23;
	v28 =	vmul.f32 v30, v30  }
0x452: {  	v37 =	vld [tilespmem:s15+$0xD1C0];
	v20 =	vperm.xlane v17, v0;
	v9 =	vadd.f32 v16, v9;
	v19 =	vperm.xlane v14, v0  }
0x453: {  	v38 =	vld [tilespmem:s15+$0x111D0];
	v18 =	vadd.f32 v12, v18;
	v26 =	vadd.f32 v28, v26;
	v28 =	vmul.f32 v30, v49  }
0x454: {  	v43 =	vld [tilespmem:s15+$0xD350];
	v30 =	vmul.f32 v49, v49;
	v16 =	vadd.f32 v20, v17;
	v17 =	vperm.xlane v2, v62  }
0x455: {  	v12 =	vld [tilespmem:s15+$0x11360];
	v55 =	vmul.f32 v24, v53;
	v62 =	vmul.f32 v41, v41  }
0x456: {  	v7 =	vadd.f32 v19, v14;
	v14 =	vld [tilespmem:s15+$0xD360];
	v19 =	vadd.f32 v18, v11;
	v18 =	vperm.xlane v3, v0  }
0x457: {  	v11 =	vld [tilespmem:s15+$0x11370];
	v58 =	vadd.f32 v30, v29;
	v9 =	vsel vm2, v9, v16;
	v2 =	vadd.f32 v17, v2  }
0x458: {  	v29 =	vld [tilespmem:s15+$0xD2C0];
	v20 =	vsel vm2, v13, v7;
	v22 =	vadd.f32 v18, v3;
	v3 =	vperm.xlane v19, v0  }
0x459: {  	v16 =	vld [tilespmem:s15+$0x110C0];
	v25 =	vperm.xlane v9, v1;
	[tilespmem:$0x1FEF0] =	vst v2;
	v2 =	vperm.xlane v20, v1  }
0x45a: {  	v17 =	vld [tilespmem:s15+$0xD0C0];
	v30 =	vmul.f32 v12, v12;
	v27 =	vadd.f32 v3, v19;
	v3 =	vmul.f32 v31, v21  }
0x45b: {  	v13 =	vld [tilespmem:s15+$0xD370];
	v31 =	vadd.f32 v25, v9;
	v9 =	vmul.f32 v52, v52;
	v52 =	vmul.f32 v43, v43  }
0x45c: {  	v18 =	vld [tilespmem:s15+$0x110D0];
	v43 =	vmul.f32 v42, v43;
	v23 =	vadd.f32 v2, v20;
	v2 =	vmul.f32 v50, v50  }
0x45d: {  	v33 =	vadd.f32 v57, v56;
	v19 =	vld [tilespmem:s15+$0xD0D0];
	v20 =	vmul.f32 v24, v24;
	v59 =	vmul.f32 v11, v11  }
0x45e: {  	v21 =	vld [tilespmem:s15+$0xD0E0];
	v53 =	vmul.f32 v14, v14;
	v3 =	vadd.f32 v28, v3;
	v28 =	vadd.f32 v55, v54  }
0x45f: {  	v25 =	vld [tilespmem:s15+$0xD0F0];
	v15 =	vadd.f32 v32, v9;
	v55 =	vadd.f32 v52, v62;
	v47 =	vmul.f32 v17, v17  }
0x460: {  	v42 =	vld [tilespmem:s15+$0x111F0];
	v56 =	vmul.f32 v16, v16;
	v2 =	vadd.f32 v20, v2;
	v61 =	vadd.f32 v59, v30  }
0x461: {  	v24 =	vld [tilespmem:s15+$0x110F0];
	v54 =	vmul.f32 v13, v13;
	v3 =	vadd.f32 v28, v3;
	v44 =	vadd.f32 v15, v58  }
0x462: {  	v20 =	vld [tilespmem:s15+$0x110E0];
	v58 =	vmul.f32 v18, v18;
	v2 =	vadd.f32 v2, v26;
	v63 =	vadd.f32 v61, v33  }
0x463: {  	v50 =	vld [tilespmem:s15+$0xD3E0];
	v39 =	vadd.f32 v54, v53;
	v57 =	vmul.f32 v19, v19;
	v61 =	vmul.f32 v21, v21  }
0x464: {  	v28 =	vld [tilespmem:s15+$0x112D0];
	v62 =	vmul.f32 v25, v25;
	v51 =	vperm.xlane v3, v0;
	v48 =	vadd.f32 v58, v56  }
0x465: {  	v33 =	vld [tilespmem:s15+$0xD2E0];
	v54 =	vperm.xlane v44, v0;
	v60 =	vperm.xlane v2, v0;
	v46 =	vadd.f32 v39, v55  }
0x466: {  	v32 =	vld [tilespmem:s15+$0x112E0];
	v55 =	vmul.f32 v40, v41;
	v15 =	vadd.f32 v51, v3;
	v3 =	vperm.xlane v63, v0  }
0x467: {  	v30 =	vld [tilespmem:s15+$0xD2D0];
	v59 =	vmul.f32 v20, v20;
	v2 =	vadd.f32 v60, v2;
	v60 =	vmul.f32 v24, v24  }
0x468: {  	v26 =	vld [tilespmem:s15+$0x112C0];
	v45 =	vadd.f32 v57, v47;
	v56 =	vadd.f32 v62, v61;
	v62 =	vmul.f32 v29, v29  }
0x469: {  	v39 =	vld [tilespmem:s15+$0xD1D0];
	v57 =	vperm.xlane v46, v0;
	v3 =	vadd.f32 v3, v63;
	v63 =	vadd.f32 v60, v59  }
0x46a: {  	v40 =	vld [tilespmem:s15+$0x111E0];
	v53 =	vadd.f32 v54, v44;
	v61 =	vmul.f32 v28, v28;
	v51 =	vmul.f32 v33, v33  }
0x46b: {  	v41 =	vld [tilespmem:s15+$0xD1E0];
	v2 =	vsel vm2, v2, v3;
	v3 =	vadd.f32 v56, v45;
	v48 =	vadd.f32 v63, v48  }
0x46c: {  	v47 =	vld [tilespmem:s15+$0xD3D0];
	v49 =	vadd.f32 v43, v55;
	v58 =	vperm.xlane v2, v1;
	v63 =	vmul.f32 v30, v30  }
0x46d: {  	v44 =	vld [tilespmem:s15+$0x113C0];
	v54 =	vadd.f32 v57, v46;
	v60 =	vperm.xlane v3, v0;
	v59 =	vperm.xlane v48, v0  }
0x46e: {  	v43 =	vld [tilespmem:s15+$0xD1F0];
	v52 =	vadd.f32 v58, v2;
	v2 =	vmul.f32 v26, v26;
	v58 =	vmul.f32 v37, v37  }
0x46f: {  	v46 =	vld [tilespmem:s15+$0x113D0];
	v56 =	vadd.f32 v60, v3;
	v3 =	vmul.f32 v34, v34;
	v60 =	vmul.f32 v36, v36  }
0x470: {  	[tilespmem:$0x1FF00] =	vst v4;
	v45 =	vld [tilespmem:s15+$0xD3C0];
	v57 =	vadd.f32 v61, v2;
	v2 =	vmul.f32 v32, v32;
	v61 =	vmul.f32 v35, v35  }
0x471: {  	[tilespmem:$0x1FEB0] =	vst v6;
	v55 =	vadd.f32 v59, v48;
	v59 =	vadd.f32 v63, v62;
	v48 =	vld [tilespmem:s15+$0x113E0];
	v62 =	vmul.f32 v38, v38  }
0x472: {  	s16 =	simm.s32 $0x2000;
	[tilespmem:$0x1FED0] =	vst v5;
	v3 =	vadd.f32 v3, v2;
	v63 =	vadd.f32 v61, v51;
	v61 =	vmul.f32 v39, v39;
	v51 =	vld [tilespmem:s15+$0x113F0]  }
.LBB2_7:
0x473: {  	_ =	sdelay $0x1  }
0x474: {  	v2 =	vadd.f32 v3, v57;
	v57 =	vld [tilespmem:s15+$0xD3F0];
	v3 =	vmul.f32 v41, v41;
	v5 =	vmul.f32 v40, v40  }
0x475: {  	v59 =	vadd.f32 v63, v59;
	v63 =	vmul.f32 v43, v43;
	v4 =	vmul.f32 v42, v42  }
0x476: {  	v60 =	vadd.f32 v62, v60;
	v62 =	vmul.f32 v45, v45;
	v6 =	vmul.f32 v44, v44  }
0x477: {  	v58 =	vadd.f32 v61, v58;
	v61 =	vmul.f32 v47, v47;
	v7 =	vmul.f32 v46, v46  }
0x478: {  	v9 =	vmul.f32 v48, v48;
	v10 =	vmul.f32 v51, v51;
	v4 =	vadd.f32 v4, v5  }
0x479: {  	v5 =	vmul.f32 v50, v50;
	v3 =	vadd.f32 v63, v3;
	v63 =	vmul.f32 v57, v57  }
0x47a: {  	v61 =	vadd.f32 v61, v62;
	v7 =	vadd.f32 v7, v6  }
0x47b: {  	v9 =	vadd.f32 v10, v9;
	v5 =	vadd.f32 v63, v5  }
0x47c: {  	v6 =	vld [tilespmem:$0x1FEB0];
	v3 =	vadd.f32 v3, v58  }
0x47d: {  	v62 =	vld [tilespmem:$0x1FED0];
	v7 =	vadd.f32 v9, v7;
	v9 =	vperm.xlane v59, v0;
	v5 =	vadd.f32 v5, v61  }
0x47e: {  	v53 =	vsel vm2, v53, v54;
	v4 =	vadd.f32 v4, v60;
	v58 =	vperm.xlane v2, v0  }
0x47f: {  	v60 =	vperm.xlane v3, v0;
	v9 =	vadd.f32 v9, v59;
	v59 =	vperm.xlane v5, v0  }
0x480: {  	v2 =	vadd.f32 v58, v2;
	v58 =	vperm.xlane v4, v0;
	v61 =	vperm.xlane v7, v0  }
0x481: {  	v54 =	vperm.xlane v53, v1;
	v3 =	vadd.f32 v60, v3;
	v5 =	vadd.f32 v59, v5  }
0x482: {  	v6 =	vsel vm2, v6, v62;
	v4 =	vadd.f32 v58, v4;
	v7 =	vadd.f32 v61, v7  }
0x483: {  	v2 =	vsel vm2, v55, v2;
	v9 =	vsel vm2, v56, v9;
	v3 =	vsel vm2, v3, v5  }
0x484: {  	v62 =	vld [tilespmem:$0x1FFE0];
	v4 =	vsel vm2, v4, v7;
	v5 =	vperm.xlane v9, v1;
	v60 =	vperm.xlane v3, v1  }
0x485: {  	v55 =	vperm.xlane v2, v1;
	v7 =	vadd.f32 v54, v53;
	v61 =	vperm.xlane v4, v1  }
0x486: {  	v5 =	vadd.f32 v5, v9;
	v3 =	vadd.f32 v60, v3  }
0x487: {  	v2 =	vadd.f32 v55, v2;
	v4 =	vadd.f32 v61, v4  }
0x488: {  	v7 =	vsel vm0, v31, v7;
	v3 =	vsel vm0, v5, v3  }
0x489: {  	v63 =	vld [tilespmem:$0x1FFF0];
	v2 =	vsel vm0, v2, v4;
	v5 =	vperm.xlane v7, v62;
	v4 =	vperm.xlane v3, v62;
	_ =	sdelay $0x1  }
0x48a: {  	v9 =	vsel vm0, v23, v52;
	v5 =	vadd.f32 v5, v7;
	v3 =	vadd.f32 v4, v3  }
0x48b: {  	v12 =	vmul.f32 v12, v14;
	v14 =	vperm.xlane v9, v62  }
0x48c: {  	v7 =	vmul.f32 v18, v19;
	v18 =	vld [tilespmem:$0x1FEF0];
	v3 =	vsel vm1, v5, v3  }
0x48d: {  	v9 =	vadd.f32 v14, v9;
	v14 =	vperm.xlane v2, v62;
	v5 =	vperm.xlane v3, v63;
	_ =	sdelay $0x1  }
0x48e: {  	v11 =	vmul.f32 v11, v13;
	v2 =	vadd.f32 v14, v2;
	v3 =	vadd.f32 v5, v3  }
0x48f: {  	v13 =	vmul.f32 v16, v17;
	v16 =	vmul.f32 v32, v33  }
0x490: {  	v17 =	vmul.f32 v34, v35;
	v2 =	vsel vm1, v9, v2;
	v3 =	vsel vm3, v18, v3;
	v18 =	vld [tilespmem:$0x1FEC0]  }
0x491: {  	v14 =	vmul.f32 v26, v29;
	v9 =	vperm.xlane v2, v63  }
0x492: {  	v4 =	vadd.f32 v11, v12;
	v7 =	vadd.f32 v7, v13;
	v13 =	vmul.f32 v28, v30  }
0x493: {  	v11 =	vmul.f32 v20, v21;
	v12 =	vmul.f32 v24, v25;
	v2 =	vadd.f32 v9, v2  }
0x494: {  	v19 =	vmul.f32 v51, v57;
	v13 =	vadd.f32 v13, v14;
	v14 =	vmul.f32 v44, v45  }
0x495: {  	v9 =	vmul.f32 v36, v37;
	v5 =	vadd.f32 v12, v11;
	v2 =	vsel vm3, v18, v2  }
0x496: {  	v11 =	vmul.f32 v38, v39;
	v3 =	vmax.f32 v3, $1.000000020e-24;
	v2 =	vmax.f32 v2, $1.000000020e-24  }
0x497: {  	v4 =	vadd.f32 v4, v49;
	v12 =	vmul.f32 v40, v41;
	v2 =	vmul.f32 v2, v3  }
0x498: {  	v18 =	vmul.f32 v42, v43;
	v3 =	vadd.f32 v17, v16;
	v16 =	vmul.f32 v46, v47  }
0x499: {  	v17 =	vmul.f32 v48, v50;
	v20 =	vshra.s32 v2, $0x1;
	v2 =	vmul.f32 $5.000000000e-01, v2  }
0x49a: {  	v9 =	vadd.f32 v11, v9;
	v11 =	vadd.f32 v18, v12;
	v12 =	vsub.s32 $0x5F3759DF, v20  }
0x49b: {  	v14 =	vadd.f32 v16, v14;
	v16 =	vadd.f32 v19, v17;
	v17 =	vmul.f32 v12, v2  }
0x49c: {  	v5 =	vadd.f32 v5, v7;
	v7 =	vperm.xlane v4, v0;
	v3 =	vadd.f32 v3, v13  }
0x49d: {  	v9 =	vadd.f32 v11, v9;
	v11 =	vadd.f32 v16, v14;
	v13 =	vmul.f32 v12, v17  }
0x49e: {  	v4 =	vadd.f32 v7, v4;
	v7 =	vperm.xlane v5, v0;
	v14 =	vperm.xlane v3, v0  }
0x49f: {  	v16 =	vperm.xlane v9, v0;
	v17 =	vperm.xlane v11, v0;
	v13 =	vsub.f32 $1.500000000e+00, v13  }
0x4a0: {  	v5 =	vadd.f32 v7, v5;
	v3 =	vadd.f32 v14, v3  }
0x4a1: {  	v7 =	vadd.f32 v16, v9;
	v9 =	vadd.f32 v17, v11;
	v11 =	vmul.f32 v12, v13;
	v12 =	vld [tilespmem:$0x1FF00]  }
0x4a2: {  	v10 =	vperm.xlane v6, v1;
	v4 =	vsel vm2, v15, v4;
	v3 =	vsel vm2, v5, v3  }
0x4a3: {  	v13 =	vperm.xlane v4, v1;
	v5 =	vsel vm2, v7, v9;
	v9 =	vperm.xlane v3, v1  }
0x4a4: {  	v22 =	vsel vm2, v22, v27;
	v6 =	vadd.f32 v10, v6;
	v10 =	vperm.xlane v5, v1  }
0x4a5: {  	v7 =	vmul.f32 v11, v2;
	v4 =	vadd.f32 v13, v4;
	v3 =	vadd.f32 v9, v3;
	v13 =	vld [tilespmem:$0x1FEE0]  }
0x4a6: {  	v5 =	vadd.f32 v10, v5;
	v8 =	vadd.f32 v12, v8;
	v12 =	vperm.xlane v22, v1  }
0x4a7: {  	v7 =	vmul.f32 v7, v11  }
0x4a8: {  	v3 =	vsel vm0, v3, v5;
	v12 =	vadd.f32 v12, v22  }
0x4a9: {  	v7 =	vsub.f32 $1.500000000e+00, v7;
	v10 =	vperm.xlane v3, v62;
	v6 =	vsel vm0, v8, v6  }
0x4aa: {  	v9 =	vperm.xlane v13, v62;
	v5 =	vperm.xlane v6, v62;
	v4 =	vsel vm0, v12, v4  }
0x4ab: {  	v7 =	vmul.f32 v7, v11;
	v8 =	vperm.xlane v4, v62  }
0x4ac: {  	v3 =	vadd.f32 v10, v3;
	v9 =	vadd.f32 v9, v13  }
0x4ad: {  	v5 =	vadd.f32 v5, v6;
	v2 =	vmul.f32 v7, v2;
	v4 =	vadd.f32 v8, v4;
	_ =	sdelay $0x1  }
0x4ae: {  	v5 =	vsel vm1, v9, v5;
	v2 =	vmul.f32 v2, v7;
	v3 =	vsel vm1, v4, v3  }
0x4af: {  	v4 =	vperm.xlane v5, v63;
	v6 =	vperm.xlane v3, v63  }
0x4b0: {  	v2 =	vsub.f32 $1.500000000e+00, v2  }
0x4b1: {  	v4 =	vadd.f32 v4, v5;
	v3 =	vadd.f32 v6, v3  }
0x4b2: {  	v2 =	vmul.f32 v2, v7  }
0x4b3: {  	v3 =	vsel vm3, v4, v3  }
0x4b4: {  	v2 =	vmul.f32 v2, v3  }
0x4b5: {  	s14 =	sadd.s32 $0x10, s14  }
0x4b6: {  	s15 =	sshra.s32 s16, $0x2;
	[tilespmem:s14+$0x0] =	vst v2  }
0x4b7: {  	v2 =	vld [tilespmem:s15+$0x11000]  }
0x4b8: {  	v3 =	vld [tilespmem:s15+$0xD000]  }
0x4b9: {  	v4 =	vld [tilespmem:s15+$0x11010]  }
0x4ba: {  	v5 =	vld [tilespmem:s15+$0xD010]  }
0x4bb: {  	v6 =	vld [tilespmem:s15+$0x11020]  }
0x4bc: {  	v8 =	vld [tilespmem:s15+$0x11030]  }
0x4bd: {  	v7 =	vld [tilespmem:s15+$0xD020]  }
0x4be: {  	v9 =	vld [tilespmem:s15+$0xD030];
	v11 =	vmul.f32 v2, v2  }
0x4bf: {  	v12 =	vmul.f32 v4, v4;
	v2 =	vmul.f32 v2, v3  }
0x4c0: {  	v10 =	vld [tilespmem:s15+$0x11200];
	v4 =	vmul.f32 v4, v5;
	v3 =	vmul.f32 v3, v3  }
0x4c1: {  	v13 =	vld [tilespmem:s15+$0x11210];
	v5 =	vmul.f32 v5, v5;
	v15 =	vmul.f32 v8, v8;
	v11 =	vadd.f32 v12, v11  }
0x4c2: {  	v14 =	vld [tilespmem:s15+$0x11220];
	v2 =	vadd.f32 v4, v2;
	v4 =	vmul.f32 v6, v6;
	v6 =	vmul.f32 v6, v7  }
0x4c3: {  	v12 =	vld [tilespmem:s15+$0x11230];
	v3 =	vadd.f32 v5, v3;
	v5 =	vmul.f32 v7, v7;
	v7 =	vmul.f32 v9, v9  }
0x4c4: {  	v8 =	vmul.f32 v8, v9  }
0x4c5: {  	v4 =	vadd.f32 v15, v4;
	v5 =	vadd.f32 v7, v5  }
0x4c6: {  	v9 =	vmul.f32 v13, v13;
	v6 =	vadd.f32 v8, v6;
	v7 =	vld [tilespmem:s15+$0xD220]  }
0x4c7: {  	v8 =	vmul.f32 v10, v10;
	v4 =	vadd.f32 v4, v11;
	v11 =	vld [tilespmem:s15+$0xD200];
	v3 =	vadd.f32 v5, v3  }
0x4c8: {  	v15 =	vmul.f32 v14, v14;
	v2 =	vadd.f32 v6, v2;
	v6 =	vld [tilespmem:s15+$0xD210];
	v16 =	vmul.f32 v12, v12  }
0x4c9: {  	v8 =	vadd.f32 v9, v8;
	v5 =	vld [tilespmem:s15+$0xD230];
	v18 =	vperm.xlane v3, v0  }
0x4ca: {  	v17 =	vld [tilespmem:s15+$0x11110];
	v9 =	vadd.f32 v16, v15;
	v15 =	vperm.xlane v2, v0;
	v16 =	vperm.xlane v4, v0  }
0x4cb: {  	v21 =	vld [tilespmem:s15+$0x11330];
	v14 =	vmul.f32 v14, v7;
	v7 =	vmul.f32 v7, v7  }
0x4cc: {  	v20 =	vld [tilespmem:s15+$0x11130];
	v3 =	vadd.f32 v18, v3;
	v8 =	vadd.f32 v9, v8;
	v10 =	vmul.f32 v10, v11  }
0x4cd: {  	v19 =	vld [tilespmem:s15+$0x11120];
	v11 =	vmul.f32 v11, v11;
	v4 =	vadd.f32 v16, v4;
	v13 =	vmul.f32 v13, v6  }
0x4ce: {  	v9 =	vld [tilespmem:s15+$0x11100];
	v6 =	vmul.f32 v6, v6;
	v2 =	vadd.f32 v15, v2;
	v12 =	vmul.f32 v12, v5  }
0x4cf: {  	v5 =	vmul.f32 v5, v5;
	v16 =	vperm.xlane v8, v0;
	v10 =	vadd.f32 v13, v10  }
0x4d0: {  	v26 =	vmul.f32 v21, v21;
	v13 =	vld [tilespmem:s15+$0xD100];
	v12 =	vadd.f32 v12, v14;
	v6 =	vadd.f32 v6, v11  }
0x4d1: {  	v15 =	vmul.f32 v20, v20;
	v11 =	vld [tilespmem:s15+$0xD110];
	v5 =	vadd.f32 v5, v7;
	v8 =	vadd.f32 v16, v8  }
0x4d2: {  	v7 =	vld [tilespmem:s15+$0xD120];
	v14 =	vmul.f32 v17, v17;
	v10 =	vadd.f32 v12, v10;
	v12 =	vmul.f32 v19, v19  }
0x4d3: {  	v16 =	vld [tilespmem:s15+$0x11300];
	v5 =	vadd.f32 v5, v6;
	v4 =	vsel vm2, v4, v8;
	v8 =	vmul.f32 v9, v9  }
0x4d4: {  	v6 =	vld [tilespmem:s15+$0x11310];
	v12 =	vadd.f32 v15, v12;
	v15 =	vperm.xlane v10, v0;
	v18 =	vperm.xlane v4, v1  }
0x4d5: {  	v22 =	vperm.xlane v5, v0;
	v9 =	vmul.f32 v9, v13;
	v8 =	vadd.f32 v14, v8;
	v14 =	vld [tilespmem:s15+$0x11320]  }
0x4d6: {  	v17 =	vmul.f32 v17, v11;
	v13 =	vmul.f32 v13, v13;
	v4 =	vadd.f32 v18, v4;
	v18 =	vld [tilespmem:s15+$0xD130]  }
0x4d7: {  	v11 =	vmul.f32 v11, v11;
	v10 =	vadd.f32 v15, v10;
	v15 =	vld [tilespmem:s15+$0xD310];
	v8 =	vadd.f32 v12, v8  }
0x4d8: {  	v5 =	vadd.f32 v22, v5;
	v23 =	vmul.f32 v16, v16;
	v12 =	vmul.f32 v19, v7;
	v19 =	vld [tilespmem:s15+$0xD300]  }
0x4d9: {  	v9 =	vadd.f32 v17, v9;
	v17 =	vld [tilespmem:s15+$0xD320];
	v24 =	vmul.f32 v6, v6;
	v22 =	vperm.xlane v8, v0  }
0x4da: {  	v11 =	vadd.f32 v11, v13;
	v13 =	vld [tilespmem:s15+$0xD330];
	v7 =	vmul.f32 v7, v7;
	v25 =	vmul.f32 v14, v14  }
0x4db: {  	v20 =	vmul.f32 v20, v18;
	v18 =	vmul.f32 v18, v18;
	v8 =	vadd.f32 v22, v8  }
0x4dc: {  	v6 =	vmul.f32 v6, v15;
	v22 =	vadd.f32 v24, v23;
	v23 =	vadd.f32 v26, v25  }
0x4dd: {  	v16 =	vmul.f32 v16, v19;
	v12 =	vadd.f32 v20, v12;
	v7 =	vadd.f32 v18, v7  }
0x4de: {  	v18 =	vmul.f32 v19, v19;
	v19 =	vmul.f32 v15, v15;
	v20 =	vadd.f32 v23, v22  }
0x4df: {  	v22 =	vmul.f32 v13, v13;
	v7 =	vadd.f32 v7, v11;
	v11 =	vmul.f32 v17, v17  }
0x4e0: {  	v14 =	vmul.f32 v14, v17;
	v13 =	vmul.f32 v21, v13;
	v6 =	vadd.f32 v6, v16  }
0x4e1: {  	v15 =	vadd.f32 v19, v18;
	v18 =	vperm.xlane v20, v0;
	v11 =	vadd.f32 v22, v11  }
0x4e2: {  	v9 =	vadd.f32 v12, v9;
	v13 =	vadd.f32 v13, v14  }
0x4e3: {  	v2 =	vsel vm2, v2, v10;
	v10 =	vld [tilespmem:s15+$0x11080];
	v16 =	vadd.f32 v18, v20;
	v11 =	vadd.f32 v11, v15  }
0x4e4: {  	v3 =	vsel vm2, v3, v5;
	v12 =	vperm.xlane v7, v0;
	v17 =	vperm.xlane v9, v0  }
0x4e5: {  	v6 =	vadd.f32 v13, v6;
	v13 =	vld [tilespmem:s15+$0x11090];
	v8 =	vsel vm2, v8, v16;
	v14 =	vperm.xlane v11, v0  }
0x4e6: {  	v5 =	vadd.f32 v12, v7;
	v12 =	vld [tilespmem:s15+$0x110B0];
	v9 =	vadd.f32 v17, v9;
	v15 =	vperm.xlane v8, v1  }
0x4e7: {  	v17 =	vperm.xlane v3, v1;
	v16 =	vld [tilespmem:s15+$0x110A0];
	v7 =	vperm.xlane v6, v0;
	v11 =	vadd.f32 v14, v11  }
0x4e8: {  	v29 =	vld [tilespmem:s15+$0xD1B0];
	v19 =	vmul.f32 v10, v10;
	v8 =	vadd.f32 v15, v8  }
0x4e9: {  	v24 =	vld [tilespmem:s15+$0xD280];
	v3 =	vadd.f32 v17, v3;
	v6 =	vadd.f32 v7, v6;
	v5 =	vsel vm2, v5, v11  }
0x4ea: {  	v14 =	vld [tilespmem:s15+$0xD080];
	v15 =	vperm.xlane v2, v1;
	v7 =	vsel vm0, v4, v8;
	v4 =	vperm.xlane v5, v1  }
0x4eb: {  	v18 =	vld [tilespmem:s15+$0xD090];
	v20 =	vmul.f32 v13, v13;
	v6 =	vsel vm2, v9, v6;
	v11 =	vperm.xlane v7, v62  }
0x4ec: {  	v21 =	vmul.f32 v12, v12;
	v8 =	vld [tilespmem:s15+$0xD0A0];
	v9 =	vmul.f32 v16, v16;
	v23 =	vadd.f32 v4, v5  }
0x4ed: {  	v44 =	vmul.f32 v29, v29;
	v22 =	vld [tilespmem:s15+$0x11280];
	v4 =	vadd.f32 v15, v2;
	v5 =	vadd.f32 v11, v7  }
0x4ee: {  	v17 =	vld [tilespmem:s15+$0xD0B0];
	v2 =	vperm.xlane v6, v1;
	v7 =	vadd.f32 v20, v19;
	v11 =	vadd.f32 v21, v9  }
0x4ef: {  	v10 =	vmul.f32 v10, v14;
	v19 =	vld [tilespmem:s15+$0xD290];
	v21 =	vmul.f32 v24, v24;
	v3 =	vsel vm0, v3, v23  }
0x4f0: {  	v15 =	vld [tilespmem:s15+$0x11290];
	v9 =	vadd.f32 v2, v6;
	v6 =	vmul.f32 v13, v18;
	v2 =	vperm.xlane v3, v62  }
0x4f1: {  	v20 =	vld [tilespmem:s15+$0x112B0];
	v13 =	vmul.f32 v14, v14;
	v11 =	vadd.f32 v11, v7;
	v16 =	vmul.f32 v16, v8  }
0x4f2: {  	v14 =	vld [tilespmem:s15+$0x112A0];
	v18 =	vmul.f32 v18, v18;
	v8 =	vmul.f32 v8, v8;
	v7 =	vadd.f32 v2, v3  }
0x4f3: {  	v2 =	vadd.f32 v6, v10;
	v3 =	vmul.f32 v12, v17;
	v6 =	vld [tilespmem:s15+$0xD2A0];
	v10 =	vperm.xlane v11, v0  }
0x4f4: {  	v12 =	vadd.f32 v18, v13;
	v13 =	vmul.f32 v17, v17;
	v17 =	vld [tilespmem:s15+$0xD2B0];
	v23 =	vmul.f32 v19, v19  }
0x4f5: {  	v3 =	vadd.f32 v3, v16;
	v10 =	vadd.f32 v10, v11;
	v11 =	vmul.f32 v22, v22  }
0x4f6: {  	v18 =	vld [tilespmem:s15+$0x11180];
	v8 =	vadd.f32 v13, v8;
	v13 =	vmul.f32 v15, v15;
	v16 =	vmul.f32 v20, v20  }
0x4f7: {  	v21 =	vadd.f32 v23, v21;
	v23 =	vld [tilespmem:s15+$0x111B0];
	v22 =	vmul.f32 v22, v24;
	v2 =	vadd.f32 v3, v2  }
0x4f8: {  	v24 =	vld [tilespmem:s15+$0x11390];
	v3 =	vmul.f32 v14, v14;
	v11 =	vadd.f32 v13, v11;
	v25 =	vmul.f32 v6, v6  }
0x4f9: {  	v13 =	vld [tilespmem:s15+$0x11190];
	v12 =	vadd.f32 v8, v12;
	v26 =	vmul.f32 v17, v17;
	v6 =	vmul.f32 v14, v6  }
0x4fa: {  	v14 =	vmul.f32 v20, v17;
	v17 =	vld [tilespmem:s15+$0x113B0];
	v3 =	vadd.f32 v16, v3;
	v8 =	vperm.xlane v2, v0  }
0x4fb: {  	v15 =	vmul.f32 v15, v19;
	v20 =	vmul.f32 v18, v18;
	v16 =	vld [tilespmem:s15+$0x111A0];
	v25 =	vadd.f32 v26, v25  }
0x4fc: {  	v3 =	vadd.f32 v3, v11;
	v11 =	vld [tilespmem:s15+$0x11380];
	v8 =	vadd.f32 v8, v2;
	v2 =	vperm.xlane v12, v0  }
0x4fd: {  	v6 =	vadd.f32 v14, v6;
	v27 =	vmul.f32 v23, v23;
	v19 =	vadd.f32 v25, v21;
	v21 =	vld [tilespmem:s15+$0x113A0]  }
0x4fe: {  	v14 =	vld [tilespmem:s15+$0xD180];
	v28 =	vmul.f32 v24, v24;
	v25 =	vperm.xlane v3, v0;
	v2 =	vadd.f32 v2, v12  }
0x4ff: {  	v12 =	vadd.f32 v15, v22;
	v22 =	vmul.f32 v13, v13;
	v31 =	vmul.f32 v17, v17  }
0x500: {  	v15 =	vperm.xlane v19, v0;
	v26 =	vmul.f32 v16, v16  }
0x501: {  	v3 =	vadd.f32 v25, v3;
	v25 =	vld [tilespmem:s15+$0xD190];
	v6 =	vadd.f32 v6, v12;
	v12 =	vmul.f32 v11, v11  }
0x502: {  	v15 =	vadd.f32 v15, v19;
	v19 =	vadd.f32 v22, v20;
	v22 =	vld [tilespmem:s15+$0xD380];
	v30 =	vmul.f32 v21, v21  }
0x503: {  	v18 =	vmul.f32 v18, v14;
	v14 =	vmul.f32 v14, v14;
	v20 =	vadd.f32 v27, v26;
	v27 =	vld [tilespmem:s15+$0xD390]  }
0x504: {  	v3 =	vsel vm2, v10, v3;
	v10 =	vld [tilespmem:s15+$0xD1A0];
	v12 =	vadd.f32 v28, v12;
	v28 =	vadd.f32 v31, v30  }
0x505: {  	v26 =	vperm.xlane v3, v1;
	v2 =	vsel vm2, v2, v15;
	v19 =	vadd.f32 v20, v19;
	v20 =	vld [tilespmem:s15+$0xD3A0]  }
0x506: {  	v15 =	vperm.xlane v6, v0;
	v30 =	vperm.xlane v2, v1;
	v31 =	vld [tilespmem:s15+$0xD3B0];
	v12 =	vadd.f32 v28, v12  }
0x507: {  	v4 =	vsel vm0, v4, v9;
	v13 =	vmul.f32 v13, v25;
	v25 =	vmul.f32 v25, v25  }
0x508: {  	v15 =	vadd.f32 v15, v6;
	v28 =	vperm.xlane v19, v0;
	v6 =	vperm.xlane v12, v0  }
0x509: {  	v3 =	vadd.f32 v26, v3;
	v45 =	vmul.f32 v27, v27;
	v26 =	vmul.f32 v10, v10  }
0x50a: {  	v19 =	vadd.f32 v28, v19;
	v28 =	vmul.f32 v22, v22;
	v6 =	vadd.f32 v6, v12  }
0x50b: {  	v2 =	vadd.f32 v30, v2;
	v46 =	vmul.f32 v31, v31;
	v12 =	vmul.f32 v20, v20  }
0x50c: {  	v14 =	vadd.f32 v25, v14;
	v25 =	vadd.f32 v44, v26;
	v6 =	vsel vm2, v19, v6  }
0x50d: {  	v47 =	vld [tilespmem:s15+$0x11160];
	v19 =	vadd.f32 v45, v28;
	v12 =	vadd.f32 v46, v12;
	v26 =	vperm.xlane v6, v1  }
0x50e: {  	v50 =	vld [tilespmem:s15+$0xD160];
	v10 =	vmul.f32 v16, v10;
	v16 =	vmul.f32 v23, v29;
	v14 =	vadd.f32 v25, v14  }
0x50f: {  	v20 =	vmul.f32 v21, v20;
	v21 =	vld [tilespmem:s15+$0x11070];
	v12 =	vadd.f32 v12, v19;
	v6 =	vadd.f32 v26, v6  }
0x510: {  	v11 =	vmul.f32 v11, v22;
	v23 =	vld [tilespmem:s15+$0x11040];
	v13 =	vadd.f32 v13, v18;
	v18 =	vperm.xlane v14, v0  }
0x511: {  	v10 =	vadd.f32 v16, v10;
	v28 =	vld [tilespmem:s15+$0x11250];
	v25 =	vperm.xlane v12, v0;
	v3 =	vsel vm0, v3, v6  }
0x512: {  	v16 =	vld [tilespmem:s15+$0x11050];
	v14 =	vadd.f32 v18, v14;
	v6 =	vmul.f32 v24, v27;
	v18 =	vperm.xlane v3, v62  }
0x513: {  	v17 =	vmul.f32 v17, v31;
	v10 =	vadd.f32 v10, v13;
	v24 =	vld [tilespmem:s15+$0x11060];
	v12 =	vadd.f32 v25, v12  }
0x514: {  	v22 =	vld [tilespmem:s15+$0xD050];
	v27 =	vmul.f32 v21, v21;
	v6 =	vadd.f32 v6, v11;
	v3 =	vadd.f32 v18, v3  }
0x515: {  	v13 =	vld [tilespmem:s15+$0xD060];
	v11 =	vadd.f32 v17, v20;
	v12 =	vsel vm2, v14, v12;
	v18 =	vperm.xlane v10, v0  }
0x516: {  	v19 =	vld [tilespmem:s15+$0xD040];
	v30 =	vmul.f32 v28, v28;
	v20 =	vperm.xlane v12, v1;
	v3 =	vsel vm1, v5, v3  }
0x517: {  	v14 =	vld [tilespmem:s15+$0x11240];
	v5 =	vadd.f32 v11, v6;
	v6 =	vmul.f32 v23, v23;
	v10 =	vadd.f32 v18, v10  }
0x518: {  	v25 =	vld [tilespmem:s15+$0xD240];
	v11 =	vmul.f32 v16, v16;
	v26 =	vmul.f32 v24, v24;
	v12 =	vadd.f32 v20, v12  }
0x519: {  	v8 =	vsel vm2, v8, v15;
	v17 =	vld [tilespmem:s15+$0xD070];
	v18 =	vperm.xlane v3, v63;
	[tilespmem:$0x1FEB0] =	vst v10;
	v10 =	vperm.xlane v5, v0  }
0x51a: {  	v20 =	vld [tilespmem:s15+$0xD250];
	v6 =	vadd.f32 v11, v6;
	v11 =	vadd.f32 v27, v26;
	v2 =	vsel vm0, v2, v12  }
0x51b: {  	v26 =	vld [tilespmem:s15+$0x11260];
	v12 =	vmul.f32 v23, v19;
	v3 =	vadd.f32 v18, v3;
	v18 =	vmul.f32 v24, v13  }
0x51c: {  	v23 =	vld [tilespmem:s15+$0xD260];
	v24 =	vmul.f32 v14, v14;
	v27 =	vperm.xlane v2, v62;
	v5 =	vadd.f32 v10, v5  }
0x51d: {  	v6 =	vadd.f32 v11, v6;
	v11 =	vld [tilespmem:s15+$0x11270];
	[tilespmem:$0x1FEC0] =	vst v3;
	v3 =	vmul.f32 v16, v22;
	v16 =	vmul.f32 v19, v19  }
0x51e: {  	v19 =	vmul.f32 v22, v22;
	v22 =	vld [tilespmem:s15+$0xD270];
	v24 =	vadd.f32 v30, v24;
	[tilespmem:$0x1FED0] =	vst v5;
	v5 =	vmul.f32 v13, v13  }
0x51f: {  	v51 =	vld [tilespmem:s15+$0xD170];
	v2 =	vadd.f32 v27, v2;
	v13 =	vperm.xlane v6, v0;
	v27 =	vmul.f32 v20, v20  }
0x520: {  	v52 =	vld [tilespmem:s15+$0x11340];
	v3 =	vadd.f32 v3, v12;
	v12 =	vmul.f32 v21, v17;
	v17 =	vmul.f32 v17, v17  }
0x521: {  	v53 =	vld [tilespmem:s15+$0xD340];
	v16 =	vadd.f32 v19, v16;
	v19 =	vmul.f32 v25, v25;
	v6 =	vadd.f32 v13, v6  }
0x522: {  	v29 =	vld [tilespmem:s15+$0x11150];
	v13 =	vmul.f32 v26, v26;
	v12 =	vadd.f32 v12, v18;
	v18 =	vmul.f32 v11, v11  }
0x523: {  	v31 =	vld [tilespmem:s15+$0xD150];
	v5 =	vadd.f32 v17, v5;
	v17 =	vmul.f32 v23, v23;
	v48 =	vmul.f32 v22, v22  }
0x524: {  	v54 =	vld [tilespmem:s15+$0x11350];
	v2 =	vsel vm1, v7, v2;
	v13 =	vadd.f32 v18, v13;
	v18 =	vadd.f32 v27, v19  }
0x525: {  	[tilespmem:$0x1FEE0] =	vst v4;
	v30 =	vld [tilespmem:s15+$0x11170];
	v11 =	vmul.f32 v11, v22;
	v4 =	vadd.f32 v5, v16;
	v17 =	vadd.f32 v48, v17  }
0x526: {  	v55 =	vld [tilespmem:s15+$0xD350];
	v5 =	vmul.f32 v14, v25;
	v14 =	vmul.f32 v26, v23;
	v9 =	vadd.f32 v13, v24  }
0x527: {  	v19 =	vmul.f32 v29, v29;
	v13 =	vmul.f32 v28, v20;
	v20 =	vld [tilespmem:s15+$0x110E0];
	v16 =	vadd.f32 v17, v18  }
0x528: {  	v3 =	vadd.f32 v12, v3;
	v26 =	vmul.f32 v31, v31;
	v24 =	vld [tilespmem:s15+$0x110F0];
	v17 =	vperm.xlane v9, v0  }
0x529: {  	v32 =	vld [tilespmem:s15+$0x112E0];
	v5 =	vadd.f32 v13, v5;
	v13 =	vperm.xlane v4, v0;
	v18 =	vperm.xlane v16, v0  }
0x52a: {  	v10 =	vld [tilespmem:s15+$0x11140];
	v25 =	vmul.f32 v30, v51;
	v11 =	vadd.f32 v11, v14;
	v7 =	vadd.f32 v17, v9  }
0x52b: {  	v21 =	vld [tilespmem:s15+$0xD140];
	v4 =	vadd.f32 v13, v4;
	v9 =	vadd.f32 v18, v16;
	v16 =	vperm.xlane v2, v63  }
0x52c: {  	v33 =	vld [tilespmem:s15+$0xD2E0];
	v5 =	vadd.f32 v11, v5;
	v17 =	vperm.xlane v3, v0;
	v60 =	vmul.f32 v20, v20  }
0x52d: {  	v34 =	vld [tilespmem:s15+$0x112F0];
	v61 =	vmul.f32 v24, v24;
	v6 =	vsel vm2, v6, v7;
	v2 =	vadd.f32 v16, v2  }
0x52e: {  	v11 =	vld [tilespmem:s15+$0x11370];
	v22 =	vadd.f32 v17, v3;
	v3 =	vperm.xlane v5, v0;
	v4 =	vsel vm2, v4, v9  }
0x52f: {  	v13 =	vld [tilespmem:s15+$0xD370];
	v9 =	vmul.f32 v10, v10;
	v45 =	vadd.f32 v61, v60;
	[tilespmem:$0x1FEF0] =	vst v2;
	v2 =	vperm.xlane v6, v1  }
0x530: {  	v35 =	vld [tilespmem:s15+$0xD2F0];
	v7 =	vperm.xlane v4, v1;
	v27 =	vadd.f32 v3, v5;
	v3 =	vmul.f32 v10, v21  }
0x531: {  	v12 =	vld [tilespmem:s15+$0x11360];
	v23 =	vadd.f32 v2, v6;
	v2 =	vmul.f32 v47, v47;
	v6 =	vmul.f32 v30, v30  }
0x532: {  	v36 =	vld [tilespmem:s15+$0x111C0];
	v5 =	vmul.f32 v21, v21;
	v10 =	vmul.f32 v29, v31;
	v9 =	vadd.f32 v19, v9  }
0x533: {  	v18 =	vld [tilespmem:s15+$0x110D0];
	v28 =	vmul.f32 v11, v11;
	v2 =	vadd.f32 v6, v2;
	v6 =	vmul.f32 v47, v50  }
0x534: {  	v19 =	vld [tilespmem:s15+$0xD0D0];
	v57 =	vmul.f32 v13, v13;
	v31 =	vadd.f32 v7, v4;
	v3 =	vadd.f32 v10, v3  }
0x535: {  	v14 =	vld [tilespmem:s15+$0xD360];
	v4 =	vmul.f32 v50, v50;
	v7 =	vmul.f32 v52, v52;
	v6 =	vadd.f32 v25, v6  }
0x536: {  	v37 =	vld [tilespmem:s15+$0xD1C0];
	v10 =	vmul.f32 v12, v12;
	v2 =	vadd.f32 v2, v9;
	v9 =	vmul.f32 v54, v54  }
0x537: {  	v17 =	vld [tilespmem:s15+$0xD0C0];
	v5 =	vadd.f32 v26, v5;
	v3 =	vadd.f32 v6, v3;
	v6 =	vmul.f32 v51, v51  }
0x538: {  	v16 =	vld [tilespmem:s15+$0x110C0];
	v59 =	vmul.f32 v18, v18;
	v7 =	vadd.f32 v9, v7;
	v9 =	vadd.f32 v28, v10  }
0x539: {  	v21 =	vld [tilespmem:s15+$0xD0E0];
	v58 =	vmul.f32 v19, v19;
	v4 =	vadd.f32 v6, v4;
	v6 =	vperm.xlane v8, v1  }
0x53a: {  	v25 =	vld [tilespmem:s15+$0xD0F0];
	v10 =	vmul.f32 v14, v14;
	v7 =	vadd.f32 v9, v7;
	v9 =	vperm.xlane v3, v0  }
0x53b: {  	v38 =	vld [tilespmem:s15+$0x111D0];
	[tilespmem:$0x1FF00] =	vst v6;
	v6 =	vmul.f32 v53, v53;
	v4 =	vadd.f32 v4, v5;
	v5 =	vmul.f32 v55, v55  }
0x53c: {  	v39 =	vld [tilespmem:s15+$0xD1D0];
	v56 =	vperm.xlane v2, v0;
	v15 =	vadd.f32 v9, v3;
	v3 =	vperm.xlane v7, v0  }
0x53d: {  	v40 =	vld [tilespmem:s15+$0x111E0];
	v10 =	vadd.f32 v57, v10;
	v9 =	vmul.f32 v16, v16;
	v5 =	vadd.f32 v5, v6  }
0x53e: {  	v41 =	vld [tilespmem:s15+$0xD1E0];
	v6 =	vmul.f32 v17, v17;
	v3 =	vadd.f32 v3, v7;
	v7 =	vmul.f32 v21, v21  }
0x53f: {  	v29 =	vld [tilespmem:s15+$0xD2C0];
	v9 =	vadd.f32 v59, v9;
	v5 =	vadd.f32 v10, v5;
	v10 =	vmul.f32 v25, v25  }
0x540: {  	v26 =	vld [tilespmem:s15+$0x112C0];
	v2 =	vadd.f32 v56, v2;
	v62 =	vperm.xlane v4, v0;
	v6 =	vadd.f32 v58, v6  }
0x541: {  	v63 =	vmul.f32 v52, v53;
	v28 =	vld [tilespmem:s15+$0x112D0];
	v9 =	vadd.f32 v45, v9;
	v7 =	vadd.f32 v10, v7  }
0x542: {  	v60 =	vmul.f32 v36, v36;
	v30 =	vld [tilespmem:s15+$0xD2D0];
	v2 =	vsel vm2, v2, v3;
	v53 =	vadd.f32 v62, v4  }
0x543: {  	v42 =	vld [tilespmem:s15+$0x111F0];
	v4 =	vperm.xlane v9, v0;
	v3 =	vadd.f32 v7, v6;
	v6 =	vperm.xlane v5, v0  }
0x544: {  	v43 =	vld [tilespmem:s15+$0xD1F0];
	v10 =	vmul.f32 v54, v55;
	v7 =	vperm.xlane v2, v1  }
0x545: {  	v44 =	vld [tilespmem:s15+$0x113C0];
	v55 =	vadd.f32 v4, v9;
	v54 =	vadd.f32 v6, v5;
	v5 =	vperm.xlane v3, v0  }
0x546: {  	p0 =	sne.s32 s16, $0xF000;
	v46 =	vld [tilespmem:s15+$0x113D0];
	v52 =	vadd.f32 v7, v2;
	v2 =	vmul.f32 v26, v26;
	v6 =	vmul.f32 v28, v28  }
.Ltmp4:
0x547: {  	v48 =	vld [tilespmem:s15+$0x113E0];
	v4 =	vmul.f32 v29, v29;
	v7 =	vmul.f32 v30, v30;
	v56 =	vadd.f32 v5, v3;
	(pc) =	sbr.rel @p0 .LBB2_7-.Ltmp4, $4  }
0x548: {  	v47 =	vld [tilespmem:s15+$0xD3D0];
	v57 =	vadd.f32 v6, v2;
	v2 =	vmul.f32 v32, v32;
	v3 =	vmul.f32 v34, v34  }
0x549: {  	v50 =	vld [tilespmem:s15+$0xD3E0];
	v59 =	vadd.f32 v7, v4;
	v4 =	vmul.f32 v33, v33;
	v5 =	vmul.f32 v35, v35  }
0x54a: {  	v61 =	vmul.f32 v39, v39;
	v51 =	vld [tilespmem:s15+$0x113F0];
	v58 =	vmul.f32 v37, v37;
	v49 =	vadd.f32 v10, v63  }
0x54b: {  	s16 =	sadd.s32 $0x1000, s16;
	v45 =	vld [tilespmem:s15+$0xD3C0];
	v62 =	vmul.f32 v38, v38;
	v3 =	vadd.f32 v3, v2;
	v63 =	vadd.f32 v5, v4  }
0x54c: {  	_ = 	snop  }
0x54d: {  	v4 =	vmul.f32 v41, v41;
	v5 =	vmul.f32 v40, v40;
	v2 =	vadd.f32 v3, v57;
	v3 =	vld [tilespmem:s15+$0xD3F0]  }
0x54e: {  	v7 =	vmul.f32 v43, v43;
	v9 =	vmul.f32 v42, v42  }
0x54f: {  	v6 =	vadd.f32 v63, v59;
	v10 =	vadd.f32 v62, v60;
	v59 =	vmul.f32 v44, v44  }
0x550: {  	v60 =	vmul.f32 v46, v46;
	v5 =	vadd.f32 v9, v5;
	v9 =	vmul.f32 v47, v47  }
0x551: {  	v4 =	vadd.f32 v7, v4;
	v7 =	vmul.f32 v50, v50;
	v57 =	vmul.f32 v45, v45  }
0x552: {  	v58 =	vadd.f32 v61, v58;
	v62 =	vmul.f32 v51, v51;
	v61 =	vmul.f32 v3, v3  }
0x553: {  	v59 =	vadd.f32 v60, v59;
	v60 =	vld [tilespmem:$0x1FEB0];
	v9 =	vadd.f32 v9, v57;
	v57 =	vmul.f32 v48, v48  }
0x554: {  	v53 =	vsel vm2, v53, v54;
	v11 =	vmul.f32 v11, v13;
	v7 =	vadd.f32 v61, v7;
	v61 =	vld [tilespmem:$0x1FED0]  }
0x555: {  	v63 =	vperm.xlane v6, v0;
	v4 =	vadd.f32 v4, v58;
	v57 =	vadd.f32 v62, v57  }
0x556: {  	v5 =	vadd.f32 v5, v10;
	v62 =	vperm.xlane v2, v0;
	v7 =	vadd.f32 v7, v9  }
0x557: {  	v17 =	vmul.f32 v16, v17;
	v6 =	vadd.f32 v63, v6;
	v9 =	vadd.f32 v57, v59  }
0x558: {  	v58 =	vperm.xlane v4, v0;
	v2 =	vadd.f32 v62, v2;
	v62 =	vperm.xlane v7, v0  }
0x559: {  	v63 =	vperm.xlane v9, v0;
	v60 =	vsel vm2, v60, v61;
	v61 =	vperm.xlane v5, v0  }
0x55a: {  	v6 =	vsel vm2, v56, v6;
	v4 =	vadd.f32 v58, v4;
	v7 =	vadd.f32 v62, v7  }
0x55b: {  	v2 =	vsel vm2, v55, v2;
	v9 =	vadd.f32 v63, v9;
	v5 =	vadd.f32 v61, v5  }
0x55c: {  	v57 =	vsel vm0, v23, v52;
	v23 =	vld [tilespmem:$0x1FFE0];
	v62 =	vperm.xlane v6, v1;
	v63 =	vperm.xlane v2, v1  }
0x55d: {  	v61 =	vperm.xlane v53, v1;
	v4 =	vsel vm2, v4, v7;
	v5 =	vsel vm2, v5, v9  }
0x55e: {  	v6 =	vadd.f32 v62, v6;
	v55 =	vperm.xlane v4, v1;
	v56 =	vperm.xlane v5, v1  }
0x55f: {  	v19 =	vmul.f32 v18, v19;
	v2 =	vadd.f32 v63, v2;
	v10 =	vadd.f32 v61, v53  }
0x560: {  	v21 =	vmul.f32 v20, v21;
	v4 =	vadd.f32 v55, v4;
	v5 =	vadd.f32 v56, v5  }
0x561: {  	v24 =	vmul.f32 v24, v25;
	v59 =	vperm.xlane v57, v23;
	v10 =	vsel vm0, v31, v10  }
0x562: {  	v61 =	vperm.xlane v10, v23;
	v4 =	vsel vm0, v6, v4;
	v2 =	vsel vm0, v2, v5  }
0x563: {  	v22 =	vsel vm2, v22, v27;
	v52 =	vld [tilespmem:$0x1FFF0];
	v62 =	vperm.xlane v4, v23;
	v63 =	vperm.xlane v2, v23  }
0x564: {  	v25 =	vmul.f32 v26, v29;
	v9 =	vadd.f32 v59, v57;
	v6 =	vadd.f32 v61, v10  }
0x565: {  	v27 =	vmul.f32 v28, v30;
	v4 =	vadd.f32 v62, v4;
	v2 =	vadd.f32 v63, v2  }
0x566: {  	v29 =	vmul.f32 v32, v33;
	v30 =	vmul.f32 v34, v35;
	v34 =	vld [tilespmem:$0x1FEF0]  }
0x567: {  	v32 =	vmul.f32 v38, v39;
	v35 =	vld [tilespmem:$0x1FEC0];
	v4 =	vsel vm1, v6, v4;
	v2 =	vsel vm1, v9, v2  }
0x568: {  	v26 =	vperm.xlane v4, v52;
	v28 =	vperm.xlane v2, v52  }
0x569: {  	v33 =	vmul.f32 v40, v41;
	v39 =	vadd.f32 v30, v29;
	v58 =	vmul.f32 v12, v14  }
0x56a: {  	v38 =	vmul.f32 v46, v47;
	v4 =	vadd.f32 v26, v4;
	v2 =	vadd.f32 v28, v2  }
0x56b: {  	v40 =	vmul.f32 v48, v50;
	v3 =	vmul.f32 v51, v3;
	v7 =	vadd.f32 v11, v58  }
0x56c: {  	v31 =	vmul.f32 v36, v37;
	v4 =	vsel vm3, v34, v4;
	v2 =	vsel vm3, v35, v2  }
0x56d: {  	v36 =	vmul.f32 v42, v43;
	v4 =	vmax.f32 v4, $1.000000020e-24;
	v2 =	vmax.f32 v2, $1.000000020e-24  }
0x56e: {  	v51 =	vperm.xlane v22, v1;
	v3 =	vadd.f32 v3, v40;
	v2 =	vmul.f32 v2, v4  }
0x56f: {  	v7 =	vadd.f32 v7, v49;
	v37 =	vmul.f32 v44, v45;
	v14 =	vadd.f32 v36, v33  }
0x570: {  	v5 =	vadd.f32 v19, v17;
	v41 =	vshra.s32 v2, $0x1;
	v2 =	vmul.f32 $5.000000000e-01, v2  }
0x571: {  	v10 =	vadd.f32 v24, v21;
	v6 =	vadd.f32 v27, v25;
	v11 =	vsub.s32 $0x5F3759DF, v41  }
0x572: {  	v9 =	vadd.f32 v32, v31;
	v4 =	vadd.f32 v38, v37;
	v42 =	vmul.f32 v11, v2  }
0x573: {  	v43 =	vperm.xlane v7, v0;
	v5 =	vadd.f32 v10, v5;
	v6 =	vadd.f32 v39, v6  }
0x574: {  	v50 =	vld [tilespmem:$0x1FF00];
	v9 =	vadd.f32 v14, v9;
	v3 =	vadd.f32 v3, v4;
	v44 =	vmul.f32 v11, v42  }
0x575: {  	v7 =	vadd.f32 v43, v7;
	v45 =	vperm.xlane v5, v0;
	v46 =	vperm.xlane v6, v0  }
0x576: {  	v47 =	vperm.xlane v9, v0;
	v48 =	vperm.xlane v3, v0;
	v4 =	vsub.f32 $1.500000000e+00, v44  }
0x577: {  	v7 =	vsel vm2, v15, v7;
	v5 =	vadd.f32 v45, v5;
	v6 =	vadd.f32 v46, v6  }
0x578: {  	v58 =	vld [tilespmem:$0x1FEE0];
	v9 =	vadd.f32 v47, v9;
	v3 =	vadd.f32 v48, v3;
	v4 =	vmul.f32 v11, v4  }
0x579: {  	v8 =	vadd.f32 v50, v8;
	v49 =	vperm.xlane v60, v1;
	v53 =	vperm.xlane v7, v1  }
0x57a: {  	v5 =	vsel vm2, v5, v6;
	v3 =	vsel vm2, v9, v3;
	v54 =	vmul.f32 v4, v2  }
0x57b: {  	v55 =	vadd.f32 v49, v60;
	v56 =	vperm.xlane v5, v1;
	v57 =	vperm.xlane v3, v1  }
0x57c: {  	v7 =	vadd.f32 v53, v7;
	v11 =	vadd.f32 v51, v22;
	v6 =	vmul.f32 v54, v4  }
0x57d: {  	v59 =	vperm.xlane v58, v23;
	v5 =	vadd.f32 v56, v5;
	v3 =	vadd.f32 v57, v3  }
0x57e: {  	v8 =	vsel vm0, v8, v55;
	v7 =	vsel vm0, v11, v7;
	v6 =	vsub.f32 $1.500000000e+00, v6  }
0x57f: {  	v60 =	vperm.xlane v8, v23;
	v3 =	vsel vm0, v5, v3;
	v61 =	vperm.xlane v7, v23  }
0x580: {  	v62 =	vperm.xlane v3, v23;
	v4 =	vmul.f32 v6, v4  }
0x581: {  	v9 =	vadd.f32 v59, v58;
	v5 =	vadd.f32 v60, v8  }
0x582: {  	v7 =	vadd.f32 v61, v7;
	v3 =	vadd.f32 v62, v3;
	v2 =	vmul.f32 v4, v2;
	_ =	sdelay $0x1  }
0x583: {  	v5 =	vsel vm1, v9, v5;
	v3 =	vsel vm1, v7, v3;
	v2 =	vmul.f32 v2, v4  }
0x584: {  	v63 =	vperm.xlane v5, v52;
	v7 =	vperm.xlane v3, v52  }
0x585: {  	v2 =	vsub.f32 $1.500000000e+00, v2  }
0x586: {  	v5 =	vadd.f32 v63, v5;
	v3 =	vadd.f32 v7, v3  }
0x587: {  	v2 =	vmul.f32 v2, v4  }
0x588: {  	v3 =	vsel vm3, v5, v3  }
.Ltmp5:
0x589: {  	v2 =	vmul.f32 v2, v3;
	(pc) =	sbr.rel @p1 .LBB2_10-.Ltmp5, $4  }
0x58a: {  	s16 =	sadd.s32 s13, s8  }
0x58b: {  	s14 =	sadd.s32 $0x10, s14;
	s15 =	sshrl.u32 s16, $0x3  }
0x58c: {  	s16 =	sadd.s32 s2, s15;
	[tilespmem:s14+$0x0] =	vst v2  }
0x58d: {  	[hbm4b:s16+s3] =	stream.linear.scatter [tilespmem:s30], [sflag:$0x3], $0x100, $0x38;
	v2 =	vmov v23;
	[tilespmem:$0x15200] =	vst v63  }
0x58e: {  	s14 =	sadd.s32 $0x300, s13  }
0x58f: {  	[tilespmem:s19], [sflag:$0x2] =	stream.indirect.gather [hbm4b:s5+s12], $0x40, s14, s12, $0xb8;
	[tilespmem:$0x15200] =	vst v63  }
0x590: {  	s16 =	sadd.s32 $0x2B00, s13  }
0x591: {  	[tilespmem:s21], [sflag:$0x2] =	stream.indirect.gather [hbm4b:s5+s12], $0x40, s16, s12, $0xb8;
	[tilespmem:$0x15200] =	vst v63  }
.Ltmp6:
0x592: {  	_ = 	snop;
	(pc) =	sbr.rel .LBB2_4-.Ltmp6, $4  }
0x593: {  	s15 =	sadd.s32 $0x380, s13  }
0x594: {  	[tilespmem:s23], [sflag:$0x2] =	stream.indirect.gather [hbm4b:s5+s12], $0x40, s15, s12, $0xb8;
	[tilespmem:$0x15200] =	vst v63  }
0x595: {  	s0 =	sadd.s32 $0x1, s0;
	s16 =	sadd.s32 $0x2B80, s13  }
0x596: {  	[tilespmem:s25], [sflag:$0x2] =	stream.indirect.gather [hbm4b:s5+s12], $0x40, s16, s12, $0xb8;
	[tilespmem:$0x15200] =	vst v63  }
.LBB2_11:
0x597: {  	_ =	sfence.sel $0x180000  }
0x598: {  	[bflag:$0x0] =	sbarrier.arrive $0xFFFF  }
0x599: {  	_ =	strace $0x90000047  }
0x59a: {  	s0 =	stileid.u32;
	[bflag:$0x2] =	sbarrier.arrive $0xFFFF  }
0x59b: {  	p0 =	sne.s32 s0, $0x0;
	s0 =	rddreg [dreg:$0x2]  }
0x59c: {  	s0 =	sadd.s32 @!p0 $0x100000, s0  }
0x59d: {  	[sflag:s0] =	ssyncadd.tile.s32 @!p0 $0x1;
	_ =	shalt  }
.Lfunc_end2:
_tile_overlayer_lowered:
.L_overlay_start_2:
0x59e: {  	(tag) =	ssettag $0x2  }
0x59f: {  	s0 =	rddreg [dreg:$0x0];
	s2 =	stileid.u32  }
0x5a0: {  	s1 =	rddreg [dreg:$0x1];
	p0 =	sne.s32 s2, $0x0  }
0x5a1: {  	s3 =	rddreg [dreg:$0x2];
	[bflag:$0x3] =	sbarrier.arrive $0xFFFF;
	s2 =	simm.s32 @!p0 $0x1C04  }
0x5a2: {  	[timem:s3], [sflag:s2] =	dma.local @!p0 [hbm:s0], s1  }
0x5a3: {  	s0 =	simm.s32 @!p0 $0x4  }
0x5a4: {  	_ =	swait.ge @!p0 [sflag:s0], s1  }
0x5a5: {  	s1 =	ssub.s32 @!p0 $0x0, s1;
	[sflag:s0] =	ssyncset.done @!p0 $0x0  }
0x5a6: {  	[sflag:s0] =	ssyncadd.s32 @!p0 s1  }
0x5a7: {  	[bflag:$0x3] =	sbarrier.arrive $0xFFFF  }
0x5a8: {  	_ =	shalt  }

</sc_bundles>
